<compile_context>
chip_gen: v7x
topology: tpu7x:2x2x1
jax: 0.10.2.dev20260603
libtpu: 0.0.44.dev20260713+nightly
codegen_flags: <defaults>
</compile_context>

<pallas_src>
import functools

import jax
import jax.numpy as jnp
from jax import lax
from jax.experimental import pallas as pl
from jax.experimental.pallas import tpu as pltpu
from jax.experimental.pallas import tpu_sc as plsc

N = 10000
E = 320000
D_IN = 128
H = 8
C = 8
D = H * C

NC = 2
NS = 16
NW = NC * NS
EW = E // NW
CHUNK = 80
NCHUNK = EW // CHUNK
ROWS_PER_TILE = 624
ZROWS = 104

TAB_W = 80
SRC_W = 48
DST_W = 16
M16 = -65536


def _stage_a_body(x_ref, w_ref, asrc_ref, adst_ref, src_tab_ref, dst_tab_ref):
    x = x_ref[...]
    w = w_ref[...]
    xh = jnp.dot(x, w, preferred_element_type=jnp.float32)
    k64 = lax.broadcasted_iota(jnp.int32, (D, H), 0)
    h8 = lax.broadcasted_iota(jnp.int32, (D, H), 1)
    g8 = (k64 // C == h8).astype(jnp.float32)
    a_s = jnp.dot(xh * asrc_ref[...], g8, preferred_element_type=jnp.float32)
    a_d = jnp.dot(xh * adst_ref[...], g8, preferred_element_type=jnp.float32)
    zeros8 = jnp.zeros_like(a_s)

    def pack16(a, b):
        ai = lax.bitcast_convert_type(a, jnp.int32)
        bi = lax.bitcast_convert_type(b, jnp.int32)
        lo = lax.shift_right_logical(ai + 32768, 16)
        hi = lax.bitwise_and(bi + 32768, jnp.int32(M16))
        return lax.bitcast_convert_type(lax.bitwise_or(lo, hi), jnp.float32)

    p0 = pack16(xh[:, 0:16], xh[:, 16:32])
    p1 = pack16(xh[:, 32:48], xh[:, 48:64])
    src_tab_ref[...] = jnp.concatenate([p0, p1, a_s, zeros8], axis=1)
    dst_tab_ref[...] = jnp.concatenate([a_d, zeros8], axis=1)


def _stage_a(data, W, asrc, adst):
    R = 5000
    return pl.pallas_call(
        _stage_a_body,
        grid=(N // R,),
        in_specs=[
            pl.BlockSpec((R, D_IN), lambda i: (i, 0)),
            pl.BlockSpec((D_IN, D), lambda i: (0, 0)),
            pl.BlockSpec((1, D), lambda i: (0, 0)),
            pl.BlockSpec((1, D), lambda i: (0, 0)),
        ],
        out_specs=[
            pl.BlockSpec((R, SRC_W), lambda i: (i, 0)),
            pl.BlockSpec((R, DST_W), lambda i: (i, 0)),
        ],
        out_shape=[
            jax.ShapeDtypeStruct((N, SRC_W), jnp.float32),
            jax.ShapeDtypeStruct((N, DST_W), jnp.float32),
        ],
    )(data, W, asrc, adst)


NBUF = 3


def _edge_body(src_tab, dst_tab, eidx, out,
               pidx_w, src_w, dst_w,
               srows0, srows1, srows2,
               drows0, drows1, drows2,
               sbuf0, sbuf1, sbuf2, zbuf, acc,
               gsem0, gsem1, gsem2,
               ssem0, ssem1, ssem2):
    c = lax.axis_index("c")
    s = lax.axis_index("s")
    wid = c * NS + s

    srows = (srows0, srows1, srows2)
    drows = (drows0, drows1, drows2)
    sbufs = (sbuf0, sbuf1, sbuf2)
    gsems = (gsem0, gsem1, gsem2)
    ssems = (ssem0, ssem1, ssem2)

    pltpu.sync_copy(eidx.at[wid], pidx_w)

    @plsc.parallel_loop(0, NCHUNK, 1, unroll=2)
    def _unpack_idx(r):
        for k in range(CHUNK // 16):
            v = pidx_w[r, pl.ds(16 * k, 16)]
            src_w[r, pl.ds(16 * k, 16)] = lax.bitwise_and(v, jnp.int32(0xFFFF))
            dst_w[r, pl.ds(16 * k, 16)] = lax.shift_right_logical(v, 16)

    def issue(ch, p):
        pltpu.async_copy(src_tab.at[src_w.at[ch]], srows[p], gsems[p])
        pltpu.async_copy(dst_tab.at[dst_w.at[ch]], drows[p], gsems[p])

    def drain(p):
        pltpu.make_async_copy(src_tab.at[pl.ds(0, CHUNK)], srows[p],
                              gsems[p]).wait()
        pltpu.make_async_copy(dst_tab.at[pl.ds(0, CHUNK)], drows[p],
                              gsems[p]).wait()

    def compute(p):
        sr, dr, sb = srows[p], drows[p], sbufs[p]

        @plsc.parallel_loop(0, CHUNK, 1, unroll=4)
        def edge(e):
            u0 = lax.bitcast_convert_type(sr[e, pl.ds(0, 16)], jnp.int32)
            u1 = lax.bitcast_convert_type(sr[e, pl.ds(16, 16)], jnp.int32)
            vxs = (
                lax.bitcast_convert_type(lax.shift_left(u0, 16), jnp.float32),
                lax.bitcast_convert_type(lax.bitwise_and(u0, jnp.int32(M16)),
                                         jnp.float32),
                lax.bitcast_convert_type(lax.shift_left(u1, 16), jnp.float32),
                lax.bitcast_convert_type(lax.bitwise_and(u1, jnp.int32(M16)),
                                         jnp.float32),
            )
            vsa = sr[e, pl.ds(32, 16)]
            vad = dr[e, pl.ds(0, 16)]
            va = vsa + vad
            ve = jnp.exp(jnp.maximum(va, 0.2 * va))
            lane = lax.broadcasted_iota(jnp.int32, (16,), 0)
            half = lax.shift_right_logical(lane, 3)
            dnums = lax.GatherDimensionNumbers(
                offset_dims=(), collapsed_slice_dims=(0,), start_index_map=(0,))
            for j in range(4):
                wj = lax.gather(ve, (2 * j + half)[:, None], dnums, (1,),
                                mode=lax.GatherScatterMode.PROMISE_IN_BOUNDS)
                sb[e, pl.ds(j * 16, 16)] = vxs[j] * wj
            sb[e, pl.ds(D, 16)] = ve

    def scatter(p, ch):
        pltpu.async_copy(sbufs[p], acc.at[dst_w.at[ch]], ssems[p], add=True)

    def scatter_wait(p):
        pltpu.make_async_copy(sbufs[p], acc.at[dst_w.at[0]], ssems[p]).wait()

    for ch0 in range(NBUF - 1):
        issue(ch0, ch0)

    def zero_z(r, _):
        zeros16 = jnp.zeros((16,), jnp.float32)
        for k in range(TAB_W // 16):
            zbuf[r, pl.ds(k * 16, 16)] = zeros16
        return _
    lax.fori_loop(0, ZROWS, zero_z, None)
    for j in range(ROWS_PER_TILE // ZROWS):
        pltpu.sync_copy(zbuf, acc.at[pl.ds(s * ROWS_PER_TILE + j * ZROWS, ZROWS)])

    @pl.when(s == NS - 1)
    def _zero_tail():
        pltpu.sync_copy(zbuf.at[pl.ds(0, 16)], acc.at[pl.ds(NS * ROWS_PER_TILE, 16)])

    @plsc.parallel_loop(0, CHUNK, 1, unroll=4)
    def _zero_sb(r):
        zeros16 = jnp.zeros((16,), jnp.float32)
        for k in range(TAB_W // 16):
            for sb in sbufs:
                sb[r, pl.ds(k * 16, 16)] = zeros16
    plsc.subcore_barrier()
    for p in range(NBUF):
        scatter(p, 0)

    QUADS = (NCHUNK - (NBUF + 1)) // NBUF

    def quad(q, _):
        x0 = NBUF * q
        for p in range(NBUF):
            x = x0 + p
            drain(p)
            scatter_wait(p)
            compute(p)
            scatter(p, x)
            issue(x + NBUF - 1, (p + NBUF - 1) % NBUF)
        return _
    lax.fori_loop(0, QUADS, quad, None)
    for x in range(NBUF * QUADS, NCHUNK):
        p = x % NBUF
        drain(p)
        scatter_wait(p)
        compute(p)
        scatter(p, x)
        if x + NBUF - 1 < NCHUNK:
            issue(x + NBUF - 1, (x + NBUF - 1) % NBUF)
    for p in range(NBUF):
        scatter_wait(p)

    plsc.subcore_barrier()
    row0 = s * ROWS_PER_TILE
    pltpu.sync_copy(acc.at[pl.ds(row0, ROWS_PER_TILE)],
                    out.at[pl.ds(c * N + row0, ROWS_PER_TILE)])

    @pl.when(s == NS - 1)
    def _copy_tail():
        pltpu.sync_copy(acc.at[pl.ds(NS * ROWS_PER_TILE, 16)],
                        out.at[pl.ds(c * N + NS * ROWS_PER_TILE, 16)])


def _stage_b(src_tab, dst_tab, eidx):
    mesh = plsc.VectorSubcoreMesh(core_axis_name="c", subcore_axis_name="s",
                                  num_cores=NC, num_subcores=NS)
    f = pl.kernel(
        _edge_body,
        out_type=jax.ShapeDtypeStruct((NC * N, TAB_W), jnp.float32),
        mesh=mesh,
        scratch_types=[
            pltpu.VMEM((NCHUNK, CHUNK), jnp.int32),
            pltpu.VMEM((NCHUNK, CHUNK), jnp.int32),
            pltpu.VMEM((NCHUNK, CHUNK), jnp.int32),
        ] + [pltpu.VMEM((CHUNK, SRC_W), jnp.float32)] * NBUF
          + [pltpu.VMEM((CHUNK, DST_W), jnp.float32)] * NBUF
          + [pltpu.VMEM((CHUNK, TAB_W), jnp.float32)] * NBUF
          + [
            pltpu.VMEM((ZROWS, TAB_W), jnp.float32),
            pltpu.VMEM_SHARED((N, TAB_W), jnp.float32),
        ] + [pltpu.SemaphoreType.DMA] * (2 * NBUF),
        compiler_params=pltpu.CompilerParams(use_tc_tiling_on_sc=False),
    )
    return f(src_tab, dst_tab, eidx)


def _stage_c_body(p0_ref, p1_ref, st_ref, dt_ref, bias_ref,
                  g1_ref, b1n_ref, w1_ref, bf1_ref, w2_ref, bf2_ref,
                  g2_ref, b2n_ref, out_ref):
    p = p0_ref[...] + p1_ref[...]
    num = p[:, :D]
    den8 = p[:, D:D + H]
    st = st_ref[...]
    u = lax.bitcast_convert_type(st[:, 0:32], jnp.int32)
    xh = jnp.concatenate([
        lax.bitcast_convert_type(lax.shift_left(u[:, 0:16], 16), jnp.float32),
        lax.bitcast_convert_type(lax.bitwise_and(u[:, 0:16], jnp.int32(M16)),
                                 jnp.float32),
        lax.bitcast_convert_type(lax.shift_left(u[:, 16:32], 16), jnp.float32),
        lax.bitcast_convert_type(lax.bitwise_and(u[:, 16:32], jnp.int32(M16)),
                                 jnp.float32),
    ], axis=1)
    a_s = st[:, 32:32 + H]
    a_d = dt_ref[...][:, :H]

    al = a_s + a_d
    ws = jnp.exp(jnp.maximum(al, 0.2 * al))

    h8 = lax.broadcasted_iota(jnp.int32, (H, D), 0)
    k64 = lax.broadcasted_iota(jnp.int32, (H, D), 1)
    e8 = (k64 // C == h8).astype(jnp.float32)

    num64 = num + jnp.dot(ws, e8, preferred_element_type=jnp.float32) * xh
    den64 = jnp.dot(den8 + ws, e8, preferred_element_type=jnp.float32)
    gat = num64 / (den64 + 1e-16) + bias_ref[...]

    def ln(x, g, b):
        mean = jnp.mean(x, axis=-1, keepdims=True)
        var = jnp.mean((x - mean) ** 2, axis=-1, keepdims=True)
        return (x - mean) * lax.rsqrt(var + 1e-5) * g + b

    h = ln(gat, g1_ref[...], b1n_ref[...])
    h = jnp.maximum(jnp.dot(h, w1_ref[...], preferred_element_type=jnp.float32)
                    + bf1_ref[...], 0.0)
    h = jnp.dot(h, w2_ref[...], preferred_element_type=jnp.float32) + bf2_ref[...]
    h = h + gat
    out_ref[...] = ln(h, g2_ref[...], b2n_ref[...])


def _stage_c(parts, src_tab, dst_tab, bias_gat, ln1_g, ln1_b, W1, b1, W2, b2,
             ln2_g, ln2_b):
    R = 5000
    G = N // R
    vec = lambda v: v.reshape(1, -1)
    return pl.pallas_call(
        _stage_c_body,
        grid=(G,),
        in_specs=[
            pl.BlockSpec((R, TAB_W), lambda i: (i, 0)),
            pl.BlockSpec((R, TAB_W), lambda i, G=G: (i + G, 0)),
            pl.BlockSpec((R, SRC_W), lambda i: (i, 0)),
            pl.BlockSpec((R, DST_W), lambda i: (i, 0)),
            pl.BlockSpec((1, D), lambda i: (0, 0)),
            pl.BlockSpec((1, D), lambda i: (0, 0)),
            pl.BlockSpec((1, D), lambda i: (0, 0)),
            pl.BlockSpec((D, 2 * D), lambda i: (0, 0)),
            pl.BlockSpec((1, 2 * D), lambda i: (0, 0)),
            pl.BlockSpec((2 * D, D), lambda i: (0, 0)),
            pl.BlockSpec((1, D), lambda i: (0, 0)),
            pl.BlockSpec((1, D), lambda i: (0, 0)),
            pl.BlockSpec((1, D), lambda i: (0, 0)),
        ],
        out_specs=pl.BlockSpec((R, D), lambda i: (i, 0)),
        out_shape=jax.ShapeDtypeStruct((N, D), jnp.float32),
    )(parts, parts, src_tab, dst_tab, vec(bias_gat), vec(ln1_g), vec(ln1_b),
      W1, vec(b1), W2, vec(b2), vec(ln2_g), vec(ln2_b))


def kernel(data, e, W, att_src, att_dst, bias_gat, ln1_g, ln1_b, W1, b1,
           W2, b2, ln2_g, ln2_b):
    asrc = att_src.reshape(1, D)
    adst = att_dst.reshape(1, D)
    src_tab, dst_tab = _stage_a(data, W, asrc, adst)
    eidx = (e[0] | (e[1] << 16)).reshape(NW, NCHUNK, CHUNK)
    parts = _stage_b(src_tab, dst_tab, eidx)
    return _stage_c(parts, src_tab, dst_tab, bias_gat, ln1_g, ln1_b,
                    W1, b1, W2, b2, ln2_g, ln2_b)

# --- scband reference (transcript-rebuilt; emitter-appended) ---
"""Pipeline reference for scband-block-85693187489969 (READ-ONLY COPY).

The authoritative reference and input builder live on the scoring server;
editing this copy changes nothing except your own understanding.
"""

import jax, jax.numpy as jnp
import numpy as np

N = 10000
E = 320000
D_IN = 128
H = 8
C = 8
D = H * C  # 64


def layer_norm(x, g, b, eps=1e-5):
    mean = jnp.mean(x, axis=-1, keepdims=True)
    var = jnp.mean((x - mean) ** 2, axis=-1, keepdims=True)
    return (x - mean) / jnp.sqrt(var + eps) * g + b


def setup_inputs(seed: int = 0) -> dict:
    key = jax.random.key(seed)
    ks = [jax.random.fold_in(key, i) for i in range(16)]
    data = jax.random.normal(ks[0], (N, D_IN), dtype=jnp.float32)
    e = jax.random.randint(ks[1], (2, E), 0, N, dtype=jnp.int32)
    W = jax.random.normal(ks[2], (D_IN, H * C), dtype=jnp.float32) * 0.1
    att_src = jax.random.normal(ks[3], (1, H, C), dtype=jnp.float32) * 0.1
    att_dst = jax.random.normal(ks[4], (1, H, C), dtype=jnp.float32) * 0.1
    bias_gat = jnp.zeros((D,), dtype=jnp.float32)
    ln1_g = jnp.ones((D,), dtype=jnp.float32)
    ln1_b = jnp.zeros((D,), dtype=jnp.float32)
    W1 = jax.random.normal(ks[5], (D, 2 * D), dtype=jnp.float32) * 0.1
    b1 = jnp.zeros((2 * D,), dtype=jnp.float32)
    W2 = jax.random.normal(ks[6], (2 * D, D), dtype=jnp.float32) * 0.1
    b2 = jnp.zeros((D,), dtype=jnp.float32)
    ln2_g = jnp.ones((D,), dtype=jnp.float32)
    ln2_b = jnp.zeros((D,), dtype=jnp.float32)
    return {"data": data, "e": e, "W": W, "att_src": att_src, "att_dst": att_dst,
            "bias_gat": bias_gat, "ln1_g": ln1_g, "ln1_b": ln1_b,
            "W1": W1, "b1": b1, "W2": W2, "b2": b2,
            "ln2_g": ln2_g, "ln2_b": ln2_b}


def gat_conv(x, src, dst, W, att_src, att_dst, bias_gat):
    # PyG-style GATConv with heads concatenated, add_self_loops already applied to src/dst
    xh = (x @ W).reshape(N, H, C)
    a_s = (xh * att_src).sum(-1)  # [N, H]
    a_d = (xh * att_dst).sum(-1)  # [N, H]
    alpha = a_s[src] + a_d[dst]   # [E', H]
    alpha = jnp.where(alpha > 0, alpha, 0.2 * alpha)  # leaky_relu(0.2)
    amax = jax.ops.segment_max(alpha, dst, num_segments=N)
    amax = jax.lax.stop_gradient(amax)
    ex = jnp.exp(alpha - amax[dst])
    denom = jax.ops.segment_sum(ex, dst, num_segments=N)
    att = ex / (denom[dst] + 1e-16)
    msg = xh[src] * att[:, :, None]
    out = jax.ops.segment_sum(msg, dst, num_segments=N)  # [N, H, C]
    return out.reshape(N, H * C) + bias_gat


def reference(data, e, W, att_src, att_dst, bias_gat, ln1_g, ln1_b, W1, b1, W2, b2, ln2_g, ln2_b):
    loop = jnp.arange(N, dtype=e.dtype)
    src = jnp.concatenate([e[0], loop])
    dst = jnp.concatenate([e[1], loop])
    h = gat_conv(data, src, dst, W, att_src, att_dst, bias_gat)
    h1 = h
    h = layer_norm(h, ln1_g, ln1_b)
    h = jax.nn.relu(h @ W1 + b1)
    # dropout p=0 -> identity
    h = h @ W2 + b2
    h = h1 + h  # residual
    h = layer_norm(h, ln2_g, ln2_b)
    return h

if __name__ == "__main__":
    import jax
    _d = setup_inputs()
    print(jax.jit(kernel)(*tuple(_d.values())))

</pallas_src>

<mosaic_0001>
#map = affine_map<(d0, d1) -> (0, 0)>
#map1 = affine_map<(d0, d1) -> (0, 0, 0)>
module attributes {stable_mosaic.version = 14 : i64} {
  func.func @_edge_body(%arg0: i32, %arg1: i32, %arg2: memref<10000x48xf32, #tpu.memory_space<hbm>>, %arg3: memref<10000x16xf32, #tpu.memory_space<hbm>>, %arg4: memref<32x125x80xi32, #tpu.memory_space<hbm>>, %arg5: memref<20000x80xf32, #tpu.memory_space<hbm>>, %arg6: memref<125x80xi32, #tpu.memory_space<vmem>>, %arg7: memref<125x80xi32, #tpu.memory_space<vmem>>, %arg8: memref<125x80xi32, #tpu.memory_space<vmem>>, %arg9: memref<80x48xf32, #tpu.memory_space<vmem>>, %arg10: memref<80x48xf32, #tpu.memory_space<vmem>>, %arg11: memref<80x48xf32, #tpu.memory_space<vmem>>, %arg12: memref<80x16xf32, #tpu.memory_space<vmem>>, %arg13: memref<80x16xf32, #tpu.memory_space<vmem>>, %arg14: memref<80x16xf32, #tpu.memory_space<vmem>>, %arg15: memref<80x80xf32, #tpu.memory_space<vmem>>, %arg16: memref<80x80xf32, #tpu.memory_space<vmem>>, %arg17: memref<80x80xf32, #tpu.memory_space<vmem>>, %arg18: memref<104x80xf32, #tpu.memory_space<vmem>>, %arg19: memref<10000x80xf32, #tpu.memory_space<vmem_shared>>, %arg20: memref<!tpu.dma_semaphore, #tpu.memory_space<semaphore_mem>>, %arg21: memref<!tpu.dma_semaphore, #tpu.memory_space<semaphore_mem>>, %arg22: memref<!tpu.dma_semaphore, #tpu.memory_space<semaphore_mem>>, %arg23: memref<!tpu.dma_semaphore, #tpu.memory_space<semaphore_mem>>, %arg24: memref<!tpu.dma_semaphore, #tpu.memory_space<semaphore_mem>>, %arg25: memref<!tpu.dma_semaphore, #tpu.memory_space<semaphore_mem>>) attributes {dimension_semantics = [#tpu.dimension_semantics<core_parallel>, #tpu.dimension_semantics<subcore_parallel>], iteration_bounds = array<i64: 2, 16>, scalar_prefetch = 0 : i64, scratch_operands = 20 : i64, tpu.core_type = #tpu.core_type<sc_vector_subcore>, window_params = [{transform_indices = #map}, {transform_indices = #map}, {transform_indices = #map1}, {transform_indices = #map}]} {
    %mul3A = arith.constant 16 : i32
    %mul3A_0 = arith.muli %arg0, %mul3A : i32
    %add3A = arith.addi %mul3A_0, %arg1 : i32
    "tpu.region"() ({
      %run_scoped3A = tpu.sem_alloc : memref<!tpu.dma_semaphore, #tpu.memory_space<semaphore_mem>>
      %dma_start3A_307 = arith.constant 0 : i32
      %dma_start3A_308 = arith.constant 0 : i32
      %dma_start3A_309 = tpu.memref_slice %arg4[%add3A, %dma_start3A_307, %dma_start3A_308] : memref<32x125x80xi32, #tpu.memory_space<hbm>> -> memref<1x125x80xi32, #tpu.memory_space<hbm>>
      %dma_start3A_310 = tpu.memref_squeeze %dma_start3A_309 : memref<1x125x80xi32, #tpu.memory_space<hbm>> -> memref<125x80xi32, #tpu.memory_space<hbm>>
      %dma_start3A_311 = arith.constant 0 : i32
      %dma_start3A_312 = arith.constant 0 : i32
      %dma_start3A_313 = tpu.memref_slice %arg4[%add3A, %dma_start3A_311, %dma_start3A_312] : memref<32x125x80xi32, #tpu.memory_space<hbm>> -> memref<1x125x80xi32, #tpu.memory_space<hbm>>
      %dma_start3A_314 = tpu.memref_squeeze %dma_start3A_313 : memref<1x125x80xi32, #tpu.memory_space<hbm>> -> memref<125x80xi32, #tpu.memory_space<hbm>>
      tpu.enqueue_dma source(%dma_start3A_314 : memref<125x80xi32, #tpu.memory_space<hbm>>) target(%arg6 : memref<125x80xi32, #tpu.memory_space<vmem>>) target_semaphore(%run_scoped3A : memref<!tpu.dma_semaphore, #tpu.memory_space<semaphore_mem>>)
      %dma_wait3A_315 = arith.constant 0 : i32
      %dma_wait3A_316 = arith.constant 0 : i32
      %dma_wait3A_317 = tpu.memref_slice %arg4[%add3A, %dma_wait3A_315, %dma_wait3A_316] : memref<32x125x80xi32, #tpu.memory_space<hbm>> -> memref<1x125x80xi32, #tpu.memory_space<hbm>>
      %dma_wait3A_318 = tpu.memref_squeeze %dma_wait3A_317 : memref<1x125x80xi32, #tpu.memory_space<hbm>> -> memref<125x80xi32, #tpu.memory_space<hbm>>
      %dma_wait3A_319 = arith.constant 0 : i32
      %dma_wait3A_320 = arith.constant 0 : i32
      %dma_wait3A_321 = tpu.memref_slice %arg4[%add3A, %dma_wait3A_319, %dma_wait3A_320] : memref<32x125x80xi32, #tpu.memory_space<hbm>> -> memref<1x125x80xi32, #tpu.memory_space<hbm>>
      %dma_wait3A_322 = tpu.memref_squeeze %dma_wait3A_321 : memref<1x125x80xi32, #tpu.memory_space<hbm>> -> memref<125x80xi32, #tpu.memory_space<hbm>>
      tpu.wait_dma2 semaphore(%run_scoped3A : memref<!tpu.dma_semaphore, #tpu.memory_space<semaphore_mem>>) src(%dma_wait3A_322 : memref<125x80xi32, #tpu.memory_space<hbm>>) dst(%arg6 : memref<125x80xi32, #tpu.memory_space<vmem>>)
      tpu.yield
    }) : () -> ()
    %parallel_loop3A = arith.constant 0 : i32
    %parallel_loop3A_1 = arith.constant 125 : i32
    %parallel_loop3A_2 = arith.constant 1 : i32
    scf.for %parallel_loop3A_307 = %parallel_loop3A to %parallel_loop3A_1 step %parallel_loop3A_2  : i32 {
      %parallel_loop3A_308 = arith.index_cast %parallel_loop3A_307 : i32 to index
      %parallel_loop3A_309 = arith.constant 0 : index
      %parallel_loop3A_310 = tpu.vector_load %arg6[%parallel_loop3A_308, %parallel_loop3A_309] {strides = array<i32>} : memref<125x80xi32, #tpu.memory_space<vmem>>, vector<1x16xi32>,
      %parallel_loop3A_311 = vector.shape_cast %parallel_loop3A_310 : vector<1x16xi32> to vector<16xi32>
      %parallel_loop3A_312 = arith.constant 65535 : i32
      %parallel_loop3A_313 = vector.broadcast %parallel_loop3A_312 : i32 to vector<16xi32>
      %parallel_loop3A_314 = arith.andi %parallel_loop3A_311, %parallel_loop3A_313 : vector<16xi32>
      %parallel_loop3A_315 = arith.index_cast %parallel_loop3A_307 : i32 to index
      %parallel_loop3A_316 = arith.constant 0 : index
      %parallel_loop3A_317 = tpu.vector_load %arg7[%parallel_loop3A_315, %parallel_loop3A_316] {strides = array<i32>} : memref<125x80xi32, #tpu.memory_space<vmem>>, vector<1x16xi32>,
      %parallel_loop3A_318 = vector.shape_cast %parallel_loop3A_317 : vector<1x16xi32> to vector<16xi32>
      %parallel_loop3A_319 = vector.shape_cast %parallel_loop3A_314 : vector<16xi32> to vector<1x16xi32>
      tpu.vector_store %arg7[%parallel_loop3A_315, %parallel_loop3A_316], %parallel_loop3A_319 {strides = array<i32>} : memref<125x80xi32, #tpu.memory_space<vmem>>, vector<1x16xi32>,
      %parallel_loop3A_320 = arith.constant 16 : i32
      %parallel_loop3A_321 = vector.broadcast %parallel_loop3A_320 : i32 to vector<16xi32>
      %parallel_loop3A_322 = arith.shrui %parallel_loop3A_311, %parallel_loop3A_321 : vector<16xi32>
      %parallel_loop3A_323 = arith.index_cast %parallel_loop3A_307 : i32 to index
      %parallel_loop3A_324 = arith.constant 0 : index
      %parallel_loop3A_325 = tpu.vector_load %arg8[%parallel_loop3A_323, %parallel_loop3A_324] {strides = array<i32>} : memref<125x80xi32, #tpu.memory_space<vmem>>, vector<1x16xi32>,
      %parallel_loop3A_326 = vector.shape_cast %parallel_loop3A_325 : vector<1x16xi32> to vector<16xi32>
      %parallel_loop3A_327 = vector.shape_cast %parallel_loop3A_322 : vector<16xi32> to vector<1x16xi32>
      tpu.vector_store %arg8[%parallel_loop3A_323, %parallel_loop3A_324], %parallel_loop3A_327 {strides = array<i32>} : memref<125x80xi32, #tpu.memory_space<vmem>>, vector<1x16xi32>,
      %parallel_loop3A_328 = arith.index_cast %parallel_loop3A_307 : i32 to index
      %parallel_loop3A_329 = arith.constant 16 : index
      %parallel_loop3A_330 = tpu.vector_load %arg6[%parallel_loop3A_328, %parallel_loop3A_329] {strides = array<i32>} : memref<125x80xi32, #tpu.memory_space<vmem>>, vector<1x16xi32>,
      %parallel_loop3A_331 = vector.shape_cast %parallel_loop3A_330 : vector<1x16xi32> to vector<16xi32>
      %parallel_loop3A_332 = arith.constant 65535 : i32
      %parallel_loop3A_333 = vector.broadcast %parallel_loop3A_332 : i32 to vector<16xi32>
      %parallel_loop3A_334 = arith.andi %parallel_loop3A_331, %parallel_loop3A_333 : vector<16xi32>
      %parallel_loop3A_335 = arith.index_cast %parallel_loop3A_307 : i32 to index
      %parallel_loop3A_336 = arith.constant 16 : index
      %parallel_loop3A_337 = tpu.vector_load %arg7[%parallel_loop3A_335, %parallel_loop3A_336] {strides = array<i32>} : memref<125x80xi32, #tpu.memory_space<vmem>>, vector<1x16xi32>,
      %parallel_loop3A_338 = vector.shape_cast %parallel_loop3A_337 : vector<1x16xi32> to vector<16xi32>
      %parallel_loop3A_339 = vector.shape_cast %parallel_loop3A_334 : vector<16xi32> to vector<1x16xi32>
      tpu.vector_store %arg7[%parallel_loop3A_335, %parallel_loop3A_336], %parallel_loop3A_339 {strides = array<i32>} : memref<125x80xi32, #tpu.memory_space<vmem>>, vector<1x16xi32>,
      %parallel_loop3A_340 = arith.constant 16 : i32
      %parallel_loop3A_341 = vector.broadcast %parallel_loop3A_340 : i32 to vector<16xi32>
      %parallel_loop3A_342 = arith.shrui %parallel_loop3A_331, %parallel_loop3A_341 : vector<16xi32>
      %parallel_loop3A_343 = arith.index_cast %parallel_loop3A_307 : i32 to index
      %parallel_loop3A_344 = arith.constant 16 : index
      %parallel_loop3A_345 = tpu.vector_load %arg8[%parallel_loop3A_343, %parallel_loop3A_344] {strides = array<i32>} : memref<125x80xi32, #tpu.memory_space<vmem>>, vector<1x16xi32>,
      %parallel_loop3A_346 = vector.shape_cast %parallel_loop3A_345 : vector<1x16xi32> to vector<16xi32>
      %parallel_loop3A_347 = vector.shape_cast %parallel_loop3A_342 : vector<16xi32> to vector<1x16xi32>
      tpu.vector_store %arg8[%parallel_loop3A_343, %parallel_loop3A_344], %parallel_loop3A_347 {strides = array<i32>} : memref<125x80xi32, #tpu.memory_space<vmem>>, vector<1x16xi32>,
      %parallel_loop3A_348 = arith.index_cast %parallel_loop3A_307 : i32 to index
      %parallel_loop3A_349 = arith.constant 32 : index
      %parallel_loop3A_350 = tpu.vector_load %arg6[%parallel_loop3A_348, %parallel_loop3A_349] {strides = array<i32>} : memref<125x80xi32, #tpu.memory_space<vmem>>, vector<1x16xi32>,
      %parallel_loop3A_351 = vector.shape_cast %parallel_loop3A_350 : vector<1x16xi32> to vector<16xi32>
      %parallel_loop3A_352 = arith.constant 65535 : i32
      %parallel_loop3A_353 = vector.broadcast %parallel_loop3A_352 : i32 to vector<16xi32>
      %parallel_loop3A_354 = arith.andi %parallel_loop3A_351, %parallel_loop3A_353 : vector<16xi32>
      %parallel_loop3A_355 = arith.index_cast %parallel_loop3A_307 : i32 to index
      %parallel_loop3A_356 = arith.constant 32 : index
      %parallel_loop3A_357 = tpu.vector_load %arg7[%parallel_loop3A_355, %parallel_loop3A_356] {strides = array<i32>} : memref<125x80xi32, #tpu.memory_space<vmem>>, vector<1x16xi32>,
      %parallel_loop3A_358 = vector.shape_cast %parallel_loop3A_357 : vector<1x16xi32> to vector<16xi32>
      %parallel_loop3A_359 = vector.shape_cast %parallel_loop3A_354 : vector<16xi32> to vector<1x16xi32>
      tpu.vector_store %arg7[%parallel_loop3A_355, %parallel_loop3A_356], %parallel_loop3A_359 {strides = array<i32>} : memref<125x80xi32, #tpu.memory_space<vmem>>, vector<1x16xi32>,
      %parallel_loop3A_360 = arith.constant 16 : i32
      %parallel_loop3A_361 = vector.broadcast %parallel_loop3A_360 : i32 to vector<16xi32>
      %parallel_loop3A_362 = arith.shrui %parallel_loop3A_351, %parallel_loop3A_361 : vector<16xi32>
      %parallel_loop3A_363 = arith.index_cast %parallel_loop3A_307 : i32 to index
      %parallel_loop3A_364 = arith.constant 32 : index
      %parallel_loop3A_365 = tpu.vector_load %arg8[%parallel_loop3A_363, %parallel_loop3A_364] {strides = array<i32>} : memref<125x80xi32, #tpu.memory_space<vmem>>, vector<1x16xi32>,
      %parallel_loop3A_366 = vector.shape_cast %parallel_loop3A_365 : vector<1x16xi32> to vector<16xi32>
      %parallel_loop3A_367 = vector.shape_cast %parallel_loop3A_362 : vector<16xi32> to vector<1x16xi32>
      tpu.vector_store %arg8[%parallel_loop3A_363, %parallel_loop3A_364], %parallel_loop3A_367 {strides = array<i32>} : memref<125x80xi32, #tpu.memory_space<vmem>>, vector<1x16xi32>,
      %parallel_loop3A_368 = arith.index_cast %parallel_loop3A_307 : i32 to index
      %parallel_loop3A_369 = arith.constant 48 : index
      %parallel_loop3A_370 = tpu.vector_load %arg6[%parallel_loop3A_368, %parallel_loop3A_369] {strides = array<i32>} : memref<125x80xi32, #tpu.memory_space<vmem>>, vector<1x16xi32>,
      %parallel_loop3A_371 = vector.shape_cast %parallel_loop3A_370 : vector<1x16xi32> to vector<16xi32>
      %parallel_loop3A_372 = arith.constant 65535 : i32
      %parallel_loop3A_373 = vector.broadcast %parallel_loop3A_372 : i32 to vector<16xi32>
      %parallel_loop3A_374 = arith.andi %parallel_loop3A_371, %parallel_loop3A_373 : vector<16xi32>
      %parallel_loop3A_375 = arith.index_cast %parallel_loop3A_307 : i32 to index
      %parallel_loop3A_376 = arith.constant 48 : index
      %parallel_loop3A_377 = tpu.vector_load %arg7[%parallel_loop3A_375, %parallel_loop3A_376] {strides = array<i32>} : memref<125x80xi32, #tpu.memory_space<vmem>>, vector<1x16xi32>,
      %parallel_loop3A_378 = vector.shape_cast %parallel_loop3A_377 : vector<1x16xi32> to vector<16xi32>
      %parallel_loop3A_379 = vector.shape_cast %parallel_loop3A_374 : vector<16xi32> to vector<1x16xi32>
      tpu.vector_store %arg7[%parallel_loop3A_375, %parallel_loop3A_376], %parallel_loop3A_379 {strides = array<i32>} : memref<125x80xi32, #tpu.memory_space<vmem>>, vector<1x16xi32>,
      %parallel_loop3A_380 = arith.constant 16 : i32
      %parallel_loop3A_381 = vector.broadcast %parallel_loop3A_380 : i32 to vector<16xi32>
      %parallel_loop3A_382 = arith.shrui %parallel_loop3A_371, %parallel_loop3A_381 : vector<16xi32>
      %parallel_loop3A_383 = arith.index_cast %parallel_loop3A_307 : i32 to index
      %parallel_loop3A_384 = arith.constant 48 : index
      %parallel_loop3A_385 = tpu.vector_load %arg8[%parallel_loop3A_383, %parallel_loop3A_384] {strides = array<i32>} : memref<125x80xi32, #tpu.memory_space<vmem>>, vector<1x16xi32>,
      %parallel_loop3A_386 = vector.shape_cast %parallel_loop3A_385 : vector<1x16xi32> to vector<16xi32>
      %parallel_loop3A_387 = vector.shape_cast %parallel_loop3A_382 : vector<16xi32> to vector<1x16xi32>
      tpu.vector_store %arg8[%parallel_loop3A_383, %parallel_loop3A_384], %parallel_loop3A_387 {strides = array<i32>} : memref<125x80xi32, #tpu.memory_space<vmem>>, vector<1x16xi32>,
      %parallel_loop3A_388 = arith.index_cast %parallel_loop3A_307 : i32 to index
      %parallel_loop3A_389 = arith.constant 64 : index
      %parallel_loop3A_390 = tpu.vector_load %arg6[%parallel_loop3A_388, %parallel_loop3A_389] {strides = array<i32>} : memref<125x80xi32, #tpu.memory_space<vmem>>, vector<1x16xi32>,
      %parallel_loop3A_391 = vector.shape_cast %parallel_loop3A_390 : vector<1x16xi32> to vector<16xi32>
      %parallel_loop3A_392 = arith.constant 65535 : i32
      %parallel_loop3A_393 = vector.broadcast %parallel_loop3A_392 : i32 to vector<16xi32>
      %parallel_loop3A_394 = arith.andi %parallel_loop3A_391, %parallel_loop3A_393 : vector<16xi32>
      %parallel_loop3A_395 = arith.index_cast %parallel_loop3A_307 : i32 to index
      %parallel_loop3A_396 = arith.constant 64 : index
      %parallel_loop3A_397 = tpu.vector_load %arg7[%parallel_loop3A_395, %parallel_loop3A_396] {strides = array<i32>} : memref<125x80xi32, #tpu.memory_space<vmem>>, vector<1x16xi32>,
      %parallel_loop3A_398 = vector.shape_cast %parallel_loop3A_397 : vector<1x16xi32> to vector<16xi32>
      %parallel_loop3A_399 = vector.shape_cast %parallel_loop3A_394 : vector<16xi32> to vector<1x16xi32>
      tpu.vector_store %arg7[%parallel_loop3A_395, %parallel_loop3A_396], %parallel_loop3A_399 {strides = array<i32>} : memref<125x80xi32, #tpu.memory_space<vmem>>, vector<1x16xi32>,
      %parallel_loop3A_400 = arith.constant 16 : i32
      %parallel_loop3A_401 = vector.broadcast %parallel_loop3A_400 : i32 to vector<16xi32>
      %parallel_loop3A_402 = arith.shrui %parallel_loop3A_391, %parallel_loop3A_401 : vector<16xi32>
      %parallel_loop3A_403 = arith.index_cast %parallel_loop3A_307 : i32 to index
      %parallel_loop3A_404 = arith.constant 64 : index
      %parallel_loop3A_405 = tpu.vector_load %arg8[%parallel_loop3A_403, %parallel_loop3A_404] {strides = array<i32>} : memref<125x80xi32, #tpu.memory_space<vmem>>, vector<1x16xi32>,
      %parallel_loop3A_406 = vector.shape_cast %parallel_loop3A_405 : vector<1x16xi32> to vector<16xi32>
      %parallel_loop3A_407 = vector.shape_cast %parallel_loop3A_402 : vector<16xi32> to vector<1x16xi32>
      tpu.vector_store %arg8[%parallel_loop3A_403, %parallel_loop3A_404], %parallel_loop3A_407 {strides = array<i32>} : memref<125x80xi32, #tpu.memory_space<vmem>>, vector<1x16xi32>,
    } {sc.loop_unroll_factor = 2 : i64, sc.parallel_access}
    %dma_start3A = arith.constant 0 : i32
    %dma_start3A_3 = arith.constant 0 : i32
    %dma_start3A_4 = tpu.memref_slice %arg7[%dma_start3A, %dma_start3A_3] : memref<125x80xi32, #tpu.memory_space<vmem>> -> memref<1x80xi32, #tpu.memory_space<vmem>>
    %dma_start3A_5 = tpu.memref_squeeze %dma_start3A_4 : memref<1x80xi32, #tpu.memory_space<vmem>> -> memref<80xi32, #tpu.memory_space<vmem>>
    %dma_start3A_6 = arith.constant 0 : i32
    %dma_start3A_7 = arith.constant 0 : i32
    %dma_start3A_8 = tpu.memref_slice %arg2[%dma_start3A_6, %dma_start3A_7] : memref<10000x48xf32, #tpu.memory_space<hbm>> -> memref<10000x48xf32, #tpu.memory_space<hbm>>
    tpu.enqueue_indirect_dma source(%dma_start3A_8 : memref<10000x48xf32, #tpu.memory_space<hbm>>) target(%arg9 : memref<80x48xf32, #tpu.memory_space<vmem>>) offsets(%dma_start3A_5 : memref<80xi32, #tpu.memory_space<vmem>>) semaphore(%arg20 : memref<!tpu.dma_semaphore, #tpu.memory_space<semaphore_mem>>)
    %dma_start3A_9 = arith.constant 0 : i32
    %dma_start3A_10 = arith.constant 0 : i32
    %dma_start3A_11 = tpu.memref_slice %arg8[%dma_start3A_9, %dma_start3A_10] : memref<125x80xi32, #tpu.memory_space<vmem>> -> memref<1x80xi32, #tpu.memory_space<vmem>>
    %dma_start3A_12 = tpu.memref_squeeze %dma_start3A_11 : memref<1x80xi32, #tpu.memory_space<vmem>> -> memref<80xi32, #tpu.memory_space<vmem>>
    %dma_start3A_13 = arith.constant 0 : i32
    %dma_start3A_14 = arith.constant 0 : i32
    %dma_start3A_15 = tpu.memref_slice %arg3[%dma_start3A_13, %dma_start3A_14] : memref<10000x16xf32, #tpu.memory_space<hbm>> -> memref<10000x16xf32, #tpu.memory_space<hbm>>
    tpu.enqueue_indirect_dma source(%dma_start3A_15 : memref<10000x16xf32, #tpu.memory_space<hbm>>) target(%arg12 : memref<80x16xf32, #tpu.memory_space<vmem>>) offsets(%dma_start3A_12 : memref<80xi32, #tpu.memory_space<vmem>>) semaphore(%arg20 : memref<!tpu.dma_semaphore, #tpu.memory_space<semaphore_mem>>)
    %dma_start3A_16 = arith.constant 1 : i32
    %dma_start3A_17 = arith.constant 0 : i32
    %dma_start3A_18 = tpu.memref_slice %arg7[%dma_start3A_16, %dma_start3A_17] : memref<125x80xi32, #tpu.memory_space<vmem>> -> memref<1x80xi32, #tpu.memory_space<vmem>>
    %dma_start3A_19 = tpu.memref_squeeze %dma_start3A_18 : memref<1x80xi32, #tpu.memory_space<vmem>> -> memref<80xi32, #tpu.memory_space<vmem>>
    %dma_start3A_20 = arith.constant 0 : i32
    %dma_start3A_21 = arith.constant 0 : i32
    %dma_start3A_22 = tpu.memref_slice %arg2[%dma_start3A_20, %dma_start3A_21] : memref<10000x48xf32, #tpu.memory_space<hbm>> -> memref<10000x48xf32, #tpu.memory_space<hbm>>
    tpu.enqueue_indirect_dma source(%dma_start3A_22 : memref<10000x48xf32, #tpu.memory_space<hbm>>) target(%arg10 : memref<80x48xf32, #tpu.memory_space<vmem>>) offsets(%dma_start3A_19 : memref<80xi32, #tpu.memory_space<vmem>>) semaphore(%arg21 : memref<!tpu.dma_semaphore, #tpu.memory_space<semaphore_mem>>)
    %dma_start3A_23 = arith.constant 1 : i32
    %dma_start3A_24 = arith.constant 0 : i32
    %dma_start3A_25 = tpu.memref_slice %arg8[%dma_start3A_23, %dma_start3A_24] : memref<125x80xi32, #tpu.memory_space<vmem>> -> memref<1x80xi32, #tpu.memory_space<vmem>>
    %dma_start3A_26 = tpu.memref_squeeze %dma_start3A_25 : memref<1x80xi32, #tpu.memory_space<vmem>> -> memref<80xi32, #tpu.memory_space<vmem>>
    %dma_start3A_27 = arith.constant 0 : i32
    %dma_start3A_28 = arith.constant 0 : i32
    %dma_start3A_29 = tpu.memref_slice %arg3[%dma_start3A_27, %dma_start3A_28] : memref<10000x16xf32, #tpu.memory_space<hbm>> -> memref<10000x16xf32, #tpu.memory_space<hbm>>
    tpu.enqueue_indirect_dma source(%dma_start3A_29 : memref<10000x16xf32, #tpu.memory_space<hbm>>) target(%arg13 : memref<80x16xf32, #tpu.memory_space<vmem>>) offsets(%dma_start3A_26 : memref<80xi32, #tpu.memory_space<vmem>>) semaphore(%arg21 : memref<!tpu.dma_semaphore, #tpu.memory_space<semaphore_mem>>)
    %scan3A = arith.constant 0 : i32
    %scan3A_30 = arith.constant 104 : i32
    %scan3A_31 = arith.addi %scan3A, %scan3A_30 : i32
    %scan3A_32 = arith.constant 1 : i32
    scf.for %scan3A_307 = %scan3A to %scan3A_31 step %scan3A_32  : i32 {
      %broadcast_in_dim3A = arith.constant 0.000000e+00 : f32
      %broadcast_in_dim3A_308 = vector.broadcast %broadcast_in_dim3A : f32 to vector<16xf32>
      %swap3A = arith.index_cast %scan3A_307 : i32 to index
      %swap3A_309 = arith.constant 0 : index
      %swap3A_310 = tpu.vector_load %arg18[%swap3A, %swap3A_309] {strides = array<i32>} : memref<104x80xf32, #tpu.memory_space<vmem>>, vector<1x16xf32>,
      %swap3A_311 = vector.shape_cast %swap3A_310 : vector<1x16xf32> to vector<16xf32>
      %swap3A_312 = vector.shape_cast %broadcast_in_dim3A_308 : vector<16xf32> to vector<1x16xf32>
      tpu.vector_store %arg18[%swap3A, %swap3A_309], %swap3A_312 {strides = array<i32>} : memref<104x80xf32, #tpu.memory_space<vmem>>, vector<1x16xf32>,
      %swap3A_313 = arith.index_cast %scan3A_307 : i32 to index
      %swap3A_314 = arith.constant 16 : index
      %swap3A_315 = tpu.vector_load %arg18[%swap3A_313, %swap3A_314] {strides = array<i32>} : memref<104x80xf32, #tpu.memory_space<vmem>>, vector<1x16xf32>,
      %swap3A_316 = vector.shape_cast %swap3A_315 : vector<1x16xf32> to vector<16xf32>
      %swap3A_317 = vector.shape_cast %broadcast_in_dim3A_308 : vector<16xf32> to vector<1x16xf32>
      tpu.vector_store %arg18[%swap3A_313, %swap3A_314], %swap3A_317 {strides = array<i32>} : memref<104x80xf32, #tpu.memory_space<vmem>>, vector<1x16xf32>,
      %swap3A_318 = arith.index_cast %scan3A_307 : i32 to index
      %swap3A_319 = arith.constant 32 : index
      %swap3A_320 = tpu.vector_load %arg18[%swap3A_318, %swap3A_319] {strides = array<i32>} : memref<104x80xf32, #tpu.memory_space<vmem>>, vector<1x16xf32>,
      %swap3A_321 = vector.shape_cast %swap3A_320 : vector<1x16xf32> to vector<16xf32>
      %swap3A_322 = vector.shape_cast %broadcast_in_dim3A_308 : vector<16xf32> to vector<1x16xf32>
      tpu.vector_store %arg18[%swap3A_318, %swap3A_319], %swap3A_322 {strides = array<i32>} : memref<104x80xf32, #tpu.memory_space<vmem>>, vector<1x16xf32>,
      %swap3A_323 = arith.index_cast %scan3A_307 : i32 to index
      %swap3A_324 = arith.constant 48 : index
      %swap3A_325 = tpu.vector_load %arg18[%swap3A_323, %swap3A_324] {strides = array<i32>} : memref<104x80xf32, #tpu.memory_space<vmem>>, vector<1x16xf32>,
      %swap3A_326 = vector.shape_cast %swap3A_325 : vector<1x16xf32> to vector<16xf32>
      %swap3A_327 = vector.shape_cast %broadcast_in_dim3A_308 : vector<16xf32> to vector<1x16xf32>
      tpu.vector_store %arg18[%swap3A_323, %swap3A_324], %swap3A_327 {strides = array<i32>} : memref<104x80xf32, #tpu.memory_space<vmem>>, vector<1x16xf32>,
      %swap3A_328 = arith.index_cast %scan3A_307 : i32 to index
      %swap3A_329 = arith.constant 64 : index
      %swap3A_330 = tpu.vector_load %arg18[%swap3A_328, %swap3A_329] {strides = array<i32>} : memref<104x80xf32, #tpu.memory_space<vmem>>, vector<1x16xf32>,
      %swap3A_331 = vector.shape_cast %swap3A_330 : vector<1x16xf32> to vector<16xf32>
      %swap3A_332 = vector.shape_cast %broadcast_in_dim3A_308 : vector<16xf32> to vector<1x16xf32>
      tpu.vector_store %arg18[%swap3A_328, %swap3A_329], %swap3A_332 {strides = array<i32>} : memref<104x80xf32, #tpu.memory_space<vmem>>, vector<1x16xf32>,
    }
    %scan3A_33 = arith.constant 104 : i32
    %mul3A_34 = arith.constant 624 : i32
    %mul3A_35 = arith.muli %arg1, %mul3A_34 : i32
    %add3A_36 = arith.constant 0 : i32
    %add3A_37 = arith.addi %mul3A_35, %add3A_36 : i32
    "tpu.region"() ({
      %run_scoped3A = tpu.sem_alloc : memref<!tpu.dma_semaphore, #tpu.memory_space<semaphore_mem>>
      %dma_start3A_307 = arith.constant 0 : i32
      %dma_start3A_308 = tpu.memref_slice %arg19[%add3A_37, %dma_start3A_307] : memref<10000x80xf32, #tpu.memory_space<vmem_shared>> -> memref<104x80xf32, #tpu.memory_space<vmem_shared>>
      %dma_start3A_309 = arith.constant 0 : i32
      %dma_start3A_310 = tpu.memref_slice %arg19[%add3A_37, %dma_start3A_309] : memref<10000x80xf32, #tpu.memory_space<vmem_shared>> -> memref<104x80xf32, #tpu.memory_space<vmem_shared>>
      tpu.enqueue_dma source(%arg18 : memref<104x80xf32, #tpu.memory_space<vmem>>) target(%dma_start3A_310 : memref<104x80xf32, #tpu.memory_space<vmem_shared>>) target_semaphore(%run_scoped3A : memref<!tpu.dma_semaphore, #tpu.memory_space<semaphore_mem>>)
      %dma_wait3A_311 = arith.constant 0 : i32
      %dma_wait3A_312 = tpu.memref_slice %arg19[%add3A_37, %dma_wait3A_311] : memref<10000x80xf32, #tpu.memory_space<vmem_shared>> -> memref<104x80xf32, #tpu.memory_space<vmem_shared>>
      %dma_wait3A_313 = arith.constant 0 : i32
      %dma_wait3A_314 = tpu.memref_slice %arg19[%add3A_37, %dma_wait3A_313] : memref<10000x80xf32, #tpu.memory_space<vmem_shared>> -> memref<104x80xf32, #tpu.memory_space<vmem_shared>>
      tpu.wait_dma2 semaphore(%run_scoped3A : memref<!tpu.dma_semaphore, #tpu.memory_space<semaphore_mem>>) src(%arg18 : memref<104x80xf32, #tpu.memory_space<vmem>>) dst(%dma_wait3A_314 : memref<104x80xf32, #tpu.memory_space<vmem_shared>>)
      tpu.yield
    }) : () -> ()
    %mul3A_38 = arith.constant 624 : i32
    %mul3A_39 = arith.muli %arg1, %mul3A_38 : i32
    %add3A_40 = arith.constant 104 : i32
    %add3A_41 = arith.addi %mul3A_39, %add3A_40 : i32
    "tpu.region"() ({
      %run_scoped3A = tpu.sem_alloc : memref<!tpu.dma_semaphore, #tpu.memory_space<semaphore_mem>>
      %dma_start3A_307 = arith.constant 0 : i32
      %dma_start3A_308 = tpu.memref_slice %arg19[%add3A_41, %dma_start3A_307] : memref<10000x80xf32, #tpu.memory_space<vmem_shared>> -> memref<104x80xf32, #tpu.memory_space<vmem_shared>>
      %dma_start3A_309 = arith.constant 0 : i32
      %dma_start3A_310 = tpu.memref_slice %arg19[%add3A_41, %dma_start3A_309] : memref<10000x80xf32, #tpu.memory_space<vmem_shared>> -> memref<104x80xf32, #tpu.memory_space<vmem_shared>>
      tpu.enqueue_dma source(%arg18 : memref<104x80xf32, #tpu.memory_space<vmem>>) target(%dma_start3A_310 : memref<104x80xf32, #tpu.memory_space<vmem_shared>>) target_semaphore(%run_scoped3A : memref<!tpu.dma_semaphore, #tpu.memory_space<semaphore_mem>>)
      %dma_wait3A_311 = arith.constant 0 : i32
      %dma_wait3A_312 = tpu.memref_slice %arg19[%add3A_41, %dma_wait3A_311] : memref<10000x80xf32, #tpu.memory_space<vmem_shared>> -> memref<104x80xf32, #tpu.memory_space<vmem_shared>>
      %dma_wait3A_313 = arith.constant 0 : i32
      %dma_wait3A_314 = tpu.memref_slice %arg19[%add3A_41, %dma_wait3A_313] : memref<10000x80xf32, #tpu.memory_space<vmem_shared>> -> memref<104x80xf32, #tpu.memory_space<vmem_shared>>
      tpu.wait_dma2 semaphore(%run_scoped3A : memref<!tpu.dma_semaphore, #tpu.memory_space<semaphore_mem>>) src(%arg18 : memref<104x80xf32, #tpu.memory_space<vmem>>) dst(%dma_wait3A_314 : memref<104x80xf32, #tpu.memory_space<vmem_shared>>)
      tpu.yield
    }) : () -> ()
    %mul3A_42 = arith.constant 624 : i32
    %mul3A_43 = arith.muli %arg1, %mul3A_42 : i32
    %add3A_44 = arith.constant 208 : i32
    %add3A_45 = arith.addi %mul3A_43, %add3A_44 : i32
    "tpu.region"() ({
      %run_scoped3A = tpu.sem_alloc : memref<!tpu.dma_semaphore, #tpu.memory_space<semaphore_mem>>
      %dma_start3A_307 = arith.constant 0 : i32
      %dma_start3A_308 = tpu.memref_slice %arg19[%add3A_45, %dma_start3A_307] : memref<10000x80xf32, #tpu.memory_space<vmem_shared>> -> memref<104x80xf32, #tpu.memory_space<vmem_shared>>
      %dma_start3A_309 = arith.constant 0 : i32
      %dma_start3A_310 = tpu.memref_slice %arg19[%add3A_45, %dma_start3A_309] : memref<10000x80xf32, #tpu.memory_space<vmem_shared>> -> memref<104x80xf32, #tpu.memory_space<vmem_shared>>
      tpu.enqueue_dma source(%arg18 : memref<104x80xf32, #tpu.memory_space<vmem>>) target(%dma_start3A_310 : memref<104x80xf32, #tpu.memory_space<vmem_shared>>) target_semaphore(%run_scoped3A : memref<!tpu.dma_semaphore, #tpu.memory_space<semaphore_mem>>)
      %dma_wait3A_311 = arith.constant 0 : i32
      %dma_wait3A_312 = tpu.memref_slice %arg19[%add3A_45, %dma_wait3A_311] : memref<10000x80xf32, #tpu.memory_space<vmem_shared>> -> memref<104x80xf32, #tpu.memory_space<vmem_shared>>
      %dma_wait3A_313 = arith.constant 0 : i32
      %dma_wait3A_314 = tpu.memref_slice %arg19[%add3A_45, %dma_wait3A_313] : memref<10000x80xf32, #tpu.memory_space<vmem_shared>> -> memref<104x80xf32, #tpu.memory_space<vmem_shared>>
      tpu.wait_dma2 semaphore(%run_scoped3A : memref<!tpu.dma_semaphore, #tpu.memory_space<semaphore_mem>>) src(%arg18 : memref<104x80xf32, #tpu.memory_space<vmem>>) dst(%dma_wait3A_314 : memref<104x80xf32, #tpu.memory_space<vmem_shared>>)
      tpu.yield
    }) : () -> ()
    %mul3A_46 = arith.constant 624 : i32
    %mul3A_47 = arith.muli %arg1, %mul3A_46 : i32
    %add3A_48 = arith.constant 312 : i32
    %add3A_49 = arith.addi %mul3A_47, %add3A_48 : i32
    "tpu.region"() ({
      %run_scoped3A = tpu.sem_alloc : memref<!tpu.dma_semaphore, #tpu.memory_space<semaphore_mem>>
      %dma_start3A_307 = arith.constant 0 : i32
      %dma_start3A_308 = tpu.memref_slice %arg19[%add3A_49, %dma_start3A_307] : memref<10000x80xf32, #tpu.memory_space<vmem_shared>> -> memref<104x80xf32, #tpu.memory_space<vmem_shared>>
      %dma_start3A_309 = arith.constant 0 : i32
      %dma_start3A_310 = tpu.memref_slice %arg19[%add3A_49, %dma_start3A_309] : memref<10000x80xf32, #tpu.memory_space<vmem_shared>> -> memref<104x80xf32, #tpu.memory_space<vmem_shared>>
      tpu.enqueue_dma source(%arg18 : memref<104x80xf32, #tpu.memory_space<vmem>>) target(%dma_start3A_310 : memref<104x80xf32, #tpu.memory_space<vmem_shared>>) target_semaphore(%run_scoped3A : memref<!tpu.dma_semaphore, #tpu.memory_space<semaphore_mem>>)
      %dma_wait3A_311 = arith.constant 0 : i32
      %dma_wait3A_312 = tpu.memref_slice %arg19[%add3A_49, %dma_wait3A_311] : memref<10000x80xf32, #tpu.memory_space<vmem_shared>> -> memref<104x80xf32, #tpu.memory_space<vmem_shared>>
      %dma_wait3A_313 = arith.constant 0 : i32
      %dma_wait3A_314 = tpu.memref_slice %arg19[%add3A_49, %dma_wait3A_313] : memref<10000x80xf32, #tpu.memory_space<vmem_shared>> -> memref<104x80xf32, #tpu.memory_space<vmem_shared>>
      tpu.wait_dma2 semaphore(%run_scoped3A : memref<!tpu.dma_semaphore, #tpu.memory_space<semaphore_mem>>) src(%arg18 : memref<104x80xf32, #tpu.memory_space<vmem>>) dst(%dma_wait3A_314 : memref<104x80xf32, #tpu.memory_space<vmem_shared>>)
      tpu.yield
    }) : () -> ()
    %mul3A_50 = arith.constant 624 : i32
    %mul3A_51 = arith.muli %arg1, %mul3A_50 : i32
    %add3A_52 = arith.constant 416 : i32
    %add3A_53 = arith.addi %mul3A_51, %add3A_52 : i32
    "tpu.region"() ({
      %run_scoped3A = tpu.sem_alloc : memref<!tpu.dma_semaphore, #tpu.memory_space<semaphore_mem>>
      %dma_start3A_307 = arith.constant 0 : i32
      %dma_start3A_308 = tpu.memref_slice %arg19[%add3A_53, %dma_start3A_307] : memref<10000x80xf32, #tpu.memory_space<vmem_shared>> -> memref<104x80xf32, #tpu.memory_space<vmem_shared>>
      %dma_start3A_309 = arith.constant 0 : i32
      %dma_start3A_310 = tpu.memref_slice %arg19[%add3A_53, %dma_start3A_309] : memref<10000x80xf32, #tpu.memory_space<vmem_shared>> -> memref<104x80xf32, #tpu.memory_space<vmem_shared>>
      tpu.enqueue_dma source(%arg18 : memref<104x80xf32, #tpu.memory_space<vmem>>) target(%dma_start3A_310 : memref<104x80xf32, #tpu.memory_space<vmem_shared>>) target_semaphore(%run_scoped3A : memref<!tpu.dma_semaphore, #tpu.memory_space<semaphore_mem>>)
      %dma_wait3A_311 = arith.constant 0 : i32
      %dma_wait3A_312 = tpu.memref_slice %arg19[%add3A_53, %dma_wait3A_311] : memref<10000x80xf32, #tpu.memory_space<vmem_shared>> -> memref<104x80xf32, #tpu.memory_space<vmem_shared>>
      %dma_wait3A_313 = arith.constant 0 : i32
      %dma_wait3A_314 = tpu.memref_slice %arg19[%add3A_53, %dma_wait3A_313] : memref<10000x80xf32, #tpu.memory_space<vmem_shared>> -> memref<104x80xf32, #tpu.memory_space<vmem_shared>>
      tpu.wait_dma2 semaphore(%run_scoped3A : memref<!tpu.dma_semaphore, #tpu.memory_space<semaphore_mem>>) src(%arg18 : memref<104x80xf32, #tpu.memory_space<vmem>>) dst(%dma_wait3A_314 : memref<104x80xf32, #tpu.memory_space<vmem_shared>>)
      tpu.yield
    }) : () -> ()
    %mul3A_54 = arith.constant 624 : i32
    %mul3A_55 = arith.muli %arg1, %mul3A_54 : i32
    %add3A_56 = arith.constant 520 : i32
    %add3A_57 = arith.addi %mul3A_55, %add3A_56 : i32
    "tpu.region"() ({
      %run_scoped3A = tpu.sem_alloc : memref<!tpu.dma_semaphore, #tpu.memory_space<semaphore_mem>>
      %dma_start3A_307 = arith.constant 0 : i32
      %dma_start3A_308 = tpu.memref_slice %arg19[%add3A_57, %dma_start3A_307] : memref<10000x80xf32, #tpu.memory_space<vmem_shared>> -> memref<104x80xf32, #tpu.memory_space<vmem_shared>>
      %dma_start3A_309 = arith.constant 0 : i32
      %dma_start3A_310 = tpu.memref_slice %arg19[%add3A_57, %dma_start3A_309] : memref<10000x80xf32, #tpu.memory_space<vmem_shared>> -> memref<104x80xf32, #tpu.memory_space<vmem_shared>>
      tpu.enqueue_dma source(%arg18 : memref<104x80xf32, #tpu.memory_space<vmem>>) target(%dma_start3A_310 : memref<104x80xf32, #tpu.memory_space<vmem_shared>>) target_semaphore(%run_scoped3A : memref<!tpu.dma_semaphore, #tpu.memory_space<semaphore_mem>>)
      %dma_wait3A_311 = arith.constant 0 : i32
      %dma_wait3A_312 = tpu.memref_slice %arg19[%add3A_57, %dma_wait3A_311] : memref<10000x80xf32, #tpu.memory_space<vmem_shared>> -> memref<104x80xf32, #tpu.memory_space<vmem_shared>>
      %dma_wait3A_313 = arith.constant 0 : i32
      %dma_wait3A_314 = tpu.memref_slice %arg19[%add3A_57, %dma_wait3A_313] : memref<10000x80xf32, #tpu.memory_space<vmem_shared>> -> memref<104x80xf32, #tpu.memory_space<vmem_shared>>
      tpu.wait_dma2 semaphore(%run_scoped3A : memref<!tpu.dma_semaphore, #tpu.memory_space<semaphore_mem>>) src(%arg18 : memref<104x80xf32, #tpu.memory_space<vmem>>) dst(%dma_wait3A_314 : memref<104x80xf32, #tpu.memory_space<vmem_shared>>)
      tpu.yield
    }) : () -> ()
    %eq3A = arith.constant 15 : i32
    %eq3A_58 = arith.cmpi eq, %arg1, %eq3A : i32
    %convert_element_type3A = arith.extui %eq3A_58 : i1 to i32
    %cond3A = arith.constant 0 : i32
    %cond3A_59 = arith.cmpi ne, %convert_element_type3A, %cond3A : i32
    scf.if %cond3A_59 {
      "tpu.region"() ({
        %run_scoped3A = tpu.sem_alloc : memref<!tpu.dma_semaphore, #tpu.memory_space<semaphore_mem>>
        %dma_start3A_307 = arith.constant 0 : i32
        %dma_start3A_308 = arith.constant 0 : i32
        %dma_start3A_309 = tpu.memref_slice %arg18[%dma_start3A_307, %dma_start3A_308] : memref<104x80xf32, #tpu.memory_space<vmem>> -> memref<16x80xf32, #tpu.memory_space<vmem>>
        %dma_start3A_310 = arith.constant 9984 : i32
        %dma_start3A_311 = arith.constant 0 : i32
        %dma_start3A_312 = tpu.memref_slice %arg19[%dma_start3A_310, %dma_start3A_311] : memref<10000x80xf32, #tpu.memory_space<vmem_shared>> -> memref<16x80xf32, #tpu.memory_space<vmem_shared>>
        %dma_start3A_313 = arith.constant 9984 : i32
        %dma_start3A_314 = arith.constant 0 : i32
        %dma_start3A_315 = tpu.memref_slice %arg19[%dma_start3A_313, %dma_start3A_314] : memref<10000x80xf32, #tpu.memory_space<vmem_shared>> -> memref<16x80xf32, #tpu.memory_space<vmem_shared>>
        %dma_start3A_316 = arith.constant 0 : i32
        %dma_start3A_317 = arith.constant 0 : i32
        %dma_start3A_318 = tpu.memref_slice %arg18[%dma_start3A_316, %dma_start3A_317] : memref<104x80xf32, #tpu.memory_space<vmem>> -> memref<16x80xf32, #tpu.memory_space<vmem>>
        tpu.enqueue_dma source(%dma_start3A_318 : memref<16x80xf32, #tpu.memory_space<vmem>>) target(%dma_start3A_315 : memref<16x80xf32, #tpu.memory_space<vmem_shared>>) target_semaphore(%run_scoped3A : memref<!tpu.dma_semaphore, #tpu.memory_space<semaphore_mem>>)
        %dma_wait3A_319 = arith.constant 0 : i32
        %dma_wait3A_320 = arith.constant 0 : i32
        %dma_wait3A_321 = tpu.memref_slice %arg18[%dma_wait3A_319, %dma_wait3A_320] : memref<104x80xf32, #tpu.memory_space<vmem>> -> memref<16x80xf32, #tpu.memory_space<vmem>>
        %dma_wait3A_322 = arith.constant 9984 : i32
        %dma_wait3A_323 = arith.constant 0 : i32
        %dma_wait3A_324 = tpu.memref_slice %arg19[%dma_wait3A_322, %dma_wait3A_323] : memref<10000x80xf32, #tpu.memory_space<vmem_shared>> -> memref<16x80xf32, #tpu.memory_space<vmem_shared>>
        %dma_wait3A_325 = arith.constant 9984 : i32
        %dma_wait3A_326 = arith.constant 0 : i32
        %dma_wait3A_327 = tpu.memref_slice %arg19[%dma_wait3A_325, %dma_wait3A_326] : memref<10000x80xf32, #tpu.memory_space<vmem_shared>> -> memref<16x80xf32, #tpu.memory_space<vmem_shared>>
        %dma_wait3A_328 = arith.constant 0 : i32
        %dma_wait3A_329 = arith.constant 0 : i32
        %dma_wait3A_330 = tpu.memref_slice %arg18[%dma_wait3A_328, %dma_wait3A_329] : memref<104x80xf32, #tpu.memory_space<vmem>> -> memref<16x80xf32, #tpu.memory_space<vmem>>
        tpu.wait_dma2 semaphore(%run_scoped3A : memref<!tpu.dma_semaphore, #tpu.memory_space<semaphore_mem>>) src(%dma_wait3A_330 : memref<16x80xf32, #tpu.memory_space<vmem>>) dst(%dma_wait3A_327 : memref<16x80xf32, #tpu.memory_space<vmem_shared>>)
        tpu.yield
      }) : () -> ()
    } else {
    }
    %parallel_loop3A_60 = arith.constant 0 : i32
    %parallel_loop3A_61 = arith.constant 80 : i32
    %parallel_loop3A_62 = arith.constant 1 : i32
    scf.for %parallel_loop3A_307 = %parallel_loop3A_60 to %parallel_loop3A_61 step %parallel_loop3A_62  : i32 {
      %parallel_loop3A_308 = arith.constant 0.000000e+00 : f32
      %parallel_loop3A_309 = vector.broadcast %parallel_loop3A_308 : f32 to vector<16xf32>
      %parallel_loop3A_310 = arith.index_cast %parallel_loop3A_307 : i32 to index
      %parallel_loop3A_311 = arith.constant 0 : index
      %parallel_loop3A_312 = tpu.vector_load %arg15[%parallel_loop3A_310, %parallel_loop3A_311] {strides = array<i32>} : memref<80x80xf32, #tpu.memory_space<vmem>>, vector<1x16xf32>,
      %parallel_loop3A_313 = vector.shape_cast %parallel_loop3A_312 : vector<1x16xf32> to vector<16xf32>
      %parallel_loop3A_314 = vector.shape_cast %parallel_loop3A_309 : vector<16xf32> to vector<1x16xf32>
      tpu.vector_store %arg15[%parallel_loop3A_310, %parallel_loop3A_311], %parallel_loop3A_314 {strides = array<i32>} : memref<80x80xf32, #tpu.memory_space<vmem>>, vector<1x16xf32>,
      %parallel_loop3A_315 = arith.index_cast %parallel_loop3A_307 : i32 to index
      %parallel_loop3A_316 = arith.constant 0 : index
      %parallel_loop3A_317 = tpu.vector_load %arg16[%parallel_loop3A_315, %parallel_loop3A_316] {strides = array<i32>} : memref<80x80xf32, #tpu.memory_space<vmem>>, vector<1x16xf32>,
      %parallel_loop3A_318 = vector.shape_cast %parallel_loop3A_317 : vector<1x16xf32> to vector<16xf32>
      %parallel_loop3A_319 = vector.shape_cast %parallel_loop3A_309 : vector<16xf32> to vector<1x16xf32>
      tpu.vector_store %arg16[%parallel_loop3A_315, %parallel_loop3A_316], %parallel_loop3A_319 {strides = array<i32>} : memref<80x80xf32, #tpu.memory_space<vmem>>, vector<1x16xf32>,
      %parallel_loop3A_320 = arith.index_cast %parallel_loop3A_307 : i32 to index
      %parallel_loop3A_321 = arith.constant 0 : index
      %parallel_loop3A_322 = tpu.vector_load %arg17[%parallel_loop3A_320, %parallel_loop3A_321] {strides = array<i32>} : memref<80x80xf32, #tpu.memory_space<vmem>>, vector<1x16xf32>,
      %parallel_loop3A_323 = vector.shape_cast %parallel_loop3A_322 : vector<1x16xf32> to vector<16xf32>
      %parallel_loop3A_324 = vector.shape_cast %parallel_loop3A_309 : vector<16xf32> to vector<1x16xf32>
      tpu.vector_store %arg17[%parallel_loop3A_320, %parallel_loop3A_321], %parallel_loop3A_324 {strides = array<i32>} : memref<80x80xf32, #tpu.memory_space<vmem>>, vector<1x16xf32>,
      %parallel_loop3A_325 = arith.index_cast %parallel_loop3A_307 : i32 to index
      %parallel_loop3A_326 = arith.constant 16 : index
      %parallel_loop3A_327 = tpu.vector_load %arg15[%parallel_loop3A_325, %parallel_loop3A_326] {strides = array<i32>} : memref<80x80xf32, #tpu.memory_space<vmem>>, vector<1x16xf32>,
      %parallel_loop3A_328 = vector.shape_cast %parallel_loop3A_327 : vector<1x16xf32> to vector<16xf32>
      %parallel_loop3A_329 = vector.shape_cast %parallel_loop3A_309 : vector<16xf32> to vector<1x16xf32>
      tpu.vector_store %arg15[%parallel_loop3A_325, %parallel_loop3A_326], %parallel_loop3A_329 {strides = array<i32>} : memref<80x80xf32, #tpu.memory_space<vmem>>, vector<1x16xf32>,
      %parallel_loop3A_330 = arith.index_cast %parallel_loop3A_307 : i32 to index
      %parallel_loop3A_331 = arith.constant 16 : index
      %parallel_loop3A_332 = tpu.vector_load %arg16[%parallel_loop3A_330, %parallel_loop3A_331] {strides = array<i32>} : memref<80x80xf32, #tpu.memory_space<vmem>>, vector<1x16xf32>,
      %parallel_loop3A_333 = vector.shape_cast %parallel_loop3A_332 : vector<1x16xf32> to vector<16xf32>
      %parallel_loop3A_334 = vector.shape_cast %parallel_loop3A_309 : vector<16xf32> to vector<1x16xf32>
      tpu.vector_store %arg16[%parallel_loop3A_330, %parallel_loop3A_331], %parallel_loop3A_334 {strides = array<i32>} : memref<80x80xf32, #tpu.memory_space<vmem>>, vector<1x16xf32>,
      %parallel_loop3A_335 = arith.index_cast %parallel_loop3A_307 : i32 to index
      %parallel_loop3A_336 = arith.constant 16 : index
      %parallel_loop3A_337 = tpu.vector_load %arg17[%parallel_loop3A_335, %parallel_loop3A_336] {strides = array<i32>} : memref<80x80xf32, #tpu.memory_space<vmem>>, vector<1x16xf32>,
      %parallel_loop3A_338 = vector.shape_cast %parallel_loop3A_337 : vector<1x16xf32> to vector<16xf32>
      %parallel_loop3A_339 = vector.shape_cast %parallel_loop3A_309 : vector<16xf32> to vector<1x16xf32>
      tpu.vector_store %arg17[%parallel_loop3A_335, %parallel_loop3A_336], %parallel_loop3A_339 {strides = array<i32>} : memref<80x80xf32, #tpu.memory_space<vmem>>, vector<1x16xf32>,
      %parallel_loop3A_340 = arith.index_cast %parallel_loop3A_307 : i32 to index
      %parallel_loop3A_341 = arith.constant 32 : index
      %parallel_loop3A_342 = tpu.vector_load %arg15[%parallel_loop3A_340, %parallel_loop3A_341] {strides = array<i32>} : memref<80x80xf32, #tpu.memory_space<vmem>>, vector<1x16xf32>,
      %parallel_loop3A_343 = vector.shape_cast %parallel_loop3A_342 : vector<1x16xf32> to vector<16xf32>
      %parallel_loop3A_344 = vector.shape_cast %parallel_loop3A_309 : vector<16xf32> to vector<1x16xf32>
      tpu.vector_store %arg15[%parallel_loop3A_340, %parallel_loop3A_341], %parallel_loop3A_344 {strides = array<i32>} : memref<80x80xf32, #tpu.memory_space<vmem>>, vector<1x16xf32>,
      %parallel_loop3A_345 = arith.index_cast %parallel_loop3A_307 : i32 to index
      %parallel_loop3A_346 = arith.constant 32 : index
      %parallel_loop3A_347 = tpu.vector_load %arg16[%parallel_loop3A_345, %parallel_loop3A_346] {strides = array<i32>} : memref<80x80xf32, #tpu.memory_space<vmem>>, vector<1x16xf32>,
      %parallel_loop3A_348 = vector.shape_cast %parallel_loop3A_347 : vector<1x16xf32> to vector<16xf32>
      %parallel_loop3A_349 = vector.shape_cast %parallel_loop3A_309 : vector<16xf32> to vector<1x16xf32>
      tpu.vector_store %arg16[%parallel_loop3A_345, %parallel_loop3A_346], %parallel_loop3A_349 {strides = array<i32>} : memref<80x80xf32, #tpu.memory_space<vmem>>, vector<1x16xf32>,
      %parallel_loop3A_350 = arith.index_cast %parallel_loop3A_307 : i32 to index
      %parallel_loop3A_351 = arith.constant 32 : index
      %parallel_loop3A_352 = tpu.vector_load %arg17[%parallel_loop3A_350, %parallel_loop3A_351] {strides = array<i32>} : memref<80x80xf32, #tpu.memory_space<vmem>>, vector<1x16xf32>,
      %parallel_loop3A_353 = vector.shape_cast %parallel_loop3A_352 : vector<1x16xf32> to vector<16xf32>
      %parallel_loop3A_354 = vector.shape_cast %parallel_loop3A_309 : vector<16xf32> to vector<1x16xf32>
      tpu.vector_store %arg17[%parallel_loop3A_350, %parallel_loop3A_351], %parallel_loop3A_354 {strides = array<i32>} : memref<80x80xf32, #tpu.memory_space<vmem>>, vector<1x16xf32>,
      %parallel_loop3A_355 = arith.index_cast %parallel_loop3A_307 : i32 to index
      %parallel_loop3A_356 = arith.constant 48 : index
      %parallel_loop3A_357 = tpu.vector_load %arg15[%parallel_loop3A_355, %parallel_loop3A_356] {strides = array<i32>} : memref<80x80xf32, #tpu.memory_space<vmem>>, vector<1x16xf32>,
      %parallel_loop3A_358 = vector.shape_cast %parallel_loop3A_357 : vector<1x16xf32> to vector<16xf32>
      %parallel_loop3A_359 = vector.shape_cast %parallel_loop3A_309 : vector<16xf32> to vector<1x16xf32>
      tpu.vector_store %arg15[%parallel_loop3A_355, %parallel_loop3A_356], %parallel_loop3A_359 {strides = array<i32>} : memref<80x80xf32, #tpu.memory_space<vmem>>, vector<1x16xf32>,
      %parallel_loop3A_360 = arith.index_cast %parallel_loop3A_307 : i32 to index
      %parallel_loop3A_361 = arith.constant 48 : index
      %parallel_loop3A_362 = tpu.vector_load %arg16[%parallel_loop3A_360, %parallel_loop3A_361] {strides = array<i32>} : memref<80x80xf32, #tpu.memory_space<vmem>>, vector<1x16xf32>,
      %parallel_loop3A_363 = vector.shape_cast %parallel_loop3A_362 : vector<1x16xf32> to vector<16xf32>
      %parallel_loop3A_364 = vector.shape_cast %parallel_loop3A_309 : vector<16xf32> to vector<1x16xf32>
      tpu.vector_store %arg16[%parallel_loop3A_360, %parallel_loop3A_361], %parallel_loop3A_364 {strides = array<i32>} : memref<80x80xf32, #tpu.memory_space<vmem>>, vector<1x16xf32>,
      %parallel_loop3A_365 = arith.index_cast %parallel_loop3A_307 : i32 to index
      %parallel_loop3A_366 = arith.constant 48 : index
      %parallel_loop3A_367 = tpu.vector_load %arg17[%parallel_loop3A_365, %parallel_loop3A_366] {strides = array<i32>} : memref<80x80xf32, #tpu.memory_space<vmem>>, vector<1x16xf32>,
      %parallel_loop3A_368 = vector.shape_cast %parallel_loop3A_367 : vector<1x16xf32> to vector<16xf32>
      %parallel_loop3A_369 = vector.shape_cast %parallel_loop3A_309 : vector<16xf32> to vector<1x16xf32>
      tpu.vector_store %arg17[%parallel_loop3A_365, %parallel_loop3A_366], %parallel_loop3A_369 {strides = array<i32>} : memref<80x80xf32, #tpu.memory_space<vmem>>, vector<1x16xf32>,
      %parallel_loop3A_370 = arith.index_cast %parallel_loop3A_307 : i32 to index
      %parallel_loop3A_371 = arith.constant 64 : index
      %parallel_loop3A_372 = tpu.vector_load %arg15[%parallel_loop3A_370, %parallel_loop3A_371] {strides = array<i32>} : memref<80x80xf32, #tpu.memory_space<vmem>>, vector<1x16xf32>,
      %parallel_loop3A_373 = vector.shape_cast %parallel_loop3A_372 : vector<1x16xf32> to vector<16xf32>
      %parallel_loop3A_374 = vector.shape_cast %parallel_loop3A_309 : vector<16xf32> to vector<1x16xf32>
      tpu.vector_store %arg15[%parallel_loop3A_370, %parallel_loop3A_371], %parallel_loop3A_374 {strides = array<i32>} : memref<80x80xf32, #tpu.memory_space<vmem>>, vector<1x16xf32>,
      %parallel_loop3A_375 = arith.index_cast %parallel_loop3A_307 : i32 to index
      %parallel_loop3A_376 = arith.constant 64 : index
      %parallel_loop3A_377 = tpu.vector_load %arg16[%parallel_loop3A_375, %parallel_loop3A_376] {strides = array<i32>} : memref<80x80xf32, #tpu.memory_space<vmem>>, vector<1x16xf32>,
      %parallel_loop3A_378 = vector.shape_cast %parallel_loop3A_377 : vector<1x16xf32> to vector<16xf32>
      %parallel_loop3A_379 = vector.shape_cast %parallel_loop3A_309 : vector<16xf32> to vector<1x16xf32>
      tpu.vector_store %arg16[%parallel_loop3A_375, %parallel_loop3A_376], %parallel_loop3A_379 {strides = array<i32>} : memref<80x80xf32, #tpu.memory_space<vmem>>, vector<1x16xf32>,
      %parallel_loop3A_380 = arith.index_cast %parallel_loop3A_307 : i32 to index
      %parallel_loop3A_381 = arith.constant 64 : index
      %parallel_loop3A_382 = tpu.vector_load %arg17[%parallel_loop3A_380, %parallel_loop3A_381] {strides = array<i32>} : memref<80x80xf32, #tpu.memory_space<vmem>>, vector<1x16xf32>,
      %parallel_loop3A_383 = vector.shape_cast %parallel_loop3A_382 : vector<1x16xf32> to vector<16xf32>
      %parallel_loop3A_384 = vector.shape_cast %parallel_loop3A_309 : vector<16xf32> to vector<1x16xf32>
      tpu.vector_store %arg17[%parallel_loop3A_380, %parallel_loop3A_381], %parallel_loop3A_384 {strides = array<i32>} : memref<80x80xf32, #tpu.memory_space<vmem>>, vector<1x16xf32>,
    } {sc.loop_unroll_factor = 4 : i64, sc.parallel_access}
    %barrier3A = arith.constant 0 : index
    tpu.barrier barrier_id(%barrier3A)
    %dma_start3A_63 = arith.constant 0 : i32
    %dma_start3A_64 = arith.constant 0 : i32
    %dma_start3A_65 = tpu.memref_slice %arg8[%dma_start3A_63, %dma_start3A_64] : memref<125x80xi32, #tpu.memory_space<vmem>> -> memref<1x80xi32, #tpu.memory_space<vmem>>
    %dma_start3A_66 = tpu.memref_squeeze %dma_start3A_65 : memref<1x80xi32, #tpu.memory_space<vmem>> -> memref<80xi32, #tpu.memory_space<vmem>>
    %dma_start3A_67 = arith.constant 0 : i32
    %dma_start3A_68 = arith.constant 0 : i32
    %dma_start3A_69 = tpu.memref_slice %arg19[%dma_start3A_67, %dma_start3A_68] : memref<10000x80xf32, #tpu.memory_space<vmem_shared>> -> memref<10000x80xf32, #tpu.memory_space<vmem_shared>>
    tpu.enqueue_indirect_dma source(%arg15 : memref<80x80xf32, #tpu.memory_space<vmem>>) target(%dma_start3A_69 : memref<10000x80xf32, #tpu.memory_space<vmem_shared>>) offsets(%dma_start3A_66 : memref<80xi32, #tpu.memory_space<vmem>>) semaphore(%arg23 : memref<!tpu.dma_semaphore, #tpu.memory_space<semaphore_mem>>) {add = true}
    %dma_start3A_70 = arith.constant 0 : i32
    %dma_start3A_71 = arith.constant 0 : i32
    %dma_start3A_72 = tpu.memref_slice %arg8[%dma_start3A_70, %dma_start3A_71] : memref<125x80xi32, #tpu.memory_space<vmem>> -> memref<1x80xi32, #tpu.memory_space<vmem>>
    %dma_start3A_73 = tpu.memref_squeeze %dma_start3A_72 : memref<1x80xi32, #tpu.memory_space<vmem>> -> memref<80xi32, #tpu.memory_space<vmem>>
    %dma_start3A_74 = arith.constant 0 : i32
    %dma_start3A_75 = arith.constant 0 : i32
    %dma_start3A_76 = tpu.memref_slice %arg19[%dma_start3A_74, %dma_start3A_75] : memref<10000x80xf32, #tpu.memory_space<vmem_shared>> -> memref<10000x80xf32, #tpu.memory_space<vmem_shared>>
    tpu.enqueue_indirect_dma source(%arg16 : memref<80x80xf32, #tpu.memory_space<vmem>>) target(%dma_start3A_76 : memref<10000x80xf32, #tpu.memory_space<vmem_shared>>) offsets(%dma_start3A_73 : memref<80xi32, #tpu.memory_space<vmem>>) semaphore(%arg24 : memref<!tpu.dma_semaphore, #tpu.memory_space<semaphore_mem>>) {add = true}
    %dma_start3A_77 = arith.constant 0 : i32
    %dma_start3A_78 = arith.constant 0 : i32
    %dma_start3A_79 = tpu.memref_slice %arg8[%dma_start3A_77, %dma_start3A_78] : memref<125x80xi32, #tpu.memory_space<vmem>> -> memref<1x80xi32, #tpu.memory_space<vmem>>
    %dma_start3A_80 = tpu.memref_squeeze %dma_start3A_79 : memref<1x80xi32, #tpu.memory_space<vmem>> -> memref<80xi32, #tpu.memory_space<vmem>>
    %dma_start3A_81 = arith.constant 0 : i32
    %dma_start3A_82 = arith.constant 0 : i32
    %dma_start3A_83 = tpu.memref_slice %arg19[%dma_start3A_81, %dma_start3A_82] : memref<10000x80xf32, #tpu.memory_space<vmem_shared>> -> memref<10000x80xf32, #tpu.memory_space<vmem_shared>>
    tpu.enqueue_indirect_dma source(%arg17 : memref<80x80xf32, #tpu.memory_space<vmem>>) target(%dma_start3A_83 : memref<10000x80xf32, #tpu.memory_space<vmem_shared>>) offsets(%dma_start3A_80 : memref<80xi32, #tpu.memory_space<vmem>>) semaphore(%arg25 : memref<!tpu.dma_semaphore, #tpu.memory_space<semaphore_mem>>) {add = true}
    %scan3A_84 = arith.constant 0 : i32
    %scan3A_85 = arith.constant 40 : i32
    %scan3A_86 = arith.addi %scan3A_84, %scan3A_85 : i32
    %scan3A_87 = arith.constant 1 : i32
    scf.for %scan3A_307 = %scan3A_84 to %scan3A_86 step %scan3A_87  : i32 {
      %mul3A_308 = arith.constant 3 : i32
      %mul3A_309 = arith.muli %mul3A_308, %scan3A_307 : i32
      %add3A_310 = arith.constant 0 : i32
      %add3A_311 = arith.addi %mul3A_309, %add3A_310 : i32
      %dma_wait3A_312 = arith.constant 0 : i32
      %dma_wait3A_313 = arith.constant 0 : i32
      %dma_wait3A_314 = tpu.memref_slice %arg2[%dma_wait3A_312, %dma_wait3A_313] : memref<10000x48xf32, #tpu.memory_space<hbm>> -> memref<80x48xf32, #tpu.memory_space<hbm>>
      %dma_wait3A_315 = arith.constant 0 : i32
      %dma_wait3A_316 = arith.constant 0 : i32
      %dma_wait3A_317 = tpu.memref_slice %arg2[%dma_wait3A_315, %dma_wait3A_316] : memref<10000x48xf32, #tpu.memory_space<hbm>> -> memref<80x48xf32, #tpu.memory_space<hbm>>
      tpu.wait_dma2 semaphore(%arg20 : memref<!tpu.dma_semaphore, #tpu.memory_space<semaphore_mem>>) src(%dma_wait3A_317 : memref<80x48xf32, #tpu.memory_space<hbm>>) dst(%arg9 : memref<80x48xf32, #tpu.memory_space<vmem>>)
      %dma_wait3A_318 = arith.constant 0 : i32
      %dma_wait3A_319 = arith.constant 0 : i32
      %dma_wait3A_320 = tpu.memref_slice %arg3[%dma_wait3A_318, %dma_wait3A_319] : memref<10000x16xf32, #tpu.memory_space<hbm>> -> memref<80x16xf32, #tpu.memory_space<hbm>>
      %dma_wait3A_321 = arith.constant 0 : i32
      %dma_wait3A_322 = arith.constant 0 : i32
      %dma_wait3A_323 = tpu.memref_slice %arg3[%dma_wait3A_321, %dma_wait3A_322] : memref<10000x16xf32, #tpu.memory_space<hbm>> -> memref<80x16xf32, #tpu.memory_space<hbm>>
      tpu.wait_dma2 semaphore(%arg20 : memref<!tpu.dma_semaphore, #tpu.memory_space<semaphore_mem>>) src(%dma_wait3A_323 : memref<80x16xf32, #tpu.memory_space<hbm>>) dst(%arg12 : memref<80x16xf32, #tpu.memory_space<vmem>>)
      %dma_wait3A_324 = arith.constant 0 : i32
      %dma_wait3A_325 = arith.constant 0 : i32
      %dma_wait3A_326 = tpu.memref_slice %arg8[%dma_wait3A_324, %dma_wait3A_325] : memref<125x80xi32, #tpu.memory_space<vmem>> -> memref<1x80xi32, #tpu.memory_space<vmem>>
      %dma_wait3A_327 = tpu.memref_squeeze %dma_wait3A_326 : memref<1x80xi32, #tpu.memory_space<vmem>> -> memref<80xi32, #tpu.memory_space<vmem>>
      %dma_wait3A_328 = arith.constant 0 : i32
      %dma_wait3A_329 = arith.constant 0 : i32
      %dma_wait3A_330 = tpu.memref_slice %arg19[%dma_wait3A_328, %dma_wait3A_329] : memref<10000x80xf32, #tpu.memory_space<vmem_shared>> -> memref<10000x80xf32, #tpu.memory_space<vmem_shared>>
      tpu.wait_indirect_dma semaphore(%arg23 : memref<!tpu.dma_semaphore, #tpu.memory_space<semaphore_mem>>) src(%arg15 : memref<80x80xf32, #tpu.memory_space<vmem>>) dst(%dma_wait3A_330 : memref<10000x80xf32, #tpu.memory_space<vmem_shared>>)
      %parallel_loop3A_331 = arith.constant 0 : i32
      %parallel_loop3A_332 = arith.constant 80 : i32
      %parallel_loop3A_333 = arith.constant 1 : i32
      scf.for %parallel_loop3A_447 = %parallel_loop3A_331 to %parallel_loop3A_332 step %parallel_loop3A_333  : i32 {
        %parallel_loop3A_448 = arith.index_cast %parallel_loop3A_447 : i32 to index
        %parallel_loop3A_449 = arith.constant 0 : index
        %parallel_loop3A_450 = tpu.vector_load %arg9[%parallel_loop3A_448, %parallel_loop3A_449] {strides = array<i32>} : memref<80x48xf32, #tpu.memory_space<vmem>>, vector<1x16xf32>,
        %parallel_loop3A_451 = vector.shape_cast %parallel_loop3A_450 : vector<1x16xf32> to vector<16xf32>
        %parallel_loop3A_452 = tpu.bitcast %parallel_loop3A_451 : vector<16xf32> -> vector<16xi32>
        %parallel_loop3A_453 = arith.index_cast %parallel_loop3A_447 : i32 to index
        %parallel_loop3A_454 = arith.constant 16 : index
        %parallel_loop3A_455 = tpu.vector_load %arg9[%parallel_loop3A_453, %parallel_loop3A_454] {strides = array<i32>} : memref<80x48xf32, #tpu.memory_space<vmem>>, vector<1x16xf32>,
        %parallel_loop3A_456 = vector.shape_cast %parallel_loop3A_455 : vector<1x16xf32> to vector<16xf32>
        %parallel_loop3A_457 = tpu.bitcast %parallel_loop3A_456 : vector<16xf32> -> vector<16xi32>
        %parallel_loop3A_458 = arith.constant 16 : i32
        %parallel_loop3A_459 = vector.broadcast %parallel_loop3A_458 : i32 to vector<16xi32>
        %parallel_loop3A_460 = arith.shli %parallel_loop3A_452, %parallel_loop3A_459 : vector<16xi32>
        %parallel_loop3A_461 = tpu.bitcast %parallel_loop3A_460 : vector<16xi32> -> vector<16xf32>
        %parallel_loop3A_462 = arith.constant -65536 : i32
        %parallel_loop3A_463 = vector.broadcast %parallel_loop3A_462 : i32 to vector<16xi32>
        %parallel_loop3A_464 = arith.andi %parallel_loop3A_452, %parallel_loop3A_463 : vector<16xi32>
        %parallel_loop3A_465 = tpu.bitcast %parallel_loop3A_464 : vector<16xi32> -> vector<16xf32>
        %parallel_loop3A_466 = arith.constant 16 : i32
        %parallel_loop3A_467 = vector.broadcast %parallel_loop3A_466 : i32 to vector<16xi32>
        %parallel_loop3A_468 = arith.shli %parallel_loop3A_457, %parallel_loop3A_467 : vector<16xi32>
        %parallel_loop3A_469 = tpu.bitcast %parallel_loop3A_468 : vector<16xi32> -> vector<16xf32>
        %parallel_loop3A_470 = arith.constant -65536 : i32
        %parallel_loop3A_471 = vector.broadcast %parallel_loop3A_470 : i32 to vector<16xi32>
        %parallel_loop3A_472 = arith.andi %parallel_loop3A_457, %parallel_loop3A_471 : vector<16xi32>
        %parallel_loop3A_473 = tpu.bitcast %parallel_loop3A_472 : vector<16xi32> -> vector<16xf32>
        %parallel_loop3A_474 = arith.index_cast %parallel_loop3A_447 : i32 to index
        %parallel_loop3A_475 = arith.constant 32 : index
        %parallel_loop3A_476 = tpu.vector_load %arg9[%parallel_loop3A_474, %parallel_loop3A_475] {strides = array<i32>} : memref<80x48xf32, #tpu.memory_space<vmem>>, vector<1x16xf32>,
        %parallel_loop3A_477 = vector.shape_cast %parallel_loop3A_476 : vector<1x16xf32> to vector<16xf32>
        %parallel_loop3A_478 = arith.index_cast %parallel_loop3A_447 : i32 to index
        %parallel_loop3A_479 = arith.constant 0 : index
        %parallel_loop3A_480 = tpu.vector_load %arg12[%parallel_loop3A_478, %parallel_loop3A_479] {strides = array<i32>} : memref<80x16xf32, #tpu.memory_space<vmem>>, vector<1x16xf32>,
        %parallel_loop3A_481 = vector.shape_cast %parallel_loop3A_480 : vector<1x16xf32> to vector<16xf32>
        %parallel_loop3A_482 = arith.addf %parallel_loop3A_477, %parallel_loop3A_481 : vector<16xf32>
        %parallel_loop3A_483 = arith.constant 2.000000e-01 : f32
        %parallel_loop3A_484 = vector.broadcast %parallel_loop3A_483 : f32 to vector<16xf32>
        %parallel_loop3A_485 = arith.mulf %parallel_loop3A_484, %parallel_loop3A_482 : vector<16xf32>
        %parallel_loop3A_486 = arith.maximumf %parallel_loop3A_482, %parallel_loop3A_485 : vector<16xf32>
        %parallel_loop3A_487 = math.exp %parallel_loop3A_486 : vector<16xf32>
        %parallel_loop3A_488 = tpu.iota {dimensions = array<i32: 0>} : vector<16xi32>
        %parallel_loop3A_489 = arith.constant 3 : i32
        %parallel_loop3A_490 = vector.broadcast %parallel_loop3A_489 : i32 to vector<16xi32>
        %parallel_loop3A_491 = arith.shrui %parallel_loop3A_488, %parallel_loop3A_490 : vector<16xi32>
        %parallel_loop3A_492 = arith.constant 0 : i32
        %parallel_loop3A_493 = vector.broadcast %parallel_loop3A_492 : i32 to vector<16xi32>
        %parallel_loop3A_494 = arith.addi %parallel_loop3A_493, %parallel_loop3A_491 : vector<16xi32>
        %parallel_loop3A_495 = vector.shape_cast %parallel_loop3A_494 : vector<16xi32> to vector<16x1xi32>
        %parallel_loop3A_496 = vector.shape_cast %parallel_loop3A_495 : vector<16x1xi32> to vector<16xi32>
        %parallel_loop3A_497 = tpu.dynamic_gather %parallel_loop3A_487[%parallel_loop3A_496] in [0] : vector<16xf32>, vector<16xi32> -> vector<16xf32>
        %parallel_loop3A_498 = arith.mulf %parallel_loop3A_461, %parallel_loop3A_497 : vector<16xf32>
        %parallel_loop3A_499 = arith.index_cast %parallel_loop3A_447 : i32 to index
        %parallel_loop3A_500 = arith.constant 0 : index
        %parallel_loop3A_501 = tpu.vector_load %arg15[%parallel_loop3A_499, %parallel_loop3A_500] {strides = array<i32>} : memref<80x80xf32, #tpu.memory_space<vmem>>, vector<1x16xf32>,
        %parallel_loop3A_502 = vector.shape_cast %parallel_loop3A_501 : vector<1x16xf32> to vector<16xf32>
        %parallel_loop3A_503 = vector.shape_cast %parallel_loop3A_498 : vector<16xf32> to vector<1x16xf32>
        tpu.vector_store %arg15[%parallel_loop3A_499, %parallel_loop3A_500], %parallel_loop3A_503 {strides = array<i32>} : memref<80x80xf32, #tpu.memory_space<vmem>>, vector<1x16xf32>,
        %parallel_loop3A_504 = arith.constant 2 : i32
        %parallel_loop3A_505 = vector.broadcast %parallel_loop3A_504 : i32 to vector<16xi32>
        %parallel_loop3A_506 = arith.addi %parallel_loop3A_505, %parallel_loop3A_491 : vector<16xi32>
        %parallel_loop3A_507 = vector.shape_cast %parallel_loop3A_506 : vector<16xi32> to vector<16x1xi32>
        %parallel_loop3A_508 = vector.shape_cast %parallel_loop3A_507 : vector<16x1xi32> to vector<16xi32>
        %parallel_loop3A_509 = tpu.dynamic_gather %parallel_loop3A_487[%parallel_loop3A_508] in [0] : vector<16xf32>, vector<16xi32> -> vector<16xf32>
        %parallel_loop3A_510 = arith.mulf %parallel_loop3A_465, %parallel_loop3A_509 : vector<16xf32>
        %parallel_loop3A_511 = arith.index_cast %parallel_loop3A_447 : i32 to index
        %parallel_loop3A_512 = arith.constant 16 : index
        %parallel_loop3A_513 = tpu.vector_load %arg15[%parallel_loop3A_511, %parallel_loop3A_512] {strides = array<i32>} : memref<80x80xf32, #tpu.memory_space<vmem>>, vector<1x16xf32>,
        %parallel_loop3A_514 = vector.shape_cast %parallel_loop3A_513 : vector<1x16xf32> to vector<16xf32>
        %parallel_loop3A_515 = vector.shape_cast %parallel_loop3A_510 : vector<16xf32> to vector<1x16xf32>
        tpu.vector_store %arg15[%parallel_loop3A_511, %parallel_loop3A_512], %parallel_loop3A_515 {strides = array<i32>} : memref<80x80xf32, #tpu.memory_space<vmem>>, vector<1x16xf32>,
        %parallel_loop3A_516 = arith.constant 4 : i32
        %parallel_loop3A_517 = vector.broadcast %parallel_loop3A_516 : i32 to vector<16xi32>
        %parallel_loop3A_518 = arith.addi %parallel_loop3A_517, %parallel_loop3A_491 : vector<16xi32>
        %parallel_loop3A_519 = vector.shape_cast %parallel_loop3A_518 : vector<16xi32> to vector<16x1xi32>
        %parallel_loop3A_520 = vector.shape_cast %parallel_loop3A_519 : vector<16x1xi32> to vector<16xi32>
        %parallel_loop3A_521 = tpu.dynamic_gather %parallel_loop3A_487[%parallel_loop3A_520] in [0] : vector<16xf32>, vector<16xi32> -> vector<16xf32>
        %parallel_loop3A_522 = arith.mulf %parallel_loop3A_469, %parallel_loop3A_521 : vector<16xf32>
        %parallel_loop3A_523 = arith.index_cast %parallel_loop3A_447 : i32 to index
        %parallel_loop3A_524 = arith.constant 32 : index
        %parallel_loop3A_525 = tpu.vector_load %arg15[%parallel_loop3A_523, %parallel_loop3A_524] {strides = array<i32>} : memref<80x80xf32, #tpu.memory_space<vmem>>, vector<1x16xf32>,
        %parallel_loop3A_526 = vector.shape_cast %parallel_loop3A_525 : vector<1x16xf32> to vector<16xf32>
        %parallel_loop3A_527 = vector.shape_cast %parallel_loop3A_522 : vector<16xf32> to vector<1x16xf32>
        tpu.vector_store %arg15[%parallel_loop3A_523, %parallel_loop3A_524], %parallel_loop3A_527 {strides = array<i32>} : memref<80x80xf32, #tpu.memory_space<vmem>>, vector<1x16xf32>,
        %parallel_loop3A_528 = arith.constant 6 : i32
        %parallel_loop3A_529 = vector.broadcast %parallel_loop3A_528 : i32 to vector<16xi32>
        %parallel_loop3A_530 = arith.addi %parallel_loop3A_529, %parallel_loop3A_491 : vector<16xi32>
        %parallel_loop3A_531 = vector.shape_cast %parallel_loop3A_530 : vector<16xi32> to vector<16x1xi32>
        %parallel_loop3A_532 = vector.shape_cast %parallel_loop3A_531 : vector<16x1xi32> to vector<16xi32>
        %parallel_loop3A_533 = tpu.dynamic_gather %parallel_loop3A_487[%parallel_loop3A_532] in [0] : vector<16xf32>, vector<16xi32> -> vector<16xf32>
        %parallel_loop3A_534 = arith.mulf %parallel_loop3A_473, %parallel_loop3A_533 : vector<16xf32>
        %parallel_loop3A_535 = arith.index_cast %parallel_loop3A_447 : i32 to index
        %parallel_loop3A_536 = arith.constant 48 : index
        %parallel_loop3A_537 = tpu.vector_load %arg15[%parallel_loop3A_535, %parallel_loop3A_536] {strides = array<i32>} : memref<80x80xf32, #tpu.memory_space<vmem>>, vector<1x16xf32>,
        %parallel_loop3A_538 = vector.shape_cast %parallel_loop3A_537 : vector<1x16xf32> to vector<16xf32>
        %parallel_loop3A_539 = vector.shape_cast %parallel_loop3A_534 : vector<16xf32> to vector<1x16xf32>
        tpu.vector_store %arg15[%parallel_loop3A_535, %parallel_loop3A_536], %parallel_loop3A_539 {strides = array<i32>} : memref<80x80xf32, #tpu.memory_space<vmem>>, vector<1x16xf32>,
        %parallel_loop3A_540 = arith.index_cast %parallel_loop3A_447 : i32 to index
        %parallel_loop3A_541 = arith.constant 64 : index
        %parallel_loop3A_542 = tpu.vector_load %arg15[%parallel_loop3A_540, %parallel_loop3A_541] {strides = array<i32>} : memref<80x80xf32, #tpu.memory_space<vmem>>, vector<1x16xf32>,
        %parallel_loop3A_543 = vector.shape_cast %parallel_loop3A_542 : vector<1x16xf32> to vector<16xf32>
        %parallel_loop3A_544 = vector.shape_cast %parallel_loop3A_487 : vector<16xf32> to vector<1x16xf32>
        tpu.vector_store %arg15[%parallel_loop3A_540, %parallel_loop3A_541], %parallel_loop3A_544 {strides = array<i32>} : memref<80x80xf32, #tpu.memory_space<vmem>>, vector<1x16xf32>,
      } {sc.loop_unroll_factor = 4 : i64, sc.parallel_access}
      %dma_start3A_334 = arith.constant 0 : i32
      %dma_start3A_335 = tpu.memref_slice %arg8[%add3A_311, %dma_start3A_334] : memref<125x80xi32, #tpu.memory_space<vmem>> -> memref<1x80xi32, #tpu.memory_space<vmem>>
      %dma_start3A_336 = tpu.memref_squeeze %dma_start3A_335 : memref<1x80xi32, #tpu.memory_space<vmem>> -> memref<80xi32, #tpu.memory_space<vmem>>
      %dma_start3A_337 = arith.constant 0 : i32
      %dma_start3A_338 = arith.constant 0 : i32
      %dma_start3A_339 = tpu.memref_slice %arg19[%dma_start3A_337, %dma_start3A_338] : memref<10000x80xf32, #tpu.memory_space<vmem_shared>> -> memref<10000x80xf32, #tpu.memory_space<vmem_shared>>
      tpu.enqueue_indirect_dma source(%arg15 : memref<80x80xf32, #tpu.memory_space<vmem>>) target(%dma_start3A_339 : memref<10000x80xf32, #tpu.memory_space<vmem_shared>>) offsets(%dma_start3A_336 : memref<80xi32, #tpu.memory_space<vmem>>) semaphore(%arg23 : memref<!tpu.dma_semaphore, #tpu.memory_space<semaphore_mem>>) {add = true}
      %add3A_340 = arith.constant 3 : i32
      %add3A_341 = arith.addi %add3A_311, %add3A_340 : i32
      %sub3A = arith.constant 1 : i32
      %sub3A_342 = arith.subi %add3A_341, %sub3A : i32
      %dma_start3A_343 = arith.constant 0 : i32
      %dma_start3A_344 = tpu.memref_slice %arg7[%sub3A_342, %dma_start3A_343] : memref<125x80xi32, #tpu.memory_space<vmem>> -> memref<1x80xi32, #tpu.memory_space<vmem>>
      %dma_start3A_345 = tpu.memref_squeeze %dma_start3A_344 : memref<1x80xi32, #tpu.memory_space<vmem>> -> memref<80xi32, #tpu.memory_space<vmem>>
      %dma_start3A_346 = arith.constant 0 : i32
      %dma_start3A_347 = arith.constant 0 : i32
      %dma_start3A_348 = tpu.memref_slice %arg2[%dma_start3A_346, %dma_start3A_347] : memref<10000x48xf32, #tpu.memory_space<hbm>> -> memref<10000x48xf32, #tpu.memory_space<hbm>>
      tpu.enqueue_indirect_dma source(%dma_start3A_348 : memref<10000x48xf32, #tpu.memory_space<hbm>>) target(%arg11 : memref<80x48xf32, #tpu.memory_space<vmem>>) offsets(%dma_start3A_345 : memref<80xi32, #tpu.memory_space<vmem>>) semaphore(%arg22 : memref<!tpu.dma_semaphore, #tpu.memory_space<semaphore_mem>>)
      %dma_start3A_349 = arith.constant 0 : i32
      %dma_start3A_350 = tpu.memref_slice %arg8[%sub3A_342, %dma_start3A_349] : memref<125x80xi32, #tpu.memory_space<vmem>> -> memref<1x80xi32, #tpu.memory_space<vmem>>
      %dma_start3A_351 = tpu.memref_squeeze %dma_start3A_350 : memref<1x80xi32, #tpu.memory_space<vmem>> -> memref<80xi32, #tpu.memory_space<vmem>>
      %dma_start3A_352 = arith.constant 0 : i32
      %dma_start3A_353 = arith.constant 0 : i32
      %dma_start3A_354 = tpu.memref_slice %arg3[%dma_start3A_352, %dma_start3A_353] : memref<10000x16xf32, #tpu.memory_space<hbm>> -> memref<10000x16xf32, #tpu.memory_space<hbm>>
      tpu.enqueue_indirect_dma source(%dma_start3A_354 : memref<10000x16xf32, #tpu.memory_space<hbm>>) target(%arg14 : memref<80x16xf32, #tpu.memory_space<vmem>>) offsets(%dma_start3A_351 : memref<80xi32, #tpu.memory_space<vmem>>) semaphore(%arg22 : memref<!tpu.dma_semaphore, #tpu.memory_space<semaphore_mem>>)
      %add3A_355 = arith.constant 1 : i32
      %add3A_356 = arith.addi %mul3A_309, %add3A_355 : i32
      %dma_wait3A_357 = arith.constant 0 : i32
      %dma_wait3A_358 = arith.constant 0 : i32
      %dma_wait3A_359 = tpu.memref_slice %arg2[%dma_wait3A_357, %dma_wait3A_358] : memref<10000x48xf32, #tpu.memory_space<hbm>> -> memref<80x48xf32, #tpu.memory_space<hbm>>
      %dma_wait3A_360 = arith.constant 0 : i32
      %dma_wait3A_361 = arith.constant 0 : i32
      %dma_wait3A_362 = tpu.memref_slice %arg2[%dma_wait3A_360, %dma_wait3A_361] : memref<10000x48xf32, #tpu.memory_space<hbm>> -> memref<80x48xf32, #tpu.memory_space<hbm>>
      tpu.wait_dma2 semaphore(%arg21 : memref<!tpu.dma_semaphore, #tpu.memory_space<semaphore_mem>>) src(%dma_wait3A_362 : memref<80x48xf32, #tpu.memory_space<hbm>>) dst(%arg10 : memref<80x48xf32, #tpu.memory_space<vmem>>)
      %dma_wait3A_363 = arith.constant 0 : i32
      %dma_wait3A_364 = arith.constant 0 : i32
      %dma_wait3A_365 = tpu.memref_slice %arg3[%dma_wait3A_363, %dma_wait3A_364] : memref<10000x16xf32, #tpu.memory_space<hbm>> -> memref<80x16xf32, #tpu.memory_space<hbm>>
      %dma_wait3A_366 = arith.constant 0 : i32
      %dma_wait3A_367 = arith.constant 0 : i32
      %dma_wait3A_368 = tpu.memref_slice %arg3[%dma_wait3A_366, %dma_wait3A_367] : memref<10000x16xf32, #tpu.memory_space<hbm>> -> memref<80x16xf32, #tpu.memory_space<hbm>>
      tpu.wait_dma2 semaphore(%arg21 : memref<!tpu.dma_semaphore, #tpu.memory_space<semaphore_mem>>) src(%dma_wait3A_368 : memref<80x16xf32, #tpu.memory_space<hbm>>) dst(%arg13 : memref<80x16xf32, #tpu.memory_space<vmem>>)
      %dma_wait3A_369 = arith.constant 0 : i32
      %dma_wait3A_370 = arith.constant 0 : i32
      %dma_wait3A_371 = tpu.memref_slice %arg8[%dma_wait3A_369, %dma_wait3A_370] : memref<125x80xi32, #tpu.memory_space<vmem>> -> memref<1x80xi32, #tpu.memory_space<vmem>>
      %dma_wait3A_372 = tpu.memref_squeeze %dma_wait3A_371 : memref<1x80xi32, #tpu.memory_space<vmem>> -> memref<80xi32, #tpu.memory_space<vmem>>
      %dma_wait3A_373 = arith.constant 0 : i32
      %dma_wait3A_374 = arith.constant 0 : i32
      %dma_wait3A_375 = tpu.memref_slice %arg19[%dma_wait3A_373, %dma_wait3A_374] : memref<10000x80xf32, #tpu.memory_space<vmem_shared>> -> memref<10000x80xf32, #tpu.memory_space<vmem_shared>>
      tpu.wait_indirect_dma semaphore(%arg24 : memref<!tpu.dma_semaphore, #tpu.memory_space<semaphore_mem>>) src(%arg16 : memref<80x80xf32, #tpu.memory_space<vmem>>) dst(%dma_wait3A_375 : memref<10000x80xf32, #tpu.memory_space<vmem_shared>>)
      %parallel_loop3A_376 = arith.constant 0 : i32
      %parallel_loop3A_377 = arith.constant 80 : i32
      %parallel_loop3A_378 = arith.constant 1 : i32
      scf.for %parallel_loop3A_447 = %parallel_loop3A_376 to %parallel_loop3A_377 step %parallel_loop3A_378  : i32 {
        %parallel_loop3A_448 = arith.index_cast %parallel_loop3A_447 : i32 to index
        %parallel_loop3A_449 = arith.constant 0 : index
        %parallel_loop3A_450 = tpu.vector_load %arg10[%parallel_loop3A_448, %parallel_loop3A_449] {strides = array<i32>} : memref<80x48xf32, #tpu.memory_space<vmem>>, vector<1x16xf32>,
        %parallel_loop3A_451 = vector.shape_cast %parallel_loop3A_450 : vector<1x16xf32> to vector<16xf32>
        %parallel_loop3A_452 = tpu.bitcast %parallel_loop3A_451 : vector<16xf32> -> vector<16xi32>
        %parallel_loop3A_453 = arith.index_cast %parallel_loop3A_447 : i32 to index
        %parallel_loop3A_454 = arith.constant 16 : index
        %parallel_loop3A_455 = tpu.vector_load %arg10[%parallel_loop3A_453, %parallel_loop3A_454] {strides = array<i32>} : memref<80x48xf32, #tpu.memory_space<vmem>>, vector<1x16xf32>,
        %parallel_loop3A_456 = vector.shape_cast %parallel_loop3A_455 : vector<1x16xf32> to vector<16xf32>
        %parallel_loop3A_457 = tpu.bitcast %parallel_loop3A_456 : vector<16xf32> -> vector<16xi32>
        %parallel_loop3A_458 = arith.constant 16 : i32
        %parallel_loop3A_459 = vector.broadcast %parallel_loop3A_458 : i32 to vector<16xi32>
        %parallel_loop3A_460 = arith.shli %parallel_loop3A_452, %parallel_loop3A_459 : vector<16xi32>
        %parallel_loop3A_461 = tpu.bitcast %parallel_loop3A_460 : vector<16xi32> -> vector<16xf32>
        %parallel_loop3A_462 = arith.constant -65536 : i32
        %parallel_loop3A_463 = vector.broadcast %parallel_loop3A_462 : i32 to vector<16xi32>
        %parallel_loop3A_464 = arith.andi %parallel_loop3A_452, %parallel_loop3A_463 : vector<16xi32>
        %parallel_loop3A_465 = tpu.bitcast %parallel_loop3A_464 : vector<16xi32> -> vector<16xf32>
        %parallel_loop3A_466 = arith.constant 16 : i32
        %parallel_loop3A_467 = vector.broadcast %parallel_loop3A_466 : i32 to vector<16xi32>
        %parallel_loop3A_468 = arith.shli %parallel_loop3A_457, %parallel_loop3A_467 : vector<16xi32>
        %parallel_loop3A_469 = tpu.bitcast %parallel_loop3A_468 : vector<16xi32> -> vector<16xf32>
        %parallel_loop3A_470 = arith.constant -65536 : i32
        %parallel_loop3A_471 = vector.broadcast %parallel_loop3A_470 : i32 to vector<16xi32>
        %parallel_loop3A_472 = arith.andi %parallel_loop3A_457, %parallel_loop3A_471 : vector<16xi32>
        %parallel_loop3A_473 = tpu.bitcast %parallel_loop3A_472 : vector<16xi32> -> vector<16xf32>
        %parallel_loop3A_474 = arith.index_cast %parallel_loop3A_447 : i32 to index
        %parallel_loop3A_475 = arith.constant 32 : index
        %parallel_loop3A_476 = tpu.vector_load %arg10[%parallel_loop3A_474, %parallel_loop3A_475] {strides = array<i32>} : memref<80x48xf32, #tpu.memory_space<vmem>>, vector<1x16xf32>,
        %parallel_loop3A_477 = vector.shape_cast %parallel_loop3A_476 : vector<1x16xf32> to vector<16xf32>
        %parallel_loop3A_478 = arith.index_cast %parallel_loop3A_447 : i32 to index
        %parallel_loop3A_479 = arith.constant 0 : index
        %parallel_loop3A_480 = tpu.vector_load %arg13[%parallel_loop3A_478, %parallel_loop3A_479] {strides = array<i32>} : memref<80x16xf32, #tpu.memory_space<vmem>>, vector<1x16xf32>,
        %parallel_loop3A_481 = vector.shape_cast %parallel_loop3A_480 : vector<1x16xf32> to vector<16xf32>
        %parallel_loop3A_482 = arith.addf %parallel_loop3A_477, %parallel_loop3A_481 : vector<16xf32>
        %parallel_loop3A_483 = arith.constant 2.000000e-01 : f32
        %parallel_loop3A_484 = vector.broadcast %parallel_loop3A_483 : f32 to vector<16xf32>
        %parallel_loop3A_485 = arith.mulf %parallel_loop3A_484, %parallel_loop3A_482 : vector<16xf32>
        %parallel_loop3A_486 = arith.maximumf %parallel_loop3A_482, %parallel_loop3A_485 : vector<16xf32>
        %parallel_loop3A_487 = math.exp %parallel_loop3A_486 : vector<16xf32>
        %parallel_loop3A_488 = tpu.iota {dimensions = array<i32: 0>} : vector<16xi32>
        %parallel_loop3A_489 = arith.constant 3 : i32
        %parallel_loop3A_490 = vector.broadcast %parallel_loop3A_489 : i32 to vector<16xi32>
        %parallel_loop3A_491 = arith.shrui %parallel_loop3A_488, %parallel_loop3A_490 : vector<16xi32>
        %parallel_loop3A_492 = arith.constant 0 : i32
        %parallel_loop3A_493 = vector.broadcast %parallel_loop3A_492 : i32 to vector<16xi32>
        %parallel_loop3A_494 = arith.addi %parallel_loop3A_493, %parallel_loop3A_491 : vector<16xi32>
        %parallel_loop3A_495 = vector.shape_cast %parallel_loop3A_494 : vector<16xi32> to vector<16x1xi32>
        %parallel_loop3A_496 = vector.shape_cast %parallel_loop3A_495 : vector<16x1xi32> to vector<16xi32>
        %parallel_loop3A_497 = tpu.dynamic_gather %parallel_loop3A_487[%parallel_loop3A_496] in [0] : vector<16xf32>, vector<16xi32> -> vector<16xf32>
        %parallel_loop3A_498 = arith.mulf %parallel_loop3A_461, %parallel_loop3A_497 : vector<16xf32>
        %parallel_loop3A_499 = arith.index_cast %parallel_loop3A_447 : i32 to index
        %parallel_loop3A_500 = arith.constant 0 : index
        %parallel_loop3A_501 = tpu.vector_load %arg16[%parallel_loop3A_499, %parallel_loop3A_500] {strides = array<i32>} : memref<80x80xf32, #tpu.memory_space<vmem>>, vector<1x16xf32>,
        %parallel_loop3A_502 = vector.shape_cast %parallel_loop3A_501 : vector<1x16xf32> to vector<16xf32>
        %parallel_loop3A_503 = vector.shape_cast %parallel_loop3A_498 : vector<16xf32> to vector<1x16xf32>
        tpu.vector_store %arg16[%parallel_loop3A_499, %parallel_loop3A_500], %parallel_loop3A_503 {strides = array<i32>} : memref<80x80xf32, #tpu.memory_space<vmem>>, vector<1x16xf32>,
        %parallel_loop3A_504 = arith.constant 2 : i32
        %parallel_loop3A_505 = vector.broadcast %parallel_loop3A_504 : i32 to vector<16xi32>
        %parallel_loop3A_506 = arith.addi %parallel_loop3A_505, %parallel_loop3A_491 : vector<16xi32>
        %parallel_loop3A_507 = vector.shape_cast %parallel_loop3A_506 : vector<16xi32> to vector<16x1xi32>
        %parallel_loop3A_508 = vector.shape_cast %parallel_loop3A_507 : vector<16x1xi32> to vector<16xi32>
        %parallel_loop3A_509 = tpu.dynamic_gather %parallel_loop3A_487[%parallel_loop3A_508] in [0] : vector<16xf32>, vector<16xi32> -> vector<16xf32>
        %parallel_loop3A_510 = arith.mulf %parallel_loop3A_465, %parallel_loop3A_509 : vector<16xf32>
        %parallel_loop3A_511 = arith.index_cast %parallel_loop3A_447 : i32 to index
        %parallel_loop3A_512 = arith.constant 16 : index
        %parallel_loop3A_513 = tpu.vector_load %arg16[%parallel_loop3A_511, %parallel_loop3A_512] {strides = array<i32>} : memref<80x80xf32, #tpu.memory_space<vmem>>, vector<1x16xf32>,
        %parallel_loop3A_514 = vector.shape_cast %parallel_loop3A_513 : vector<1x16xf32> to vector<16xf32>
        %parallel_loop3A_515 = vector.shape_cast %parallel_loop3A_510 : vector<16xf32> to vector<1x16xf32>
        tpu.vector_store %arg16[%parallel_loop3A_511, %parallel_loop3A_512], %parallel_loop3A_515 {strides = array<i32>} : memref<80x80xf32, #tpu.memory_space<vmem>>, vector<1x16xf32>,
        %parallel_loop3A_516 = arith.constant 4 : i32
        %parallel_loop3A_517 = vector.broadcast %parallel_loop3A_516 : i32 to vector<16xi32>
        %parallel_loop3A_518 = arith.addi %parallel_loop3A_517, %parallel_loop3A_491 : vector<16xi32>
        %parallel_loop3A_519 = vector.shape_cast %parallel_loop3A_518 : vector<16xi32> to vector<16x1xi32>
        %parallel_loop3A_520 = vector.shape_cast %parallel_loop3A_519 : vector<16x1xi32> to vector<16xi32>
        %parallel_loop3A_521 = tpu.dynamic_gather %parallel_loop3A_487[%parallel_loop3A_520] in [0] : vector<16xf32>, vector<16xi32> -> vector<16xf32>
        %parallel_loop3A_522 = arith.mulf %parallel_loop3A_469, %parallel_loop3A_521 : vector<16xf32>
        %parallel_loop3A_523 = arith.index_cast %parallel_loop3A_447 : i32 to index
        %parallel_loop3A_524 = arith.constant 32 : index
        %parallel_loop3A_525 = tpu.vector_load %arg16[%parallel_loop3A_523, %parallel_loop3A_524] {strides = array<i32>} : memref<80x80xf32, #tpu.memory_space<vmem>>, vector<1x16xf32>,
        %parallel_loop3A_526 = vector.shape_cast %parallel_loop3A_525 : vector<1x16xf32> to vector<16xf32>
        %parallel_loop3A_527 = vector.shape_cast %parallel_loop3A_522 : vector<16xf32> to vector<1x16xf32>
        tpu.vector_store %arg16[%parallel_loop3A_523, %parallel_loop3A_524], %parallel_loop3A_527 {strides = array<i32>} : memref<80x80xf32, #tpu.memory_space<vmem>>, vector<1x16xf32>,
        %parallel_loop3A_528 = arith.constant 6 : i32
        %parallel_loop3A_529 = vector.broadcast %parallel_loop3A_528 : i32 to vector<16xi32>
        %parallel_loop3A_530 = arith.addi %parallel_loop3A_529, %parallel_loop3A_491 : vector<16xi32>
        %parallel_loop3A_531 = vector.shape_cast %parallel_loop3A_530 : vector<16xi32> to vector<16x1xi32>
        %parallel_loop3A_532 = vector.shape_cast %parallel_loop3A_531 : vector<16x1xi32> to vector<16xi32>
        %parallel_loop3A_533 = tpu.dynamic_gather %parallel_loop3A_487[%parallel_loop3A_532] in [0] : vector<16xf32>, vector<16xi32> -> vector<16xf32>
        %parallel_loop3A_534 = arith.mulf %parallel_loop3A_473, %parallel_loop3A_533 : vector<16xf32>
        %parallel_loop3A_535 = arith.index_cast %parallel_loop3A_447 : i32 to index
        %parallel_loop3A_536 = arith.constant 48 : index
        %parallel_loop3A_537 = tpu.vector_load %arg16[%parallel_loop3A_535, %parallel_loop3A_536] {strides = array<i32>} : memref<80x80xf32, #tpu.memory_space<vmem>>, vector<1x16xf32>,
        %parallel_loop3A_538 = vector.shape_cast %parallel_loop3A_537 : vector<1x16xf32> to vector<16xf32>
        %parallel_loop3A_539 = vector.shape_cast %parallel_loop3A_534 : vector<16xf32> to vector<1x16xf32>
        tpu.vector_store %arg16[%parallel_loop3A_535, %parallel_loop3A_536], %parallel_loop3A_539 {strides = array<i32>} : memref<80x80xf32, #tpu.memory_space<vmem>>, vector<1x16xf32>,
        %parallel_loop3A_540 = arith.index_cast %parallel_loop3A_447 : i32 to index
        %parallel_loop3A_541 = arith.constant 64 : index
        %parallel_loop3A_542 = tpu.vector_load %arg16[%parallel_loop3A_540, %parallel_loop3A_541] {strides = array<i32>} : memref<80x80xf32, #tpu.memory_space<vmem>>, vector<1x16xf32>,
        %parallel_loop3A_543 = vector.shape_cast %parallel_loop3A_542 : vector<1x16xf32> to vector<16xf32>
        %parallel_loop3A_544 = vector.shape_cast %parallel_loop3A_487 : vector<16xf32> to vector<1x16xf32>
        tpu.vector_store %arg16[%parallel_loop3A_540, %parallel_loop3A_541], %parallel_loop3A_544 {strides = array<i32>} : memref<80x80xf32, #tpu.memory_space<vmem>>, vector<1x16xf32>,
      } {sc.loop_unroll_factor = 4 : i64, sc.parallel_access}
      %dma_start3A_379 = arith.constant 0 : i32
      %dma_start3A_380 = tpu.memref_slice %arg8[%add3A_356, %dma_start3A_379] : memref<125x80xi32, #tpu.memory_space<vmem>> -> memref<1x80xi32, #tpu.memory_space<vmem>>
      %dma_start3A_381 = tpu.memref_squeeze %dma_start3A_380 : memref<1x80xi32, #tpu.memory_space<vmem>> -> memref<80xi32, #tpu.memory_space<vmem>>
      %dma_start3A_382 = arith.constant 0 : i32
      %dma_start3A_383 = arith.constant 0 : i32
      %dma_start3A_384 = tpu.memref_slice %arg19[%dma_start3A_382, %dma_start3A_383] : memref<10000x80xf32, #tpu.memory_space<vmem_shared>> -> memref<10000x80xf32, #tpu.memory_space<vmem_shared>>
      tpu.enqueue_indirect_dma source(%arg16 : memref<80x80xf32, #tpu.memory_space<vmem>>) target(%dma_start3A_384 : memref<10000x80xf32, #tpu.memory_space<vmem_shared>>) offsets(%dma_start3A_381 : memref<80xi32, #tpu.memory_space<vmem>>) semaphore(%arg24 : memref<!tpu.dma_semaphore, #tpu.memory_space<semaphore_mem>>) {add = true}
      %add3A_385 = arith.constant 3 : i32
      %add3A_386 = arith.addi %add3A_356, %add3A_385 : i32
      %sub3A_387 = arith.constant 1 : i32
      %sub3A_388 = arith.subi %add3A_386, %sub3A_387 : i32
      %dma_start3A_389 = arith.constant 0 : i32
      %dma_start3A_390 = tpu.memref_slice %arg7[%sub3A_388, %dma_start3A_389] : memref<125x80xi32, #tpu.memory_space<vmem>> -> memref<1x80xi32, #tpu.memory_space<vmem>>
      %dma_start3A_391 = tpu.memref_squeeze %dma_start3A_390 : memref<1x80xi32, #tpu.memory_space<vmem>> -> memref<80xi32, #tpu.memory_space<vmem>>
      %dma_start3A_392 = arith.constant 0 : i32
      %dma_start3A_393 = arith.constant 0 : i32
      %dma_start3A_394 = tpu.memref_slice %arg2[%dma_start3A_392, %dma_start3A_393] : memref<10000x48xf32, #tpu.memory_space<hbm>> -> memref<10000x48xf32, #tpu.memory_space<hbm>>
      tpu.enqueue_indirect_dma source(%dma_start3A_394 : memref<10000x48xf32, #tpu.memory_space<hbm>>) target(%arg9 : memref<80x48xf32, #tpu.memory_space<vmem>>) offsets(%dma_start3A_391 : memref<80xi32, #tpu.memory_space<vmem>>) semaphore(%arg20 : memref<!tpu.dma_semaphore, #tpu.memory_space<semaphore_mem>>)
      %dma_start3A_395 = arith.constant 0 : i32
      %dma_start3A_396 = tpu.memref_slice %arg8[%sub3A_388, %dma_start3A_395] : memref<125x80xi32, #tpu.memory_space<vmem>> -> memref<1x80xi32, #tpu.memory_space<vmem>>
      %dma_start3A_397 = tpu.memref_squeeze %dma_start3A_396 : memref<1x80xi32, #tpu.memory_space<vmem>> -> memref<80xi32, #tpu.memory_space<vmem>>
      %dma_start3A_398 = arith.constant 0 : i32
      %dma_start3A_399 = arith.constant 0 : i32
      %dma_start3A_400 = tpu.memref_slice %arg3[%dma_start3A_398, %dma_start3A_399] : memref<10000x16xf32, #tpu.memory_space<hbm>> -> memref<10000x16xf32, #tpu.memory_space<hbm>>
      tpu.enqueue_indirect_dma source(%dma_start3A_400 : memref<10000x16xf32, #tpu.memory_space<hbm>>) target(%arg12 : memref<80x16xf32, #tpu.memory_space<vmem>>) offsets(%dma_start3A_397 : memref<80xi32, #tpu.memory_space<vmem>>) semaphore(%arg20 : memref<!tpu.dma_semaphore, #tpu.memory_space<semaphore_mem>>)
      %add3A_401 = arith.constant 2 : i32
      %add3A_402 = arith.addi %mul3A_309, %add3A_401 : i32
      %dma_wait3A_403 = arith.constant 0 : i32
      %dma_wait3A_404 = arith.constant 0 : i32
      %dma_wait3A_405 = tpu.memref_slice %arg2[%dma_wait3A_403, %dma_wait3A_404] : memref<10000x48xf32, #tpu.memory_space<hbm>> -> memref<80x48xf32, #tpu.memory_space<hbm>>
      %dma_wait3A_406 = arith.constant 0 : i32
      %dma_wait3A_407 = arith.constant 0 : i32
      %dma_wait3A_408 = tpu.memref_slice %arg2[%dma_wait3A_406, %dma_wait3A_407] : memref<10000x48xf32, #tpu.memory_space<hbm>> -> memref<80x48xf32, #tpu.memory_space<hbm>>
      tpu.wait_dma2 semaphore(%arg22 : memref<!tpu.dma_semaphore, #tpu.memory_space<semaphore_mem>>) src(%dma_wait3A_408 : memref<80x48xf32, #tpu.memory_space<hbm>>) dst(%arg11 : memref<80x48xf32, #tpu.memory_space<vmem>>)
      %dma_wait3A_409 = arith.constant 0 : i32
      %dma_wait3A_410 = arith.constant 0 : i32
      %dma_wait3A_411 = tpu.memref_slice %arg3[%dma_wait3A_409, %dma_wait3A_410] : memref<10000x16xf32, #tpu.memory_space<hbm>> -> memref<80x16xf32, #tpu.memory_space<hbm>>
      %dma_wait3A_412 = arith.constant 0 : i32
      %dma_wait3A_413 = arith.constant 0 : i32
      %dma_wait3A_414 = tpu.memref_slice %arg3[%dma_wait3A_412, %dma_wait3A_413] : memref<10000x16xf32, #tpu.memory_space<hbm>> -> memref<80x16xf32, #tpu.memory_space<hbm>>
      tpu.wait_dma2 semaphore(%arg22 : memref<!tpu.dma_semaphore, #tpu.memory_space<semaphore_mem>>) src(%dma_wait3A_414 : memref<80x16xf32, #tpu.memory_space<hbm>>) dst(%arg14 : memref<80x16xf32, #tpu.memory_space<vmem>>)
      %dma_wait3A_415 = arith.constant 0 : i32
      %dma_wait3A_416 = arith.constant 0 : i32
      %dma_wait3A_417 = tpu.memref_slice %arg8[%dma_wait3A_415, %dma_wait3A_416] : memref<125x80xi32, #tpu.memory_space<vmem>> -> memref<1x80xi32, #tpu.memory_space<vmem>>
      %dma_wait3A_418 = tpu.memref_squeeze %dma_wait3A_417 : memref<1x80xi32, #tpu.memory_space<vmem>> -> memref<80xi32, #tpu.memory_space<vmem>>
      %dma_wait3A_419 = arith.constant 0 : i32
      %dma_wait3A_420 = arith.constant 0 : i32
      %dma_wait3A_421 = tpu.memref_slice %arg19[%dma_wait3A_419, %dma_wait3A_420] : memref<10000x80xf32, #tpu.memory_space<vmem_shared>> -> memref<10000x80xf32, #tpu.memory_space<vmem_shared>>
      tpu.wait_indirect_dma semaphore(%arg25 : memref<!tpu.dma_semaphore, #tpu.memory_space<semaphore_mem>>) src(%arg17 : memref<80x80xf32, #tpu.memory_space<vmem>>) dst(%dma_wait3A_421 : memref<10000x80xf32, #tpu.memory_space<vmem_shared>>)
      %parallel_loop3A_422 = arith.constant 0 : i32
      %parallel_loop3A_423 = arith.constant 80 : i32
      %parallel_loop3A_424 = arith.constant 1 : i32
      scf.for %parallel_loop3A_447 = %parallel_loop3A_422 to %parallel_loop3A_423 step %parallel_loop3A_424  : i32 {
        %parallel_loop3A_448 = arith.index_cast %parallel_loop3A_447 : i32 to index
        %parallel_loop3A_449 = arith.constant 0 : index
        %parallel_loop3A_450 = tpu.vector_load %arg11[%parallel_loop3A_448, %parallel_loop3A_449] {strides = array<i32>} : memref<80x48xf32, #tpu.memory_space<vmem>>, vector<1x16xf32>,
        %parallel_loop3A_451 = vector.shape_cast %parallel_loop3A_450 : vector<1x16xf32> to vector<16xf32>
        %parallel_loop3A_452 = tpu.bitcast %parallel_loop3A_451 : vector<16xf32> -> vector<16xi32>
        %parallel_loop3A_453 = arith.index_cast %parallel_loop3A_447 : i32 to index
        %parallel_loop3A_454 = arith.constant 16 : index
        %parallel_loop3A_455 = tpu.vector_load %arg11[%parallel_loop3A_453, %parallel_loop3A_454] {strides = array<i32>} : memref<80x48xf32, #tpu.memory_space<vmem>>, vector<1x16xf32>,
        %parallel_loop3A_456 = vector.shape_cast %parallel_loop3A_455 : vector<1x16xf32> to vector<16xf32>
        %parallel_loop3A_457 = tpu.bitcast %parallel_loop3A_456 : vector<16xf32> -> vector<16xi32>
        %parallel_loop3A_458 = arith.constant 16 : i32
        %parallel_loop3A_459 = vector.broadcast %parallel_loop3A_458 : i32 to vector<16xi32>
        %parallel_loop3A_460 = arith.shli %parallel_loop3A_452, %parallel_loop3A_459 : vector<16xi32>
        %parallel_loop3A_461 = tpu.bitcast %parallel_loop3A_460 : vector<16xi32> -> vector<16xf32>
        %parallel_loop3A_462 = arith.constant -65536 : i32
        %parallel_loop3A_463 = vector.broadcast %parallel_loop3A_462 : i32 to vector<16xi32>
        %parallel_loop3A_464 = arith.andi %parallel_loop3A_452, %parallel_loop3A_463 : vector<16xi32>
        %parallel_loop3A_465 = tpu.bitcast %parallel_loop3A_464 : vector<16xi32> -> vector<16xf32>
        %parallel_loop3A_466 = arith.constant 16 : i32
        %parallel_loop3A_467 = vector.broadcast %parallel_loop3A_466 : i32 to vector<16xi32>
        %parallel_loop3A_468 = arith.shli %parallel_loop3A_457, %parallel_loop3A_467 : vector<16xi32>
        %parallel_loop3A_469 = tpu.bitcast %parallel_loop3A_468 : vector<16xi32> -> vector<16xf32>
        %parallel_loop3A_470 = arith.constant -65536 : i32
        %parallel_loop3A_471 = vector.broadcast %parallel_loop3A_470 : i32 to vector<16xi32>
        %parallel_loop3A_472 = arith.andi %parallel_loop3A_457, %parallel_loop3A_471 : vector<16xi32>
        %parallel_loop3A_473 = tpu.bitcast %parallel_loop3A_472 : vector<16xi32> -> vector<16xf32>
        %parallel_loop3A_474 = arith.index_cast %parallel_loop3A_447 : i32 to index
        %parallel_loop3A_475 = arith.constant 32 : index
        %parallel_loop3A_476 = tpu.vector_load %arg11[%parallel_loop3A_474, %parallel_loop3A_475] {strides = array<i32>} : memref<80x48xf32, #tpu.memory_space<vmem>>, vector<1x16xf32>,
        %parallel_loop3A_477 = vector.shape_cast %parallel_loop3A_476 : vector<1x16xf32> to vector<16xf32>
        %parallel_loop3A_478 = arith.index_cast %parallel_loop3A_447 : i32 to index
        %parallel_loop3A_479 = arith.constant 0 : index
        %parallel_loop3A_480 = tpu.vector_load %arg14[%parallel_loop3A_478, %parallel_loop3A_479] {strides = array<i32>} : memref<80x16xf32, #tpu.memory_space<vmem>>, vector<1x16xf32>,
        %parallel_loop3A_481 = vector.shape_cast %parallel_loop3A_480 : vector<1x16xf32> to vector<16xf32>
        %parallel_loop3A_482 = arith.addf %parallel_loop3A_477, %parallel_loop3A_481 : vector<16xf32>
        %parallel_loop3A_483 = arith.constant 2.000000e-01 : f32
        %parallel_loop3A_484 = vector.broadcast %parallel_loop3A_483 : f32 to vector<16xf32>
        %parallel_loop3A_485 = arith.mulf %parallel_loop3A_484, %parallel_loop3A_482 : vector<16xf32>
        %parallel_loop3A_486 = arith.maximumf %parallel_loop3A_482, %parallel_loop3A_485 : vector<16xf32>
        %parallel_loop3A_487 = math.exp %parallel_loop3A_486 : vector<16xf32>
        %parallel_loop3A_488 = tpu.iota {dimensions = array<i32: 0>} : vector<16xi32>
        %parallel_loop3A_489 = arith.constant 3 : i32
        %parallel_loop3A_490 = vector.broadcast %parallel_loop3A_489 : i32 to vector<16xi32>
        %parallel_loop3A_491 = arith.shrui %parallel_loop3A_488, %parallel_loop3A_490 : vector<16xi32>
        %parallel_loop3A_492 = arith.constant 0 : i32
        %parallel_loop3A_493 = vector.broadcast %parallel_loop3A_492 : i32 to vector<16xi32>
        %parallel_loop3A_494 = arith.addi %parallel_loop3A_493, %parallel_loop3A_491 : vector<16xi32>
        %parallel_loop3A_495 = vector.shape_cast %parallel_loop3A_494 : vector<16xi32> to vector<16x1xi32>
        %parallel_loop3A_496 = vector.shape_cast %parallel_loop3A_495 : vector<16x1xi32> to vector<16xi32>
        %parallel_loop3A_497 = tpu.dynamic_gather %parallel_loop3A_487[%parallel_loop3A_496] in [0] : vector<16xf32>, vector<16xi32> -> vector<16xf32>
        %parallel_loop3A_498 = arith.mulf %parallel_loop3A_461, %parallel_loop3A_497 : vector<16xf32>
        %parallel_loop3A_499 = arith.index_cast %parallel_loop3A_447 : i32 to index
        %parallel_loop3A_500 = arith.constant 0 : index
        %parallel_loop3A_501 = tpu.vector_load %arg17[%parallel_loop3A_499, %parallel_loop3A_500] {strides = array<i32>} : memref<80x80xf32, #tpu.memory_space<vmem>>, vector<1x16xf32>,
        %parallel_loop3A_502 = vector.shape_cast %parallel_loop3A_501 : vector<1x16xf32> to vector<16xf32>
        %parallel_loop3A_503 = vector.shape_cast %parallel_loop3A_498 : vector<16xf32> to vector<1x16xf32>
        tpu.vector_store %arg17[%parallel_loop3A_499, %parallel_loop3A_500], %parallel_loop3A_503 {strides = array<i32>} : memref<80x80xf32, #tpu.memory_space<vmem>>, vector<1x16xf32>,
        %parallel_loop3A_504 = arith.constant 2 : i32
        %parallel_loop3A_505 = vector.broadcast %parallel_loop3A_504 : i32 to vector<16xi32>
        %parallel_loop3A_506 = arith.addi %parallel_loop3A_505, %parallel_loop3A_491 : vector<16xi32>
        %parallel_loop3A_507 = vector.shape_cast %parallel_loop3A_506 : vector<16xi32> to vector<16x1xi32>
        %parallel_loop3A_508 = vector.shape_cast %parallel_loop3A_507 : vector<16x1xi32> to vector<16xi32>
        %parallel_loop3A_509 = tpu.dynamic_gather %parallel_loop3A_487[%parallel_loop3A_508] in [0] : vector<16xf32>, vector<16xi32> -> vector<16xf32>
        %parallel_loop3A_510 = arith.mulf %parallel_loop3A_465, %parallel_loop3A_509 : vector<16xf32>
        %parallel_loop3A_511 = arith.index_cast %parallel_loop3A_447 : i32 to index
        %parallel_loop3A_512 = arith.constant 16 : index
        %parallel_loop3A_513 = tpu.vector_load %arg17[%parallel_loop3A_511, %parallel_loop3A_512] {strides = array<i32>} : memref<80x80xf32, #tpu.memory_space<vmem>>, vector<1x16xf32>,
        %parallel_loop3A_514 = vector.shape_cast %parallel_loop3A_513 : vector<1x16xf32> to vector<16xf32>
        %parallel_loop3A_515 = vector.shape_cast %parallel_loop3A_510 : vector<16xf32> to vector<1x16xf32>
        tpu.vector_store %arg17[%parallel_loop3A_511, %parallel_loop3A_512], %parallel_loop3A_515 {strides = array<i32>} : memref<80x80xf32, #tpu.memory_space<vmem>>, vector<1x16xf32>,
        %parallel_loop3A_516 = arith.constant 4 : i32
        %parallel_loop3A_517 = vector.broadcast %parallel_loop3A_516 : i32 to vector<16xi32>
        %parallel_loop3A_518 = arith.addi %parallel_loop3A_517, %parallel_loop3A_491 : vector<16xi32>
        %parallel_loop3A_519 = vector.shape_cast %parallel_loop3A_518 : vector<16xi32> to vector<16x1xi32>
        %parallel_loop3A_520 = vector.shape_cast %parallel_loop3A_519 : vector<16x1xi32> to vector<16xi32>
        %parallel_loop3A_521 = tpu.dynamic_gather %parallel_loop3A_487[%parallel_loop3A_520] in [0] : vector<16xf32>, vector<16xi32> -> vector<16xf32>
        %parallel_loop3A_522 = arith.mulf %parallel_loop3A_469, %parallel_loop3A_521 : vector<16xf32>
        %parallel_loop3A_523 = arith.index_cast %parallel_loop3A_447 : i32 to index
        %parallel_loop3A_524 = arith.constant 32 : index
        %parallel_loop3A_525 = tpu.vector_load %arg17[%parallel_loop3A_523, %parallel_loop3A_524] {strides = array<i32>} : memref<80x80xf32, #tpu.memory_space<vmem>>, vector<1x16xf32>,
        %parallel_loop3A_526 = vector.shape_cast %parallel_loop3A_525 : vector<1x16xf32> to vector<16xf32>
        %parallel_loop3A_527 = vector.shape_cast %parallel_loop3A_522 : vector<16xf32> to vector<1x16xf32>
        tpu.vector_store %arg17[%parallel_loop3A_523, %parallel_loop3A_524], %parallel_loop3A_527 {strides = array<i32>} : memref<80x80xf32, #tpu.memory_space<vmem>>, vector<1x16xf32>,
        %parallel_loop3A_528 = arith.constant 6 : i32
        %parallel_loop3A_529 = vector.broadcast %parallel_loop3A_528 : i32 to vector<16xi32>
        %parallel_loop3A_530 = arith.addi %parallel_loop3A_529, %parallel_loop3A_491 : vector<16xi32>
        %parallel_loop3A_531 = vector.shape_cast %parallel_loop3A_530 : vector<16xi32> to vector<16x1xi32>
        %parallel_loop3A_532 = vector.shape_cast %parallel_loop3A_531 : vector<16x1xi32> to vector<16xi32>
        %parallel_loop3A_533 = tpu.dynamic_gather %parallel_loop3A_487[%parallel_loop3A_532] in [0] : vector<16xf32>, vector<16xi32> -> vector<16xf32>
        %parallel_loop3A_534 = arith.mulf %parallel_loop3A_473, %parallel_loop3A_533 : vector<16xf32>
        %parallel_loop3A_535 = arith.index_cast %parallel_loop3A_447 : i32 to index
        %parallel_loop3A_536 = arith.constant 48 : index
        %parallel_loop3A_537 = tpu.vector_load %arg17[%parallel_loop3A_535, %parallel_loop3A_536] {strides = array<i32>} : memref<80x80xf32, #tpu.memory_space<vmem>>, vector<1x16xf32>,
        %parallel_loop3A_538 = vector.shape_cast %parallel_loop3A_537 : vector<1x16xf32> to vector<16xf32>
        %parallel_loop3A_539 = vector.shape_cast %parallel_loop3A_534 : vector<16xf32> to vector<1x16xf32>
        tpu.vector_store %arg17[%parallel_loop3A_535, %parallel_loop3A_536], %parallel_loop3A_539 {strides = array<i32>} : memref<80x80xf32, #tpu.memory_space<vmem>>, vector<1x16xf32>,
        %parallel_loop3A_540 = arith.index_cast %parallel_loop3A_447 : i32 to index
        %parallel_loop3A_541 = arith.constant 64 : index
        %parallel_loop3A_542 = tpu.vector_load %arg17[%parallel_loop3A_540, %parallel_loop3A_541] {strides = array<i32>} : memref<80x80xf32, #tpu.memory_space<vmem>>, vector<1x16xf32>,
        %parallel_loop3A_543 = vector.shape_cast %parallel_loop3A_542 : vector<1x16xf32> to vector<16xf32>
        %parallel_loop3A_544 = vector.shape_cast %parallel_loop3A_487 : vector<16xf32> to vector<1x16xf32>
        tpu.vector_store %arg17[%parallel_loop3A_540, %parallel_loop3A_541], %parallel_loop3A_544 {strides = array<i32>} : memref<80x80xf32, #tpu.memory_space<vmem>>, vector<1x16xf32>,
      } {sc.loop_unroll_factor = 4 : i64, sc.parallel_access}
      %dma_start3A_425 = arith.constant 0 : i32
      %dma_start3A_426 = tpu.memref_slice %arg8[%add3A_402, %dma_start3A_425] : memref<125x80xi32, #tpu.memory_space<vmem>> -> memref<1x80xi32, #tpu.memory_space<vmem>>
      %dma_start3A_427 = tpu.memref_squeeze %dma_start3A_426 : memref<1x80xi32, #tpu.memory_space<vmem>> -> memref<80xi32, #tpu.memory_space<vmem>>
      %dma_start3A_428 = arith.constant 0 : i32
      %dma_start3A_429 = arith.constant 0 : i32
      %dma_start3A_430 = tpu.memref_slice %arg19[%dma_start3A_428, %dma_start3A_429] : memref<10000x80xf32, #tpu.memory_space<vmem_shared>> -> memref<10000x80xf32, #tpu.memory_space<vmem_shared>>
      tpu.enqueue_indirect_dma source(%arg17 : memref<80x80xf32, #tpu.memory_space<vmem>>) target(%dma_start3A_430 : memref<10000x80xf32, #tpu.memory_space<vmem_shared>>) offsets(%dma_start3A_427 : memref<80xi32, #tpu.memory_space<vmem>>) semaphore(%arg25 : memref<!tpu.dma_semaphore, #tpu.memory_space<semaphore_mem>>) {add = true}
      %add3A_431 = arith.constant 3 : i32
      %add3A_432 = arith.addi %add3A_402, %add3A_431 : i32
      %sub3A_433 = arith.constant 1 : i32
      %sub3A_434 = arith.subi %add3A_432, %sub3A_433 : i32
      %dma_start3A_435 = arith.constant 0 : i32
      %dma_start3A_436 = tpu.memref_slice %arg7[%sub3A_434, %dma_start3A_435] : memref<125x80xi32, #tpu.memory_space<vmem>> -> memref<1x80xi32, #tpu.memory_space<vmem>>
      %dma_start3A_437 = tpu.memref_squeeze %dma_start3A_436 : memref<1x80xi32, #tpu.memory_space<vmem>> -> memref<80xi32, #tpu.memory_space<vmem>>
      %dma_start3A_438 = arith.constant 0 : i32
      %dma_start3A_439 = arith.constant 0 : i32
      %dma_start3A_440 = tpu.memref_slice %arg2[%dma_start3A_438, %dma_start3A_439] : memref<10000x48xf32, #tpu.memory_space<hbm>> -> memref<10000x48xf32, #tpu.memory_space<hbm>>
      tpu.enqueue_indirect_dma source(%dma_start3A_440 : memref<10000x48xf32, #tpu.memory_space<hbm>>) target(%arg10 : memref<80x48xf32, #tpu.memory_space<vmem>>) offsets(%dma_start3A_437 : memref<80xi32, #tpu.memory_space<vmem>>) semaphore(%arg21 : memref<!tpu.dma_semaphore, #tpu.memory_space<semaphore_mem>>)
      %dma_start3A_441 = arith.constant 0 : i32
      %dma_start3A_442 = tpu.memref_slice %arg8[%sub3A_434, %dma_start3A_441] : memref<125x80xi32, #tpu.memory_space<vmem>> -> memref<1x80xi32, #tpu.memory_space<vmem>>
      %dma_start3A_443 = tpu.memref_squeeze %dma_start3A_442 : memref<1x80xi32, #tpu.memory_space<vmem>> -> memref<80xi32, #tpu.memory_space<vmem>>
      %dma_start3A_444 = arith.constant 0 : i32
      %dma_start3A_445 = arith.constant 0 : i32
      %dma_start3A_446 = tpu.memref_slice %arg3[%dma_start3A_444, %dma_start3A_445] : memref<10000x16xf32, #tpu.memory_space<hbm>> -> memref<10000x16xf32, #tpu.memory_space<hbm>>
      tpu.enqueue_indirect_dma source(%dma_start3A_446 : memref<10000x16xf32, #tpu.memory_space<hbm>>) target(%arg13 : memref<80x16xf32, #tpu.memory_space<vmem>>) offsets(%dma_start3A_443 : memref<80xi32, #tpu.memory_space<vmem>>) semaphore(%arg21 : memref<!tpu.dma_semaphore, #tpu.memory_space<semaphore_mem>>)
    }
    %scan3A_88 = arith.constant 40 : i32
    %dma_wait3A = arith.constant 0 : i32
    %dma_wait3A_89 = arith.constant 0 : i32
    %dma_wait3A_90 = tpu.memref_slice %arg2[%dma_wait3A, %dma_wait3A_89] : memref<10000x48xf32, #tpu.memory_space<hbm>> -> memref<80x48xf32, #tpu.memory_space<hbm>>
    %dma_wait3A_91 = arith.constant 0 : i32
    %dma_wait3A_92 = arith.constant 0 : i32
    %dma_wait3A_93 = tpu.memref_slice %arg2[%dma_wait3A_91, %dma_wait3A_92] : memref<10000x48xf32, #tpu.memory_space<hbm>> -> memref<80x48xf32, #tpu.memory_space<hbm>>
    tpu.wait_dma2 semaphore(%arg20 : memref<!tpu.dma_semaphore, #tpu.memory_space<semaphore_mem>>) src(%dma_wait3A_93 : memref<80x48xf32, #tpu.memory_space<hbm>>) dst(%arg9 : memref<80x48xf32, #tpu.memory_space<vmem>>)
    %dma_wait3A_94 = arith.constant 0 : i32
    %dma_wait3A_95 = arith.constant 0 : i32
    %dma_wait3A_96 = tpu.memref_slice %arg3[%dma_wait3A_94, %dma_wait3A_95] : memref<10000x16xf32, #tpu.memory_space<hbm>> -> memref<80x16xf32, #tpu.memory_space<hbm>>
    %dma_wait3A_97 = arith.constant 0 : i32
    %dma_wait3A_98 = arith.constant 0 : i32
    %dma_wait3A_99 = tpu.memref_slice %arg3[%dma_wait3A_97, %dma_wait3A_98] : memref<10000x16xf32, #tpu.memory_space<hbm>> -> memref<80x16xf32, #tpu.memory_space<hbm>>
    tpu.wait_dma2 semaphore(%arg20 : memref<!tpu.dma_semaphore, #tpu.memory_space<semaphore_mem>>) src(%dma_wait3A_99 : memref<80x16xf32, #tpu.memory_space<hbm>>) dst(%arg12 : memref<80x16xf32, #tpu.memory_space<vmem>>)
    %dma_wait3A_100 = arith.constant 0 : i32
    %dma_wait3A_101 = arith.constant 0 : i32
    %dma_wait3A_102 = tpu.memref_slice %arg8[%dma_wait3A_100, %dma_wait3A_101] : memref<125x80xi32, #tpu.memory_space<vmem>> -> memref<1x80xi32, #tpu.memory_space<vmem>>
    %dma_wait3A_103 = tpu.memref_squeeze %dma_wait3A_102 : memref<1x80xi32, #tpu.memory_space<vmem>> -> memref<80xi32, #tpu.memory_space<vmem>>
    %dma_wait3A_104 = arith.constant 0 : i32
    %dma_wait3A_105 = arith.constant 0 : i32
    %dma_wait3A_106 = tpu.memref_slice %arg19[%dma_wait3A_104, %dma_wait3A_105] : memref<10000x80xf32, #tpu.memory_space<vmem_shared>> -> memref<10000x80xf32, #tpu.memory_space<vmem_shared>>
    tpu.wait_indirect_dma semaphore(%arg23 : memref<!tpu.dma_semaphore, #tpu.memory_space<semaphore_mem>>) src(%arg15 : memref<80x80xf32, #tpu.memory_space<vmem>>) dst(%dma_wait3A_106 : memref<10000x80xf32, #tpu.memory_space<vmem_shared>>)
    %parallel_loop3A_107 = arith.constant 0 : i32
    %parallel_loop3A_108 = arith.constant 80 : i32
    %parallel_loop3A_109 = arith.constant 1 : i32
    scf.for %parallel_loop3A_307 = %parallel_loop3A_107 to %parallel_loop3A_108 step %parallel_loop3A_109  : i32 {
      %parallel_loop3A_308 = arith.index_cast %parallel_loop3A_307 : i32 to index
      %parallel_loop3A_309 = arith.constant 0 : index
      %parallel_loop3A_310 = tpu.vector_load %arg9[%parallel_loop3A_308, %parallel_loop3A_309] {strides = array<i32>} : memref<80x48xf32, #tpu.memory_space<vmem>>, vector<1x16xf32>,
      %parallel_loop3A_311 = vector.shape_cast %parallel_loop3A_310 : vector<1x16xf32> to vector<16xf32>
      %parallel_loop3A_312 = tpu.bitcast %parallel_loop3A_311 : vector<16xf32> -> vector<16xi32>
      %parallel_loop3A_313 = arith.index_cast %parallel_loop3A_307 : i32 to index
      %parallel_loop3A_314 = arith.constant 16 : index
      %parallel_loop3A_315 = tpu.vector_load %arg9[%parallel_loop3A_313, %parallel_loop3A_314] {strides = array<i32>} : memref<80x48xf32, #tpu.memory_space<vmem>>, vector<1x16xf32>,
      %parallel_loop3A_316 = vector.shape_cast %parallel_loop3A_315 : vector<1x16xf32> to vector<16xf32>
      %parallel_loop3A_317 = tpu.bitcast %parallel_loop3A_316 : vector<16xf32> -> vector<16xi32>
      %parallel_loop3A_318 = arith.constant 16 : i32
      %parallel_loop3A_319 = vector.broadcast %parallel_loop3A_318 : i32 to vector<16xi32>
      %parallel_loop3A_320 = arith.shli %parallel_loop3A_312, %parallel_loop3A_319 : vector<16xi32>
      %parallel_loop3A_321 = tpu.bitcast %parallel_loop3A_320 : vector<16xi32> -> vector<16xf32>
      %parallel_loop3A_322 = arith.constant -65536 : i32
      %parallel_loop3A_323 = vector.broadcast %parallel_loop3A_322 : i32 to vector<16xi32>
      %parallel_loop3A_324 = arith.andi %parallel_loop3A_312, %parallel_loop3A_323 : vector<16xi32>
      %parallel_loop3A_325 = tpu.bitcast %parallel_loop3A_324 : vector<16xi32> -> vector<16xf32>
      %parallel_loop3A_326 = arith.constant 16 : i32
      %parallel_loop3A_327 = vector.broadcast %parallel_loop3A_326 : i32 to vector<16xi32>
      %parallel_loop3A_328 = arith.shli %parallel_loop3A_317, %parallel_loop3A_327 : vector<16xi32>
      %parallel_loop3A_329 = tpu.bitcast %parallel_loop3A_328 : vector<16xi32> -> vector<16xf32>
      %parallel_loop3A_330 = arith.constant -65536 : i32
      %parallel_loop3A_331 = vector.broadcast %parallel_loop3A_330 : i32 to vector<16xi32>
      %parallel_loop3A_332 = arith.andi %parallel_loop3A_317, %parallel_loop3A_331 : vector<16xi32>
      %parallel_loop3A_333 = tpu.bitcast %parallel_loop3A_332 : vector<16xi32> -> vector<16xf32>
      %parallel_loop3A_334 = arith.index_cast %parallel_loop3A_307 : i32 to index
      %parallel_loop3A_335 = arith.constant 32 : index
      %parallel_loop3A_336 = tpu.vector_load %arg9[%parallel_loop3A_334, %parallel_loop3A_335] {strides = array<i32>} : memref<80x48xf32, #tpu.memory_space<vmem>>, vector<1x16xf32>,
      %parallel_loop3A_337 = vector.shape_cast %parallel_loop3A_336 : vector<1x16xf32> to vector<16xf32>
      %parallel_loop3A_338 = arith.index_cast %parallel_loop3A_307 : i32 to index
      %parallel_loop3A_339 = arith.constant 0 : index
      %parallel_loop3A_340 = tpu.vector_load %arg12[%parallel_loop3A_338, %parallel_loop3A_339] {strides = array<i32>} : memref<80x16xf32, #tpu.memory_space<vmem>>, vector<1x16xf32>,
      %parallel_loop3A_341 = vector.shape_cast %parallel_loop3A_340 : vector<1x16xf32> to vector<16xf32>
      %parallel_loop3A_342 = arith.addf %parallel_loop3A_337, %parallel_loop3A_341 : vector<16xf32>
      %parallel_loop3A_343 = arith.constant 2.000000e-01 : f32
      %parallel_loop3A_344 = vector.broadcast %parallel_loop3A_343 : f32 to vector<16xf32>
      %parallel_loop3A_345 = arith.mulf %parallel_loop3A_344, %parallel_loop3A_342 : vector<16xf32>
      %parallel_loop3A_346 = arith.maximumf %parallel_loop3A_342, %parallel_loop3A_345 : vector<16xf32>
      %parallel_loop3A_347 = math.exp %parallel_loop3A_346 : vector<16xf32>
      %parallel_loop3A_348 = tpu.iota {dimensions = array<i32: 0>} : vector<16xi32>
      %parallel_loop3A_349 = arith.constant 3 : i32
      %parallel_loop3A_350 = vector.broadcast %parallel_loop3A_349 : i32 to vector<16xi32>
      %parallel_loop3A_351 = arith.shrui %parallel_loop3A_348, %parallel_loop3A_350 : vector<16xi32>
      %parallel_loop3A_352 = arith.constant 0 : i32
      %parallel_loop3A_353 = vector.broadcast %parallel_loop3A_352 : i32 to vector<16xi32>
      %parallel_loop3A_354 = arith.addi %parallel_loop3A_353, %parallel_loop3A_351 : vector<16xi32>
      %parallel_loop3A_355 = vector.shape_cast %parallel_loop3A_354 : vector<16xi32> to vector<16x1xi32>
      %parallel_loop3A_356 = vector.shape_cast %parallel_loop3A_355 : vector<16x1xi32> to vector<16xi32>
      %parallel_loop3A_357 = tpu.dynamic_gather %parallel_loop3A_347[%parallel_loop3A_356] in [0] : vector<16xf32>, vector<16xi32> -> vector<16xf32>
      %parallel_loop3A_358 = arith.mulf %parallel_loop3A_321, %parallel_loop3A_357 : vector<16xf32>
      %parallel_loop3A_359 = arith.index_cast %parallel_loop3A_307 : i32 to index
      %parallel_loop3A_360 = arith.constant 0 : index
      %parallel_loop3A_361 = tpu.vector_load %arg15[%parallel_loop3A_359, %parallel_loop3A_360] {strides = array<i32>} : memref<80x80xf32, #tpu.memory_space<vmem>>, vector<1x16xf32>,
      %parallel_loop3A_362 = vector.shape_cast %parallel_loop3A_361 : vector<1x16xf32> to vector<16xf32>
      %parallel_loop3A_363 = vector.shape_cast %parallel_loop3A_358 : vector<16xf32> to vector<1x16xf32>
      tpu.vector_store %arg15[%parallel_loop3A_359, %parallel_loop3A_360], %parallel_loop3A_363 {strides = array<i32>} : memref<80x80xf32, #tpu.memory_space<vmem>>, vector<1x16xf32>,
      %parallel_loop3A_364 = arith.constant 2 : i32
      %parallel_loop3A_365 = vector.broadcast %parallel_loop3A_364 : i32 to vector<16xi32>
      %parallel_loop3A_366 = arith.addi %parallel_loop3A_365, %parallel_loop3A_351 : vector<16xi32>
      %parallel_loop3A_367 = vector.shape_cast %parallel_loop3A_366 : vector<16xi32> to vector<16x1xi32>
      %parallel_loop3A_368 = vector.shape_cast %parallel_loop3A_367 : vector<16x1xi32> to vector<16xi32>
      %parallel_loop3A_369 = tpu.dynamic_gather %parallel_loop3A_347[%parallel_loop3A_368] in [0] : vector<16xf32>, vector<16xi32> -> vector<16xf32>
      %parallel_loop3A_370 = arith.mulf %parallel_loop3A_325, %parallel_loop3A_369 : vector<16xf32>
      %parallel_loop3A_371 = arith.index_cast %parallel_loop3A_307 : i32 to index
      %parallel_loop3A_372 = arith.constant 16 : index
      %parallel_loop3A_373 = tpu.vector_load %arg15[%parallel_loop3A_371, %parallel_loop3A_372] {strides = array<i32>} : memref<80x80xf32, #tpu.memory_space<vmem>>, vector<1x16xf32>,
      %parallel_loop3A_374 = vector.shape_cast %parallel_loop3A_373 : vector<1x16xf32> to vector<16xf32>
      %parallel_loop3A_375 = vector.shape_cast %parallel_loop3A_370 : vector<16xf32> to vector<1x16xf32>
      tpu.vector_store %arg15[%parallel_loop3A_371, %parallel_loop3A_372], %parallel_loop3A_375 {strides = array<i32>} : memref<80x80xf32, #tpu.memory_space<vmem>>, vector<1x16xf32>,
      %parallel_loop3A_376 = arith.constant 4 : i32
      %parallel_loop3A_377 = vector.broadcast %parallel_loop3A_376 : i32 to vector<16xi32>
      %parallel_loop3A_378 = arith.addi %parallel_loop3A_377, %parallel_loop3A_351 : vector<16xi32>
      %parallel_loop3A_379 = vector.shape_cast %parallel_loop3A_378 : vector<16xi32> to vector<16x1xi32>
      %parallel_loop3A_380 = vector.shape_cast %parallel_loop3A_379 : vector<16x1xi32> to vector<16xi32>
      %parallel_loop3A_381 = tpu.dynamic_gather %parallel_loop3A_347[%parallel_loop3A_380] in [0] : vector<16xf32>, vector<16xi32> -> vector<16xf32>
      %parallel_loop3A_382 = arith.mulf %parallel_loop3A_329, %parallel_loop3A_381 : vector<16xf32>
      %parallel_loop3A_383 = arith.index_cast %parallel_loop3A_307 : i32 to index
      %parallel_loop3A_384 = arith.constant 32 : index
      %parallel_loop3A_385 = tpu.vector_load %arg15[%parallel_loop3A_383, %parallel_loop3A_384] {strides = array<i32>} : memref<80x80xf32, #tpu.memory_space<vmem>>, vector<1x16xf32>,
      %parallel_loop3A_386 = vector.shape_cast %parallel_loop3A_385 : vector<1x16xf32> to vector<16xf32>
      %parallel_loop3A_387 = vector.shape_cast %parallel_loop3A_382 : vector<16xf32> to vector<1x16xf32>
      tpu.vector_store %arg15[%parallel_loop3A_383, %parallel_loop3A_384], %parallel_loop3A_387 {strides = array<i32>} : memref<80x80xf32, #tpu.memory_space<vmem>>, vector<1x16xf32>,
      %parallel_loop3A_388 = arith.constant 6 : i32
      %parallel_loop3A_389 = vector.broadcast %parallel_loop3A_388 : i32 to vector<16xi32>
      %parallel_loop3A_390 = arith.addi %parallel_loop3A_389, %parallel_loop3A_351 : vector<16xi32>
      %parallel_loop3A_391 = vector.shape_cast %parallel_loop3A_390 : vector<16xi32> to vector<16x1xi32>
      %parallel_loop3A_392 = vector.shape_cast %parallel_loop3A_391 : vector<16x1xi32> to vector<16xi32>
      %parallel_loop3A_393 = tpu.dynamic_gather %parallel_loop3A_347[%parallel_loop3A_392] in [0] : vector<16xf32>, vector<16xi32> -> vector<16xf32>
      %parallel_loop3A_394 = arith.mulf %parallel_loop3A_333, %parallel_loop3A_393 : vector<16xf32>
      %parallel_loop3A_395 = arith.index_cast %parallel_loop3A_307 : i32 to index
      %parallel_loop3A_396 = arith.constant 48 : index
      %parallel_loop3A_397 = tpu.vector_load %arg15[%parallel_loop3A_395, %parallel_loop3A_396] {strides = array<i32>} : memref<80x80xf32, #tpu.memory_space<vmem>>, vector<1x16xf32>,
      %parallel_loop3A_398 = vector.shape_cast %parallel_loop3A_397 : vector<1x16xf32> to vector<16xf32>
      %parallel_loop3A_399 = vector.shape_cast %parallel_loop3A_394 : vector<16xf32> to vector<1x16xf32>
      tpu.vector_store %arg15[%parallel_loop3A_395, %parallel_loop3A_396], %parallel_loop3A_399 {strides = array<i32>} : memref<80x80xf32, #tpu.memory_space<vmem>>, vector<1x16xf32>,
      %parallel_loop3A_400 = arith.index_cast %parallel_loop3A_307 : i32 to index
      %parallel_loop3A_401 = arith.constant 64 : index
      %parallel_loop3A_402 = tpu.vector_load %arg15[%parallel_loop3A_400, %parallel_loop3A_401] {strides = array<i32>} : memref<80x80xf32, #tpu.memory_space<vmem>>, vector<1x16xf32>,
      %parallel_loop3A_403 = vector.shape_cast %parallel_loop3A_402 : vector<1x16xf32> to vector<16xf32>
      %parallel_loop3A_404 = vector.shape_cast %parallel_loop3A_347 : vector<16xf32> to vector<1x16xf32>
      tpu.vector_store %arg15[%parallel_loop3A_400, %parallel_loop3A_401], %parallel_loop3A_404 {strides = array<i32>} : memref<80x80xf32, #tpu.memory_space<vmem>>, vector<1x16xf32>,
    } {sc.loop_unroll_factor = 4 : i64, sc.parallel_access}
    %dma_start3A_110 = arith.constant 120 : i32
    %dma_start3A_111 = arith.constant 0 : i32
    %dma_start3A_112 = tpu.memref_slice %arg8[%dma_start3A_110, %dma_start3A_111] : memref<125x80xi32, #tpu.memory_space<vmem>> -> memref<1x80xi32, #tpu.memory_space<vmem>>
    %dma_start3A_113 = tpu.memref_squeeze %dma_start3A_112 : memref<1x80xi32, #tpu.memory_space<vmem>> -> memref<80xi32, #tpu.memory_space<vmem>>
    %dma_start3A_114 = arith.constant 0 : i32
    %dma_start3A_115 = arith.constant 0 : i32
    %dma_start3A_116 = tpu.memref_slice %arg19[%dma_start3A_114, %dma_start3A_115] : memref<10000x80xf32, #tpu.memory_space<vmem_shared>> -> memref<10000x80xf32, #tpu.memory_space<vmem_shared>>
    tpu.enqueue_indirect_dma source(%arg15 : memref<80x80xf32, #tpu.memory_space<vmem>>) target(%dma_start3A_116 : memref<10000x80xf32, #tpu.memory_space<vmem_shared>>) offsets(%dma_start3A_113 : memref<80xi32, #tpu.memory_space<vmem>>) semaphore(%arg23 : memref<!tpu.dma_semaphore, #tpu.memory_space<semaphore_mem>>) {add = true}
    %dma_start3A_117 = arith.constant 122 : i32
    %dma_start3A_118 = arith.constant 0 : i32
    %dma_start3A_119 = tpu.memref_slice %arg7[%dma_start3A_117, %dma_start3A_118] : memref<125x80xi32, #tpu.memory_space<vmem>> -> memref<1x80xi32, #tpu.memory_space<vmem>>
    %dma_start3A_120 = tpu.memref_squeeze %dma_start3A_119 : memref<1x80xi32, #tpu.memory_space<vmem>> -> memref<80xi32, #tpu.memory_space<vmem>>
    %dma_start3A_121 = arith.constant 0 : i32
    %dma_start3A_122 = arith.constant 0 : i32
    %dma_start3A_123 = tpu.memref_slice %arg2[%dma_start3A_121, %dma_start3A_122] : memref<10000x48xf32, #tpu.memory_space<hbm>> -> memref<10000x48xf32, #tpu.memory_space<hbm>>
    tpu.enqueue_indirect_dma source(%dma_start3A_123 : memref<10000x48xf32, #tpu.memory_space<hbm>>) target(%arg11 : memref<80x48xf32, #tpu.memory_space<vmem>>) offsets(%dma_start3A_120 : memref<80xi32, #tpu.memory_space<vmem>>) semaphore(%arg22 : memref<!tpu.dma_semaphore, #tpu.memory_space<semaphore_mem>>)
    %dma_start3A_124 = arith.constant 122 : i32
    %dma_start3A_125 = arith.constant 0 : i32
    %dma_start3A_126 = tpu.memref_slice %arg8[%dma_start3A_124, %dma_start3A_125] : memref<125x80xi32, #tpu.memory_space<vmem>> -> memref<1x80xi32, #tpu.memory_space<vmem>>
    %dma_start3A_127 = tpu.memref_squeeze %dma_start3A_126 : memref<1x80xi32, #tpu.memory_space<vmem>> -> memref<80xi32, #tpu.memory_space<vmem>>
    %dma_start3A_128 = arith.constant 0 : i32
    %dma_start3A_129 = arith.constant 0 : i32
    %dma_start3A_130 = tpu.memref_slice %arg3[%dma_start3A_128, %dma_start3A_129] : memref<10000x16xf32, #tpu.memory_space<hbm>> -> memref<10000x16xf32, #tpu.memory_space<hbm>>
    tpu.enqueue_indirect_dma source(%dma_start3A_130 : memref<10000x16xf32, #tpu.memory_space<hbm>>) target(%arg14 : memref<80x16xf32, #tpu.memory_space<vmem>>) offsets(%dma_start3A_127 : memref<80xi32, #tpu.memory_space<vmem>>) semaphore(%arg22 : memref<!tpu.dma_semaphore, #tpu.memory_space<semaphore_mem>>)
    %dma_wait3A_131 = arith.constant 0 : i32
    %dma_wait3A_132 = arith.constant 0 : i32
    %dma_wait3A_133 = tpu.memref_slice %arg2[%dma_wait3A_131, %dma_wait3A_132] : memref<10000x48xf32, #tpu.memory_space<hbm>> -> memref<80x48xf32, #tpu.memory_space<hbm>>
    %dma_wait3A_134 = arith.constant 0 : i32
    %dma_wait3A_135 = arith.constant 0 : i32
    %dma_wait3A_136 = tpu.memref_slice %arg2[%dma_wait3A_134, %dma_wait3A_135] : memref<10000x48xf32, #tpu.memory_space<hbm>> -> memref<80x48xf32, #tpu.memory_space<hbm>>
    tpu.wait_dma2 semaphore(%arg21 : memref<!tpu.dma_semaphore, #tpu.memory_space<semaphore_mem>>) src(%dma_wait3A_136 : memref<80x48xf32, #tpu.memory_space<hbm>>) dst(%arg10 : memref<80x48xf32, #tpu.memory_space<vmem>>)
    %dma_wait3A_137 = arith.constant 0 : i32
    %dma_wait3A_138 = arith.constant 0 : i32
    %dma_wait3A_139 = tpu.memref_slice %arg3[%dma_wait3A_137, %dma_wait3A_138] : memref<10000x16xf32, #tpu.memory_space<hbm>> -> memref<80x16xf32, #tpu.memory_space<hbm>>
    %dma_wait3A_140 = arith.constant 0 : i32
    %dma_wait3A_141 = arith.constant 0 : i32
    %dma_wait3A_142 = tpu.memref_slice %arg3[%dma_wait3A_140, %dma_wait3A_141] : memref<10000x16xf32, #tpu.memory_space<hbm>> -> memref<80x16xf32, #tpu.memory_space<hbm>>
    tpu.wait_dma2 semaphore(%arg21 : memref<!tpu.dma_semaphore, #tpu.memory_space<semaphore_mem>>) src(%dma_wait3A_142 : memref<80x16xf32, #tpu.memory_space<hbm>>) dst(%arg13 : memref<80x16xf32, #tpu.memory_space<vmem>>)
    %dma_wait3A_143 = arith.constant 0 : i32
    %dma_wait3A_144 = arith.constant 0 : i32
    %dma_wait3A_145 = tpu.memref_slice %arg8[%dma_wait3A_143, %dma_wait3A_144] : memref<125x80xi32, #tpu.memory_space<vmem>> -> memref<1x80xi32, #tpu.memory_space<vmem>>
    %dma_wait3A_146 = tpu.memref_squeeze %dma_wait3A_145 : memref<1x80xi32, #tpu.memory_space<vmem>> -> memref<80xi32, #tpu.memory_space<vmem>>
    %dma_wait3A_147 = arith.constant 0 : i32
    %dma_wait3A_148 = arith.constant 0 : i32
    %dma_wait3A_149 = tpu.memref_slice %arg19[%dma_wait3A_147, %dma_wait3A_148] : memref<10000x80xf32, #tpu.memory_space<vmem_shared>> -> memref<10000x80xf32, #tpu.memory_space<vmem_shared>>
    tpu.wait_indirect_dma semaphore(%arg24 : memref<!tpu.dma_semaphore, #tpu.memory_space<semaphore_mem>>) src(%arg16 : memref<80x80xf32, #tpu.memory_space<vmem>>) dst(%dma_wait3A_149 : memref<10000x80xf32, #tpu.memory_space<vmem_shared>>)
    %parallel_loop3A_150 = arith.constant 0 : i32
    %parallel_loop3A_151 = arith.constant 80 : i32
    %parallel_loop3A_152 = arith.constant 1 : i32
    scf.for %parallel_loop3A_307 = %parallel_loop3A_150 to %parallel_loop3A_151 step %parallel_loop3A_152  : i32 {
      %parallel_loop3A_308 = arith.index_cast %parallel_loop3A_307 : i32 to index
      %parallel_loop3A_309 = arith.constant 0 : index
      %parallel_loop3A_310 = tpu.vector_load %arg10[%parallel_loop3A_308, %parallel_loop3A_309] {strides = array<i32>} : memref<80x48xf32, #tpu.memory_space<vmem>>, vector<1x16xf32>,
      %parallel_loop3A_311 = vector.shape_cast %parallel_loop3A_310 : vector<1x16xf32> to vector<16xf32>
      %parallel_loop3A_312 = tpu.bitcast %parallel_loop3A_311 : vector<16xf32> -> vector<16xi32>
      %parallel_loop3A_313 = arith.index_cast %parallel_loop3A_307 : i32 to index
      %parallel_loop3A_314 = arith.constant 16 : index
      %parallel_loop3A_315 = tpu.vector_load %arg10[%parallel_loop3A_313, %parallel_loop3A_314] {strides = array<i32>} : memref<80x48xf32, #tpu.memory_space<vmem>>, vector<1x16xf32>,
      %parallel_loop3A_316 = vector.shape_cast %parallel_loop3A_315 : vector<1x16xf32> to vector<16xf32>
      %parallel_loop3A_317 = tpu.bitcast %parallel_loop3A_316 : vector<16xf32> -> vector<16xi32>
      %parallel_loop3A_318 = arith.constant 16 : i32
      %parallel_loop3A_319 = vector.broadcast %parallel_loop3A_318 : i32 to vector<16xi32>
      %parallel_loop3A_320 = arith.shli %parallel_loop3A_312, %parallel_loop3A_319 : vector<16xi32>
      %parallel_loop3A_321 = tpu.bitcast %parallel_loop3A_320 : vector<16xi32> -> vector<16xf32>
      %parallel_loop3A_322 = arith.constant -65536 : i32
      %parallel_loop3A_323 = vector.broadcast %parallel_loop3A_322 : i32 to vector<16xi32>
      %parallel_loop3A_324 = arith.andi %parallel_loop3A_312, %parallel_loop3A_323 : vector<16xi32>
      %parallel_loop3A_325 = tpu.bitcast %parallel_loop3A_324 : vector<16xi32> -> vector<16xf32>
      %parallel_loop3A_326 = arith.constant 16 : i32
      %parallel_loop3A_327 = vector.broadcast %parallel_loop3A_326 : i32 to vector<16xi32>
      %parallel_loop3A_328 = arith.shli %parallel_loop3A_317, %parallel_loop3A_327 : vector<16xi32>
      %parallel_loop3A_329 = tpu.bitcast %parallel_loop3A_328 : vector<16xi32> -> vector<16xf32>
      %parallel_loop3A_330 = arith.constant -65536 : i32
      %parallel_loop3A_331 = vector.broadcast %parallel_loop3A_330 : i32 to vector<16xi32>
      %parallel_loop3A_332 = arith.andi %parallel_loop3A_317, %parallel_loop3A_331 : vector<16xi32>
      %parallel_loop3A_333 = tpu.bitcast %parallel_loop3A_332 : vector<16xi32> -> vector<16xf32>
      %parallel_loop3A_334 = arith.index_cast %parallel_loop3A_307 : i32 to index
      %parallel_loop3A_335 = arith.constant 32 : index
      %parallel_loop3A_336 = tpu.vector_load %arg10[%parallel_loop3A_334, %parallel_loop3A_335] {strides = array<i32>} : memref<80x48xf32, #tpu.memory_space<vmem>>, vector<1x16xf32>,
      %parallel_loop3A_337 = vector.shape_cast %parallel_loop3A_336 : vector<1x16xf32> to vector<16xf32>
      %parallel_loop3A_338 = arith.index_cast %parallel_loop3A_307 : i32 to index
      %parallel_loop3A_339 = arith.constant 0 : index
      %parallel_loop3A_340 = tpu.vector_load %arg13[%parallel_loop3A_338, %parallel_loop3A_339] {strides = array<i32>} : memref<80x16xf32, #tpu.memory_space<vmem>>, vector<1x16xf32>,
      %parallel_loop3A_341 = vector.shape_cast %parallel_loop3A_340 : vector<1x16xf32> to vector<16xf32>
      %parallel_loop3A_342 = arith.addf %parallel_loop3A_337, %parallel_loop3A_341 : vector<16xf32>
      %parallel_loop3A_343 = arith.constant 2.000000e-01 : f32
      %parallel_loop3A_344 = vector.broadcast %parallel_loop3A_343 : f32 to vector<16xf32>
      %parallel_loop3A_345 = arith.mulf %parallel_loop3A_344, %parallel_loop3A_342 : vector<16xf32>
      %parallel_loop3A_346 = arith.maximumf %parallel_loop3A_342, %parallel_loop3A_345 : vector<16xf32>
      %parallel_loop3A_347 = math.exp %parallel_loop3A_346 : vector<16xf32>
      %parallel_loop3A_348 = tpu.iota {dimensions = array<i32: 0>} : vector<16xi32>
      %parallel_loop3A_349 = arith.constant 3 : i32
      %parallel_loop3A_350 = vector.broadcast %parallel_loop3A_349 : i32 to vector<16xi32>
      %parallel_loop3A_351 = arith.shrui %parallel_loop3A_348, %parallel_loop3A_350 : vector<16xi32>
      %parallel_loop3A_352 = arith.constant 0 : i32
      %parallel_loop3A_353 = vector.broadcast %parallel_loop3A_352 : i32 to vector<16xi32>
      %parallel_loop3A_354 = arith.addi %parallel_loop3A_353, %parallel_loop3A_351 : vector<16xi32>
      %parallel_loop3A_355 = vector.shape_cast %parallel_loop3A_354 : vector<16xi32> to vector<16x1xi32>
      %parallel_loop3A_356 = vector.shape_cast %parallel_loop3A_355 : vector<16x1xi32> to vector<16xi32>
      %parallel_loop3A_357 = tpu.dynamic_gather %parallel_loop3A_347[%parallel_loop3A_356] in [0] : vector<16xf32>, vector<16xi32> -> vector<16xf32>
      %parallel_loop3A_358 = arith.mulf %parallel_loop3A_321, %parallel_loop3A_357 : vector<16xf32>
      %parallel_loop3A_359 = arith.index_cast %parallel_loop3A_307 : i32 to index
      %parallel_loop3A_360 = arith.constant 0 : index
      %parallel_loop3A_361 = tpu.vector_load %arg16[%parallel_loop3A_359, %parallel_loop3A_360] {strides = array<i32>} : memref<80x80xf32, #tpu.memory_space<vmem>>, vector<1x16xf32>,
      %parallel_loop3A_362 = vector.shape_cast %parallel_loop3A_361 : vector<1x16xf32> to vector<16xf32>
      %parallel_loop3A_363 = vector.shape_cast %parallel_loop3A_358 : vector<16xf32> to vector<1x16xf32>
      tpu.vector_store %arg16[%parallel_loop3A_359, %parallel_loop3A_360], %parallel_loop3A_363 {strides = array<i32>} : memref<80x80xf32, #tpu.memory_space<vmem>>, vector<1x16xf32>,
      %parallel_loop3A_364 = arith.constant 2 : i32
      %parallel_loop3A_365 = vector.broadcast %parallel_loop3A_364 : i32 to vector<16xi32>
      %parallel_loop3A_366 = arith.addi %parallel_loop3A_365, %parallel_loop3A_351 : vector<16xi32>
      %parallel_loop3A_367 = vector.shape_cast %parallel_loop3A_366 : vector<16xi32> to vector<16x1xi32>
      %parallel_loop3A_368 = vector.shape_cast %parallel_loop3A_367 : vector<16x1xi32> to vector<16xi32>
      %parallel_loop3A_369 = tpu.dynamic_gather %parallel_loop3A_347[%parallel_loop3A_368] in [0] : vector<16xf32>, vector<16xi32> -> vector<16xf32>
      %parallel_loop3A_370 = arith.mulf %parallel_loop3A_325, %parallel_loop3A_369 : vector<16xf32>
      %parallel_loop3A_371 = arith.index_cast %parallel_loop3A_307 : i32 to index
      %parallel_loop3A_372 = arith.constant 16 : index
      %parallel_loop3A_373 = tpu.vector_load %arg16[%parallel_loop3A_371, %parallel_loop3A_372] {strides = array<i32>} : memref<80x80xf32, #tpu.memory_space<vmem>>, vector<1x16xf32>,
      %parallel_loop3A_374 = vector.shape_cast %parallel_loop3A_373 : vector<1x16xf32> to vector<16xf32>
      %parallel_loop3A_375 = vector.shape_cast %parallel_loop3A_370 : vector<16xf32> to vector<1x16xf32>
      tpu.vector_store %arg16[%parallel_loop3A_371, %parallel_loop3A_372], %parallel_loop3A_375 {strides = array<i32>} : memref<80x80xf32, #tpu.memory_space<vmem>>, vector<1x16xf32>,
      %parallel_loop3A_376 = arith.constant 4 : i32
      %parallel_loop3A_377 = vector.broadcast %parallel_loop3A_376 : i32 to vector<16xi32>
      %parallel_loop3A_378 = arith.addi %parallel_loop3A_377, %parallel_loop3A_351 : vector<16xi32>
      %parallel_loop3A_379 = vector.shape_cast %parallel_loop3A_378 : vector<16xi32> to vector<16x1xi32>
      %parallel_loop3A_380 = vector.shape_cast %parallel_loop3A_379 : vector<16x1xi32> to vector<16xi32>
      %parallel_loop3A_381 = tpu.dynamic_gather %parallel_loop3A_347[%parallel_loop3A_380] in [0] : vector<16xf32>, vector<16xi32> -> vector<16xf32>
      %parallel_loop3A_382 = arith.mulf %parallel_loop3A_329, %parallel_loop3A_381 : vector<16xf32>
      %parallel_loop3A_383 = arith.index_cast %parallel_loop3A_307 : i32 to index
      %parallel_loop3A_384 = arith.constant 32 : index
      %parallel_loop3A_385 = tpu.vector_load %arg16[%parallel_loop3A_383, %parallel_loop3A_384] {strides = array<i32>} : memref<80x80xf32, #tpu.memory_space<vmem>>, vector<1x16xf32>,
      %parallel_loop3A_386 = vector.shape_cast %parallel_loop3A_385 : vector<1x16xf32> to vector<16xf32>
      %parallel_loop3A_387 = vector.shape_cast %parallel_loop3A_382 : vector<16xf32> to vector<1x16xf32>
      tpu.vector_store %arg16[%parallel_loop3A_383, %parallel_loop3A_384], %parallel_loop3A_387 {strides = array<i32>} : memref<80x80xf32, #tpu.memory_space<vmem>>, vector<1x16xf32>,
      %parallel_loop3A_388 = arith.constant 6 : i32
      %parallel_loop3A_389 = vector.broadcast %parallel_loop3A_388 : i32 to vector<16xi32>
      %parallel_loop3A_390 = arith.addi %parallel_loop3A_389, %parallel_loop3A_351 : vector<16xi32>
      %parallel_loop3A_391 = vector.shape_cast %parallel_loop3A_390 : vector<16xi32> to vector<16x1xi32>
      %parallel_loop3A_392 = vector.shape_cast %parallel_loop3A_391 : vector<16x1xi32> to vector<16xi32>
      %parallel_loop3A_393 = tpu.dynamic_gather %parallel_loop3A_347[%parallel_loop3A_392] in [0] : vector<16xf32>, vector<16xi32> -> vector<16xf32>
      %parallel_loop3A_394 = arith.mulf %parallel_loop3A_333, %parallel_loop3A_393 : vector<16xf32>
      %parallel_loop3A_395 = arith.index_cast %parallel_loop3A_307 : i32 to index
      %parallel_loop3A_396 = arith.constant 48 : index
      %parallel_loop3A_397 = tpu.vector_load %arg16[%parallel_loop3A_395, %parallel_loop3A_396] {strides = array<i32>} : memref<80x80xf32, #tpu.memory_space<vmem>>, vector<1x16xf32>,
      %parallel_loop3A_398 = vector.shape_cast %parallel_loop3A_397 : vector<1x16xf32> to vector<16xf32>
      %parallel_loop3A_399 = vector.shape_cast %parallel_loop3A_394 : vector<16xf32> to vector<1x16xf32>
      tpu.vector_store %arg16[%parallel_loop3A_395, %parallel_loop3A_396], %parallel_loop3A_399 {strides = array<i32>} : memref<80x80xf32, #tpu.memory_space<vmem>>, vector<1x16xf32>,
      %parallel_loop3A_400 = arith.index_cast %parallel_loop3A_307 : i32 to index
      %parallel_loop3A_401 = arith.constant 64 : index
      %parallel_loop3A_402 = tpu.vector_load %arg16[%parallel_loop3A_400, %parallel_loop3A_401] {strides = array<i32>} : memref<80x80xf32, #tpu.memory_space<vmem>>, vector<1x16xf32>,
      %parallel_loop3A_403 = vector.shape_cast %parallel_loop3A_402 : vector<1x16xf32> to vector<16xf32>
      %parallel_loop3A_404 = vector.shape_cast %parallel_loop3A_347 : vector<16xf32> to vector<1x16xf32>
      tpu.vector_store %arg16[%parallel_loop3A_400, %parallel_loop3A_401], %parallel_loop3A_404 {strides = array<i32>} : memref<80x80xf32, #tpu.memory_space<vmem>>, vector<1x16xf32>,
    } {sc.loop_unroll_factor = 4 : i64, sc.parallel_access}
    %dma_start3A_153 = arith.constant 121 : i32
    %dma_start3A_154 = arith.constant 0 : i32
    %dma_start3A_155 = tpu.memref_slice %arg8[%dma_start3A_153, %dma_start3A_154] : memref<125x80xi32, #tpu.memory_space<vmem>> -> memref<1x80xi32, #tpu.memory_space<vmem>>
    %dma_start3A_156 = tpu.memref_squeeze %dma_start3A_155 : memref<1x80xi32, #tpu.memory_space<vmem>> -> memref<80xi32, #tpu.memory_space<vmem>>
    %dma_start3A_157 = arith.constant 0 : i32
    %dma_start3A_158 = arith.constant 0 : i32
    %dma_start3A_159 = tpu.memref_slice %arg19[%dma_start3A_157, %dma_start3A_158] : memref<10000x80xf32, #tpu.memory_space<vmem_shared>> -> memref<10000x80xf32, #tpu.memory_space<vmem_shared>>
    tpu.enqueue_indirect_dma source(%arg16 : memref<80x80xf32, #tpu.memory_space<vmem>>) target(%dma_start3A_159 : memref<10000x80xf32, #tpu.memory_space<vmem_shared>>) offsets(%dma_start3A_156 : memref<80xi32, #tpu.memory_space<vmem>>) semaphore(%arg24 : memref<!tpu.dma_semaphore, #tpu.memory_space<semaphore_mem>>) {add = true}
    %dma_start3A_160 = arith.constant 123 : i32
    %dma_start3A_161 = arith.constant 0 : i32
    %dma_start3A_162 = tpu.memref_slice %arg7[%dma_start3A_160, %dma_start3A_161] : memref<125x80xi32, #tpu.memory_space<vmem>> -> memref<1x80xi32, #tpu.memory_space<vmem>>
    %dma_start3A_163 = tpu.memref_squeeze %dma_start3A_162 : memref<1x80xi32, #tpu.memory_space<vmem>> -> memref<80xi32, #tpu.memory_space<vmem>>
    %dma_start3A_164 = arith.constant 0 : i32
    %dma_start3A_165 = arith.constant 0 : i32
    %dma_start3A_166 = tpu.memref_slice %arg2[%dma_start3A_164, %dma_start3A_165] : memref<10000x48xf32, #tpu.memory_space<hbm>> -> memref<10000x48xf32, #tpu.memory_space<hbm>>
    tpu.enqueue_indirect_dma source(%dma_start3A_166 : memref<10000x48xf32, #tpu.memory_space<hbm>>) target(%arg9 : memref<80x48xf32, #tpu.memory_space<vmem>>) offsets(%dma_start3A_163 : memref<80xi32, #tpu.memory_space<vmem>>) semaphore(%arg20 : memref<!tpu.dma_semaphore, #tpu.memory_space<semaphore_mem>>)
    %dma_start3A_167 = arith.constant 123 : i32
    %dma_start3A_168 = arith.constant 0 : i32
    %dma_start3A_169 = tpu.memref_slice %arg8[%dma_start3A_167, %dma_start3A_168] : memref<125x80xi32, #tpu.memory_space<vmem>> -> memref<1x80xi32, #tpu.memory_space<vmem>>
    %dma_start3A_170 = tpu.memref_squeeze %dma_start3A_169 : memref<1x80xi32, #tpu.memory_space<vmem>> -> memref<80xi32, #tpu.memory_space<vmem>>
    %dma_start3A_171 = arith.constant 0 : i32
    %dma_start3A_172 = arith.constant 0 : i32
    %dma_start3A_173 = tpu.memref_slice %arg3[%dma_start3A_171, %dma_start3A_172] : memref<10000x16xf32, #tpu.memory_space<hbm>> -> memref<10000x16xf32, #tpu.memory_space<hbm>>
    tpu.enqueue_indirect_dma source(%dma_start3A_173 : memref<10000x16xf32, #tpu.memory_space<hbm>>) target(%arg12 : memref<80x16xf32, #tpu.memory_space<vmem>>) offsets(%dma_start3A_170 : memref<80xi32, #tpu.memory_space<vmem>>) semaphore(%arg20 : memref<!tpu.dma_semaphore, #tpu.memory_space<semaphore_mem>>)
    %dma_wait3A_174 = arith.constant 0 : i32
    %dma_wait3A_175 = arith.constant 0 : i32
    %dma_wait3A_176 = tpu.memref_slice %arg2[%dma_wait3A_174, %dma_wait3A_175] : memref<10000x48xf32, #tpu.memory_space<hbm>> -> memref<80x48xf32, #tpu.memory_space<hbm>>
    %dma_wait3A_177 = arith.constant 0 : i32
    %dma_wait3A_178 = arith.constant 0 : i32
    %dma_wait3A_179 = tpu.memref_slice %arg2[%dma_wait3A_177, %dma_wait3A_178] : memref<10000x48xf32, #tpu.memory_space<hbm>> -> memref<80x48xf32, #tpu.memory_space<hbm>>
    tpu.wait_dma2 semaphore(%arg22 : memref<!tpu.dma_semaphore, #tpu.memory_space<semaphore_mem>>) src(%dma_wait3A_179 : memref<80x48xf32, #tpu.memory_space<hbm>>) dst(%arg11 : memref<80x48xf32, #tpu.memory_space<vmem>>)
    %dma_wait3A_180 = arith.constant 0 : i32
    %dma_wait3A_181 = arith.constant 0 : i32
    %dma_wait3A_182 = tpu.memref_slice %arg3[%dma_wait3A_180, %dma_wait3A_181] : memref<10000x16xf32, #tpu.memory_space<hbm>> -> memref<80x16xf32, #tpu.memory_space<hbm>>
    %dma_wait3A_183 = arith.constant 0 : i32
    %dma_wait3A_184 = arith.constant 0 : i32
    %dma_wait3A_185 = tpu.memref_slice %arg3[%dma_wait3A_183, %dma_wait3A_184] : memref<10000x16xf32, #tpu.memory_space<hbm>> -> memref<80x16xf32, #tpu.memory_space<hbm>>
    tpu.wait_dma2 semaphore(%arg22 : memref<!tpu.dma_semaphore, #tpu.memory_space<semaphore_mem>>) src(%dma_wait3A_185 : memref<80x16xf32, #tpu.memory_space<hbm>>) dst(%arg14 : memref<80x16xf32, #tpu.memory_space<vmem>>)
    %dma_wait3A_186 = arith.constant 0 : i32
    %dma_wait3A_187 = arith.constant 0 : i32
    %dma_wait3A_188 = tpu.memref_slice %arg8[%dma_wait3A_186, %dma_wait3A_187] : memref<125x80xi32, #tpu.memory_space<vmem>> -> memref<1x80xi32, #tpu.memory_space<vmem>>
    %dma_wait3A_189 = tpu.memref_squeeze %dma_wait3A_188 : memref<1x80xi32, #tpu.memory_space<vmem>> -> memref<80xi32, #tpu.memory_space<vmem>>
    %dma_wait3A_190 = arith.constant 0 : i32
    %dma_wait3A_191 = arith.constant 0 : i32
    %dma_wait3A_192 = tpu.memref_slice %arg19[%dma_wait3A_190, %dma_wait3A_191] : memref<10000x80xf32, #tpu.memory_space<vmem_shared>> -> memref<10000x80xf32, #tpu.memory_space<vmem_shared>>
    tpu.wait_indirect_dma semaphore(%arg25 : memref<!tpu.dma_semaphore, #tpu.memory_space<semaphore_mem>>) src(%arg17 : memref<80x80xf32, #tpu.memory_space<vmem>>) dst(%dma_wait3A_192 : memref<10000x80xf32, #tpu.memory_space<vmem_shared>>)
    %parallel_loop3A_193 = arith.constant 0 : i32
    %parallel_loop3A_194 = arith.constant 80 : i32
    %parallel_loop3A_195 = arith.constant 1 : i32
    scf.for %parallel_loop3A_307 = %parallel_loop3A_193 to %parallel_loop3A_194 step %parallel_loop3A_195  : i32 {
      %parallel_loop3A_308 = arith.index_cast %parallel_loop3A_307 : i32 to index
      %parallel_loop3A_309 = arith.constant 0 : index
      %parallel_loop3A_310 = tpu.vector_load %arg11[%parallel_loop3A_308, %parallel_loop3A_309] {strides = array<i32>} : memref<80x48xf32, #tpu.memory_space<vmem>>, vector<1x16xf32>,
      %parallel_loop3A_311 = vector.shape_cast %parallel_loop3A_310 : vector<1x16xf32> to vector<16xf32>
      %parallel_loop3A_312 = tpu.bitcast %parallel_loop3A_311 : vector<16xf32> -> vector<16xi32>
      %parallel_loop3A_313 = arith.index_cast %parallel_loop3A_307 : i32 to index
      %parallel_loop3A_314 = arith.constant 16 : index
      %parallel_loop3A_315 = tpu.vector_load %arg11[%parallel_loop3A_313, %parallel_loop3A_314] {strides = array<i32>} : memref<80x48xf32, #tpu.memory_space<vmem>>, vector<1x16xf32>,
      %parallel_loop3A_316 = vector.shape_cast %parallel_loop3A_315 : vector<1x16xf32> to vector<16xf32>
      %parallel_loop3A_317 = tpu.bitcast %parallel_loop3A_316 : vector<16xf32> -> vector<16xi32>
      %parallel_loop3A_318 = arith.constant 16 : i32
      %parallel_loop3A_319 = vector.broadcast %parallel_loop3A_318 : i32 to vector<16xi32>
      %parallel_loop3A_320 = arith.shli %parallel_loop3A_312, %parallel_loop3A_319 : vector<16xi32>
      %parallel_loop3A_321 = tpu.bitcast %parallel_loop3A_320 : vector<16xi32> -> vector<16xf32>
      %parallel_loop3A_322 = arith.constant -65536 : i32
      %parallel_loop3A_323 = vector.broadcast %parallel_loop3A_322 : i32 to vector<16xi32>
      %parallel_loop3A_324 = arith.andi %parallel_loop3A_312, %parallel_loop3A_323 : vector<16xi32>
      %parallel_loop3A_325 = tpu.bitcast %parallel_loop3A_324 : vector<16xi32> -> vector<16xf32>
      %parallel_loop3A_326 = arith.constant 16 : i32
      %parallel_loop3A_327 = vector.broadcast %parallel_loop3A_326 : i32 to vector<16xi32>
      %parallel_loop3A_328 = arith.shli %parallel_loop3A_317, %parallel_loop3A_327 : vector<16xi32>
      %parallel_loop3A_329 = tpu.bitcast %parallel_loop3A_328 : vector<16xi32> -> vector<16xf32>
      %parallel_loop3A_330 = arith.constant -65536 : i32
      %parallel_loop3A_331 = vector.broadcast %parallel_loop3A_330 : i32 to vector<16xi32>
      %parallel_loop3A_332 = arith.andi %parallel_loop3A_317, %parallel_loop3A_331 : vector<16xi32>
      %parallel_loop3A_333 = tpu.bitcast %parallel_loop3A_332 : vector<16xi32> -> vector<16xf32>
      %parallel_loop3A_334 = arith.index_cast %parallel_loop3A_307 : i32 to index
      %parallel_loop3A_335 = arith.constant 32 : index
      %parallel_loop3A_336 = tpu.vector_load %arg11[%parallel_loop3A_334, %parallel_loop3A_335] {strides = array<i32>} : memref<80x48xf32, #tpu.memory_space<vmem>>, vector<1x16xf32>,
      %parallel_loop3A_337 = vector.shape_cast %parallel_loop3A_336 : vector<1x16xf32> to vector<16xf32>
      %parallel_loop3A_338 = arith.index_cast %parallel_loop3A_307 : i32 to index
      %parallel_loop3A_339 = arith.constant 0 : index
      %parallel_loop3A_340 = tpu.vector_load %arg14[%parallel_loop3A_338, %parallel_loop3A_339] {strides = array<i32>} : memref<80x16xf32, #tpu.memory_space<vmem>>, vector<1x16xf32>,
      %parallel_loop3A_341 = vector.shape_cast %parallel_loop3A_340 : vector<1x16xf32> to vector<16xf32>
      %parallel_loop3A_342 = arith.addf %parallel_loop3A_337, %parallel_loop3A_341 : vector<16xf32>
      %parallel_loop3A_343 = arith.constant 2.000000e-01 : f32
      %parallel_loop3A_344 = vector.broadcast %parallel_loop3A_343 : f32 to vector<16xf32>
      %parallel_loop3A_345 = arith.mulf %parallel_loop3A_344, %parallel_loop3A_342 : vector<16xf32>
      %parallel_loop3A_346 = arith.maximumf %parallel_loop3A_342, %parallel_loop3A_345 : vector<16xf32>
      %parallel_loop3A_347 = math.exp %parallel_loop3A_346 : vector<16xf32>
      %parallel_loop3A_348 = tpu.iota {dimensions = array<i32: 0>} : vector<16xi32>
      %parallel_loop3A_349 = arith.constant 3 : i32
      %parallel_loop3A_350 = vector.broadcast %parallel_loop3A_349 : i32 to vector<16xi32>
      %parallel_loop3A_351 = arith.shrui %parallel_loop3A_348, %parallel_loop3A_350 : vector<16xi32>
      %parallel_loop3A_352 = arith.constant 0 : i32
      %parallel_loop3A_353 = vector.broadcast %parallel_loop3A_352 : i32 to vector<16xi32>
      %parallel_loop3A_354 = arith.addi %parallel_loop3A_353, %parallel_loop3A_351 : vector<16xi32>
      %parallel_loop3A_355 = vector.shape_cast %parallel_loop3A_354 : vector<16xi32> to vector<16x1xi32>
      %parallel_loop3A_356 = vector.shape_cast %parallel_loop3A_355 : vector<16x1xi32> to vector<16xi32>
      %parallel_loop3A_357 = tpu.dynamic_gather %parallel_loop3A_347[%parallel_loop3A_356] in [0] : vector<16xf32>, vector<16xi32> -> vector<16xf32>
      %parallel_loop3A_358 = arith.mulf %parallel_loop3A_321, %parallel_loop3A_357 : vector<16xf32>
      %parallel_loop3A_359 = arith.index_cast %parallel_loop3A_307 : i32 to index
      %parallel_loop3A_360 = arith.constant 0 : index
      %parallel_loop3A_361 = tpu.vector_load %arg17[%parallel_loop3A_359, %parallel_loop3A_360] {strides = array<i32>} : memref<80x80xf32, #tpu.memory_space<vmem>>, vector<1x16xf32>,
      %parallel_loop3A_362 = vector.shape_cast %parallel_loop3A_361 : vector<1x16xf32> to vector<16xf32>
      %parallel_loop3A_363 = vector.shape_cast %parallel_loop3A_358 : vector<16xf32> to vector<1x16xf32>
      tpu.vector_store %arg17[%parallel_loop3A_359, %parallel_loop3A_360], %parallel_loop3A_363 {strides = array<i32>} : memref<80x80xf32, #tpu.memory_space<vmem>>, vector<1x16xf32>,
      %parallel_loop3A_364 = arith.constant 2 : i32
      %parallel_loop3A_365 = vector.broadcast %parallel_loop3A_364 : i32 to vector<16xi32>
      %parallel_loop3A_366 = arith.addi %parallel_loop3A_365, %parallel_loop3A_351 : vector<16xi32>
      %parallel_loop3A_367 = vector.shape_cast %parallel_loop3A_366 : vector<16xi32> to vector<16x1xi32>
      %parallel_loop3A_368 = vector.shape_cast %parallel_loop3A_367 : vector<16x1xi32> to vector<16xi32>
      %parallel_loop3A_369 = tpu.dynamic_gather %parallel_loop3A_347[%parallel_loop3A_368] in [0] : vector<16xf32>, vector<16xi32> -> vector<16xf32>
      %parallel_loop3A_370 = arith.mulf %parallel_loop3A_325, %parallel_loop3A_369 : vector<16xf32>
      %parallel_loop3A_371 = arith.index_cast %parallel_loop3A_307 : i32 to index
      %parallel_loop3A_372 = arith.constant 16 : index
      %parallel_loop3A_373 = tpu.vector_load %arg17[%parallel_loop3A_371, %parallel_loop3A_372] {strides = array<i32>} : memref<80x80xf32, #tpu.memory_space<vmem>>, vector<1x16xf32>,
      %parallel_loop3A_374 = vector.shape_cast %parallel_loop3A_373 : vector<1x16xf32> to vector<16xf32>
      %parallel_loop3A_375 = vector.shape_cast %parallel_loop3A_370 : vector<16xf32> to vector<1x16xf32>
      tpu.vector_store %arg17[%parallel_loop3A_371, %parallel_loop3A_372], %parallel_loop3A_375 {strides = array<i32>} : memref<80x80xf32, #tpu.memory_space<vmem>>, vector<1x16xf32>,
      %parallel_loop3A_376 = arith.constant 4 : i32
      %parallel_loop3A_377 = vector.broadcast %parallel_loop3A_376 : i32 to vector<16xi32>
      %parallel_loop3A_378 = arith.addi %parallel_loop3A_377, %parallel_loop3A_351 : vector<16xi32>
      %parallel_loop3A_379 = vector.shape_cast %parallel_loop3A_378 : vector<16xi32> to vector<16x1xi32>
      %parallel_loop3A_380 = vector.shape_cast %parallel_loop3A_379 : vector<16x1xi32> to vector<16xi32>
      %parallel_loop3A_381 = tpu.dynamic_gather %parallel_loop3A_347[%parallel_loop3A_380] in [0] : vector<16xf32>, vector<16xi32> -> vector<16xf32>
      %parallel_loop3A_382 = arith.mulf %parallel_loop3A_329, %parallel_loop3A_381 : vector<16xf32>
      %parallel_loop3A_383 = arith.index_cast %parallel_loop3A_307 : i32 to index
      %parallel_loop3A_384 = arith.constant 32 : index
      %parallel_loop3A_385 = tpu.vector_load %arg17[%parallel_loop3A_383, %parallel_loop3A_384] {strides = array<i32>} : memref<80x80xf32, #tpu.memory_space<vmem>>, vector<1x16xf32>,
      %parallel_loop3A_386 = vector.shape_cast %parallel_loop3A_385 : vector<1x16xf32> to vector<16xf32>
      %parallel_loop3A_387 = vector.shape_cast %parallel_loop3A_382 : vector<16xf32> to vector<1x16xf32>
      tpu.vector_store %arg17[%parallel_loop3A_383, %parallel_loop3A_384], %parallel_loop3A_387 {strides = array<i32>} : memref<80x80xf32, #tpu.memory_space<vmem>>, vector<1x16xf32>,
      %parallel_loop3A_388 = arith.constant 6 : i32
      %parallel_loop3A_389 = vector.broadcast %parallel_loop3A_388 : i32 to vector<16xi32>
      %parallel_loop3A_390 = arith.addi %parallel_loop3A_389, %parallel_loop3A_351 : vector<16xi32>
      %parallel_loop3A_391 = vector.shape_cast %parallel_loop3A_390 : vector<16xi32> to vector<16x1xi32>
      %parallel_loop3A_392 = vector.shape_cast %parallel_loop3A_391 : vector<16x1xi32> to vector<16xi32>
      %parallel_loop3A_393 = tpu.dynamic_gather %parallel_loop3A_347[%parallel_loop3A_392] in [0] : vector<16xf32>, vector<16xi32> -> vector<16xf32>
      %parallel_loop3A_394 = arith.mulf %parallel_loop3A_333, %parallel_loop3A_393 : vector<16xf32>
      %parallel_loop3A_395 = arith.index_cast %parallel_loop3A_307 : i32 to index
      %parallel_loop3A_396 = arith.constant 48 : index
      %parallel_loop3A_397 = tpu.vector_load %arg17[%parallel_loop3A_395, %parallel_loop3A_396] {strides = array<i32>} : memref<80x80xf32, #tpu.memory_space<vmem>>, vector<1x16xf32>,
      %parallel_loop3A_398 = vector.shape_cast %parallel_loop3A_397 : vector<1x16xf32> to vector<16xf32>
      %parallel_loop3A_399 = vector.shape_cast %parallel_loop3A_394 : vector<16xf32> to vector<1x16xf32>
      tpu.vector_store %arg17[%parallel_loop3A_395, %parallel_loop3A_396], %parallel_loop3A_399 {strides = array<i32>} : memref<80x80xf32, #tpu.memory_space<vmem>>, vector<1x16xf32>,
      %parallel_loop3A_400 = arith.index_cast %parallel_loop3A_307 : i32 to index
      %parallel_loop3A_401 = arith.constant 64 : index
      %parallel_loop3A_402 = tpu.vector_load %arg17[%parallel_loop3A_400, %parallel_loop3A_401] {strides = array<i32>} : memref<80x80xf32, #tpu.memory_space<vmem>>, vector<1x16xf32>,
      %parallel_loop3A_403 = vector.shape_cast %parallel_loop3A_402 : vector<1x16xf32> to vector<16xf32>
      %parallel_loop3A_404 = vector.shape_cast %parallel_loop3A_347 : vector<16xf32> to vector<1x16xf32>
      tpu.vector_store %arg17[%parallel_loop3A_400, %parallel_loop3A_401], %parallel_loop3A_404 {strides = array<i32>} : memref<80x80xf32, #tpu.memory_space<vmem>>, vector<1x16xf32>,
    } {sc.loop_unroll_factor = 4 : i64, sc.parallel_access}
    %dma_start3A_196 = arith.constant 122 : i32
    %dma_start3A_197 = arith.constant 0 : i32
    %dma_start3A_198 = tpu.memref_slice %arg8[%dma_start3A_196, %dma_start3A_197] : memref<125x80xi32, #tpu.memory_space<vmem>> -> memref<1x80xi32, #tpu.memory_space<vmem>>
    %dma_start3A_199 = tpu.memref_squeeze %dma_start3A_198 : memref<1x80xi32, #tpu.memory_space<vmem>> -> memref<80xi32, #tpu.memory_space<vmem>>
    %dma_start3A_200 = arith.constant 0 : i32
    %dma_start3A_201 = arith.constant 0 : i32
    %dma_start3A_202 = tpu.memref_slice %arg19[%dma_start3A_200, %dma_start3A_201] : memref<10000x80xf32, #tpu.memory_space<vmem_shared>> -> memref<10000x80xf32, #tpu.memory_space<vmem_shared>>
    tpu.enqueue_indirect_dma source(%arg17 : memref<80x80xf32, #tpu.memory_space<vmem>>) target(%dma_start3A_202 : memref<10000x80xf32, #tpu.memory_space<vmem_shared>>) offsets(%dma_start3A_199 : memref<80xi32, #tpu.memory_space<vmem>>) semaphore(%arg25 : memref<!tpu.dma_semaphore, #tpu.memory_space<semaphore_mem>>) {add = true}
    %dma_start3A_203 = arith.constant 124 : i32
    %dma_start3A_204 = arith.constant 0 : i32
    %dma_start3A_205 = tpu.memref_slice %arg7[%dma_start3A_203, %dma_start3A_204] : memref<125x80xi32, #tpu.memory_space<vmem>> -> memref<1x80xi32, #tpu.memory_space<vmem>>
    %dma_start3A_206 = tpu.memref_squeeze %dma_start3A_205 : memref<1x80xi32, #tpu.memory_space<vmem>> -> memref<80xi32, #tpu.memory_space<vmem>>
    %dma_start3A_207 = arith.constant 0 : i32
    %dma_start3A_208 = arith.constant 0 : i32
    %dma_start3A_209 = tpu.memref_slice %arg2[%dma_start3A_207, %dma_start3A_208] : memref<10000x48xf32, #tpu.memory_space<hbm>> -> memref<10000x48xf32, #tpu.memory_space<hbm>>
    tpu.enqueue_indirect_dma source(%dma_start3A_209 : memref<10000x48xf32, #tpu.memory_space<hbm>>) target(%arg10 : memref<80x48xf32, #tpu.memory_space<vmem>>) offsets(%dma_start3A_206 : memref<80xi32, #tpu.memory_space<vmem>>) semaphore(%arg21 : memref<!tpu.dma_semaphore, #tpu.memory_space<semaphore_mem>>)
    %dma_start3A_210 = arith.constant 124 : i32
    %dma_start3A_211 = arith.constant 0 : i32
    %dma_start3A_212 = tpu.memref_slice %arg8[%dma_start3A_210, %dma_start3A_211] : memref<125x80xi32, #tpu.memory_space<vmem>> -> memref<1x80xi32, #tpu.memory_space<vmem>>
    %dma_start3A_213 = tpu.memref_squeeze %dma_start3A_212 : memref<1x80xi32, #tpu.memory_space<vmem>> -> memref<80xi32, #tpu.memory_space<vmem>>
    %dma_start3A_214 = arith.constant 0 : i32
    %dma_start3A_215 = arith.constant 0 : i32
    %dma_start3A_216 = tpu.memref_slice %arg3[%dma_start3A_214, %dma_start3A_215] : memref<10000x16xf32, #tpu.memory_space<hbm>> -> memref<10000x16xf32, #tpu.memory_space<hbm>>
    tpu.enqueue_indirect_dma source(%dma_start3A_216 : memref<10000x16xf32, #tpu.memory_space<hbm>>) target(%arg13 : memref<80x16xf32, #tpu.memory_space<vmem>>) offsets(%dma_start3A_213 : memref<80xi32, #tpu.memory_space<vmem>>) semaphore(%arg21 : memref<!tpu.dma_semaphore, #tpu.memory_space<semaphore_mem>>)
    %dma_wait3A_217 = arith.constant 0 : i32
    %dma_wait3A_218 = arith.constant 0 : i32
    %dma_wait3A_219 = tpu.memref_slice %arg2[%dma_wait3A_217, %dma_wait3A_218] : memref<10000x48xf32, #tpu.memory_space<hbm>> -> memref<80x48xf32, #tpu.memory_space<hbm>>
    %dma_wait3A_220 = arith.constant 0 : i32
    %dma_wait3A_221 = arith.constant 0 : i32
    %dma_wait3A_222 = tpu.memref_slice %arg2[%dma_wait3A_220, %dma_wait3A_221] : memref<10000x48xf32, #tpu.memory_space<hbm>> -> memref<80x48xf32, #tpu.memory_space<hbm>>
    tpu.wait_dma2 semaphore(%arg20 : memref<!tpu.dma_semaphore, #tpu.memory_space<semaphore_mem>>) src(%dma_wait3A_222 : memref<80x48xf32, #tpu.memory_space<hbm>>) dst(%arg9 : memref<80x48xf32, #tpu.memory_space<vmem>>)
    %dma_wait3A_223 = arith.constant 0 : i32
    %dma_wait3A_224 = arith.constant 0 : i32
    %dma_wait3A_225 = tpu.memref_slice %arg3[%dma_wait3A_223, %dma_wait3A_224] : memref<10000x16xf32, #tpu.memory_space<hbm>> -> memref<80x16xf32, #tpu.memory_space<hbm>>
    %dma_wait3A_226 = arith.constant 0 : i32
    %dma_wait3A_227 = arith.constant 0 : i32
    %dma_wait3A_228 = tpu.memref_slice %arg3[%dma_wait3A_226, %dma_wait3A_227] : memref<10000x16xf32, #tpu.memory_space<hbm>> -> memref<80x16xf32, #tpu.memory_space<hbm>>
    tpu.wait_dma2 semaphore(%arg20 : memref<!tpu.dma_semaphore, #tpu.memory_space<semaphore_mem>>) src(%dma_wait3A_228 : memref<80x16xf32, #tpu.memory_space<hbm>>) dst(%arg12 : memref<80x16xf32, #tpu.memory_space<vmem>>)
    %dma_wait3A_229 = arith.constant 0 : i32
    %dma_wait3A_230 = arith.constant 0 : i32
    %dma_wait3A_231 = tpu.memref_slice %arg8[%dma_wait3A_229, %dma_wait3A_230] : memref<125x80xi32, #tpu.memory_space<vmem>> -> memref<1x80xi32, #tpu.memory_space<vmem>>
    %dma_wait3A_232 = tpu.memref_squeeze %dma_wait3A_231 : memref<1x80xi32, #tpu.memory_space<vmem>> -> memref<80xi32, #tpu.memory_space<vmem>>
    %dma_wait3A_233 = arith.constant 0 : i32
    %dma_wait3A_234 = arith.constant 0 : i32
    %dma_wait3A_235 = tpu.memref_slice %arg19[%dma_wait3A_233, %dma_wait3A_234] : memref<10000x80xf32, #tpu.memory_space<vmem_shared>> -> memref<10000x80xf32, #tpu.memory_space<vmem_shared>>
    tpu.wait_indirect_dma semaphore(%arg23 : memref<!tpu.dma_semaphore, #tpu.memory_space<semaphore_mem>>) src(%arg15 : memref<80x80xf32, #tpu.memory_space<vmem>>) dst(%dma_wait3A_235 : memref<10000x80xf32, #tpu.memory_space<vmem_shared>>)
    %parallel_loop3A_236 = arith.constant 0 : i32
    %parallel_loop3A_237 = arith.constant 80 : i32
    %parallel_loop3A_238 = arith.constant 1 : i32
    scf.for %parallel_loop3A_307 = %parallel_loop3A_236 to %parallel_loop3A_237 step %parallel_loop3A_238  : i32 {
      %parallel_loop3A_308 = arith.index_cast %parallel_loop3A_307 : i32 to index
      %parallel_loop3A_309 = arith.constant 0 : index
      %parallel_loop3A_310 = tpu.vector_load %arg9[%parallel_loop3A_308, %parallel_loop3A_309] {strides = array<i32>} : memref<80x48xf32, #tpu.memory_space<vmem>>, vector<1x16xf32>,
      %parallel_loop3A_311 = vector.shape_cast %parallel_loop3A_310 : vector<1x16xf32> to vector<16xf32>
      %parallel_loop3A_312 = tpu.bitcast %parallel_loop3A_311 : vector<16xf32> -> vector<16xi32>
      %parallel_loop3A_313 = arith.index_cast %parallel_loop3A_307 : i32 to index
      %parallel_loop3A_314 = arith.constant 16 : index
      %parallel_loop3A_315 = tpu.vector_load %arg9[%parallel_loop3A_313, %parallel_loop3A_314] {strides = array<i32>} : memref<80x48xf32, #tpu.memory_space<vmem>>, vector<1x16xf32>,
      %parallel_loop3A_316 = vector.shape_cast %parallel_loop3A_315 : vector<1x16xf32> to vector<16xf32>
      %parallel_loop3A_317 = tpu.bitcast %parallel_loop3A_316 : vector<16xf32> -> vector<16xi32>
      %parallel_loop3A_318 = arith.constant 16 : i32
      %parallel_loop3A_319 = vector.broadcast %parallel_loop3A_318 : i32 to vector<16xi32>
      %parallel_loop3A_320 = arith.shli %parallel_loop3A_312, %parallel_loop3A_319 : vector<16xi32>
      %parallel_loop3A_321 = tpu.bitcast %parallel_loop3A_320 : vector<16xi32> -> vector<16xf32>
      %parallel_loop3A_322 = arith.constant -65536 : i32
      %parallel_loop3A_323 = vector.broadcast %parallel_loop3A_322 : i32 to vector<16xi32>
      %parallel_loop3A_324 = arith.andi %parallel_loop3A_312, %parallel_loop3A_323 : vector<16xi32>
      %parallel_loop3A_325 = tpu.bitcast %parallel_loop3A_324 : vector<16xi32> -> vector<16xf32>
      %parallel_loop3A_326 = arith.constant 16 : i32
      %parallel_loop3A_327 = vector.broadcast %parallel_loop3A_326 : i32 to vector<16xi32>
      %parallel_loop3A_328 = arith.shli %parallel_loop3A_317, %parallel_loop3A_327 : vector<16xi32>
      %parallel_loop3A_329 = tpu.bitcast %parallel_loop3A_328 : vector<16xi32> -> vector<16xf32>
      %parallel_loop3A_330 = arith.constant -65536 : i32
      %parallel_loop3A_331 = vector.broadcast %parallel_loop3A_330 : i32 to vector<16xi32>
      %parallel_loop3A_332 = arith.andi %parallel_loop3A_317, %parallel_loop3A_331 : vector<16xi32>
      %parallel_loop3A_333 = tpu.bitcast %parallel_loop3A_332 : vector<16xi32> -> vector<16xf32>
      %parallel_loop3A_334 = arith.index_cast %parallel_loop3A_307 : i32 to index
      %parallel_loop3A_335 = arith.constant 32 : index
      %parallel_loop3A_336 = tpu.vector_load %arg9[%parallel_loop3A_334, %parallel_loop3A_335] {strides = array<i32>} : memref<80x48xf32, #tpu.memory_space<vmem>>, vector<1x16xf32>,
      %parallel_loop3A_337 = vector.shape_cast %parallel_loop3A_336 : vector<1x16xf32> to vector<16xf32>
      %parallel_loop3A_338 = arith.index_cast %parallel_loop3A_307 : i32 to index
      %parallel_loop3A_339 = arith.constant 0 : index
      %parallel_loop3A_340 = tpu.vector_load %arg12[%parallel_loop3A_338, %parallel_loop3A_339] {strides = array<i32>} : memref<80x16xf32, #tpu.memory_space<vmem>>, vector<1x16xf32>,
      %parallel_loop3A_341 = vector.shape_cast %parallel_loop3A_340 : vector<1x16xf32> to vector<16xf32>
      %parallel_loop3A_342 = arith.addf %parallel_loop3A_337, %parallel_loop3A_341 : vector<16xf32>
      %parallel_loop3A_343 = arith.constant 2.000000e-01 : f32
      %parallel_loop3A_344 = vector.broadcast %parallel_loop3A_343 : f32 to vector<16xf32>
      %parallel_loop3A_345 = arith.mulf %parallel_loop3A_344, %parallel_loop3A_342 : vector<16xf32>
      %parallel_loop3A_346 = arith.maximumf %parallel_loop3A_342, %parallel_loop3A_345 : vector<16xf32>
      %parallel_loop3A_347 = math.exp %parallel_loop3A_346 : vector<16xf32>
      %parallel_loop3A_348 = tpu.iota {dimensions = array<i32: 0>} : vector<16xi32>
      %parallel_loop3A_349 = arith.constant 3 : i32
      %parallel_loop3A_350 = vector.broadcast %parallel_loop3A_349 : i32 to vector<16xi32>
      %parallel_loop3A_351 = arith.shrui %parallel_loop3A_348, %parallel_loop3A_350 : vector<16xi32>
      %parallel_loop3A_352 = arith.constant 0 : i32
      %parallel_loop3A_353 = vector.broadcast %parallel_loop3A_352 : i32 to vector<16xi32>
      %parallel_loop3A_354 = arith.addi %parallel_loop3A_353, %parallel_loop3A_351 : vector<16xi32>
      %parallel_loop3A_355 = vector.shape_cast %parallel_loop3A_354 : vector<16xi32> to vector<16x1xi32>
      %parallel_loop3A_356 = vector.shape_cast %parallel_loop3A_355 : vector<16x1xi32> to vector<16xi32>
      %parallel_loop3A_357 = tpu.dynamic_gather %parallel_loop3A_347[%parallel_loop3A_356] in [0] : vector<16xf32>, vector<16xi32> -> vector<16xf32>
      %parallel_loop3A_358 = arith.mulf %parallel_loop3A_321, %parallel_loop3A_357 : vector<16xf32>
      %parallel_loop3A_359 = arith.index_cast %parallel_loop3A_307 : i32 to index
      %parallel_loop3A_360 = arith.constant 0 : index
      %parallel_loop3A_361 = tpu.vector_load %arg15[%parallel_loop3A_359, %parallel_loop3A_360] {strides = array<i32>} : memref<80x80xf32, #tpu.memory_space<vmem>>, vector<1x16xf32>,
      %parallel_loop3A_362 = vector.shape_cast %parallel_loop3A_361 : vector<1x16xf32> to vector<16xf32>
      %parallel_loop3A_363 = vector.shape_cast %parallel_loop3A_358 : vector<16xf32> to vector<1x16xf32>
      tpu.vector_store %arg15[%parallel_loop3A_359, %parallel_loop3A_360], %parallel_loop3A_363 {strides = array<i32>} : memref<80x80xf32, #tpu.memory_space<vmem>>, vector<1x16xf32>,
      %parallel_loop3A_364 = arith.constant 2 : i32
      %parallel_loop3A_365 = vector.broadcast %parallel_loop3A_364 : i32 to vector<16xi32>
      %parallel_loop3A_366 = arith.addi %parallel_loop3A_365, %parallel_loop3A_351 : vector<16xi32>
      %parallel_loop3A_367 = vector.shape_cast %parallel_loop3A_366 : vector<16xi32> to vector<16x1xi32>
      %parallel_loop3A_368 = vector.shape_cast %parallel_loop3A_367 : vector<16x1xi32> to vector<16xi32>
      %parallel_loop3A_369 = tpu.dynamic_gather %parallel_loop3A_347[%parallel_loop3A_368] in [0] : vector<16xf32>, vector<16xi32> -> vector<16xf32>
      %parallel_loop3A_370 = arith.mulf %parallel_loop3A_325, %parallel_loop3A_369 : vector<16xf32>
      %parallel_loop3A_371 = arith.index_cast %parallel_loop3A_307 : i32 to index
      %parallel_loop3A_372 = arith.constant 16 : index
      %parallel_loop3A_373 = tpu.vector_load %arg15[%parallel_loop3A_371, %parallel_loop3A_372] {strides = array<i32>} : memref<80x80xf32, #tpu.memory_space<vmem>>, vector<1x16xf32>,
      %parallel_loop3A_374 = vector.shape_cast %parallel_loop3A_373 : vector<1x16xf32> to vector<16xf32>
      %parallel_loop3A_375 = vector.shape_cast %parallel_loop3A_370 : vector<16xf32> to vector<1x16xf32>
      tpu.vector_store %arg15[%parallel_loop3A_371, %parallel_loop3A_372], %parallel_loop3A_375 {strides = array<i32>} : memref<80x80xf32, #tpu.memory_space<vmem>>, vector<1x16xf32>,
      %parallel_loop3A_376 = arith.constant 4 : i32
      %parallel_loop3A_377 = vector.broadcast %parallel_loop3A_376 : i32 to vector<16xi32>
      %parallel_loop3A_378 = arith.addi %parallel_loop3A_377, %parallel_loop3A_351 : vector<16xi32>
      %parallel_loop3A_379 = vector.shape_cast %parallel_loop3A_378 : vector<16xi32> to vector<16x1xi32>
      %parallel_loop3A_380 = vector.shape_cast %parallel_loop3A_379 : vector<16x1xi32> to vector<16xi32>
      %parallel_loop3A_381 = tpu.dynamic_gather %parallel_loop3A_347[%parallel_loop3A_380] in [0] : vector<16xf32>, vector<16xi32> -> vector<16xf32>
      %parallel_loop3A_382 = arith.mulf %parallel_loop3A_329, %parallel_loop3A_381 : vector<16xf32>
      %parallel_loop3A_383 = arith.index_cast %parallel_loop3A_307 : i32 to index
      %parallel_loop3A_384 = arith.constant 32 : index
      %parallel_loop3A_385 = tpu.vector_load %arg15[%parallel_loop3A_383, %parallel_loop3A_384] {strides = array<i32>} : memref<80x80xf32, #tpu.memory_space<vmem>>, vector<1x16xf32>,
      %parallel_loop3A_386 = vector.shape_cast %parallel_loop3A_385 : vector<1x16xf32> to vector<16xf32>
      %parallel_loop3A_387 = vector.shape_cast %parallel_loop3A_382 : vector<16xf32> to vector<1x16xf32>
      tpu.vector_store %arg15[%parallel_loop3A_383, %parallel_loop3A_384], %parallel_loop3A_387 {strides = array<i32>} : memref<80x80xf32, #tpu.memory_space<vmem>>, vector<1x16xf32>,
      %parallel_loop3A_388 = arith.constant 6 : i32
      %parallel_loop3A_389 = vector.broadcast %parallel_loop3A_388 : i32 to vector<16xi32>
      %parallel_loop3A_390 = arith.addi %parallel_loop3A_389, %parallel_loop3A_351 : vector<16xi32>
      %parallel_loop3A_391 = vector.shape_cast %parallel_loop3A_390 : vector<16xi32> to vector<16x1xi32>
      %parallel_loop3A_392 = vector.shape_cast %parallel_loop3A_391 : vector<16x1xi32> to vector<16xi32>
      %parallel_loop3A_393 = tpu.dynamic_gather %parallel_loop3A_347[%parallel_loop3A_392] in [0] : vector<16xf32>, vector<16xi32> -> vector<16xf32>
      %parallel_loop3A_394 = arith.mulf %parallel_loop3A_333, %parallel_loop3A_393 : vector<16xf32>
      %parallel_loop3A_395 = arith.index_cast %parallel_loop3A_307 : i32 to index
      %parallel_loop3A_396 = arith.constant 48 : index
      %parallel_loop3A_397 = tpu.vector_load %arg15[%parallel_loop3A_395, %parallel_loop3A_396] {strides = array<i32>} : memref<80x80xf32, #tpu.memory_space<vmem>>, vector<1x16xf32>,
      %parallel_loop3A_398 = vector.shape_cast %parallel_loop3A_397 : vector<1x16xf32> to vector<16xf32>
      %parallel_loop3A_399 = vector.shape_cast %parallel_loop3A_394 : vector<16xf32> to vector<1x16xf32>
      tpu.vector_store %arg15[%parallel_loop3A_395, %parallel_loop3A_396], %parallel_loop3A_399 {strides = array<i32>} : memref<80x80xf32, #tpu.memory_space<vmem>>, vector<1x16xf32>,
      %parallel_loop3A_400 = arith.index_cast %parallel_loop3A_307 : i32 to index
      %parallel_loop3A_401 = arith.constant 64 : index
      %parallel_loop3A_402 = tpu.vector_load %arg15[%parallel_loop3A_400, %parallel_loop3A_401] {strides = array<i32>} : memref<80x80xf32, #tpu.memory_space<vmem>>, vector<1x16xf32>,
      %parallel_loop3A_403 = vector.shape_cast %parallel_loop3A_402 : vector<1x16xf32> to vector<16xf32>
      %parallel_loop3A_404 = vector.shape_cast %parallel_loop3A_347 : vector<16xf32> to vector<1x16xf32>
      tpu.vector_store %arg15[%parallel_loop3A_400, %parallel_loop3A_401], %parallel_loop3A_404 {strides = array<i32>} : memref<80x80xf32, #tpu.memory_space<vmem>>, vector<1x16xf32>,
    } {sc.loop_unroll_factor = 4 : i64, sc.parallel_access}
    %dma_start3A_239 = arith.constant 123 : i32
    %dma_start3A_240 = arith.constant 0 : i32
    %dma_start3A_241 = tpu.memref_slice %arg8[%dma_start3A_239, %dma_start3A_240] : memref<125x80xi32, #tpu.memory_space<vmem>> -> memref<1x80xi32, #tpu.memory_space<vmem>>
    %dma_start3A_242 = tpu.memref_squeeze %dma_start3A_241 : memref<1x80xi32, #tpu.memory_space<vmem>> -> memref<80xi32, #tpu.memory_space<vmem>>
    %dma_start3A_243 = arith.constant 0 : i32
    %dma_start3A_244 = arith.constant 0 : i32
    %dma_start3A_245 = tpu.memref_slice %arg19[%dma_start3A_243, %dma_start3A_244] : memref<10000x80xf32, #tpu.memory_space<vmem_shared>> -> memref<10000x80xf32, #tpu.memory_space<vmem_shared>>
    tpu.enqueue_indirect_dma source(%arg15 : memref<80x80xf32, #tpu.memory_space<vmem>>) target(%dma_start3A_245 : memref<10000x80xf32, #tpu.memory_space<vmem_shared>>) offsets(%dma_start3A_242 : memref<80xi32, #tpu.memory_space<vmem>>) semaphore(%arg23 : memref<!tpu.dma_semaphore, #tpu.memory_space<semaphore_mem>>) {add = true}
    %dma_wait3A_246 = arith.constant 0 : i32
    %dma_wait3A_247 = arith.constant 0 : i32
    %dma_wait3A_248 = tpu.memref_slice %arg2[%dma_wait3A_246, %dma_wait3A_247] : memref<10000x48xf32, #tpu.memory_space<hbm>> -> memref<80x48xf32, #tpu.memory_space<hbm>>
    %dma_wait3A_249 = arith.constant 0 : i32
    %dma_wait3A_250 = arith.constant 0 : i32
    %dma_wait3A_251 = tpu.memref_slice %arg2[%dma_wait3A_249, %dma_wait3A_250] : memref<10000x48xf32, #tpu.memory_space<hbm>> -> memref<80x48xf32, #tpu.memory_space<hbm>>
    tpu.wait_dma2 semaphore(%arg21 : memref<!tpu.dma_semaphore, #tpu.memory_space<semaphore_mem>>) src(%dma_wait3A_251 : memref<80x48xf32, #tpu.memory_space<hbm>>) dst(%arg10 : memref<80x48xf32, #tpu.memory_space<vmem>>)
    %dma_wait3A_252 = arith.constant 0 : i32
    %dma_wait3A_253 = arith.constant 0 : i32
    %dma_wait3A_254 = tpu.memref_slice %arg3[%dma_wait3A_252, %dma_wait3A_253] : memref<10000x16xf32, #tpu.memory_space<hbm>> -> memref<80x16xf32, #tpu.memory_space<hbm>>
    %dma_wait3A_255 = arith.constant 0 : i32
    %dma_wait3A_256 = arith.constant 0 : i32
    %dma_wait3A_257 = tpu.memref_slice %arg3[%dma_wait3A_255, %dma_wait3A_256] : memref<10000x16xf32, #tpu.memory_space<hbm>> -> memref<80x16xf32, #tpu.memory_space<hbm>>
    tpu.wait_dma2 semaphore(%arg21 : memref<!tpu.dma_semaphore, #tpu.memory_space<semaphore_mem>>) src(%dma_wait3A_257 : memref<80x16xf32, #tpu.memory_space<hbm>>) dst(%arg13 : memref<80x16xf32, #tpu.memory_space<vmem>>)
    %dma_wait3A_258 = arith.constant 0 : i32
    %dma_wait3A_259 = arith.constant 0 : i32
    %dma_wait3A_260 = tpu.memref_slice %arg8[%dma_wait3A_258, %dma_wait3A_259] : memref<125x80xi32, #tpu.memory_space<vmem>> -> memref<1x80xi32, #tpu.memory_space<vmem>>
    %dma_wait3A_261 = tpu.memref_squeeze %dma_wait3A_260 : memref<1x80xi32, #tpu.memory_space<vmem>> -> memref<80xi32, #tpu.memory_space<vmem>>
    %dma_wait3A_262 = arith.constant 0 : i32
    %dma_wait3A_263 = arith.constant 0 : i32
    %dma_wait3A_264 = tpu.memref_slice %arg19[%dma_wait3A_262, %dma_wait3A_263] : memref<10000x80xf32, #tpu.memory_space<vmem_shared>> -> memref<10000x80xf32, #tpu.memory_space<vmem_shared>>
    tpu.wait_indirect_dma semaphore(%arg24 : memref<!tpu.dma_semaphore, #tpu.memory_space<semaphore_mem>>) src(%arg16 : memref<80x80xf32, #tpu.memory_space<vmem>>) dst(%dma_wait3A_264 : memref<10000x80xf32, #tpu.memory_space<vmem_shared>>)
    %parallel_loop3A_265 = arith.constant 0 : i32
    %parallel_loop3A_266 = arith.constant 80 : i32
    %parallel_loop3A_267 = arith.constant 1 : i32
    scf.for %parallel_loop3A_307 = %parallel_loop3A_265 to %parallel_loop3A_266 step %parallel_loop3A_267  : i32 {
      %parallel_loop3A_308 = arith.index_cast %parallel_loop3A_307 : i32 to index
      %parallel_loop3A_309 = arith.constant 0 : index
      %parallel_loop3A_310 = tpu.vector_load %arg10[%parallel_loop3A_308, %parallel_loop3A_309] {strides = array<i32>} : memref<80x48xf32, #tpu.memory_space<vmem>>, vector<1x16xf32>,
      %parallel_loop3A_311 = vector.shape_cast %parallel_loop3A_310 : vector<1x16xf32> to vector<16xf32>
      %parallel_loop3A_312 = tpu.bitcast %parallel_loop3A_311 : vector<16xf32> -> vector<16xi32>
      %parallel_loop3A_313 = arith.index_cast %parallel_loop3A_307 : i32 to index
      %parallel_loop3A_314 = arith.constant 16 : index
      %parallel_loop3A_315 = tpu.vector_load %arg10[%parallel_loop3A_313, %parallel_loop3A_314] {strides = array<i32>} : memref<80x48xf32, #tpu.memory_space<vmem>>, vector<1x16xf32>,
      %parallel_loop3A_316 = vector.shape_cast %parallel_loop3A_315 : vector<1x16xf32> to vector<16xf32>
      %parallel_loop3A_317 = tpu.bitcast %parallel_loop3A_316 : vector<16xf32> -> vector<16xi32>
      %parallel_loop3A_318 = arith.constant 16 : i32
      %parallel_loop3A_319 = vector.broadcast %parallel_loop3A_318 : i32 to vector<16xi32>
      %parallel_loop3A_320 = arith.shli %parallel_loop3A_312, %parallel_loop3A_319 : vector<16xi32>
      %parallel_loop3A_321 = tpu.bitcast %parallel_loop3A_320 : vector<16xi32> -> vector<16xf32>
      %parallel_loop3A_322 = arith.constant -65536 : i32
      %parallel_loop3A_323 = vector.broadcast %parallel_loop3A_322 : i32 to vector<16xi32>
      %parallel_loop3A_324 = arith.andi %parallel_loop3A_312, %parallel_loop3A_323 : vector<16xi32>
      %parallel_loop3A_325 = tpu.bitcast %parallel_loop3A_324 : vector<16xi32> -> vector<16xf32>
      %parallel_loop3A_326 = arith.constant 16 : i32
      %parallel_loop3A_327 = vector.broadcast %parallel_loop3A_326 : i32 to vector<16xi32>
      %parallel_loop3A_328 = arith.shli %parallel_loop3A_317, %parallel_loop3A_327 : vector<16xi32>
      %parallel_loop3A_329 = tpu.bitcast %parallel_loop3A_328 : vector<16xi32> -> vector<16xf32>
      %parallel_loop3A_330 = arith.constant -65536 : i32
      %parallel_loop3A_331 = vector.broadcast %parallel_loop3A_330 : i32 to vector<16xi32>
      %parallel_loop3A_332 = arith.andi %parallel_loop3A_317, %parallel_loop3A_331 : vector<16xi32>
      %parallel_loop3A_333 = tpu.bitcast %parallel_loop3A_332 : vector<16xi32> -> vector<16xf32>
      %parallel_loop3A_334 = arith.index_cast %parallel_loop3A_307 : i32 to index
      %parallel_loop3A_335 = arith.constant 32 : index
      %parallel_loop3A_336 = tpu.vector_load %arg10[%parallel_loop3A_334, %parallel_loop3A_335] {strides = array<i32>} : memref<80x48xf32, #tpu.memory_space<vmem>>, vector<1x16xf32>,
      %parallel_loop3A_337 = vector.shape_cast %parallel_loop3A_336 : vector<1x16xf32> to vector<16xf32>
      %parallel_loop3A_338 = arith.index_cast %parallel_loop3A_307 : i32 to index
      %parallel_loop3A_339 = arith.constant 0 : index
      %parallel_loop3A_340 = tpu.vector_load %arg13[%parallel_loop3A_338, %parallel_loop3A_339] {strides = array<i32>} : memref<80x16xf32, #tpu.memory_space<vmem>>, vector<1x16xf32>,
      %parallel_loop3A_341 = vector.shape_cast %parallel_loop3A_340 : vector<1x16xf32> to vector<16xf32>
      %parallel_loop3A_342 = arith.addf %parallel_loop3A_337, %parallel_loop3A_341 : vector<16xf32>
      %parallel_loop3A_343 = arith.constant 2.000000e-01 : f32
      %parallel_loop3A_344 = vector.broadcast %parallel_loop3A_343 : f32 to vector<16xf32>
      %parallel_loop3A_345 = arith.mulf %parallel_loop3A_344, %parallel_loop3A_342 : vector<16xf32>
      %parallel_loop3A_346 = arith.maximumf %parallel_loop3A_342, %parallel_loop3A_345 : vector<16xf32>
      %parallel_loop3A_347 = math.exp %parallel_loop3A_346 : vector<16xf32>
      %parallel_loop3A_348 = tpu.iota {dimensions = array<i32: 0>} : vector<16xi32>
      %parallel_loop3A_349 = arith.constant 3 : i32
      %parallel_loop3A_350 = vector.broadcast %parallel_loop3A_349 : i32 to vector<16xi32>
      %parallel_loop3A_351 = arith.shrui %parallel_loop3A_348, %parallel_loop3A_350 : vector<16xi32>
      %parallel_loop3A_352 = arith.constant 0 : i32
      %parallel_loop3A_353 = vector.broadcast %parallel_loop3A_352 : i32 to vector<16xi32>
      %parallel_loop3A_354 = arith.addi %parallel_loop3A_353, %parallel_loop3A_351 : vector<16xi32>
      %parallel_loop3A_355 = vector.shape_cast %parallel_loop3A_354 : vector<16xi32> to vector<16x1xi32>
      %parallel_loop3A_356 = vector.shape_cast %parallel_loop3A_355 : vector<16x1xi32> to vector<16xi32>
      %parallel_loop3A_357 = tpu.dynamic_gather %parallel_loop3A_347[%parallel_loop3A_356] in [0] : vector<16xf32>, vector<16xi32> -> vector<16xf32>
      %parallel_loop3A_358 = arith.mulf %parallel_loop3A_321, %parallel_loop3A_357 : vector<16xf32>
      %parallel_loop3A_359 = arith.index_cast %parallel_loop3A_307 : i32 to index
      %parallel_loop3A_360 = arith.constant 0 : index
      %parallel_loop3A_361 = tpu.vector_load %arg16[%parallel_loop3A_359, %parallel_loop3A_360] {strides = array<i32>} : memref<80x80xf32, #tpu.memory_space<vmem>>, vector<1x16xf32>,
      %parallel_loop3A_362 = vector.shape_cast %parallel_loop3A_361 : vector<1x16xf32> to vector<16xf32>
      %parallel_loop3A_363 = vector.shape_cast %parallel_loop3A_358 : vector<16xf32> to vector<1x16xf32>
      tpu.vector_store %arg16[%parallel_loop3A_359, %parallel_loop3A_360], %parallel_loop3A_363 {strides = array<i32>} : memref<80x80xf32, #tpu.memory_space<vmem>>, vector<1x16xf32>,
      %parallel_loop3A_364 = arith.constant 2 : i32
      %parallel_loop3A_365 = vector.broadcast %parallel_loop3A_364 : i32 to vector<16xi32>
      %parallel_loop3A_366 = arith.addi %parallel_loop3A_365, %parallel_loop3A_351 : vector<16xi32>
      %parallel_loop3A_367 = vector.shape_cast %parallel_loop3A_366 : vector<16xi32> to vector<16x1xi32>
      %parallel_loop3A_368 = vector.shape_cast %parallel_loop3A_367 : vector<16x1xi32> to vector<16xi32>
      %parallel_loop3A_369 = tpu.dynamic_gather %parallel_loop3A_347[%parallel_loop3A_368] in [0] : vector<16xf32>, vector<16xi32> -> vector<16xf32>
      %parallel_loop3A_370 = arith.mulf %parallel_loop3A_325, %parallel_loop3A_369 : vector<16xf32>
      %parallel_loop3A_371 = arith.index_cast %parallel_loop3A_307 : i32 to index
      %parallel_loop3A_372 = arith.constant 16 : index
      %parallel_loop3A_373 = tpu.vector_load %arg16[%parallel_loop3A_371, %parallel_loop3A_372] {strides = array<i32>} : memref<80x80xf32, #tpu.memory_space<vmem>>, vector<1x16xf32>,
      %parallel_loop3A_374 = vector.shape_cast %parallel_loop3A_373 : vector<1x16xf32> to vector<16xf32>
      %parallel_loop3A_375 = vector.shape_cast %parallel_loop3A_370 : vector<16xf32> to vector<1x16xf32>
      tpu.vector_store %arg16[%parallel_loop3A_371, %parallel_loop3A_372], %parallel_loop3A_375 {strides = array<i32>} : memref<80x80xf32, #tpu.memory_space<vmem>>, vector<1x16xf32>,
      %parallel_loop3A_376 = arith.constant 4 : i32
      %parallel_loop3A_377 = vector.broadcast %parallel_loop3A_376 : i32 to vector<16xi32>
      %parallel_loop3A_378 = arith.addi %parallel_loop3A_377, %parallel_loop3A_351 : vector<16xi32>
      %parallel_loop3A_379 = vector.shape_cast %parallel_loop3A_378 : vector<16xi32> to vector<16x1xi32>
      %parallel_loop3A_380 = vector.shape_cast %parallel_loop3A_379 : vector<16x1xi32> to vector<16xi32>
      %parallel_loop3A_381 = tpu.dynamic_gather %parallel_loop3A_347[%parallel_loop3A_380] in [0] : vector<16xf32>, vector<16xi32> -> vector<16xf32>
      %parallel_loop3A_382 = arith.mulf %parallel_loop3A_329, %parallel_loop3A_381 : vector<16xf32>
      %parallel_loop3A_383 = arith.index_cast %parallel_loop3A_307 : i32 to index
      %parallel_loop3A_384 = arith.constant 32 : index
      %parallel_loop3A_385 = tpu.vector_load %arg16[%parallel_loop3A_383, %parallel_loop3A_384] {strides = array<i32>} : memref<80x80xf32, #tpu.memory_space<vmem>>, vector<1x16xf32>,
      %parallel_loop3A_386 = vector.shape_cast %parallel_loop3A_385 : vector<1x16xf32> to vector<16xf32>
      %parallel_loop3A_387 = vector.shape_cast %parallel_loop3A_382 : vector<16xf32> to vector<1x16xf32>
      tpu.vector_store %arg16[%parallel_loop3A_383, %parallel_loop3A_384], %parallel_loop3A_387 {strides = array<i32>} : memref<80x80xf32, #tpu.memory_space<vmem>>, vector<1x16xf32>,
      %parallel_loop3A_388 = arith.constant 6 : i32
      %parallel_loop3A_389 = vector.broadcast %parallel_loop3A_388 : i32 to vector<16xi32>
      %parallel_loop3A_390 = arith.addi %parallel_loop3A_389, %parallel_loop3A_351 : vector<16xi32>
      %parallel_loop3A_391 = vector.shape_cast %parallel_loop3A_390 : vector<16xi32> to vector<16x1xi32>
      %parallel_loop3A_392 = vector.shape_cast %parallel_loop3A_391 : vector<16x1xi32> to vector<16xi32>
      %parallel_loop3A_393 = tpu.dynamic_gather %parallel_loop3A_347[%parallel_loop3A_392] in [0] : vector<16xf32>, vector<16xi32> -> vector<16xf32>
      %parallel_loop3A_394 = arith.mulf %parallel_loop3A_333, %parallel_loop3A_393 : vector<16xf32>
      %parallel_loop3A_395 = arith.index_cast %parallel_loop3A_307 : i32 to index
      %parallel_loop3A_396 = arith.constant 48 : index
      %parallel_loop3A_397 = tpu.vector_load %arg16[%parallel_loop3A_395, %parallel_loop3A_396] {strides = array<i32>} : memref<80x80xf32, #tpu.memory_space<vmem>>, vector<1x16xf32>,
      %parallel_loop3A_398 = vector.shape_cast %parallel_loop3A_397 : vector<1x16xf32> to vector<16xf32>
      %parallel_loop3A_399 = vector.shape_cast %parallel_loop3A_394 : vector<16xf32> to vector<1x16xf32>
      tpu.vector_store %arg16[%parallel_loop3A_395, %parallel_loop3A_396], %parallel_loop3A_399 {strides = array<i32>} : memref<80x80xf32, #tpu.memory_space<vmem>>, vector<1x16xf32>,
      %parallel_loop3A_400 = arith.index_cast %parallel_loop3A_307 : i32 to index
      %parallel_loop3A_401 = arith.constant 64 : index
      %parallel_loop3A_402 = tpu.vector_load %arg16[%parallel_loop3A_400, %parallel_loop3A_401] {strides = array<i32>} : memref<80x80xf32, #tpu.memory_space<vmem>>, vector<1x16xf32>,
      %parallel_loop3A_403 = vector.shape_cast %parallel_loop3A_402 : vector<1x16xf32> to vector<16xf32>
      %parallel_loop3A_404 = vector.shape_cast %parallel_loop3A_347 : vector<16xf32> to vector<1x16xf32>
      tpu.vector_store %arg16[%parallel_loop3A_400, %parallel_loop3A_401], %parallel_loop3A_404 {strides = array<i32>} : memref<80x80xf32, #tpu.memory_space<vmem>>, vector<1x16xf32>,
    } {sc.loop_unroll_factor = 4 : i64, sc.parallel_access}
    %dma_start3A_268 = arith.constant 124 : i32
    %dma_start3A_269 = arith.constant 0 : i32
    %dma_start3A_270 = tpu.memref_slice %arg8[%dma_start3A_268, %dma_start3A_269] : memref<125x80xi32, #tpu.memory_space<vmem>> -> memref<1x80xi32, #tpu.memory_space<vmem>>
    %dma_start3A_271 = tpu.memref_squeeze %dma_start3A_270 : memref<1x80xi32, #tpu.memory_space<vmem>> -> memref<80xi32, #tpu.memory_space<vmem>>
    %dma_start3A_272 = arith.constant 0 : i32
    %dma_start3A_273 = arith.constant 0 : i32
    %dma_start3A_274 = tpu.memref_slice %arg19[%dma_start3A_272, %dma_start3A_273] : memref<10000x80xf32, #tpu.memory_space<vmem_shared>> -> memref<10000x80xf32, #tpu.memory_space<vmem_shared>>
    tpu.enqueue_indirect_dma source(%arg16 : memref<80x80xf32, #tpu.memory_space<vmem>>) target(%dma_start3A_274 : memref<10000x80xf32, #tpu.memory_space<vmem_shared>>) offsets(%dma_start3A_271 : memref<80xi32, #tpu.memory_space<vmem>>) semaphore(%arg24 : memref<!tpu.dma_semaphore, #tpu.memory_space<semaphore_mem>>) {add = true}
    %dma_wait3A_275 = arith.constant 0 : i32
    %dma_wait3A_276 = arith.constant 0 : i32
    %dma_wait3A_277 = tpu.memref_slice %arg8[%dma_wait3A_275, %dma_wait3A_276] : memref<125x80xi32, #tpu.memory_space<vmem>> -> memref<1x80xi32, #tpu.memory_space<vmem>>
    %dma_wait3A_278 = tpu.memref_squeeze %dma_wait3A_277 : memref<1x80xi32, #tpu.memory_space<vmem>> -> memref<80xi32, #tpu.memory_space<vmem>>
    %dma_wait3A_279 = arith.constant 0 : i32
    %dma_wait3A_280 = arith.constant 0 : i32
    %dma_wait3A_281 = tpu.memref_slice %arg19[%dma_wait3A_279, %dma_wait3A_280] : memref<10000x80xf32, #tpu.memory_space<vmem_shared>> -> memref<10000x80xf32, #tpu.memory_space<vmem_shared>>
    tpu.wait_indirect_dma semaphore(%arg23 : memref<!tpu.dma_semaphore, #tpu.memory_space<semaphore_mem>>) src(%arg15 : memref<80x80xf32, #tpu.memory_space<vmem>>) dst(%dma_wait3A_281 : memref<10000x80xf32, #tpu.memory_space<vmem_shared>>)
    %dma_wait3A_282 = arith.constant 0 : i32
    %dma_wait3A_283 = arith.constant 0 : i32
    %dma_wait3A_284 = tpu.memref_slice %arg8[%dma_wait3A_282, %dma_wait3A_283] : memref<125x80xi32, #tpu.memory_space<vmem>> -> memref<1x80xi32, #tpu.memory_space<vmem>>
    %dma_wait3A_285 = tpu.memref_squeeze %dma_wait3A_284 : memref<1x80xi32, #tpu.memory_space<vmem>> -> memref<80xi32, #tpu.memory_space<vmem>>
    %dma_wait3A_286 = arith.constant 0 : i32
    %dma_wait3A_287 = arith.constant 0 : i32
    %dma_wait3A_288 = tpu.memref_slice %arg19[%dma_wait3A_286, %dma_wait3A_287] : memref<10000x80xf32, #tpu.memory_space<vmem_shared>> -> memref<10000x80xf32, #tpu.memory_space<vmem_shared>>
    tpu.wait_indirect_dma semaphore(%arg24 : memref<!tpu.dma_semaphore, #tpu.memory_space<semaphore_mem>>) src(%arg16 : memref<80x80xf32, #tpu.memory_space<vmem>>) dst(%dma_wait3A_288 : memref<10000x80xf32, #tpu.memory_space<vmem_shared>>)
    %dma_wait3A_289 = arith.constant 0 : i32
    %dma_wait3A_290 = arith.constant 0 : i32
    %dma_wait3A_291 = tpu.memref_slice %arg8[%dma_wait3A_289, %dma_wait3A_290] : memref<125x80xi32, #tpu.memory_space<vmem>> -> memref<1x80xi32, #tpu.memory_space<vmem>>
    %dma_wait3A_292 = tpu.memref_squeeze %dma_wait3A_291 : memref<1x80xi32, #tpu.memory_space<vmem>> -> memref<80xi32, #tpu.memory_space<vmem>>
    %dma_wait3A_293 = arith.constant 0 : i32
    %dma_wait3A_294 = arith.constant 0 : i32
    %dma_wait3A_295 = tpu.memref_slice %arg19[%dma_wait3A_293, %dma_wait3A_294] : memref<10000x80xf32, #tpu.memory_space<vmem_shared>> -> memref<10000x80xf32, #tpu.memory_space<vmem_shared>>
    tpu.wait_indirect_dma semaphore(%arg25 : memref<!tpu.dma_semaphore, #tpu.memory_space<semaphore_mem>>) src(%arg17 : memref<80x80xf32, #tpu.memory_space<vmem>>) dst(%dma_wait3A_295 : memref<10000x80xf32, #tpu.memory_space<vmem_shared>>)
    %barrier3A_296 = arith.constant 0 : index
    tpu.barrier barrier_id(%barrier3A_296)
    %mul3A_297 = arith.constant 624 : i32
    %mul3A_298 = arith.muli %arg1, %mul3A_297 : i32
    %mul3A_299 = arith.constant 10000 : i32
    %mul3A_300 = arith.muli %arg0, %mul3A_299 : i32
    %add3A_301 = arith.addi %mul3A_300, %mul3A_298 : i32
    "tpu.region"() ({
      %run_scoped3A = tpu.sem_alloc : memref<!tpu.dma_semaphore, #tpu.memory_space<semaphore_mem>>
      %dma_start3A_307 = arith.constant 0 : i32
      %dma_start3A_308 = tpu.memref_slice %arg5[%add3A_301, %dma_start3A_307] : memref<20000x80xf32, #tpu.memory_space<hbm>> -> memref<624x80xf32, #tpu.memory_space<hbm>>
      %dma_start3A_309 = arith.constant 0 : i32
      %dma_start3A_310 = tpu.memref_slice %arg19[%mul3A_298, %dma_start3A_309] : memref<10000x80xf32, #tpu.memory_space<vmem_shared>> -> memref<624x80xf32, #tpu.memory_space<vmem_shared>>
      tpu.enqueue_dma source(%dma_start3A_310 : memref<624x80xf32, #tpu.memory_space<vmem_shared>>) target(%dma_start3A_308 : memref<624x80xf32, #tpu.memory_space<hbm>>) target_semaphore(%run_scoped3A : memref<!tpu.dma_semaphore, #tpu.memory_space<semaphore_mem>>)
      %dma_wait3A_311 = arith.constant 0 : i32
      %dma_wait3A_312 = tpu.memref_slice %arg5[%add3A_301, %dma_wait3A_311] : memref<20000x80xf32, #tpu.memory_space<hbm>> -> memref<624x80xf32, #tpu.memory_space<hbm>>
      %dma_wait3A_313 = arith.constant 0 : i32
      %dma_wait3A_314 = tpu.memref_slice %arg19[%mul3A_298, %dma_wait3A_313] : memref<10000x80xf32, #tpu.memory_space<vmem_shared>> -> memref<624x80xf32, #tpu.memory_space<vmem_shared>>
      tpu.wait_dma2 semaphore(%run_scoped3A : memref<!tpu.dma_semaphore, #tpu.memory_space<semaphore_mem>>) src(%dma_wait3A_314 : memref<624x80xf32, #tpu.memory_space<vmem_shared>>) dst(%dma_wait3A_312 : memref<624x80xf32, #tpu.memory_space<hbm>>)
      tpu.yield
    }) : () -> ()
    %eq3A_302 = arith.constant 15 : i32
    %eq3A_303 = arith.cmpi eq, %arg1, %eq3A_302 : i32
    %convert_element_type3A_304 = arith.extui %eq3A_303 : i1 to i32
    %cond3A_305 = arith.constant 0 : i32
    %cond3A_306 = arith.cmpi ne, %convert_element_type3A_304, %cond3A_305 : i32
    scf.if %cond3A_306 {
      %mul3A_307 = arith.constant 10000 : i32
      %mul3A_308 = arith.muli %arg0, %mul3A_307 : i32
      %add3A_309 = arith.constant 9984 : i32
      %add3A_310 = arith.addi %mul3A_308, %add3A_309 : i32
      "tpu.region"() ({
        %run_scoped3A = tpu.sem_alloc : memref<!tpu.dma_semaphore, #tpu.memory_space<semaphore_mem>>
        %dma_start3A_311 = arith.constant 0 : i32
        %dma_start3A_312 = tpu.memref_slice %arg5[%add3A_310, %dma_start3A_311] : memref<20000x80xf32, #tpu.memory_space<hbm>> -> memref<16x80xf32, #tpu.memory_space<hbm>>
        %dma_start3A_313 = arith.constant 9984 : i32
        %dma_start3A_314 = arith.constant 0 : i32
        %dma_start3A_315 = tpu.memref_slice %arg19[%dma_start3A_313, %dma_start3A_314] : memref<10000x80xf32, #tpu.memory_space<vmem_shared>> -> memref<16x80xf32, #tpu.memory_space<vmem_shared>>
        tpu.enqueue_dma source(%dma_start3A_315 : memref<16x80xf32, #tpu.memory_space<vmem_shared>>) target(%dma_start3A_312 : memref<16x80xf32, #tpu.memory_space<hbm>>) target_semaphore(%run_scoped3A : memref<!tpu.dma_semaphore, #tpu.memory_space<semaphore_mem>>)
        %dma_wait3A_316 = arith.constant 0 : i32
        %dma_wait3A_317 = tpu.memref_slice %arg5[%add3A_310, %dma_wait3A_316] : memref<20000x80xf32, #tpu.memory_space<hbm>> -> memref<16x80xf32, #tpu.memory_space<hbm>>
        %dma_wait3A_318 = arith.constant 9984 : i32
        %dma_wait3A_319 = arith.constant 0 : i32
        %dma_wait3A_320 = tpu.memref_slice %arg19[%dma_wait3A_318, %dma_wait3A_319] : memref<10000x80xf32, #tpu.memory_space<vmem_shared>> -> memref<16x80xf32, #tpu.memory_space<vmem_shared>>
        tpu.wait_dma2 semaphore(%run_scoped3A : memref<!tpu.dma_semaphore, #tpu.memory_space<semaphore_mem>>) src(%dma_wait3A_320 : memref<16x80xf32, #tpu.memory_space<vmem_shared>>) dst(%dma_wait3A_317 : memref<16x80xf32, #tpu.memory_space<hbm>>)
        tpu.yield
      }) : () -> ()
    } else {
    }
    return
  }
}

module attributes {stable_mosaic.version = 14 : i64} {
  func.func @_stage_a_body(%arg0: i32, %arg1: memref<5000x128xf32, #tpu.memory_space<vmem>>, %arg2: memref<128x64xf32, #tpu.memory_space<vmem>>, %arg3: memref<1x64xf32, #tpu.memory_space<vmem>>, %arg4: memref<1x64xf32, #tpu.memory_space<vmem>>, %arg5: memref<5000x48xf32, #tpu.memory_space<vmem>>, %arg6: memref<5000x16xf32, #tpu.memory_space<vmem>>) attributes {dimension_semantics = [#tpu.dimension_semantics<arbitrary>], iteration_bounds = array<i64: 2>, scalar_prefetch = 0 : i64, scratch_operands = 0 : i64, tpu.core_type = #tpu.core_type<tc>, window_params = [{transform_indices = @transform_0, window_bounds = array<i64: 5000, 128>}, {pipeline_mode = #tpu.pipeline_mode<synchronous>, transform_indices = @transform_1, window_bounds = array<i64: 128, 64>}, {pipeline_mode = #tpu.pipeline_mode<synchronous>, transform_indices = @transform_2, window_bounds = array<i64: 1, 64>}, {pipeline_mode = #tpu.pipeline_mode<synchronous>, transform_indices = @transform_3, window_bounds = array<i64: 1, 64>}, {transform_indices = @transform_4, window_bounds = array<i64: 5000, 48>}, {transform_indices = @transform_5, window_bounds = array<i64: 5000, 16>}]} {
    %get3A = arith.constant 0 : index
    %get3A_0 = arith.constant 0 : index
    %get3A_1 = vector.load %arg1[%get3A, %get3A_0] : memref<5000x128xf32, #tpu.memory_space<vmem>>, vector<5000x128xf32>
    %get3A_2 = arith.constant 0 : index
    %get3A_3 = arith.constant 0 : index
    %get3A_4 = vector.load %arg2[%get3A_2, %get3A_3] : memref<128x64xf32, #tpu.memory_space<vmem>>, vector<128x64xf32>
    %dot_general3A = arith.constant dense<0.000000e+00> : vector<5000x64xf32>
    %dot_general3A_5 = tpu.matmul %get3A_1, %get3A_4, %dot_general3A {dimension_numbers = #tpu.dot_dimension_numbers<[1], [0], [0], [1], [0, 0, 1, 1], [], []>, transpose_lhs_hint = false} : vector<5000x128xf32>, vector<128x64xf32>, vector<5000x64xf32> -> vector<5000x64xf32>
    %iota3A = tpu.iota {dimensions = array<i32: 0>} : vector<64x8xi32>
    %iota3A_6 = tpu.iota {dimensions = array<i32: 1>} : vector<64x8xi32>
    %jit3A = arith.constant 8 : i32
    %div3A = vector.broadcast %jit3A : i32 to vector<64x8xi32>
    %div3A_7 = arith.divsi %iota3A, %div3A : vector<64x8xi32>
    %sign3A = arith.constant 0 : i32
    %sign3A_8 = vector.broadcast %sign3A : i32 to vector<64x8xi32>
    %sign3A_9 = arith.cmpi sgt, %iota3A, %sign3A_8 : vector<64x8xi32>
    %sign3A_10 = arith.extui %sign3A_9 : vector<64x8xi1> to vector<64x8xi32>
    %sign3A_11 = arith.constant 0 : i32
    %sign3A_12 = vector.broadcast %sign3A_11 : i32 to vector<64x8xi32>
    %sign3A_13 = arith.cmpi slt, %iota3A, %sign3A_12 : vector<64x8xi32>
    %sign3A_14 = arith.extui %sign3A_13 : vector<64x8xi1> to vector<64x8xi32>
    %sign3A_15 = arith.subi %sign3A_10, %sign3A_14 : vector<64x8xi32>
    %sign3A_16 = arith.constant 0 : i32
    %sign3A_17 = arith.cmpi sgt, %jit3A, %sign3A_16 : i32
    %sign3A_18 = arith.extui %sign3A_17 : i1 to i32
    %sign3A_19 = arith.constant 0 : i32
    %sign3A_20 = arith.cmpi slt, %jit3A, %sign3A_19 : i32
    %sign3A_21 = arith.extui %sign3A_20 : i1 to i32
    %sign3A_22 = arith.subi %sign3A_18, %sign3A_21 : i32
    %ne3A = vector.broadcast %sign3A_22 : i32 to vector<64x8xi32>
    %ne3A_23 = arith.cmpi ne, %sign3A_15, %ne3A : vector<64x8xi32>
    %rem3A = vector.broadcast %jit3A : i32 to vector<64x8xi32>
    %rem3A_24 = arith.remsi %iota3A, %rem3A : vector<64x8xi32>
    %ne3A_25 = arith.constant 0 : i32
    %ne3A_26 = vector.broadcast %ne3A_25 : i32 to vector<64x8xi32>
    %ne3A_27 = arith.cmpi ne, %rem3A_24, %ne3A_26 : vector<64x8xi32>
    %and3A = arith.andi %ne3A_23, %ne3A_27 : vector<64x8xi1>
    %sub3A = arith.constant 1 : i32
    %sub3A_28 = vector.broadcast %sub3A : i32 to vector<64x8xi32>
    %sub3A_29 = arith.subi %div3A_7, %sub3A_28 : vector<64x8xi32>
    %select_n3A = arith.select %and3A, %sub3A_29, %div3A_7 : vector<64x8xi1>, vector<64x8xi32>
    %eq3A = arith.cmpi eq, %select_n3A, %iota3A_6 : vector<64x8xi32>
    %convert_element_type3A = arith.extui %eq3A : vector<64x8xi1> to vector<64x8xi32>
    %convert_element_type3A_30 = arith.sitofp %convert_element_type3A : vector<64x8xi32> to vector<64x8xf32>
    %get3A_31 = arith.constant 0 : index
    %get3A_32 = arith.constant 0 : index
    %get3A_33 = vector.load %arg3[%get3A_31, %get3A_32] : memref<1x64xf32, #tpu.memory_space<vmem>>, vector<1x64xf32>
    %mul3A = vector.broadcast %get3A_33 : vector<1x64xf32> to vector<5000x64xf32>
    %mul3A_34 = arith.mulf %dot_general3A_5, %mul3A : vector<5000x64xf32>
    %dot_general3A_35 = arith.constant dense<0.000000e+00> : vector<5000x8xf32>
    %dot_general3A_36 = tpu.matmul %mul3A_34, %convert_element_type3A_30, %dot_general3A_35 {dimension_numbers = #tpu.dot_dimension_numbers<[1], [0], [0], [1], [0, 0, 1, 1], [], []>, transpose_lhs_hint = false} : vector<5000x64xf32>, vector<64x8xf32>, vector<5000x8xf32> -> vector<5000x8xf32>
    %get3A_37 = arith.constant 0 : index
    %get3A_38 = arith.constant 0 : index
    %get3A_39 = vector.load %arg4[%get3A_37, %get3A_38] : memref<1x64xf32, #tpu.memory_space<vmem>>, vector<1x64xf32>
    %mul3A_40 = vector.broadcast %get3A_39 : vector<1x64xf32> to vector<5000x64xf32>
    %mul3A_41 = arith.mulf %dot_general3A_5, %mul3A_40 : vector<5000x64xf32>
    %dot_general3A_42 = arith.constant dense<0.000000e+00> : vector<5000x8xf32>
    %dot_general3A_43 = tpu.matmul %mul3A_41, %convert_element_type3A_30, %dot_general3A_42 {dimension_numbers = #tpu.dot_dimension_numbers<[1], [0], [0], [1], [0, 0, 1, 1], [], []>, transpose_lhs_hint = false} : vector<5000x64xf32>, vector<64x8xf32>, vector<5000x8xf32> -> vector<5000x8xf32>
    %broadcast_in_dim3A = arith.constant 0.000000e+00 : f32
    %broadcast_in_dim3A_44 = vector.broadcast %broadcast_in_dim3A : f32 to vector<5000x8xf32>
    %slice3A = vector.extract_strided_slice %dot_general3A_5 {offsets = [0, 0], sizes = [5000, 16], strides = [1, 1]} : vector<5000x64xf32> to vector<5000x16xf32>
    %slice3A_45 = vector.extract_strided_slice %dot_general3A_5 {offsets = [0, 16], sizes = [5000, 16], strides = [1, 1]} : vector<5000x64xf32> to vector<5000x16xf32>
    %bitcast_convert_type3A = tpu.bitcast %slice3A : vector<5000x16xf32> -> vector<5000x16xi32>
    %bitcast_convert_type3A_46 = tpu.bitcast %slice3A_45 : vector<5000x16xf32> -> vector<5000x16xi32>
    %add3A = arith.constant 32768 : i32
    %add3A_47 = vector.broadcast %add3A : i32 to vector<5000x16xi32>
    %add3A_48 = arith.addi %bitcast_convert_type3A, %add3A_47 : vector<5000x16xi32>
    %shift_right_logical3A = arith.constant 16 : i32
    %shift_right_logical3A_49 = vector.broadcast %shift_right_logical3A : i32 to vector<5000x16xi32>
    %shift_right_logical3A_50 = arith.shrui %add3A_48, %shift_right_logical3A_49 : vector<5000x16xi32>
    %add3A_51 = arith.constant 32768 : i32
    %add3A_52 = vector.broadcast %add3A_51 : i32 to vector<5000x16xi32>
    %add3A_53 = arith.addi %bitcast_convert_type3A_46, %add3A_52 : vector<5000x16xi32>
    %and3A_54 = arith.constant -65536 : i32
    %and3A_55 = vector.broadcast %and3A_54 : i32 to vector<5000x16xi32>
    %and3A_56 = arith.andi %add3A_53, %and3A_55 : vector<5000x16xi32>
    %or3A = arith.ori %shift_right_logical3A_50, %and3A_56 : vector<5000x16xi32>
    %bitcast_convert_type3A_57 = tpu.bitcast %or3A : vector<5000x16xi32> -> vector<5000x16xf32>
    %slice3A_58 = vector.extract_strided_slice %dot_general3A_5 {offsets = [0, 32], sizes = [5000, 16], strides = [1, 1]} : vector<5000x64xf32> to vector<5000x16xf32>
    %slice3A_59 = vector.extract_strided_slice %dot_general3A_5 {offsets = [0, 48], sizes = [5000, 16], strides = [1, 1]} : vector<5000x64xf32> to vector<5000x16xf32>
    %bitcast_convert_type3A_60 = tpu.bitcast %slice3A_58 : vector<5000x16xf32> -> vector<5000x16xi32>
    %bitcast_convert_type3A_61 = tpu.bitcast %slice3A_59 : vector<5000x16xf32> -> vector<5000x16xi32>
    %add3A_62 = arith.constant 32768 : i32
    %add3A_63 = vector.broadcast %add3A_62 : i32 to vector<5000x16xi32>
    %add3A_64 = arith.addi %bitcast_convert_type3A_60, %add3A_63 : vector<5000x16xi32>
    %shift_right_logical3A_65 = arith.constant 16 : i32
    %shift_right_logical3A_66 = vector.broadcast %shift_right_logical3A_65 : i32 to vector<5000x16xi32>
    %shift_right_logical3A_67 = arith.shrui %add3A_64, %shift_right_logical3A_66 : vector<5000x16xi32>
    %add3A_68 = arith.constant 32768 : i32
    %add3A_69 = vector.broadcast %add3A_68 : i32 to vector<5000x16xi32>
    %add3A_70 = arith.addi %bitcast_convert_type3A_61, %add3A_69 : vector<5000x16xi32>
    %and3A_71 = arith.constant -65536 : i32
    %and3A_72 = vector.broadcast %and3A_71 : i32 to vector<5000x16xi32>
    %and3A_73 = arith.andi %add3A_70, %and3A_72 : vector<5000x16xi32>
    %or3A_74 = arith.ori %shift_right_logical3A_67, %and3A_73 : vector<5000x16xi32>
    %bitcast_convert_type3A_75 = tpu.bitcast %or3A_74 : vector<5000x16xi32> -> vector<5000x16xf32>
    %concatenate3A = tpu.concatenate %bitcast_convert_type3A_57, %bitcast_convert_type3A_75, %dot_general3A_36, %broadcast_in_dim3A_44 in 1 : vector<5000x16xf32>, vector<5000x16xf32>, vector<5000x8xf32>, vector<5000x8xf32> -> vector<5000x48xf32>
    %swap3A = arith.constant 0 : index
    %swap3A_76 = arith.constant 0 : index
    %swap3A_77 = vector.load %arg5[%swap3A, %swap3A_76] : memref<5000x48xf32, #tpu.memory_space<vmem>>, vector<5000x48xf32>
    tpu.vector_store %arg5[%swap3A, %swap3A_76], %concatenate3A {strides = array<i32>} : memref<5000x48xf32, #tpu.memory_space<vmem>>, vector<5000x48xf32>,
    %concatenate3A_78 = tpu.concatenate %dot_general3A_43, %broadcast_in_dim3A_44 in 1 : vector<5000x8xf32>, vector<5000x8xf32> -> vector<5000x16xf32>
    %swap3A_79 = arith.constant 0 : index
    %swap3A_80 = arith.constant 0 : index
    %swap3A_81 = vector.load %arg6[%swap3A_79, %swap3A_80] : memref<5000x16xf32, #tpu.memory_space<vmem>>, vector<5000x16xf32>
    tpu.vector_store %arg6[%swap3A_79, %swap3A_80], %concatenate3A_78 {strides = array<i32>} : memref<5000x16xf32, #tpu.memory_space<vmem>>, vector<5000x16xf32>,
    return
  }
  func.func @transform_0(%arg0: i32) -> (i32, i32) {
    %c0_i32 = arith.constant 0 : i32
    %c0_i32_0 = arith.constant 0 : i32
    return %arg0, %c0_i32 : i32, i32
  }
  func.func @transform_1(%arg0: i32) -> (i32, i32) {
    %c0_i32 = arith.constant 0 : i32
    %c0_i32_0 = arith.constant 0 : i32
    %c0_i32_1 = arith.constant 0 : i32
    return %c0_i32, %c0_i32_0 : i32, i32
  }
  func.func @transform_2(%arg0: i32) -> (i32, i32) {
    %c0_i32 = arith.constant 0 : i32
    %c0_i32_0 = arith.constant 0 : i32
    %c0_i32_1 = arith.constant 0 : i32
    return %c0_i32, %c0_i32_0 : i32, i32
  }
  func.func @transform_3(%arg0: i32) -> (i32, i32) {
    %c0_i32 = arith.constant 0 : i32
    %c0_i32_0 = arith.constant 0 : i32
    %c0_i32_1 = arith.constant 0 : i32
    return %c0_i32, %c0_i32_0 : i32, i32
  }
  func.func @transform_4(%arg0: i32) -> (i32, i32) {
    %c0_i32 = arith.constant 0 : i32
    %c0_i32_0 = arith.constant 0 : i32
    return %arg0, %c0_i32 : i32, i32
  }
  func.func @transform_5(%arg0: i32) -> (i32, i32) {
    %c0_i32 = arith.constant 0 : i32
    %c0_i32_0 = arith.constant 0 : i32
    return %arg0, %c0_i32 : i32, i32
  }
}

module attributes {stable_mosaic.version = 14 : i64} {
  func.func @_stage_c_body(%arg0: i32, %arg1: memref<5000x80xf32, #tpu.memory_space<vmem>>, %arg2: memref<5000x80xf32, #tpu.memory_space<vmem>>, %arg3: memref<5000x48xf32, #tpu.memory_space<vmem>>, %arg4: memref<5000x16xf32, #tpu.memory_space<vmem>>, %arg5: memref<1x64xf32, #tpu.memory_space<vmem>>, %arg6: memref<1x64xf32, #tpu.memory_space<vmem>>, %arg7: memref<1x64xf32, #tpu.memory_space<vmem>>, %arg8: memref<64x128xf32, #tpu.memory_space<vmem>>, %arg9: memref<1x128xf32, #tpu.memory_space<vmem>>, %arg10: memref<128x64xf32, #tpu.memory_space<vmem>>, %arg11: memref<1x64xf32, #tpu.memory_space<vmem>>, %arg12: memref<1x64xf32, #tpu.memory_space<vmem>>, %arg13: memref<1x64xf32, #tpu.memory_space<vmem>>, %arg14: memref<5000x64xf32, #tpu.memory_space<vmem>>) attributes {dimension_semantics = [#tpu.dimension_semantics<arbitrary>], iteration_bounds = array<i64: 2>, scalar_prefetch = 0 : i64, scratch_operands = 0 : i64, tpu.core_type = #tpu.core_type<tc>, window_params = [{transform_indices = @transform_0, window_bounds = array<i64: 5000, 80>}, {transform_indices = @transform_1, window_bounds = array<i64: 5000, 80>}, {transform_indices = @transform_2, window_bounds = array<i64: 5000, 48>}, {transform_indices = @transform_3, window_bounds = array<i64: 5000, 16>}, {pipeline_mode = #tpu.pipeline_mode<synchronous>, transform_indices = @transform_4, window_bounds = array<i64: 1, 64>}, {pipeline_mode = #tpu.pipeline_mode<synchronous>, transform_indices = @transform_5, window_bounds = array<i64: 1, 64>}, {pipeline_mode = #tpu.pipeline_mode<synchronous>, transform_indices = @transform_6, window_bounds = array<i64: 1, 64>}, {pipeline_mode = #tpu.pipeline_mode<synchronous>, transform_indices = @transform_7, window_bounds = array<i64: 64, 128>}, {pipeline_mode = #tpu.pipeline_mode<synchronous>, transform_indices = @transform_8, window_bounds = array<i64: 1, 128>}, {pipeline_mode = #tpu.pipeline_mode<synchronous>, transform_indices = @transform_9, window_bounds = array<i64: 128, 64>}, {pipeline_mode = #tpu.pipeline_mode<synchronous>, transform_indices = @transform_10, window_bounds = array<i64: 1, 64>}, {pipeline_mode = #tpu.pipeline_mode<synchronous>, transform_indices = @transform_11, window_bounds = array<i64: 1, 64>}, {pipeline_mode = #tpu.pipeline_mode<synchronous>, transform_indices = @transform_12, window_bounds = array<i64: 1, 64>}, {transform_indices = @transform_13, window_bounds = array<i64: 5000, 64>}]} {
    %get3A = arith.constant 0 : index
    %get3A_0 = arith.constant 0 : index
    %get3A_1 = vector.load %arg1[%get3A, %get3A_0] : memref<5000x80xf32, #tpu.memory_space<vmem>>, vector<5000x80xf32>
    %get3A_2 = arith.constant 0 : index
    %get3A_3 = arith.constant 0 : index
    %get3A_4 = vector.load %arg2[%get3A_2, %get3A_3] : memref<5000x80xf32, #tpu.memory_space<vmem>>, vector<5000x80xf32>
    %add3A = arith.addf %get3A_1, %get3A_4 : vector<5000x80xf32>
    %slice3A = vector.extract_strided_slice %add3A {offsets = [0, 0], sizes = [5000, 64], strides = [1, 1]} : vector<5000x80xf32> to vector<5000x64xf32>
    %slice3A_5 = vector.extract_strided_slice %add3A {offsets = [0, 64], sizes = [5000, 8], strides = [1, 1]} : vector<5000x80xf32> to vector<5000x8xf32>
    %get3A_6 = arith.constant 0 : index
    %get3A_7 = arith.constant 0 : index
    %get3A_8 = vector.load %arg3[%get3A_6, %get3A_7] : memref<5000x48xf32, #tpu.memory_space<vmem>>, vector<5000x48xf32>
    %slice3A_9 = vector.extract_strided_slice %get3A_8 {offsets = [0, 0], sizes = [5000, 32], strides = [1, 1]} : vector<5000x48xf32> to vector<5000x32xf32>
    %bitcast_convert_type3A = tpu.bitcast %slice3A_9 : vector<5000x32xf32> -> vector<5000x32xi32>
    %slice3A_10 = vector.extract_strided_slice %bitcast_convert_type3A {offsets = [0, 0], sizes = [5000, 16], strides = [1, 1]} : vector<5000x32xi32> to vector<5000x16xi32>
    %shift_left3A = arith.constant 16 : i32
    %shift_left3A_11 = vector.broadcast %shift_left3A : i32 to vector<5000x16xi32>
    %shift_left3A_12 = arith.shli %slice3A_10, %shift_left3A_11 : vector<5000x16xi32>
    %bitcast_convert_type3A_13 = tpu.bitcast %shift_left3A_12 : vector<5000x16xi32> -> vector<5000x16xf32>
    %slice3A_14 = vector.extract_strided_slice %bitcast_convert_type3A {offsets = [0, 0], sizes = [5000, 16], strides = [1, 1]} : vector<5000x32xi32> to vector<5000x16xi32>
    %and3A = arith.constant -65536 : i32
    %and3A_15 = vector.broadcast %and3A : i32 to vector<5000x16xi32>
    %and3A_16 = arith.andi %slice3A_14, %and3A_15 : vector<5000x16xi32>
    %bitcast_convert_type3A_17 = tpu.bitcast %and3A_16 : vector<5000x16xi32> -> vector<5000x16xf32>
    %slice3A_18 = vector.extract_strided_slice %bitcast_convert_type3A {offsets = [0, 16], sizes = [5000, 16], strides = [1, 1]} : vector<5000x32xi32> to vector<5000x16xi32>
    %shift_left3A_19 = arith.constant 16 : i32
    %shift_left3A_20 = vector.broadcast %shift_left3A_19 : i32 to vector<5000x16xi32>
    %shift_left3A_21 = arith.shli %slice3A_18, %shift_left3A_20 : vector<5000x16xi32>
    %bitcast_convert_type3A_22 = tpu.bitcast %shift_left3A_21 : vector<5000x16xi32> -> vector<5000x16xf32>
    %slice3A_23 = vector.extract_strided_slice %bitcast_convert_type3A {offsets = [0, 16], sizes = [5000, 16], strides = [1, 1]} : vector<5000x32xi32> to vector<5000x16xi32>
    %and3A_24 = arith.constant -65536 : i32
    %and3A_25 = vector.broadcast %and3A_24 : i32 to vector<5000x16xi32>
    %and3A_26 = arith.andi %slice3A_23, %and3A_25 : vector<5000x16xi32>
    %bitcast_convert_type3A_27 = tpu.bitcast %and3A_26 : vector<5000x16xi32> -> vector<5000x16xf32>
    %concatenate3A = tpu.concatenate %bitcast_convert_type3A_13, %bitcast_convert_type3A_17, %bitcast_convert_type3A_22, %bitcast_convert_type3A_27 in 1 : vector<5000x16xf32>, vector<5000x16xf32>, vector<5000x16xf32>, vector<5000x16xf32> -> vector<5000x64xf32>
    %slice3A_28 = vector.extract_strided_slice %get3A_8 {offsets = [0, 32], sizes = [5000, 8], strides = [1, 1]} : vector<5000x48xf32> to vector<5000x8xf32>
    %get3A_29 = arith.constant 0 : index
    %get3A_30 = arith.constant 0 : index
    %get3A_31 = vector.load %arg4[%get3A_29, %get3A_30] : memref<5000x16xf32, #tpu.memory_space<vmem>>, vector<5000x16xf32>
    %slice3A_32 = vector.extract_strided_slice %get3A_31 {offsets = [0, 0], sizes = [5000, 8], strides = [1, 1]} : vector<5000x16xf32> to vector<5000x8xf32>
    %add3A_33 = arith.addf %slice3A_28, %slice3A_32 : vector<5000x8xf32>
    %mul3A = arith.constant 2.000000e-01 : f32
    %mul3A_34 = vector.broadcast %mul3A : f32 to vector<5000x8xf32>
    %mul3A_35 = arith.mulf %mul3A_34, %add3A_33 : vector<5000x8xf32>
    %max3A = arith.maximumf %add3A_33, %mul3A_35 : vector<5000x8xf32>
    %exp3A = math.exp %max3A : vector<5000x8xf32>
    %iota3A = tpu.iota {dimensions = array<i32: 0>} : vector<8x64xi32>
    %iota3A_36 = tpu.iota {dimensions = array<i32: 1>} : vector<8x64xi32>
    %jit3A = arith.constant 8 : i32
    %div3A = vector.broadcast %jit3A : i32 to vector<8x64xi32>
    %div3A_37 = arith.divsi %iota3A_36, %div3A : vector<8x64xi32>
    %sign3A = arith.constant 0 : i32
    %sign3A_38 = vector.broadcast %sign3A : i32 to vector<8x64xi32>
    %sign3A_39 = arith.cmpi sgt, %iota3A_36, %sign3A_38 : vector<8x64xi32>
    %sign3A_40 = arith.extui %sign3A_39 : vector<8x64xi1> to vector<8x64xi32>
    %sign3A_41 = arith.constant 0 : i32
    %sign3A_42 = vector.broadcast %sign3A_41 : i32 to vector<8x64xi32>
    %sign3A_43 = arith.cmpi slt, %iota3A_36, %sign3A_42 : vector<8x64xi32>
    %sign3A_44 = arith.extui %sign3A_43 : vector<8x64xi1> to vector<8x64xi32>
    %sign3A_45 = arith.subi %sign3A_40, %sign3A_44 : vector<8x64xi32>
    %sign3A_46 = arith.constant 0 : i32
    %sign3A_47 = arith.cmpi sgt, %jit3A, %sign3A_46 : i32
    %sign3A_48 = arith.extui %sign3A_47 : i1 to i32
    %sign3A_49 = arith.constant 0 : i32
    %sign3A_50 = arith.cmpi slt, %jit3A, %sign3A_49 : i32
    %sign3A_51 = arith.extui %sign3A_50 : i1 to i32
    %sign3A_52 = arith.subi %sign3A_48, %sign3A_51 : i32
    %ne3A = vector.broadcast %sign3A_52 : i32 to vector<8x64xi32>
    %ne3A_53 = arith.cmpi ne, %sign3A_45, %ne3A : vector<8x64xi32>
    %rem3A = vector.broadcast %jit3A : i32 to vector<8x64xi32>
    %rem3A_54 = arith.remsi %iota3A_36, %rem3A : vector<8x64xi32>
    %ne3A_55 = arith.constant 0 : i32
    %ne3A_56 = vector.broadcast %ne3A_55 : i32 to vector<8x64xi32>
    %ne3A_57 = arith.cmpi ne, %rem3A_54, %ne3A_56 : vector<8x64xi32>
    %and3A_58 = arith.andi %ne3A_53, %ne3A_57 : vector<8x64xi1>
    %sub3A = arith.constant 1 : i32
    %sub3A_59 = vector.broadcast %sub3A : i32 to vector<8x64xi32>
    %sub3A_60 = arith.subi %div3A_37, %sub3A_59 : vector<8x64xi32>
    %select_n3A = arith.select %and3A_58, %sub3A_60, %div3A_37 : vector<8x64xi1>, vector<8x64xi32>
    %eq3A = arith.cmpi eq, %select_n3A, %iota3A : vector<8x64xi32>
    %convert_element_type3A = arith.extui %eq3A : vector<8x64xi1> to vector<8x64xi32>
    %convert_element_type3A_61 = arith.sitofp %convert_element_type3A : vector<8x64xi32> to vector<8x64xf32>
    %dot_general3A = arith.constant dense<0.000000e+00> : vector<5000x64xf32>
    %dot_general3A_62 = tpu.matmul %exp3A, %convert_element_type3A_61, %dot_general3A {dimension_numbers = #tpu.dot_dimension_numbers<[1], [0], [0], [1], [0, 0, 1, 1], [], []>, transpose_lhs_hint = false} : vector<5000x8xf32>, vector<8x64xf32>, vector<5000x64xf32> -> vector<5000x64xf32>
    %mul3A_63 = arith.mulf %dot_general3A_62, %concatenate3A : vector<5000x64xf32>
    %add3A_64 = arith.addf %slice3A, %mul3A_63 : vector<5000x64xf32>
    %add3A_65 = arith.addf %slice3A_5, %exp3A : vector<5000x8xf32>
    %dot_general3A_66 = arith.constant dense<0.000000e+00> : vector<5000x64xf32>
    %dot_general3A_67 = tpu.matmul %add3A_65, %convert_element_type3A_61, %dot_general3A_66 {dimension_numbers = #tpu.dot_dimension_numbers<[1], [0], [0], [1], [0, 0, 1, 1], [], []>, transpose_lhs_hint = false} : vector<5000x8xf32>, vector<8x64xf32>, vector<5000x64xf32> -> vector<5000x64xf32>
    %add3A_68 = arith.constant 1.000000e-16 : f32
    %add3A_69 = vector.broadcast %add3A_68 : f32 to vector<5000x64xf32>
    %add3A_70 = arith.addf %dot_general3A_67, %add3A_69 : vector<5000x64xf32>
    %div3A_71 = arith.divf %add3A_64, %add3A_70 : vector<5000x64xf32>
    %get3A_72 = arith.constant 0 : index
    %get3A_73 = arith.constant 0 : index
    %get3A_74 = vector.load %arg5[%get3A_72, %get3A_73] : memref<1x64xf32, #tpu.memory_space<vmem>>, vector<1x64xf32>
    %add3A_75 = vector.broadcast %get3A_74 : vector<1x64xf32> to vector<5000x64xf32>
    %add3A_76 = arith.addf %div3A_71, %add3A_75 : vector<5000x64xf32>
    %get3A_77 = arith.constant 0 : index
    %get3A_78 = arith.constant 0 : index
    %get3A_79 = vector.load %arg6[%get3A_77, %get3A_78] : memref<1x64xf32, #tpu.memory_space<vmem>>, vector<1x64xf32>
    %get3A_80 = arith.constant 0 : index
    %get3A_81 = arith.constant 0 : index
    %get3A_82 = vector.load %arg7[%get3A_80, %get3A_81] : memref<1x64xf32, #tpu.memory_space<vmem>>, vector<1x64xf32>
    %reduce_sum3A = arith.constant dense<0.000000e+00> : vector<5000xf32>
    %reduce_sum3A_83 = vector.multi_reduction <add>, %add3A_76, %reduce_sum3A [1] : vector<5000x64xf32> to vector<5000xf32>
    %broadcast_in_dim3A = vector.shape_cast %reduce_sum3A_83 : vector<5000xf32> to vector<5000x1xf32>
    %div3A_84 = arith.constant 6.400000e+01 : f32
    %div3A_85 = vector.broadcast %div3A_84 : f32 to vector<5000x1xf32>
    %div3A_86 = arith.divf %broadcast_in_dim3A, %div3A_85 : vector<5000x1xf32>
    %sub3A_87 = vector.broadcast %div3A_86 : vector<5000x1xf32> to vector<5000x64xf32>
    %sub3A_88 = arith.subf %add3A_76, %sub3A_87 : vector<5000x64xf32>
    %integer_pow3A = arith.mulf %sub3A_88, %sub3A_88 : vector<5000x64xf32>
    %reduce_sum3A_89 = arith.constant dense<0.000000e+00> : vector<5000xf32>
    %reduce_sum3A_90 = vector.multi_reduction <add>, %integer_pow3A, %reduce_sum3A_89 [1] : vector<5000x64xf32> to vector<5000xf32>
    %broadcast_in_dim3A_91 = vector.shape_cast %reduce_sum3A_90 : vector<5000xf32> to vector<5000x1xf32>
    %div3A_92 = arith.constant 6.400000e+01 : f32
    %div3A_93 = vector.broadcast %div3A_92 : f32 to vector<5000x1xf32>
    %div3A_94 = arith.divf %broadcast_in_dim3A_91, %div3A_93 : vector<5000x1xf32>
    %sub3A_95 = vector.broadcast %div3A_86 : vector<5000x1xf32> to vector<5000x64xf32>
    %sub3A_96 = arith.subf %add3A_76, %sub3A_95 : vector<5000x64xf32>
    %add3A_97 = arith.constant 9.99999974E-6 : f32
    %add3A_98 = vector.broadcast %add3A_97 : f32 to vector<5000x1xf32>
    %add3A_99 = arith.addf %div3A_94, %add3A_98 : vector<5000x1xf32>
    %rsqrt3A = math.rsqrt %add3A_99 : vector<5000x1xf32>
    %mul3A_100 = vector.broadcast %rsqrt3A : vector<5000x1xf32> to vector<5000x64xf32>
    %mul3A_101 = arith.mulf %sub3A_96, %mul3A_100 : vector<5000x64xf32>
    %mul3A_102 = vector.broadcast %get3A_79 : vector<1x64xf32> to vector<5000x64xf32>
    %mul3A_103 = arith.mulf %mul3A_101, %mul3A_102 : vector<5000x64xf32>
    %add3A_104 = vector.broadcast %get3A_82 : vector<1x64xf32> to vector<5000x64xf32>
    %add3A_105 = arith.addf %mul3A_103, %add3A_104 : vector<5000x64xf32>
    %get3A_106 = arith.constant 0 : index
    %get3A_107 = arith.constant 0 : index
    %get3A_108 = vector.load %arg8[%get3A_106, %get3A_107] : memref<64x128xf32, #tpu.memory_space<vmem>>, vector<64x128xf32>
    %dot_general3A_109 = arith.constant dense<0.000000e+00> : vector<5000x128xf32>
    %dot_general3A_110 = tpu.matmul %add3A_105, %get3A_108, %dot_general3A_109 {dimension_numbers = #tpu.dot_dimension_numbers<[1], [0], [0], [1], [0, 0, 1, 1], [], []>, transpose_lhs_hint = false} : vector<5000x64xf32>, vector<64x128xf32>, vector<5000x128xf32> -> vector<5000x128xf32>
    %get3A_111 = arith.constant 0 : index
    %get3A_112 = arith.constant 0 : index
    %get3A_113 = vector.load %arg9[%get3A_111, %get3A_112] : memref<1x128xf32, #tpu.memory_space<vmem>>, vector<1x128xf32>
    %add3A_114 = vector.broadcast %get3A_113 : vector<1x128xf32> to vector<5000x128xf32>
    %add3A_115 = arith.addf %dot_general3A_110, %add3A_114 : vector<5000x128xf32>
    %max3A_116 = arith.constant 0.000000e+00 : f32
    %max3A_117 = vector.broadcast %max3A_116 : f32 to vector<5000x128xf32>
    %max3A_118 = arith.maximumf %add3A_115, %max3A_117 : vector<5000x128xf32>
    %get3A_119 = arith.constant 0 : index
    %get3A_120 = arith.constant 0 : index
    %get3A_121 = vector.load %arg10[%get3A_119, %get3A_120] : memref<128x64xf32, #tpu.memory_space<vmem>>, vector<128x64xf32>
    %dot_general3A_122 = arith.constant dense<0.000000e+00> : vector<5000x64xf32>
    %dot_general3A_123 = tpu.matmul %max3A_118, %get3A_121, %dot_general3A_122 {dimension_numbers = #tpu.dot_dimension_numbers<[1], [0], [0], [1], [0, 0, 1, 1], [], []>, transpose_lhs_hint = false} : vector<5000x128xf32>, vector<128x64xf32>, vector<5000x64xf32> -> vector<5000x64xf32>
    %get3A_124 = arith.constant 0 : index
    %get3A_125 = arith.constant 0 : index
    %get3A_126 = vector.load %arg11[%get3A_124, %get3A_125] : memref<1x64xf32, #tpu.memory_space<vmem>>, vector<1x64xf32>
    %add3A_127 = vector.broadcast %get3A_126 : vector<1x64xf32> to vector<5000x64xf32>
    %add3A_128 = arith.addf %dot_general3A_123, %add3A_127 : vector<5000x64xf32>
    %add3A_129 = arith.addf %add3A_128, %add3A_76 : vector<5000x64xf32>
    %get3A_130 = arith.constant 0 : index
    %get3A_131 = arith.constant 0 : index
    %get3A_132 = vector.load %arg12[%get3A_130, %get3A_131] : memref<1x64xf32, #tpu.memory_space<vmem>>, vector<1x64xf32>
    %get3A_133 = arith.constant 0 : index
    %get3A_134 = arith.constant 0 : index
    %get3A_135 = vector.load %arg13[%get3A_133, %get3A_134] : memref<1x64xf32, #tpu.memory_space<vmem>>, vector<1x64xf32>
    %reduce_sum3A_136 = arith.constant dense<0.000000e+00> : vector<5000xf32>
    %reduce_sum3A_137 = vector.multi_reduction <add>, %add3A_129, %reduce_sum3A_136 [1] : vector<5000x64xf32> to vector<5000xf32>
    %broadcast_in_dim3A_138 = vector.shape_cast %reduce_sum3A_137 : vector<5000xf32> to vector<5000x1xf32>
    %div3A_139 = arith.constant 6.400000e+01 : f32
    %div3A_140 = vector.broadcast %div3A_139 : f32 to vector<5000x1xf32>
    %div3A_141 = arith.divf %broadcast_in_dim3A_138, %div3A_140 : vector<5000x1xf32>
    %sub3A_142 = vector.broadcast %div3A_141 : vector<5000x1xf32> to vector<5000x64xf32>
    %sub3A_143 = arith.subf %add3A_129, %sub3A_142 : vector<5000x64xf32>
    %integer_pow3A_144 = arith.mulf %sub3A_143, %sub3A_143 : vector<5000x64xf32>
    %reduce_sum3A_145 = arith.constant dense<0.000000e+00> : vector<5000xf32>
    %reduce_sum3A_146 = vector.multi_reduction <add>, %integer_pow3A_144, %reduce_sum3A_145 [1] : vector<5000x64xf32> to vector<5000xf32>
    %broadcast_in_dim3A_147 = vector.shape_cast %reduce_sum3A_146 : vector<5000xf32> to vector<5000x1xf32>
    %div3A_148 = arith.constant 6.400000e+01 : f32
    %div3A_149 = vector.broadcast %div3A_148 : f32 to vector<5000x1xf32>
    %div3A_150 = arith.divf %broadcast_in_dim3A_147, %div3A_149 : vector<5000x1xf32>
    %sub3A_151 = vector.broadcast %div3A_141 : vector<5000x1xf32> to vector<5000x64xf32>
    %sub3A_152 = arith.subf %add3A_129, %sub3A_151 : vector<5000x64xf32>
    %add3A_153 = arith.constant 9.99999974E-6 : f32
    %add3A_154 = vector.broadcast %add3A_153 : f32 to vector<5000x1xf32>
    %add3A_155 = arith.addf %div3A_150, %add3A_154 : vector<5000x1xf32>
    %rsqrt3A_156 = math.rsqrt %add3A_155 : vector<5000x1xf32>
    %mul3A_157 = vector.broadcast %rsqrt3A_156 : vector<5000x1xf32> to vector<5000x64xf32>
    %mul3A_158 = arith.mulf %sub3A_152, %mul3A_157 : vector<5000x64xf32>
    %mul3A_159 = vector.broadcast %get3A_132 : vector<1x64xf32> to vector<5000x64xf32>
    %mul3A_160 = arith.mulf %mul3A_158, %mul3A_159 : vector<5000x64xf32>
    %add3A_161 = vector.broadcast %get3A_135 : vector<1x64xf32> to vector<5000x64xf32>
    %add3A_162 = arith.addf %mul3A_160, %add3A_161 : vector<5000x64xf32>
    %swap3A = arith.constant 0 : index
    %swap3A_163 = arith.constant 0 : index
    %swap3A_164 = vector.load %arg14[%swap3A, %swap3A_163] : memref<5000x64xf32, #tpu.memory_space<vmem>>, vector<5000x64xf32>
    tpu.vector_store %arg14[%swap3A, %swap3A_163], %add3A_162 {strides = array<i32>} : memref<5000x64xf32, #tpu.memory_space<vmem>>, vector<5000x64xf32>,
    return
  }
  func.func @transform_0(%arg0: i32) -> (i32, i32) {
    %c0_i32 = arith.constant 0 : i32
    %c0_i32_0 = arith.constant 0 : i32
    return %arg0, %c0_i32 : i32, i32
  }
  func.func @transform_1(%arg0: i32) -> (i32, i32) {
    %add3A = arith.constant 2 : i32
    %add3A_0 = arith.addi %arg0, %add3A : i32
    %c0_i32 = arith.constant 0 : i32
    %c0_i32_1 = arith.constant 0 : i32
    return %add3A_0, %c0_i32 : i32, i32
  }
  func.func @transform_2(%arg0: i32) -> (i32, i32) {
    %c0_i32 = arith.constant 0 : i32
    %c0_i32_0 = arith.constant 0 : i32
    return %arg0, %c0_i32 : i32, i32
  }
  func.func @transform_3(%arg0: i32) -> (i32, i32) {
    %c0_i32 = arith.constant 0 : i32
    %c0_i32_0 = arith.constant 0 : i32
    return %arg0, %c0_i32 : i32, i32
  }
  func.func @transform_4(%arg0: i32) -> (i32, i32) {
    %c0_i32 = arith.constant 0 : i32
    %c0_i32_0 = arith.constant 0 : i32
    %c0_i32_1 = arith.constant 0 : i32
    return %c0_i32, %c0_i32_0 : i32, i32
  }
  func.func @transform_5(%arg0: i32) -> (i32, i32) {
    %c0_i32 = arith.constant 0 : i32
    %c0_i32_0 = arith.constant 0 : i32
    %c0_i32_1 = arith.constant 0 : i32
    return %c0_i32, %c0_i32_0 : i32, i32
  }
  func.func @transform_6(%arg0: i32) -> (i32, i32) {
    %c0_i32 = arith.constant 0 : i32
    %c0_i32_0 = arith.constant 0 : i32
    %c0_i32_1 = arith.constant 0 : i32
    return %c0_i32, %c0_i32_0 : i32, i32
  }
  func.func @transform_7(%arg0: i32) -> (i32, i32) {
    %c0_i32 = arith.constant 0 : i32
    %c0_i32_0 = arith.constant 0 : i32
    %c0_i32_1 = arith.constant 0 : i32
    return %c0_i32, %c0_i32_0 : i32, i32
  }
  func.func @transform_8(%arg0: i32) -> (i32, i32) {
    %c0_i32 = arith.constant 0 : i32
    %c0_i32_0 = arith.constant 0 : i32
    %c0_i32_1 = arith.constant 0 : i32
    return %c0_i32, %c0_i32_0 : i32, i32
  }
  func.func @transform_9(%arg0: i32) -> (i32, i32) {
    %c0_i32 = arith.constant 0 : i32
    %c0_i32_0 = arith.constant 0 : i32
    %c0_i32_1 = arith.constant 0 : i32
    return %c0_i32, %c0_i32_0 : i32, i32
  }
  func.func @transform_10(%arg0: i32) -> (i32, i32) {
    %c0_i32 = arith.constant 0 : i32
    %c0_i32_0 = arith.constant 0 : i32
    %c0_i32_1 = arith.constant 0 : i32
    return %c0_i32, %c0_i32_0 : i32, i32
  }
  func.func @transform_11(%arg0: i32) -> (i32, i32) {
    %c0_i32 = arith.constant 0 : i32
    %c0_i32_0 = arith.constant 0 : i32
    %c0_i32_1 = arith.constant 0 : i32
    return %c0_i32, %c0_i32_0 : i32, i32
  }
  func.func @transform_12(%arg0: i32) -> (i32, i32) {
    %c0_i32 = arith.constant 0 : i32
    %c0_i32_0 = arith.constant 0 : i32
    %c0_i32_1 = arith.constant 0 : i32
    return %c0_i32, %c0_i32_0 : i32, i32
  }
  func.func @transform_13(%arg0: i32) -> (i32, i32) {
    %c0_i32 = arith.constant 0 : i32
    %c0_i32_0 = arith.constant 0 : i32
    return %arg0, %c0_i32 : i32, i32
  }
}

</mosaic_0001>

<sc_bundles>
// kernel: kernel.5.cloned.1.call-start
scs
__scs_entry_jumppad:
0x0: {  	(pc) =	sbr.rel $0x88, $3  }
0x1: {  	(tag) =	ssettag $0x0;
	lr =	simm.s32 $0x1  }
0x2: {  	[smem:$0x3F93] =	sst lr;
	_ =	strace $0xD0000000  }
0x3: {  	_ = 	snop  }
0x4: {  	_ = 	snop  }
0x5: {  	_ = 	snop  }
0x6: {  	_ = 	snop  }
0x7: {  	_ = 	snop  }
__scs_overlays_trampoline_lowered:
0x8: {  	[smem:$0x3FA2] =	sst s0  }
0x9: {  	[smem:$0x3FA3] =	sst s1  }
0xa: {  	[smem:$0x3FA4] =	sst s2  }
0xb: {  	[smem:$0x3FA5] =	sst s3  }
0xc: {  	[smem:$0x3FA6] =	sst s4  }
0xd: {  	[smem:$0x3FA7] =	sst s5  }
0xe: {  	[smem:$0x3FA8] =	sst s6  }
0xf: {  	[smem:$0x3FA9] =	sst s7  }
0x10: {  	[smem:$0x3FAA] =	sst s8  }
0x11: {  	[smem:$0x3FAB] =	sst s9;
	s0 =	simm.s32 @!p0 $0x0  }
0x12: {  	s1 =	sld [smem:$0x3F91];
	s0 =	simm.s32 @p0 $0x1  }
0x13: {  	[smem:$0x3FAC] =	sst s0;
	s0 =	simm.s32 @!p1 $0x0  }
0x14: {  	s2 =	sld [smem:$0x3F90];
	s0 =	simm.s32 @p1 $0x1  }
0x15: {  	[smem:$0x3FAD] =	sst s0;
	s0 =	simm.s32 @!p2 $0x0  }
0x16: {  	s3 =	sld [smem:$0x3FDB];
	s0 =	simm.s32 @p2 $0x1  }
0x17: {  	s4 =	simm.s32 $0x1BF5;
	[smem:$0x3FAF] =	sst s0  }
0x18: {  	s0 =	sld [smem:$0x3F92];
	_ =	swait.ge [sflag:s4], $0x0  }
0x19: {  	s7 =	sld [smem:$0x3F93]  }
0x1a: {  	s8 =	sadd.s32 $0xFFFFE003, lr  }
0x1b: {  	s9 =	sadd.s32 $0xFFFFFEF7, lr;
	s5 =	simm.s32 $0xFFFFFFFF;
	p2 =	slt.u32 s8, $0xFFFFF086  }
0x1c: {  	p1 =	slt.u32 s9, $0xF7A;
	s5 =	simm.s32 @!p2 $0x0  }
0x1d: {  	s5 =	simm.s32 @p1 $0x1;
	p0 =	seq.s32 s7, s2  }
0x1e: {  	s7 =	smul.u32 @!p0 $0xF7A, s2;
	p2 =	seq.s32 @!p0 s5, $0x0  }
0x1f: {  	s9 =	smul.u32 $0xF7A, s1;
	s8 =	simm.s32 @!p0 $0x1BF5;
	p2 =	por !p2, p0  }
0x20: {  	[sflag:s8] =	ssyncset.s32 @!p0 $0xFFFFF086;
	s6 =	sadd.s32 @!p0 s3, s7;
	s7 =	simm.s32 @!p0 $0x108  }
0x21: {  	s3 =	sadd.s32 s3, s9;
	s6 =	sadd.s32 @!p0 $0x88, s6;
	s7 =	simm.s32 @p2 $0x1082  }
0x22: {  	[simem:s7], [sflag:s8] =	dma.local @!p0 [hbm:s6], $0xF7A  }
0x23: {  	s9 =	sor.u32 $0xD0000000, s2;
	s6 =	simm.s32 $0x108;
	_ =	swait.ge @!p0 [sflag:s8], $0x0  }
0x24: {  	s3 =	sadd.s32 $0x88, s3;
	s6 =	simm.s32 @!p1 $0x1082;
	[sflag:s4] =	ssyncset.s32 $0xFFFFF086  }
0x25: {  	[simem:s6], [sflag:s4] =	dma.local [hbm:s3], $0xF7A  }
0x26: {  	[smem:$0x3F93] =	sst s1;
	(tag) =	ssettag s2;
	_ =	strace s9  }
0x27: {  	s1 =	sld [smem:$0x3FA3]  }
0x28: {  	s2 =	sld [smem:$0x3FA4]  }
0x29: {  	s4 =	sld [smem:$0x3FA6]  }
0x2a: {  	p0 =	seq.s32 s5, $0x0;
	s5 =	sld [smem:$0x3FA7]  }
0x2b: {  	s6 =	sld [smem:$0x3FA8]  }
0x2c: {  	s7 =	sld [smem:$0x3FA9]  }
0x2d: {  	s3 =	simm.s32 $0x108;
	s8 =	sld [smem:$0x3FAA]  }
0x2e: {  	s3 =	simm.s32 @!p0 $0x1082;
	s9 =	sld [smem:$0x3FAB]  }
0x2f: {  	lr =	sadd.s32 s0, s3;
	s0 =	sld [smem:$0x3FA2]  }
0x30: {  	s3 =	sld [smem:$0x3FA5]  }
0x31: {  	[smem:$0x3FAE] =	sst s10  }
0x32: {  	s10 =	sld [smem:$0x3FAC];
	_ =	sdelay $0x3  }
0x33: {  	p0 =	seq.s32 s10, $0x1;
	s10 =	sld [smem:$0x3FAE];
	_ =	sdelay $0x3  }
0x34: {  	[smem:$0x3FAE] =	sst s10  }
0x35: {  	s10 =	sld [smem:$0x3FAD];
	_ =	sdelay $0x3  }
0x36: {  	p1 =	seq.s32 s10, $0x1;
	s10 =	sld [smem:$0x3FAE];
	_ =	sdelay $0x3  }
0x37: {  	[smem:$0x3FAE] =	sst s10  }
0x38: {  	s10 =	sld [smem:$0x3FAF]  }
0x39: {  	_ = 	snop;
	(pc) =	sbr.ind lr, $3  }
0x3a: {  	_ = 	snop  }
0x3b: {  	_ = 	snop  }
0x3c: {  	p2 =	seq.s32 s10, $0x1;
	s10 =	sld [smem:$0x3FAE]  }
0x3d: {  	_ =	shalt  }
0x3e: {  	_ =	shalt  }
0x3f: {  	_ =	shalt  }
0x40: {  	_ =	shalt  }
0x41: {  	_ =	shalt  }
0x42: {  	_ =	shalt  }
0x43: {  	_ =	shalt  }
0x44: {  	_ =	shalt  }
0x45: {  	_ =	shalt  }
0x46: {  	_ =	shalt  }
0x47: {  	_ =	shalt  }
0x48: {  	_ =	shalt  }
0x49: {  	_ =	shalt  }
0x4a: {  	_ =	shalt  }
0x4b: {  	_ =	shalt  }
0x4c: {  	_ =	shalt  }
0x4d: {  	_ =	shalt  }
0x4e: {  	_ =	shalt  }
0x4f: {  	_ =	shalt  }
0x50: {  	_ =	shalt  }
0x51: {  	_ =	shalt  }
0x52: {  	_ =	shalt  }
0x53: {  	_ =	shalt  }
0x54: {  	_ =	shalt  }
0x55: {  	_ =	shalt  }
0x56: {  	_ =	shalt  }
0x57: {  	_ =	shalt  }
0x58: {  	_ =	shalt  }
0x59: {  	_ =	shalt  }
0x5a: {  	_ =	shalt  }
0x5b: {  	_ =	shalt  }
0x5c: {  	_ =	shalt  }
0x5d: {  	_ =	shalt  }
0x5e: {  	_ =	shalt  }
0x5f: {  	_ =	shalt  }
0x60: {  	_ =	shalt  }
0x61: {  	_ =	shalt  }
0x62: {  	_ =	shalt  }
0x63: {  	_ =	shalt  }
0x64: {  	_ =	shalt  }
0x65: {  	_ =	shalt  }
0x66: {  	_ =	shalt  }
0x67: {  	_ =	shalt  }
0x68: {  	_ =	shalt  }
0x69: {  	_ =	shalt  }
0x6a: {  	_ =	shalt  }
0x6b: {  	_ =	shalt  }
0x6c: {  	_ =	shalt  }
0x6d: {  	_ =	shalt  }
0x6e: {  	_ =	shalt  }
0x6f: {  	_ =	shalt  }
0x70: {  	_ =	shalt  }
0x71: {  	_ =	shalt  }
0x72: {  	_ =	shalt  }
0x73: {  	_ =	shalt  }
0x74: {  	_ =	shalt  }
0x75: {  	_ =	shalt  }
0x76: {  	_ =	shalt  }
0x77: {  	_ =	shalt  }
0x78: {  	_ =	shalt  }
0x79: {  	_ =	shalt  }
0x7a: {  	_ =	shalt  }
0x7b: {  	_ =	shalt  }
0x7c: {  	_ =	shalt  }
0x7d: {  	_ =	shalt  }
0x7e: {  	_ =	shalt  }
0x7f: {  	_ =	shalt  }
0x80: {  	_ =	shalt  }
0x81: {  	_ =	shalt  }
0x82: {  	_ =	shalt  }
0x83: {  	_ =	shalt  }
0x84: {  	_ =	shalt  }
0x85: {  	_ =	shalt  }
0x86: {  	_ =	shalt  }
0x87: {  	_ =	shalt  }
.Lfunc_end0:
.L_simem_size_0:
called_computation_lowered:
.L_overlay_start_0:
0x88: {  	s2 =	sld [smem:$0x3FD9]  }
0x89: {  	s3 =	sld [smem:$0x3FFE];
	_ =	sdelay $0x1  }
0x8a: {  	s1 =	srdreg.scid  }
0x8b: {  	s0 =	sand.u32 $0x1, s1  }
0x8c: {  	s17 =	sshll.u32 s0, $0xA;
	s2 =	sadd.s32 s3, s2  }
0x8d: {  	s2 =	sadd.s32 s2, s17  }
0x8e: {  	[smem:$0x3FBA] =	sst s2  }
0x8f: {  	_ = 	snop  }
0x90: {  	s2 =	sld [smem:$0x3FD0];
	(tm) =	ssettm $0x1  }
0x91: {  	s18 =	sld [smem:$0x3FFB];
	_ =	sdelay $0x3  }
0x92: {  	_ =	strace s18  }
0x93: {  	s3 =	sld [smem:$0x3FFC];
	_ =	sdelay $0x3  }
0x94: {  	_ =	strace s3  }
0x95: {  	s3 =	sld [smem:$0x3FFD];
	_ =	sdelay $0x3  }
0x96: {  	_ =	strace s3  }
0x97: {  	_ =	strace $0x8FFFFFFF  }
0x98: {  	s19 =	sld [smem:$0x3FDB];
	_ =	sdelay $0x1  }
0x99: {  	s4 =	simm.s32 $_scs_section_size  }
0x9a: {  	s5 =	simm.s32 $_size__tile_overlayer_lowered;
	s6 =	simm.s32 $_tile_overlayer_lowered  }
0x9b: {  	s22 =	simm.s32 $0x1BFF;
	s21 =	sshll.u32 s6, $0x1;
	s3 =	sadd.s32 s4, s19  }
0x9c: {  	s7 =	simm.s32 $0x0;
	s20 =	sshll.u32 s5, $0x1;
	s5 =	sadd.s32 s21, s3  }
0x9d: {  	[timem:s7], [sflag:s22] =	dma.local [hbm:s5], s20  }
0x9e: {  	_ =	swait.ge [sflag:s22], s20  }
0x9f: {  	s4 =	ssub.s32 $0x0, s20;
	[sflag:s22] =	ssyncset.done $0x0  }
0xa0: {  	[sflag:s22] =	ssyncadd.s32 s4;
	_ =	sdelay $0x1  }
0xa1: {  	s23 =	simm.s32 $0x1B8B  }
0xa2: {  	_ =	swait.ge [sflag:s23], $0x1  }
0xa3: {  	[sflag:s23] =	ssyncset.done $0x0  }
0xa4: {  	s25 =	simm.s32 $0x1B8E;
	s24 =	sld [smem:$0x3FFE];
	[sflag:s23] =	ssyncadd.s32 $0xFFFFFFFF  }
0xa5: {  	s26 =	simm.s32 $execute0_lowered;
	[smem:$0x3FD2] =	sst s25  }
0xa6: {  	s5 =	sshll.u32 s26, $0x1;
	_ =	strace $0x80000046;
	[dreg:$0x1] =	wrdreg $0xFFFFFFFF  }
0xa7: {  	s28 =	simm.s32 $_size_execute0_lowered;
	s3 =	sadd.s32 s3, s5;
	[dreg:$0x0] =	wrdreg $0x0  }
0xa8: {  	s5 =	sshll.u32 s28, $0x1;
	[dreg:$0x2] =	wrdreg s3  }
0xa9: {  	[dreg:$0x3] =	wrdreg s5  }
0xaa: {  	[dreg:$0x4] =	wrdreg $0xC0  }
0xab: {  	_ =	task [dreg:s7], $0x5FFFF  }
0xac: {  	[dreg:$0x1] =	wrdreg $0xFFFFFFFF  }
0xad: {  	[dreg:$0x0] =	wrdreg $0x60  }
0xae: {  	[dreg:$0x2] =	wrdreg s2  }
0xaf: {  	[dreg:$0x3] =	wrdreg s24  }
0xb0: {  	[dreg:$0x4] =	wrdreg $0x11CB00  }
0xb1: {  	[dreg:$0x5] =	wrdreg $0x9  }
0xb2: {  	_ =	task.clear_ibuf [dreg:s7], $0x6FFFF;
	_ =	strace $0x90000046  }
0xb3: {  	s29 =	simm.s32 $0x9;
	_ =	strace $0x80000048  }
0xb4: {  	_ =	swait.ge [sflag:s29], $0x1  }
0xb5: {  	[sflag:s29] =	ssyncadd.s32 $0xFFFFFFFF  }
0xb6: {  	_ =	strace $0x90000048  }
0xb7: {  	_ =	sfence  }
0xb8: {  	s30 =	sld [smem:$0x0];
	_ =	sdelay $0x2  }
0xb9: {  	s31 =	sshll.u32 s1, $0xD;
	s1 =	sshrl.u32 s1, $0x2  }
0xba: {  	s3 =	sand.u32 $0x4000, s31;
	s1 =	sadd.s32 s1, s30  }
0xbb: {  	s0 =	sor.u32 s3, s0;
	s1 =	sshll.u32 s1, $0x11  }
0xbc: {  	s0 =	sor.u32 s1, s0  }
0xbd: {  	s0 =	sadd.s32 $0x8F2B, s0  }
0xbe: {  	[sflag:s0] =	ssyncadd.remote.s32 $0x1  }
0xbf: {  	_ =	sfence.sel $0xFFFF  }
0xc0: {  	[dreg:$0x0] =	wrdreg $0xFFFFFFFF;
	(pc) =	sbr.abs _section_cstart, $3  }
0xc1: {  	[dreg:$0x1] =	wrdreg $0xFFFFFFFF  }
0xc2: {  	_ =	task.clear_ibuf [dreg:s7], $0x2FFFF;
	_ =	strace $0x9FFFFFFF  }
0xc3: {  	(tm) =	ssettm $0x7FFFFFFF  }
tec
execute0_lowered:
.L_overlay_start_1:
0x0: {  	(tag) =	ssettag $0x1  }
0x1: {  	s1 =	rddreg [dreg:$0x0]  }
0x2: {  	s0 =	rddreg [dreg:$0x1]  }
0x3: {  	s2 =	rddreg [dreg:$0x2];
	s3 =	srdreg.scid;
	s5 =	simm.s32 $0x0  }
0x4: {  	s9 =	stileid.u32;
	s17 =	simm.s32 $0x7;
	s29 =	simm.s32 $0xB130  }
0x5: {  	s30 =	simm.s32 $0xCA30;
	s31 =	simm.s32 $0xE330;
	s10 =	simm.s32 $0x6  }
0x6: {  	s11 =	simm.s32 $0x0;
	s3 =	sand.u32 $0x1, s3;
	s7 =	smul.u32 $0x30C00, s9  }
0x7: {  	[smem:$0x7FF] =	sst s5;
	s5 =	sadd.s32 $0x1800, s0;
	s18 =	smul.u32 $0x1860, s9  }
0x8: {  	s25 =	sadd.s32 $0xC3000, s2;
	p0 =	sne.s32 s9, $0xF;
	s4 =	sshll.u32 s3, $0x4  }
0x9: {  	_ =	strace $0x80000047;
	s6 =	ssub.s32 $0x2, s3;
	s19 =	smul.u32 $0xC3500, s3  }
0xa: {  	s3 =	smul.u32 $0x186A0, s3;
	[dreg:$0xb] =	wrdreg s25;
	s25 =	simm.s32 $0x4E70  }
0xb: {  	s4 =	sor.u32 s9, s4;
	s8 =	sshrl.u32 s6, $0x1;
	s7 =	sshrl.u32 s7, $0x2  }
0xc: {  	s9 =	simm.s32 $0x3;
	s4 =	smul.u32 $0x4E2, s4;
	s23 =	sadd.s32 s7, s2  }
0xd: {  	s6 =	ssub.s32 s6, s8;
	s7 =	sadd.s32 $0x2080, s23;
	[dreg:$0x5] =	wrdreg s23  }
0xe: {  	s3 =	sadd.s32 s18, s3;
	s20 =	sadd.s32 $0x4100, s23;
	[dreg:$0x6] =	wrdreg s7  }
0xf: {  	s18 =	simm.s32 $0x50;
	s21 =	sadd.s32 $0x6180, s23;
	[dreg:$0x7] =	wrdreg s20  }
0x10: {  	s8 =	simm.s32 $0x5;
	s22 =	sadd.s32 $0x8200, s23;
	[dreg:$0x8] =	wrdreg s21  }
0x11: {  	s24 =	sadd.s32 $0xA280, s23;
	s28 =	smax.u32 s6, $0x1;
	[dreg:$0x9] =	wrdreg s22  }
0x12: {  	s6 =	simm.s32 $0x2;
	s4 =	sadd.s32 s4, s0;
	[dreg:$0xa] =	wrdreg s24  }
0x13: {  	s0 =	sadd.s32 $0x10600, s0;
	[dreg:$0xe] =	wrdreg s28;
	s20 =	simm.s32 $0x7530  }
0x14: {  	s22 =	simm.s32 $0xA230;
	s24 =	simm.s32 $0x8430;
	s4 =	sadd.s32 $0x6800, s4  }
0x15: {  	[dreg:$0x4] =	wrdreg s4;
	s4 =	sshrl.u32 s19, $0x3;
	s19 =	simm.s32 $0x4  }
0x16: {  	v1 =	vlaneseq.u32;
	s4 =	sadd.s32 s0, s4;
	s0 =	sadd.s32 s0, s3;
	s3 =	simm.s32 $0xAC30  }
0x17: {  	v0 =	vimm.f32 $0.0e+00;
	v1 =	vshrl.u32 v1, $0x3;
	[dreg:$0xc] =	wrdreg s0;
	s26 =	sadd.s32 $0x18600, s4;
	s0 =	simm.s32 $0x1  }
0x18: {  	v2 =	vor.u32 $0x2, v1;
	v3 =	vor.u32 $0x4, v1;
	v4 =	vor.u32 $0x6, v1;
	s4 =	simm.s32 $0x9330;
	[dreg:$0xd] =	wrdreg s26;
	s26 =	simm.s32 $0xA730  }
.LBB2_1:
0x19: {  	s7 =	simm.s32 $0x0;
	s12 =	rddreg [dreg:$0x4]  }
0x1a: {  	[tilespmem:s7], [sflag:$0x7] =	stream.linear.gather [hbm4b:s12+s7], $0x2710, $0x38;
	[tilespmem:$0x1E000] =	vst v63  }
0x1b: {  	_ =	swait.ge [sflag:s17], $0x2710  }
0x1c: {  	[sflag:s17] =	ssyncset.done $0x0  }
0x1d: {  	[sflag:s17] =	ssyncadd.s32 $0xFFFFD8F0  }
0x1e: {  	v5 =	vld [tilespmem:s18+$0x0];
	_ =	sdelay $0x1  }
0x1f: {  	v6 =	vld [tilespmem:s18+$0xFFFFFFB0];
	_ =	sdelay $0x2  }
0x20: {  	s14 =	simm.s32 $0x2760;
	v7 =	vand.u32 $0xFFFF, v5  }
0x21: {  	v5 =	vshrl.u32 v5, $0x10;
	[tilespmem:s14+$0x0] =	vst v7  }
0x22: {  	v7 =	vand.u32 $0xFFFF, v6;
	[tilespmem:s25+$0x0] =	vst v5  }
0x23: {  	v5 =	vshrl.u32 v6, $0x10;
	[tilespmem:s14+$0xFFFFFFB0] =	vst v7;
	v6 =	vld [tilespmem:s18+$0x10]  }
0x24: {  	[tilespmem:s25+$0xFFFFFFB0] =	vst v5  }
0x25: {  	v5 =	vld [tilespmem:s18+$0xFFFFFFC0];
	_ =	sdelay $0x2  }
0x26: {  	v7 =	vand.u32 $0xFFFF, v6  }
0x27: {  	v6 =	vshrl.u32 v6, $0x10;
	[tilespmem:s14+$0x10] =	vst v7  }
0x28: {  	v7 =	vand.u32 $0xFFFF, v5;
	[tilespmem:s25+$0x10] =	vst v6  }
0x29: {  	v5 =	vshrl.u32 v5, $0x10;
	[tilespmem:s14+$0xFFFFFFC0] =	vst v7;
	v6 =	vld [tilespmem:s18+$0x20]  }
0x2a: {  	[tilespmem:s25+$0xFFFFFFC0] =	vst v5  }
0x2b: {  	v5 =	vld [tilespmem:s18+$0xFFFFFFD0]  }
0x2c: {  	s7 =	simm.s32 $0xF0  }
0x2d: {  	v7 =	vld [tilespmem:s7+$0x0]  }
0x2e: {  	v8 =	vand.u32 $0xFFFF, v6  }
0x2f: {  	v9 =	vld [tilespmem:s7+$0xFFFFFFB0];
	v6 =	vshrl.u32 v6, $0x10;
	[tilespmem:s14+$0x20] =	vst v8  }
0x30: {  	v8 =	vand.u32 $0xFFFF, v5;
	[tilespmem:s25+$0x20] =	vst v6  }
0x31: {  	v5 =	vshrl.u32 v5, $0x10;
	[tilespmem:s14+$0xFFFFFFD0] =	vst v8;
	v6 =	vld [tilespmem:s18+$0x30]  }
0x32: {  	s12 =	simm.s32 $0x2800;
	v8 =	vand.u32 $0xFFFF, v7;
	[tilespmem:s25+$0xFFFFFFD0] =	vst v5  }
0x33: {  	s13 =	simm.s32 $0x4F10;
	[tilespmem:s12+$0x0] =	vst v8;
	v5 =	vshrl.u32 v7, $0x10;
	v7 =	vld [tilespmem:s18+$0xFFFFFFE0]  }
0x34: {  	v8 =	vand.u32 $0xFFFF, v9;
	[tilespmem:s13+$0x0] =	vst v5  }
0x35: {  	v5 =	vshrl.u32 v9, $0x10;
	[tilespmem:s12+$0xFFFFFFB0] =	vst v8;
	v8 =	vld [tilespmem:s7+$0x10]  }
0x36: {  	[tilespmem:s13+$0xFFFFFFB0] =	vst v5;
	v5 =	vand.u32 $0xFFFF, v6  }
0x37: {  	v9 =	vld [tilespmem:s7+$0xFFFFFFC0];
	[tilespmem:s14+$0x30] =	vst v5;
	v5 =	vshrl.u32 v6, $0x10  }
0x38: {  	v6 =	vand.u32 $0xFFFF, v7;
	[tilespmem:s25+$0x30] =	vst v5  }
0x39: {  	v5 =	vshrl.u32 v7, $0x10;
	[tilespmem:s14+$0xFFFFFFE0] =	vst v6;
	v7 =	vld [tilespmem:s18+$0x40]  }
0x3a: {  	v6 =	vand.u32 $0xFFFF, v8;
	[tilespmem:s25+$0xFFFFFFE0] =	vst v5  }
0x3b: {  	[tilespmem:s12+$0x10] =	vst v6;
	v5 =	vshrl.u32 v8, $0x10;
	v10 =	vld [tilespmem:s18+$0xFFFFFFF0]  }
0x3c: {  	v6 =	vand.u32 $0xFFFF, v9;
	[tilespmem:s13+$0x10] =	vst v5  }
0x3d: {  	v8 =	vshrl.u32 v9, $0x10;
	[tilespmem:s12+$0xFFFFFFC0] =	vst v6;
	v5 =	vld [tilespmem:s7+$0x20]  }
0x3e: {  	[tilespmem:s13+$0xFFFFFFC0] =	vst v8;
	v8 =	vand.u32 $0xFFFF, v7  }
0x3f: {  	s16 =	simm.s32 $0x2;
	s28 =	simm.s32 $0x2760;
	v6 =	vld [tilespmem:s7+$0xFFFFFFD0];
	v9 =	vshrl.u32 v7, $0x10;
	[tilespmem:s14+$0x40] =	vst v8  }
0x40: {  	s21 =	simm.s32 $0x190;
	s15 =	simm.s32 $0x4E70;
	v8 =	vand.u32 $0xFFFF, v10;
	v7 =	vshrl.u32 v10, $0x10;
	s14 =	simm.s32 $0x2760;
	[tilespmem:s25+$0x40] =	vst v9  }
.LBB2_2:
0x41: {  	v9 =	vld [tilespmem:s21+$0x0];
	[tilespmem:s14+$0xFFFFFFF0] =	vst v8;
	s14 =	smov.u32 s12  }
0x42: {  	v8 =	vld [tilespmem:s21+$0xFFFFFFB0];
	v10 =	vand.u32 $0xFFFF, v5;
	[tilespmem:s15+$0xFFFFFFF0] =	vst v7;
	s15 =	smov.u32 s13  }
0x43: {  	v5 =	vshrl.u32 v5, $0x10;
	[tilespmem:s12+$0x20] =	vst v10  }
0x44: {  	v7 =	vand.u32 $0xFFFF, v6;
	v6 =	vshrl.u32 v6, $0x10;
	[tilespmem:s13+$0x20] =	vst v5  }
0x45: {  	[tilespmem:s12+$0xFFFFFFD0] =	vst v7;
	v5 =	vld [tilespmem:s7+$0x30]  }
0x46: {  	s16 =	sadd.s32 $0x2, s16;
	s12 =	sadd.s32 $0xA0, s12;
	v7 =	vand.u32 $0xFFFF, v9;
	[tilespmem:s13+$0xFFFFFFD0] =	vst v6  }
0x47: {  	p1 =	slt.u32 s16, $0x7A;
	s13 =	sadd.s32 $0xA0, s13;
	v6 =	vand.u32 $0xFFFF, v8;
	v8 =	vshrl.u32 v8, $0x10;
	[tilespmem:s12+$0x0] =	vst v7;
	v7 =	vshrl.u32 v9, $0x10;
	v9 =	vld [tilespmem:s7+$0xFFFFFFE0]  }
0x48: {  	[tilespmem:s13+$0x0] =	vst v7  }
0x49: {  	[tilespmem:s12+$0xFFFFFFB0] =	vst v6;
	v6 =	vld [tilespmem:s21+$0x10]  }
0x4a: {  	[tilespmem:s13+$0xFFFFFFB0] =	vst v8;
	v7 =	vand.u32 $0xFFFF, v5  }
0x4b: {  	v5 =	vshrl.u32 v5, $0x10;
	v8 =	vld [tilespmem:s21+$0xFFFFFFC0];
	[tilespmem:s14+$0x30] =	vst v7  }
0x4c: {  	v7 =	vand.u32 $0xFFFF, v9;
	v9 =	vshrl.u32 v9, $0x10;
	[tilespmem:s15+$0x30] =	vst v5  }
0x4d: {  	[tilespmem:s14+$0xFFFFFFE0] =	vst v7;
	v7 =	vld [tilespmem:s7+$0x40]  }
0x4e: {  	v5 =	vand.u32 $0xFFFF, v6;
	[tilespmem:s15+$0xFFFFFFE0] =	vst v9  }
0x4f: {  	[tilespmem:s12+$0x10] =	vst v5;
	v5 =	vshrl.u32 v6, $0x10;
	v9 =	vld [tilespmem:s7+$0xFFFFFFF0];
	s7 =	smov.u32 s21  }
.Ltmp0:
0x50: {  	v6 =	vand.u32 $0xFFFF, v8;
	v8 =	vshrl.u32 v8, $0x10;
	[tilespmem:s13+$0x10] =	vst v5;
	(pc) =	sbr.rel @p1 .LBB2_2-.Ltmp0, $4  }
0x51: {  	[tilespmem:s12+$0xFFFFFFC0] =	vst v6;
	v5 =	vld [tilespmem:s21+$0x20]  }
0x52: {  	[tilespmem:s13+$0xFFFFFFC0] =	vst v8;
	v8 =	vand.u32 $0xFFFF, v7  }
0x53: {  	v10 =	vshrl.u32 v7, $0x10;
	v6 =	vld [tilespmem:s21+$0xFFFFFFD0];
	[tilespmem:s14+$0x40] =	vst v8  }
0x54: {  	s21 =	sadd.s32 $0xA0, s21;
	v8 =	vand.u32 $0xFFFF, v9;
	v7 =	vshrl.u32 v9, $0x10;
	[tilespmem:s15+$0x40] =	vst v10  }
0x55: {  	_ = 	snop  }
0x56: {  	v9 =	vand.u32 $0xFFFF, v5  }
0x57: {  	v5 =	vshrl.u32 v5, $0x10;
	[tilespmem:s12+$0x20] =	vst v9  }
0x58: {  	v60 =	vand.u32 $0xFFFF, v6;
	[tilespmem:s13+$0x20] =	vst v5  }
0x59: {  	v5 =	vshrl.u32 v6, $0x10;
	[tilespmem:s12+$0xFFFFFFD0] =	vst v60;
	v6 =	vld [tilespmem:s7+$0x30]  }
0x5a: {  	[tilespmem:s13+$0xFFFFFFD0] =	vst v5  }
0x5b: {  	v5 =	vld [tilespmem:s7+$0xFFFFFFE0];
	_ =	sdelay $0x2  }
0x5c: {  	v61 =	vand.u32 $0xFFFF, v6  }
0x5d: {  	v6 =	vshrl.u32 v6, $0x10;
	[tilespmem:s12+$0x30] =	vst v61  }
0x5e: {  	[tilespmem:s13+$0x30] =	vst v6;
	v6 =	vand.u32 $0xFFFF, v5  }
0x5f: {  	v5 =	vshrl.u32 v5, $0x10;
	[tilespmem:s12+$0xFFFFFFE0] =	vst v6;
	v6 =	vld [tilespmem:s7+$0x40]  }
0x60: {  	[tilespmem:s13+$0xFFFFFFE0] =	vst v5  }
0x61: {  	v5 =	vld [tilespmem:s7+$0xFFFFFFF0];
	_ =	sdelay $0x1  }
0x62: {  	[tilespmem:s14+$0xFFFFFFF0] =	vst v8  }
0x63: {  	[tilespmem:s15+$0xFFFFFFF0] =	vst v7;
	v7 =	vand.u32 $0xFFFF, v6  }
0x64: {  	v6 =	vshrl.u32 v6, $0x10;
	[tilespmem:s12+$0x40] =	vst v7  }
0x65: {  	v7 =	vand.u32 $0xFFFF, v5;
	[tilespmem:s13+$0x40] =	vst v6  }
0x66: {  	v5 =	vshrl.u32 v5, $0x10;
	[tilespmem:s12+$0xFFFFFFF0] =	vst v7  }
0x67: {  	[tilespmem:s13+$0xFFFFFFF0] =	vst v5  }
0x68: {  	v5 =	vld [tilespmem:$0x26C0];
	_ =	sdelay $0x1  }
0x69: {  	v6 =	vld [tilespmem:$0x26D0];
	_ =	sdelay $0x1  }
0x6a: {  	v7 =	vld [tilespmem:$0x26E0]  }
0x6b: {  	v62 =	vand.u32 $0xFFFF, v5  }
0x6c: {  	v63 =	vld [tilespmem:$0x26F0];
	v5 =	vshrl.u32 v5, $0x10;
	[tilespmem:$0x4DD0] =	vst v62  }
0x6d: {  	[tilespmem:$0x74E0] =	vst v5;
	v5 =	vand.u32 $0xFFFF, v6  }
0x6e: {  	[tilespmem:$0x4DE0] =	vst v5;
	v5 =	vshrl.u32 v6, $0x10;
	v6 =	vld [tilespmem:$0x2700]  }
0x6f: {  	[tilespmem:$0x74F0] =	vst v5;
	v5 =	vand.u32 $0xFFFF, v7  }
0x70: {  	[tilespmem:$0x4DF0] =	vst v5;
	v5 =	vshrl.u32 v7, $0x10  }
0x71: {  	[tilespmem:$0x7500] =	vst v5;
	v5 =	vand.u32 $0xFFFF, v63  }
0x72: {  	[tilespmem:$0x4E00] =	vst v5;
	v5 =	vshrl.u32 v63, $0x10  }
0x73: {  	[tilespmem:$0x7510] =	vst v5;
	v5 =	vand.u32 $0xFFFF, v6  }
0x74: {  	[tilespmem:$0x4E10] =	vst v5;
	v5 =	vshrl.u32 v6, $0x10  }
0x75: {  	s16 =	simm.s32 $0x2710;
	[tilespmem:$0x7520] =	vst v5  }
0x76: {  	[tilespmem:s20], [sflag:$0x1] =	stream.indirect.gather [hbm4b:s1+s18], $0x30, s16, s18, $0xb8;
	[tilespmem:$0x1E000] =	vst v63  }
0x77: {  	s21 =	simm.s32 $0x4E20  }
0x78: {  	[tilespmem:s22], [sflag:$0x1] =	stream.indirect.gather [hbm4b:s5+s18], $0x10, s21, s18, $0xb8;
	[tilespmem:$0x1E000] =	vst v63  }
0x79: {  	_ = 	snop  }
0x7a: {  	[tilespmem:s24], [sflag:$0x2] =	stream.indirect.gather [hbm4b:s1+s18], $0x30, s28, s18, $0xb8;
	[tilespmem:$0x1E000] =	vst v63  }
0x7b: {  	s7 =	simm.s32 $0x0;
	s12 =	simm.s32 $0x140  }
0x7c: {  	[tilespmem:s26], [sflag:$0x2] =	stream.indirect.gather [hbm4b:s5+s18], $0x10, s25, s18, $0xb8;
	[tilespmem:$0x1E000] =	vst v63  }
.LBB2_4:
0x7d: {  	p1 =	sne.s32 s12, $0x80C0;
	[tilespmem:s7+$0xFC70] =	vst v0;
	s13 =	smov.u32 s12;
	s12 =	sadd.s32 $0x140, s12  }
.Ltmp1:
0x7e: {  	[tilespmem:s7+$0xFC60] =	vst v0;
	(pc) =	sbr.rel @p1 .LBB2_4-.Ltmp1, $4  }
0x7f: {  	[tilespmem:s7+$0xFC50] =	vst v0  }
0x80: {  	[tilespmem:s7+$0xFC30] =	vst v0  }
0x81: {  	[tilespmem:s7+$0xFC40] =	vst v0  }
0x82: {  	s7 =	sshra.s32 s13, $0x2  }
0x83: {  	[tilespmem:s7+$0xFC70] =	vst v0  }
0x84: {  	[tilespmem:s7+$0xFC60] =	vst v0  }
0x85: {  	[tilespmem:s7+$0xFC50] =	vst v0  }
0x86: {  	[tilespmem:s7+$0xFC30] =	vst v0  }
0x87: {  	[tilespmem:s7+$0xFC40] =	vst v0;
	s12 =	simm.s32 $0xFC30  }
0x88: {  	[spmem:s23] =	stream.linear.scatter [tilespmem:s12], [sflag:$0x7], $0x2080, $0x38;
	[tilespmem:$0x1E000] =	vst v63  }
0x89: {  	_ =	swait.ge [sflag:s17], $0x2080  }
0x8a: {  	[sflag:s17] =	ssyncset.done $0x0  }
0x8b: {  	s15 =	rddreg [dreg:$0x6];
	[sflag:s17] =	ssyncadd.s32 $0xFFFFDF80  }
0x8c: {  	[spmem:s15] =	stream.linear.scatter [tilespmem:s12], [sflag:$0x7], $0x2080, $0x38;
	[tilespmem:$0x1E000] =	vst v63  }
0x8d: {  	_ =	swait.ge [sflag:s17], $0x2080  }
0x8e: {  	[sflag:s17] =	ssyncset.done $0x0  }
0x8f: {  	s16 =	rddreg [dreg:$0x7];
	[sflag:s17] =	ssyncadd.s32 $0xFFFFDF80  }
0x90: {  	[spmem:s16] =	stream.linear.scatter [tilespmem:s12], [sflag:$0x7], $0x2080, $0x38;
	[tilespmem:$0x1E000] =	vst v63  }
0x91: {  	_ =	swait.ge [sflag:s17], $0x2080  }
0x92: {  	[sflag:s17] =	ssyncset.done $0x0  }
0x93: {  	s21 =	rddreg [dreg:$0x8];
	[sflag:s17] =	ssyncadd.s32 $0xFFFFDF80  }
0x94: {  	[spmem:s21] =	stream.linear.scatter [tilespmem:s12], [sflag:$0x7], $0x2080, $0x38;
	[tilespmem:$0x1E000] =	vst v63  }
0x95: {  	_ =	swait.ge [sflag:s17], $0x2080  }
0x96: {  	[sflag:s17] =	ssyncset.done $0x0  }
0x97: {  	s23 =	rddreg [dreg:$0x9];
	[sflag:s17] =	ssyncadd.s32 $0xFFFFDF80  }
0x98: {  	[spmem:s23] =	stream.linear.scatter [tilespmem:s12], [sflag:$0x7], $0x2080, $0x38;
	[tilespmem:$0x1E000] =	vst v63  }
0x99: {  	_ =	swait.ge [sflag:s17], $0x2080  }
0x9a: {  	[sflag:s17] =	ssyncset.done $0x0  }
0x9b: {  	s28 =	rddreg [dreg:$0xa];
	[sflag:s17] =	ssyncadd.s32 $0xFFFFDF80  }
0x9c: {  	[spmem:s28] =	stream.linear.scatter [tilespmem:s12], [sflag:$0x7], $0x2080, $0x38;
	[tilespmem:$0x1E000] =	vst v63  }
0x9d: {  	_ =	swait.ge [sflag:s17], $0x2080  }
0x9e: {  	[sflag:s17] =	ssyncset.done $0x0  }
0x9f: {  	s7 =	simm.s32 @!p0 $0xFC30;
	s12 =	rddreg [dreg:$0xb];
	[sflag:s17] =	ssyncadd.s32 $0xFFFFDF80  }
0xa0: {  	[spmem:s12] =	stream.linear.scatter @!p0 [tilespmem:s7], [sflag:$0x7], $0x500, $0x38;
	[tilespmem:$0x1E000] =	vst v63  }
0xa1: {  	s7 =	simm.s32 @!p0 $0x7  }
0xa2: {  	_ =	swait.ge @!p0 [sflag:s7], $0x500  }
0xa3: {  	[sflag:s7] =	ssyncset.done @!p0 $0x0  }
0xa4: {  	s16 =	simm.s32 $0xB1D0;
	[sflag:s7] =	ssyncadd.s32 @!p0 $0xFFFFFB00  }
0xa5: {  	[tilespmem:s16+$0x0] =	vst v0  }
0xa6: {  	[tilespmem:s16+$0xFFFFFF60] =	vst v0  }
0xa7: {  	[tilespmem:s16+$0xFFFFFFB0] =	vst v0  }
0xa8: {  	s12 =	simm.s32 $0xCAD0;
	[tilespmem:s16+$0x50] =	vst v0  }
0xa9: {  	[tilespmem:s12+$0x50] =	vst v0  }
0xaa: {  	[tilespmem:s12+$0xFFFFFF60] =	vst v0  }
0xab: {  	[tilespmem:s12+$0x0] =	vst v0  }
0xac: {  	s14 =	simm.s32 $0xE3D0;
	[tilespmem:s12+$0xFFFFFFB0] =	vst v0  }
0xad: {  	[tilespmem:s14+$0x50] =	vst v0  }
0xae: {  	[tilespmem:s14+$0xFFFFFF60] =	vst v0  }
0xaf: {  	[tilespmem:s14+$0xFFFFFFB0] =	vst v0  }
0xb0: {  	[tilespmem:s16+$0x60] =	vst v0  }
0xb1: {  	[tilespmem:s16+$0xFFFFFF70] =	vst v0  }
0xb2: {  	[tilespmem:s16+$0xFFFFFFC0] =	vst v0  }
0xb3: {  	[tilespmem:s12+$0x60] =	vst v0  }
0xb4: {  	[tilespmem:s12+$0xFFFFFFC0] =	vst v0  }
0xb5: {  	[tilespmem:s14+$0x60] =	vst v0  }
0xb6: {  	[tilespmem:s14+$0xFFFFFFC0] =	vst v0  }
0xb7: {  	[tilespmem:s16+$0x70] =	vst v0  }
0xb8: {  	[tilespmem:s16+$0xFFFFFFD0] =	vst v0  }
0xb9: {  	[tilespmem:s12+$0xFFFFFFD0] =	vst v0  }
0xba: {  	s13 =	simm.s32 $0xE510;
	[tilespmem:s14+$0xFFFFFFD0] =	vst v0  }
0xbb: {  	s15 =	simm.s32 $0xB1D0;
	s21 =	simm.s32 $0xCAD0;
	s7 =	simm.s32 $0x0;
	[tilespmem:s16+$0xFFFFFFE0] =	vst v0  }
.LBB2_6:
0xbc: {  	s7 =	sadd.s32 $0x4, s7;
	[tilespmem:s12+$0x70] =	vst v0;
	s16 =	sadd.s32 $0x140, s16;
	s21 =	sadd.s32 $0x140, s21  }
0xbd: {  	p1 =	slt.u32 s7, $0x4C;
	[tilespmem:s12+$0xFFFFFFE0] =	vst v0  }
0xbe: {  	[tilespmem:s14+$0xFFFFFFE0] =	vst v0  }
0xbf: {  	[tilespmem:s14+$0x70] =	vst v0  }
0xc0: {  	[tilespmem:s15+$0x80] =	vst v0  }
0xc1: {  	[tilespmem:s12+$0x80] =	vst v0  }
0xc2: {  	[tilespmem:s14+$0x0] =	vst v0  }
0xc3: {  	[tilespmem:s15+$0xFFFFFFF0] =	vst v0  }
0xc4: {  	[tilespmem:s12+$0xFFFFFFF0] =	vst v0  }
0xc5: {  	[tilespmem:s14+$0x80] =	vst v0  }
0xc6: {  	[tilespmem:s12+$0xFFFFFF70] =	vst v0  }
0xc7: {  	[tilespmem:s14+$0xFFFFFF70] =	vst v0  }
0xc8: {  	[tilespmem:s15+$0x90] =	vst v0  }
0xc9: {  	[tilespmem:s14+$0xFFFFFFF0] =	vst v0  }
0xca: {  	[tilespmem:s12+$0x90] =	vst v0  }
0xcb: {  	[tilespmem:s15+$0x10] =	vst v0  }
0xcc: {  	[tilespmem:s12+$0x10] =	vst v0  }
0xcd: {  	[tilespmem:s15+$0xFFFFFF80] =	vst v0  }
0xce: {  	[tilespmem:s12+$0xFFFFFF80] =	vst v0  }
0xcf: {  	[tilespmem:s14+$0x90] =	vst v0  }
0xd0: {  	[tilespmem:s14+$0x10] =	vst v0  }
0xd1: {  	[tilespmem:s15+$0x20] =	vst v0  }
0xd2: {  	[tilespmem:s12+$0x20] =	vst v0  }
0xd3: {  	[tilespmem:s14+$0x20] =	vst v0  }
0xd4: {  	[tilespmem:s15+$0x30] =	vst v0  }
0xd5: {  	[tilespmem:s12+$0x30] =	vst v0  }
0xd6: {  	[tilespmem:s14+$0xFFFFFF80] =	vst v0  }
0xd7: {  	[tilespmem:s15+$0xFFFFFF90] =	vst v0  }
0xd8: {  	[tilespmem:s12+$0xFFFFFF90] =	vst v0  }
0xd9: {  	[tilespmem:s14+$0xFFFFFF90] =	vst v0  }
0xda: {  	[tilespmem:s15+$0xFFFFFFA0] =	vst v0  }
0xdb: {  	[tilespmem:s12+$0xFFFFFFA0] =	vst v0  }
0xdc: {  	[tilespmem:s14+$0xFFFFFFA0] =	vst v0  }
0xdd: {  	[tilespmem:s14+$0x30] =	vst v0  }
0xde: {  	[tilespmem:s15+$0x40] =	vst v0;
	s15 =	smov.u32 s16  }
0xdf: {  	[tilespmem:s12+$0x40] =	vst v0;
	s12 =	smov.u32 s21  }
0xe0: {  	[tilespmem:s14+$0x40] =	vst v0;
	s14 =	smov.u32 s13  }
0xe1: {  	[tilespmem:s16+$0x0] =	vst v0  }
0xe2: {  	[tilespmem:s16+$0xFFFFFF60] =	vst v0  }
0xe3: {  	[tilespmem:s16+$0xFFFFFFB0] =	vst v0  }
0xe4: {  	[tilespmem:s16+$0x50] =	vst v0  }
0xe5: {  	[tilespmem:s21+$0x50] =	vst v0  }
0xe6: {  	[tilespmem:s13+$0x50] =	vst v0  }
0xe7: {  	[tilespmem:s16+$0x60] =	vst v0  }
0xe8: {  	[tilespmem:s21+$0x60] =	vst v0  }
0xe9: {  	[tilespmem:s21+$0xFFFFFF60] =	vst v0  }
0xea: {  	[tilespmem:s13+$0xFFFFFF60] =	vst v0  }
0xeb: {  	[tilespmem:s16+$0xFFFFFF70] =	vst v0  }
0xec: {  	[tilespmem:s21+$0x0] =	vst v0  }
0xed: {  	[tilespmem:s13+$0x60] =	vst v0  }
0xee: {  	[tilespmem:s21+$0xFFFFFFB0] =	vst v0  }
0xef: {  	[tilespmem:s13+$0xFFFFFFB0] =	vst v0  }
0xf0: {  	[tilespmem:s16+$0x70] =	vst v0  }
0xf1: {  	[tilespmem:s16+$0xFFFFFFC0] =	vst v0  }
0xf2: {  	[tilespmem:s21+$0xFFFFFFC0] =	vst v0  }
.Ltmp2:
0xf3: {  	[tilespmem:s13+$0xFFFFFFC0] =	vst v0;
	(pc) =	sbr.rel @p1 .LBB2_6-.Ltmp2, $4  }
0xf4: {  	[tilespmem:s16+$0xFFFFFFD0] =	vst v0  }
0xf5: {  	[tilespmem:s21+$0xFFFFFFD0] =	vst v0  }
0xf6: {  	[tilespmem:s13+$0xFFFFFFD0] =	vst v0  }
0xf7: {  	s13 =	sadd.s32 $0x140, s13;
	[tilespmem:s16+$0xFFFFFFE0] =	vst v0  }
0xf8: {  	[tilespmem:s12+$0x70] =	vst v0  }
0xf9: {  	[tilespmem:s12+$0xFFFFFFE0] =	vst v0  }
0xfa: {  	[tilespmem:s14+$0x0] =	vst v0  }
0xfb: {  	[tilespmem:s12+$0xFFFFFF70] =	vst v0  }
0xfc: {  	[tilespmem:s14+$0xFFFFFFE0] =	vst v0  }
0xfd: {  	[tilespmem:s14+$0x70] =	vst v0  }
0xfe: {  	[tilespmem:s14+$0xFFFFFF70] =	vst v0  }
0xff: {  	[tilespmem:s15+$0x10] =	vst v0  }
0x100: {  	[tilespmem:s15+$0x80] =	vst v0  }
0x101: {  	[tilespmem:s15+$0xFFFFFFF0] =	vst v0  }
0x102: {  	[tilespmem:s12+$0x10] =	vst v0  }
0x103: {  	[tilespmem:s15+$0xFFFFFF80] =	vst v0  }
0x104: {  	[tilespmem:s12+$0x80] =	vst v0  }
0x105: {  	[tilespmem:s12+$0xFFFFFFF0] =	vst v0  }
0x106: {  	[tilespmem:s12+$0xFFFFFF80] =	vst v0  }
0x107: {  	[tilespmem:s14+$0x10] =	vst v0  }
0x108: {  	[tilespmem:s14+$0x80] =	vst v0  }
0x109: {  	[tilespmem:s14+$0xFFFFFFF0] =	vst v0  }
0x10a: {  	[tilespmem:s15+$0x20] =	vst v0  }
0x10b: {  	[tilespmem:s14+$0xFFFFFF80] =	vst v0  }
0x10c: {  	[tilespmem:s15+$0x90] =	vst v0  }
0x10d: {  	[tilespmem:s12+$0x20] =	vst v0  }
0x10e: {  	[tilespmem:s15+$0xFFFFFF90] =	vst v0  }
0x10f: {  	[tilespmem:s12+$0x90] =	vst v0  }
0x110: {  	[tilespmem:s14+$0x20] =	vst v0  }
0x111: {  	[tilespmem:s12+$0xFFFFFF90] =	vst v0  }
0x112: {  	[tilespmem:s14+$0x90] =	vst v0  }
0x113: {  	[tilespmem:s15+$0x30] =	vst v0  }
0x114: {  	[tilespmem:s14+$0xFFFFFF90] =	vst v0  }
0x115: {  	[tilespmem:s12+$0x30] =	vst v0  }
0x116: {  	[tilespmem:s15+$0xFFFFFFA0] =	vst v0  }
0x117: {  	[tilespmem:s12+$0xFFFFFFA0] =	vst v0  }
0x118: {  	[tilespmem:s14+$0x30] =	vst v0  }
0x119: {  	[tilespmem:s14+$0xFFFFFFA0] =	vst v0  }
0x11a: {  	[tilespmem:s15+$0x40] =	vst v0  }
0x11b: {  	[tilespmem:s12+$0x40] =	vst v0  }
0x11c: {  	[tilespmem:s14+$0x40] =	vst v0  }
0x11d: {  	s7 =	simm.s32 $0x4E20;
	[bflag:$0x0] =	sbarrier.arrive $0xFFFF  }
0x11e: {  	[spmem:s2] =	stream.indirect.scatter.add.f32 [tilespmem:s29], [sflag:$0x4], $0x50, s7, s18, $0xb8;
	[tilespmem:$0x1E000] =	vst v63  }
0x11f: {  	_ = 	snop  }
0x120: {  	[spmem:s2] =	stream.indirect.scatter.add.f32 [tilespmem:s30], [sflag:$0x5], $0x50, s7, s18, $0xb8;
	[tilespmem:$0x1E000] =	vst v63  }
0x121: {  	s12 =	simm.s32 $0x0  }
0x122: {  	[spmem:s2] =	stream.indirect.scatter.add.f32 [tilespmem:s31], [sflag:$0x6], $0x50, s7, s18, $0xb8;
	[tilespmem:$0x1E000] =	vst v63  }
.LBB2_8:
0x123: {  	_ =	swait.ge [sflag:s0], $0xF00  }
0x124: {  	[sflag:s0] =	ssyncset.done $0x0  }
0x125: {  	[sflag:s0] =	ssyncadd.s32 $0xFFFFF100  }
0x126: {  	_ =	swait.ge [sflag:s0], $0x500  }
0x127: {  	[sflag:s0] =	ssyncset.done $0x0  }
0x128: {  	[sflag:s0] =	ssyncadd.s32 $0xFFFFFB00  }
0x129: {  	_ =	swait.ge [sflag:s19], $0x1900  }
0x12a: {  	[sflag:s19] =	ssyncset.done $0x0  }
0x12b: {  	s7 =	simm.s32 $0xA250;
	[sflag:s19] =	ssyncadd.s32 $0xFFFFE700  }
0x12c: {  	s13 =	simm.s32 $0x7590;
	v7 =	vld [tilespmem:s7+$0x0]  }
0x12d: {  	v8 =	vld [tilespmem:s13+$0x20]  }
0x12e: {  	v5 =	vld [tilespmem:s13+$0xFFFFFFF0]  }
0x12f: {  	v10 =	vld [tilespmem:s7+$0xFFFFFFF0]  }
0x130: {  	v6 =	vld [tilespmem:s7+$0xFFFFFFE0]  }
0x131: {  	v9 =	vld [tilespmem:s13+$0xFFFFFFC0]  }
0x132: {  	v11 =	vld [tilespmem:s7+$0x10];
	v7 =	vadd.f32 v7, v8  }
0x133: {  	s14 =	simm.s32 $0xA290;
	v12 =	vld [tilespmem:s13+$0x50]  }
0x134: {  	v13 =	vld [tilespmem:s14+$0xFFFFFFE0];
	v5 =	vadd.f32 v10, v5;
	v8 =	vmul.f32 $2.000000030e-01, v7  }
0x135: {  	s28 =	simm.s32 $0x7650;
	v16 =	vld [tilespmem:s14+$0x0]  }
0x136: {  	v20 =	vld [tilespmem:s28+$0xFFFFFFC0];
	v6 =	vadd.f32 v6, v9;
	v10 =	vmul.f32 $2.000000030e-01, v5;
	v7 =	vmax.f32 v7, v8  }
0x137: {  	v23 =	vld [tilespmem:s28+$0x20];
	v7 =	vmul.f32 $1.442695020e+00, v7  }
0x138: {  	v26 =	vld [tilespmem:s14+$0x10];
	v9 =	vadd.f32 v11, v12;
	v8 =	vmul.f32 $2.000000030e-01, v6;
	v5 =	vmax.f32 v5, v10  }
0x139: {  	v30 =	vld [tilespmem:s14+$0xFFFFFFF0];
	v5 =	vmul.f32 $1.442695020e+00, v5;
	(erf) = vpow2.f32 v7  }
0x13a: {  	v34 =	vld [tilespmem:s28+$0x50];
	v11 =	vmul.f32 $2.000000030e-01, v9;
	v6 =	vmax.f32 v6, v8  }
0x13b: {  	v12 =	vld [tilespmem:s28+$0xFFFFFFF0];
	v6 =	vmul.f32 $1.442695020e+00, v6;
	(erf) = vpow2.f32 v5  }
0x13c: {  	v7 =	vmax.f32 v9, v11  }
0x13d: {  	v10 =	vld [tilespmem:s13+$0x0];
	v7 =	vmul.f32 $1.442695020e+00, v7;
	(erf) = vpow2.f32 v6  }
0x13e: {  	v13 =	vadd.f32 v13, v20;
	v11 =	vld [tilespmem:s13+$0xFFFFFFB0]  }
0x13f: {  	v16 =	vadd.f32 v16, v23;
	v26 =	vadd.f32 v26, v34;
	(erf) = vpow2.f32 v7  }
0x140: {  	v18 =	vld [tilespmem:s13+$0xFFFFFFA0];
	v57 =	vmul.f32 $2.000000030e-01, v13;
	v30 =	vadd.f32 v30, v12  }
0x141: {  	v56 =	vld [tilespmem:s13+$0xFFFFFFD0];
	v60 =	vmul.f32 $2.000000030e-01, v26;
	v12 =	vmul.f32 $2.000000030e-01, v16  }
0x142: {  	v59 =	vmul.f32 $2.000000030e-01, v30;
	v8 =	vand.u32 $0xFFFF0000, v10;
	v24 =	vshll.u32 v10, $0x10;
	v19 =	vpop (erf)  }
0x143: {  	v9 =	vld [tilespmem:s13+$0x30];
	v17 =	vand.u32 $0xFFFF0000, v11;
	v15 =	vperm.xlane v19, v1;
	v22 =	vperm.xlane v19, v4  }
0x144: {  	v21 =	vshll.u32 v11, $0x10;
	v11 =	vperm.xlane v19, v2;
	v10 =	vperm.xlane v19, v3;
	v25 =	vpop (erf)  }
0x145: {  	v35 =	vand.u32 $0xFFFF0000, v18;
	v7 =	vld [tilespmem:s13+$0x40];
	v27 =	vperm.xlane v25, v1;
	v32 =	vperm.xlane v25, v2  }
0x146: {  	v62 =	vand.u32 $0xFFFF0000, v56;
	v29 =	vpop (erf);
	v54 =	vperm.xlane v25, v3;
	v24 =	vmul.f32 v24, v15  }
0x147: {  	s14 =	simm.s32 $0xB1D0;
	v12 =	vmax.f32 v16, v12;
	v31 =	vperm.xlane v29, v2;
	v58 =	vperm.xlane v29, v4  }
0x148: {  	v14 =	vld [tilespmem:s13+$0x10];
	v5 =	vshll.u32 v9, $0x10;
	[tilespmem:s14+$0x40] =	vst v19;
	v33 =	vpop (erf);
	v16 =	vperm.xlane v29, v3;
	v19 =	vperm.xlane v29, v1  }
0x149: {  	v55 =	vld [tilespmem:s13+$0xFFFFFFE0];
	v9 =	vand.u32 $0xFFFF0000, v9;
	[tilespmem:s14+$0xFFFFFFF0] =	vst v25;
	v20 =	vperm.xlane v33, v2;
	v23 =	vmul.f32 v35, v31  }
0x14a: {  	v28 =	vand.u32 $0xFFFF0000, v7;
	[tilespmem:s14+$0xFFFFFFA0] =	vst v29;
	v37 =	vperm.xlane v33, v3;
	v16 =	vmul.f32 v21, v16  }
0x14b: {  	v7 =	vshll.u32 v7, $0x10;
	v36 =	vperm.xlane v33, v4;
	v9 =	vmul.f32 v9, v20;
	[tilespmem:s14+$0xFFFFFF70] =	vst v23  }
0x14c: {  	v13 =	vmax.f32 v13, v57;
	v7 =	vmul.f32 v7, v37;
	v23 =	vmul.f32 $1.442695020e+00, v12;
	[tilespmem:s14+$0xFFFFFF80] =	vst v16  }
0x14d: {  	v20 =	vmul.f32 v28, v36;
	v12 =	vld [tilespmem:s28+$0x40];
	[tilespmem:s14+$0x60] =	vst v9;
	v9 =	vmul.f32 $1.442695020e+00, v13;
	v13 =	vmax.f32 v30, v59  }
0x14e: {  	v61 =	vmax.f32 v26, v60;
	v16 =	vld [tilespmem:s28+$0x0];
	[tilespmem:s14+$0x70] =	vst v7;
	v21 =	vmul.f32 $1.442695020e+00, v13;
	(erf) = vpow2.f32 v23  }
0x14f: {  	v6 =	vshll.u32 v14, $0x10;
	v15 =	vperm.xlane v33, v1;
	v7 =	vld [tilespmem:s28+$0xFFFFFFE0];
	[tilespmem:s14+$0x80] =	vst v20;
	v20 =	vmul.f32 $1.442695020e+00, v61  }
0x150: {  	[tilespmem:s14+$0x90] =	vst v33;
	v23 =	vmul.f32 v17, v58;
	v17 =	vld [tilespmem:s28+$0x10];
	(erf) = vpow2.f32 v21;
	v21 =	vshll.u32 v55, $0x10  }
0x151: {  	[tilespmem:s14+$0x0] =	vst v24;
	v13 =	vld [tilespmem:s28+$0x30];
	(erf) = vpow2.f32 v9;
	v9 =	vshll.u32 v18, $0x10;
	v21 =	vmul.f32 v21, v54  }
0x152: {  	v14 =	vand.u32 $0xFFFF0000, v14;
	[tilespmem:s14+$0xFFFFFF90] =	vst v23;
	v18 =	vld [tilespmem:s28+$0xFFFFFFB0];
	(erf) = vpow2.f32 v20;
	v19 =	vmul.f32 v9, v19  }
0x153: {  	s16 =	simm.s32 $0xA2D0;
	v63 =	vshll.u32 v56, $0x10;
	v9 =	vld [tilespmem:s28+$0xFFFFFFD0];
	v20 =	vmul.f32 v14, v22;
	[tilespmem:s14+$0xFFFFFFD0] =	vst v21;
	v21 =	vperm.xlane v25, v4  }
0x154: {  	s15 =	simm.s32 $0xB1D0;
	s7 =	simm.s32 $0x7710;
	s13 =	simm.s32 $0x4;
	v23 =	vand.u32 $0xFFFF0000, v55;
	v14 =	vld [tilespmem:s28+$0xFFFFFFA0];
	v22 =	vmul.f32 v63, v27;
	[tilespmem:s14+$0xFFFFFF60] =	vst v19;
	v19 =	vmul.f32 v62, v32  }
.LBB2_9:
0x155: {  	v24 =	vld [tilespmem:s7+$0xFFFFFFF0];
	s13 =	sadd.s32 $0x4, s13;
	v25 =	vshll.u32 v17, $0x10;
	v21 =	vmul.f32 v23, v21;
	v23 =	vmul.f32 v8, v11;
	[tilespmem:s14+$0x30] =	vst v20;
	s15 =	sadd.s32 $0x140, s15;
	v20 =	vmovc v17  }
0x156: {  	v10 =	vmul.f32 v6, v10;
	v15 =	vmul.f32 v5, v15;
	v5 =	vshll.u32 v13, $0x10;
	v17 =	vld [tilespmem:s16+$0xFFFFFFE0];
	p1 =	slt.u32 s13, $0x4C;
	[tilespmem:s14+$0xFFFFFFB0] =	vst v22;
	v6 =	vmovc v25  }
0x157: {  	v8 =	vand.u32 $0xFFFF0000, v16;
	v22 =	vld [tilespmem:s16+$0x0];
	v25 =	vand.u32 $0xFFFF0000, v18;
	v26 =	vpop (erf);
	[tilespmem:s14+$0xFFFFFFE0] =	vst v21  }
0x158: {  	v18 =	vshll.u32 v18, $0x10;
	v21 =	vld [tilespmem:s7+$0xFFFFFFC0];
	v27 =	vperm.xlane v26, v1;
	v28 =	vperm.xlane v26, v4;
	[tilespmem:s14+$0x20] =	vst v10  }
0x159: {  	v16 =	vshll.u32 v16, $0x10;
	v11 =	vperm.xlane v26, v2;
	v10 =	vperm.xlane v26, v3;
	v29 =	vld [tilespmem:s7+$0x20];
	v30 =	vpop (erf);
	[tilespmem:s14+$0xFFFFFFC0] =	vst v19  }
0x15a: {  	v19 =	vld [tilespmem:s16+$0x10];
	v31 =	vperm.xlane v30, v1;
	v16 =	vmul.f32 v16, v27;
	v27 =	vand.u32 $0xFFFF0000, v12;
	v32 =	vpop (erf);
	[tilespmem:s14+$0x50] =	vst v15  }
0x15b: {  	v13 =	vand.u32 $0xFFFF0000, v13;
	v35 =	vperm.xlane v30, v2;
	v33 =	vld [tilespmem:s16+$0xFFFFFFF0];
	v34 =	vperm.xlane v32, v2;
	v36 =	vpop (erf);
	[tilespmem:s14+$0x10] =	vst v23;
	s14 =	smov.u32 s15  }
0x15c: {  	v37 =	vand.u32 $0xFFFF0000, v14;
	v23 =	vld [tilespmem:s7+$0x50];
	v15 =	vperm.xlane v36, v1;
	v38 =	vperm.xlane v36, v4;
	[tilespmem:s15+$0x90] =	vst v36  }
0x15d: {  	v39 =	vperm.xlane v36, v2;
	v36 =	vperm.xlane v36, v3;
	v17 =	vadd.f32 v17, v21;
	v21 =	vld [tilespmem:s7+$0x40];
	[tilespmem:s15+$0xFFFFFFA0] =	vst v32  }
0x15e: {  	v22 =	vadd.f32 v22, v29;
	v29 =	vmul.f32 v37, v34;
	v34 =	vperm.xlane v30, v3;
	[tilespmem:s15+$0xFFFFFFF0] =	vst v30  }
0x15f: {  	v12 =	vshll.u32 v12, $0x10;
	v13 =	vmul.f32 v13, v39;
	[tilespmem:s15+$0x0] =	vst v16;
	v16 =	vmul.f32 v27, v38  }
0x160: {  	v24 =	vadd.f32 v33, v24;
	v27 =	vmul.f32 $2.000000030e-01, v22;
	[tilespmem:s15+$0xFFFFFF70] =	vst v29;
	v33 =	vmul.f32 v12, v36  }
0x161: {  	v29 =	vmul.f32 $2.000000030e-01, v17;
	v19 =	vadd.f32 v19, v23;
	v23 =	vperm.xlane v32, v4;
	[tilespmem:s15+$0x60] =	vst v13  }
0x162: {  	v13 =	vmul.f32 $2.000000030e-01, v24;
	v22 =	vmax.f32 v22, v27;
	v27 =	vperm.xlane v32, v3;
	[tilespmem:s15+$0x70] =	vst v33;
	v12 =	vmovc v21  }
0x163: {  	v17 =	vmax.f32 v17, v29;
	v21 =	vmul.f32 $1.442695020e+00, v22;
	v22 =	vmul.f32 $2.000000030e-01, v19;
	[tilespmem:s15+$0x80] =	vst v16  }
0x164: {  	v29 =	vmul.f32 $1.442695020e+00, v17;
	v13 =	vmax.f32 v24, v13;
	v16 =	vmul.f32 v18, v27;
	[tilespmem:s15+$0x40] =	vst v26  }
0x165: {  	v24 =	vld [tilespmem:s7+$0xFFFFFFE0];
	v18 =	vmul.f32 $1.442695020e+00, v13;
	v17 =	vmax.f32 v19, v22;
	(erf) = vpow2.f32 v21  }
0x166: {  	v21 =	vmul.f32 v25, v23;
	v25 =	vand.u32 $0xFFFF0000, v9;
	v13 =	vld [tilespmem:s7+$0x30];
	v19 =	vmul.f32 $1.442695020e+00, v17  }
.Ltmp3:
0x167: {  	v22 =	vperm.xlane v32, v1;
	v17 =	vld [tilespmem:s7+$0x10];
	(erf) = vpow2.f32 v18;
	[tilespmem:s15+$0xFFFFFF80] =	vst v16;
	v18 =	vshll.u32 v7, $0x10;
	(pc) =	sbr.rel @p1 .LBB2_9-.Ltmp3, $4  }
0x168: {  	v14 =	vshll.u32 v14, $0x10;
	v16 =	vld [tilespmem:s7+$0x0];
	(erf) = vpow2.f32 v29;
	[tilespmem:s15+$0xFFFFFF90] =	vst v21;
	v21 =	vmul.f32 v18, v34  }
0x169: {  	v18 =	vld [tilespmem:s7+$0xFFFFFFB0];
	(erf) = vpow2.f32 v19;
	v19 =	vmul.f32 v14, v22;
	v14 =	vand.u32 $0xFFFF0000, v20  }
0x16a: {  	v22 =	vshll.u32 v9, $0x10;
	v9 =	vld [tilespmem:s7+$0xFFFFFFD0];
	[tilespmem:s15+$0xFFFFFFD0] =	vst v21;
	v21 =	vperm.xlane v30, v4;
	v20 =	vmul.f32 v14, v28  }
0x16b: {  	s16 =	sadd.s32 $0x40, s16;
	v23 =	vand.u32 $0xFFFF0000, v7;
	v22 =	vmul.f32 v22, v31;
	v7 =	vmovc v24;
	v14 =	vld [tilespmem:s7+$0xFFFFFFA0];
	s7 =	sadd.s32 $0xC0, s7;
	[tilespmem:s15+$0xFFFFFF60] =	vst v19;
	v19 =	vmul.f32 v25, v35  }
0x16c: {  	[tilespmem:s14+$0x30] =	vst v20  }
0x16d: {  	v21 =	vmul.f32 v23, v21;
	[tilespmem:s14+$0xFFFFFFB0] =	vst v22  }
0x16e: {  	v6 =	vmul.f32 v6, v10;
	[tilespmem:s14+$0xFFFFFFC0] =	vst v19  }
0x16f: {  	v5 =	vmul.f32 v5, v15;
	[tilespmem:s14+$0xFFFFFFE0] =	vst v21;
	v10 =	vpop (erf)  }
0x170: {  	[tilespmem:s14+$0x20] =	vst v6;
	v6 =	vmul.f32 v8, v11;
	v8 =	vpop (erf)  }
0x171: {  	[tilespmem:s14+$0x50] =	vst v5;
	v5 =	vperm.xlane v10, v1;
	v11 =	vpop (erf)  }
0x172: {  	s7 =	sadd.s32 $0x140, s15;
	[tilespmem:s14+$0x10] =	vst v6;
	v6 =	vshll.u32 v16, $0x10;
	v15 =	vpop (erf);
	v19 =	vperm.xlane v11, v2  }
0x173: {  	[tilespmem:s7+$0x40] =	vst v10;
	v5 =	vmul.f32 v6, v5;
	v6 =	vand.u32 $0xFFFF0000, v14;
	v20 =	vperm.xlane v15, v2  }
0x174: {  	v21 =	vand.u32 $0xFFFF0000, v13;
	[tilespmem:s7+$0xFFFFFFF0] =	vst v8;
	v22 =	vperm.xlane v15, v3;
	v6 =	vmul.f32 v6, v19  }
0x175: {  	[tilespmem:s7+$0x0] =	vst v5;
	v5 =	vshll.u32 v12, $0x10;
	v19 =	vperm.xlane v15, v4;
	v20 =	vmul.f32 v21, v20  }
0x176: {  	v12 =	vand.u32 $0xFFFF0000, v12;
	v5 =	vmul.f32 v5, v22;
	[tilespmem:s7+$0xFFFFFF70] =	vst v6  }
0x177: {  	v6 =	vmul.f32 v12, v19;
	v12 =	vperm.xlane v11, v3;
	[tilespmem:s7+$0x60] =	vst v20  }
0x178: {  	v19 =	vshll.u32 v18, $0x10;
	v20 =	vperm.xlane v11, v4;
	[tilespmem:s7+$0x70] =	vst v5  }
0x179: {  	v5 =	vand.u32 $0xFFFF0000, v18;
	v18 =	vperm.xlane v8, v3;
	[tilespmem:s7+$0x80] =	vst v6;
	v6 =	vmul.f32 v19, v12  }
0x17a: {  	[tilespmem:s7+$0xFFFFFFA0] =	vst v11;
	v12 =	vshll.u32 v7, $0x10;
	v5 =	vmul.f32 v5, v20  }
0x17b: {  	v11 =	vperm.xlane v11, v1;
	v12 =	vmul.f32 v12, v18;
	[tilespmem:s7+$0xFFFFFF80] =	vst v6  }
0x17c: {  	v19 =	vperm.xlane v10, v4;
	v6 =	vshll.u32 v14, $0x10;
	v14 =	vperm.xlane v8, v1;
	[tilespmem:s7+$0xFFFFFF90] =	vst v5  }
0x17d: {  	v5 =	vmul.f32 v6, v11;
	v6 =	vand.u32 $0xFFFF0000, v17;
	[tilespmem:s7+$0xFFFFFFD0] =	vst v12;
	v12 =	vperm.xlane v8, v4  }
0x17e: {  	[tilespmem:s7+$0x90] =	vst v15;
	v11 =	vshll.u32 v9, $0x10;
	v8 =	vperm.xlane v8, v2;
	v6 =	vmul.f32 v6, v19  }
0x17f: {  	v9 =	vand.u32 $0xFFFF0000, v9;
	[tilespmem:s7+$0xFFFFFF60] =	vst v5;
	v5 =	vand.u32 $0xFFFF0000, v7;
	v7 =	vmul.f32 v11, v14  }
0x180: {  	v18 =	vperm.xlane v10, v3;
	v8 =	vmul.f32 v9, v8;
	[tilespmem:s7+$0x30] =	vst v6  }
0x181: {  	v11 =	vshll.u32 v17, $0x10;
	v5 =	vmul.f32 v5, v12;
	v6 =	vperm.xlane v15, v1;
	[tilespmem:s7+$0xFFFFFFB0] =	vst v7  }
0x182: {  	v10 =	vperm.xlane v10, v2;
	v7 =	vmul.f32 v11, v18;
	v11 =	vshll.u32 v13, $0x10;
	[tilespmem:s7+$0xFFFFFFC0] =	vst v8  }
0x183: {  	s13 =	smul.u32 $0x3C0, s12;
	[tilespmem:s7+$0xFFFFFFE0] =	vst v5;
	v5 =	vand.u32 $0xFFFF0000, v16;
	v6 =	vmul.f32 v11, v6  }
0x184: {  	[tilespmem:s7+$0x20] =	vst v7;
	v5 =	vmul.f32 v5, v10  }
0x185: {  	s16 =	sshra.s32 s13, $0x2;
	[tilespmem:s7+$0x50] =	vst v6  }
0x186: {  	s13 =	sadd.s32 $0x4E20, s16;
	s14 =	smul.u32 $0xF0, s12;
	[tilespmem:s7+$0x10] =	vst v5  }
0x187: {  	[spmem:s2] =	stream.indirect.scatter.add.f32 [tilespmem:s29], [sflag:$0x4], $0x50, s13, s18, $0xb8;
	[tilespmem:$0x1E000] =	vst v63  }
0x188: {  	s15 =	sadd.s32 $0x27B0, s14  }
0x189: {  	[tilespmem:s4], [sflag:$0x3] =	stream.indirect.gather [hbm4b:s1+s18], $0x30, s15, s18, $0xb8;
	[tilespmem:$0x1E000] =	vst v63  }
0x18a: {  	s15 =	sadd.s32 $0x4EC0, s14  }
0x18b: {  	[tilespmem:s3], [sflag:$0x3] =	stream.indirect.gather [hbm4b:s5+s18], $0x10, s15, s18, $0xb8;
	[tilespmem:$0x1E000] =	vst v63  }
0x18c: {  	_ =	swait.ge [sflag:s6], $0xF00  }
0x18d: {  	[sflag:s6] =	ssyncset.done $0x0  }
0x18e: {  	[sflag:s6] =	ssyncadd.s32 $0xFFFFF100  }
0x18f: {  	_ =	swait.ge [sflag:s6], $0x500  }
0x190: {  	[sflag:s6] =	ssyncset.done $0x0  }
0x191: {  	[sflag:s6] =	ssyncadd.s32 $0xFFFFFB00  }
0x192: {  	_ =	swait.ge [sflag:s8], $0x1900  }
0x193: {  	[sflag:s8] =	ssyncset.done $0x0  }
0x194: {  	s21 =	simm.s32 $0xA750;
	[sflag:s8] =	ssyncadd.s32 $0xFFFFE700  }
0x195: {  	s7 =	simm.s32 $0x8490;
	v7 =	vld [tilespmem:s21+$0x0]  }
0x196: {  	v8 =	vld [tilespmem:s7+$0x20]  }
0x197: {  	v5 =	vld [tilespmem:s7+$0xFFFFFFF0]  }
0x198: {  	v10 =	vld [tilespmem:s21+$0xFFFFFFF0]  }
0x199: {  	v6 =	vld [tilespmem:s21+$0xFFFFFFE0]  }
0x19a: {  	v9 =	vld [tilespmem:s7+$0xFFFFFFC0]  }
0x19b: {  	v11 =	vld [tilespmem:s21+$0x10];
	v7 =	vadd.f32 v7, v8  }
0x19c: {  	s23 =	simm.s32 $0x8550;
	v12 =	vld [tilespmem:s7+$0x50]  }
0x19d: {  	v20 =	vld [tilespmem:s23+$0xFFFFFFC0];
	v5 =	vadd.f32 v10, v5;
	v8 =	vmul.f32 $2.000000030e-01, v7  }
0x19e: {  	v23 =	vld [tilespmem:s23+$0x20]  }
0x19f: {  	s21 =	simm.s32 $0xA790;
	v34 =	vld [tilespmem:s23+$0x50];
	v6 =	vadd.f32 v6, v9;
	v10 =	vmul.f32 $2.000000030e-01, v5;
	v7 =	vmax.f32 v7, v8  }
0x1a0: {  	v13 =	vld [tilespmem:s21+$0xFFFFFFE0];
	v7 =	vmul.f32 $1.442695020e+00, v7  }
0x1a1: {  	v16 =	vld [tilespmem:s21+$0x0];
	v9 =	vadd.f32 v11, v12;
	v8 =	vmul.f32 $2.000000030e-01, v6;
	v5 =	vmax.f32 v5, v10  }
0x1a2: {  	v26 =	vld [tilespmem:s21+$0x10];
	v5 =	vmul.f32 $1.442695020e+00, v5;
	(erf) = vpow2.f32 v7  }
0x1a3: {  	v30 =	vld [tilespmem:s21+$0xFFFFFFF0];
	v11 =	vmul.f32 $2.000000030e-01, v9;
	v6 =	vmax.f32 v6, v8  }
0x1a4: {  	v12 =	vld [tilespmem:s23+$0xFFFFFFF0];
	v6 =	vmul.f32 $1.442695020e+00, v6;
	(erf) = vpow2.f32 v5  }
0x1a5: {  	v7 =	vmax.f32 v9, v11  }
0x1a6: {  	v10 =	vld [tilespmem:s7+$0x0];
	v7 =	vmul.f32 $1.442695020e+00, v7;
	(erf) = vpow2.f32 v6  }
0x1a7: {  	v13 =	vadd.f32 v13, v20;
	v11 =	vld [tilespmem:s7+$0xFFFFFFB0]  }
0x1a8: {  	v16 =	vadd.f32 v16, v23;
	v26 =	vadd.f32 v26, v34;
	(erf) = vpow2.f32 v7  }
0x1a9: {  	v18 =	vld [tilespmem:s7+$0xFFFFFFA0];
	v57 =	vmul.f32 $2.000000030e-01, v13;
	v30 =	vadd.f32 v30, v12  }
0x1aa: {  	v56 =	vld [tilespmem:s7+$0xFFFFFFD0];
	v60 =	vmul.f32 $2.000000030e-01, v26;
	v12 =	vmul.f32 $2.000000030e-01, v16  }
0x1ab: {  	v59 =	vmul.f32 $2.000000030e-01, v30;
	v8 =	vand.u32 $0xFFFF0000, v10;
	v24 =	vshll.u32 v10, $0x10;
	v19 =	vpop (erf)  }
0x1ac: {  	v9 =	vld [tilespmem:s7+$0x30];
	v17 =	vand.u32 $0xFFFF0000, v11;
	v15 =	vperm.xlane v19, v1;
	v22 =	vperm.xlane v19, v4  }
0x1ad: {  	v21 =	vshll.u32 v11, $0x10;
	v11 =	vperm.xlane v19, v2;
	v10 =	vperm.xlane v19, v3;
	v25 =	vpop (erf)  }
0x1ae: {  	v35 =	vand.u32 $0xFFFF0000, v18;
	v7 =	vld [tilespmem:s7+$0x40];
	v27 =	vperm.xlane v25, v1;
	v32 =	vperm.xlane v25, v2  }
0x1af: {  	v62 =	vand.u32 $0xFFFF0000, v56;
	v29 =	vpop (erf);
	v54 =	vperm.xlane v25, v3;
	v24 =	vmul.f32 v24, v15  }
0x1b0: {  	s21 =	simm.s32 $0xCAD0;
	v12 =	vmax.f32 v16, v12;
	v31 =	vperm.xlane v29, v2;
	v58 =	vperm.xlane v29, v4  }
0x1b1: {  	v14 =	vld [tilespmem:s7+$0x10];
	v5 =	vshll.u32 v9, $0x10;
	[tilespmem:s21+$0x40] =	vst v19;
	v33 =	vpop (erf);
	v16 =	vperm.xlane v29, v3;
	v19 =	vperm.xlane v29, v1  }
0x1b2: {  	v55 =	vld [tilespmem:s7+$0xFFFFFFE0];
	v9 =	vand.u32 $0xFFFF0000, v9;
	[tilespmem:s21+$0xFFFFFFF0] =	vst v25;
	v20 =	vperm.xlane v33, v2;
	v23 =	vmul.f32 v35, v31  }
0x1b3: {  	v28 =	vand.u32 $0xFFFF0000, v7;
	[tilespmem:s21+$0xFFFFFFA0] =	vst v29;
	v37 =	vperm.xlane v33, v3;
	v16 =	vmul.f32 v21, v16  }
0x1b4: {  	v7 =	vshll.u32 v7, $0x10;
	v36 =	vperm.xlane v33, v4;
	v9 =	vmul.f32 v9, v20;
	[tilespmem:s21+$0xFFFFFF70] =	vst v23  }
0x1b5: {  	v13 =	vmax.f32 v13, v57;
	v7 =	vmul.f32 v7, v37;
	v23 =	vmul.f32 $1.442695020e+00, v12;
	[tilespmem:s21+$0xFFFFFF80] =	vst v16  }
0x1b6: {  	v20 =	vmul.f32 v28, v36;
	v12 =	vld [tilespmem:s23+$0x40];
	[tilespmem:s21+$0x60] =	vst v9;
	v9 =	vmul.f32 $1.442695020e+00, v13;
	v13 =	vmax.f32 v30, v59  }
0x1b7: {  	v61 =	vmax.f32 v26, v60;
	v16 =	vld [tilespmem:s23+$0x0];
	[tilespmem:s21+$0x70] =	vst v7;
	v21 =	vmul.f32 $1.442695020e+00, v13;
	(erf) = vpow2.f32 v23  }
0x1b8: {  	v6 =	vshll.u32 v14, $0x10;
	v15 =	vperm.xlane v33, v1;
	v7 =	vld [tilespmem:s23+$0xFFFFFFE0];
	[tilespmem:s21+$0x80] =	vst v20;
	v20 =	vmul.f32 $1.442695020e+00, v61  }
0x1b9: {  	[tilespmem:s21+$0x90] =	vst v33;
	v23 =	vmul.f32 v17, v58;
	v17 =	vld [tilespmem:s23+$0x10];
	(erf) = vpow2.f32 v21;
	v21 =	vshll.u32 v55, $0x10  }
0x1ba: {  	[tilespmem:s21+$0x0] =	vst v24;
	v13 =	vld [tilespmem:s23+$0x30];
	(erf) = vpow2.f32 v9;
	v9 =	vshll.u32 v18, $0x10;
	v21 =	vmul.f32 v21, v54  }
0x1bb: {  	v14 =	vand.u32 $0xFFFF0000, v14;
	[tilespmem:s21+$0xFFFFFF90] =	vst v23;
	v18 =	vld [tilespmem:s23+$0xFFFFFFB0];
	(erf) = vpow2.f32 v20;
	v19 =	vmul.f32 v9, v19  }
0x1bc: {  	s28 =	simm.s32 $0x8610;
	v63 =	vshll.u32 v56, $0x10;
	v9 =	vld [tilespmem:s23+$0xFFFFFFD0];
	v20 =	vmul.f32 v14, v22;
	[tilespmem:s21+$0xFFFFFFD0] =	vst v21;
	v21 =	vperm.xlane v25, v4  }
0x1bd: {  	s13 =	simm.s32 $0xCAD0;
	s7 =	simm.s32 $0x4;
	v23 =	vand.u32 $0xFFFF0000, v55;
	v14 =	vld [tilespmem:s23+$0xFFFFFFA0];
	s23 =	simm.s32 $0xA7D0;
	v22 =	vmul.f32 v63, v27;
	[tilespmem:s21+$0xFFFFFF60] =	vst v19;
	v19 =	vmul.f32 v62, v32  }
.LBB2_11:
0x1be: {  	v24 =	vld [tilespmem:s28+$0xFFFFFFF0];
	s7 =	sadd.s32 $0x4, s7;
	v25 =	vshll.u32 v17, $0x10;
	v21 =	vmul.f32 v23, v21;
	v23 =	vmul.f32 v8, v11;
	[tilespmem:s21+$0x30] =	vst v20;
	s13 =	sadd.s32 $0x140, s13;
	v20 =	vmovc v17  }
0x1bf: {  	v10 =	vmul.f32 v6, v10;
	v15 =	vmul.f32 v5, v15;
	v5 =	vshll.u32 v13, $0x10;
	v17 =	vld [tilespmem:s23+$0xFFFFFFE0];
	p1 =	slt.u32 s7, $0x4C;
	[tilespmem:s21+$0xFFFFFFB0] =	vst v22;
	v6 =	vmovc v25  }
0x1c0: {  	v8 =	vand.u32 $0xFFFF0000, v16;
	v22 =	vld [tilespmem:s23+$0x0];
	v25 =	vand.u32 $0xFFFF0000, v18;
	v26 =	vpop (erf);
	[tilespmem:s21+$0xFFFFFFE0] =	vst v21  }
0x1c1: {  	v18 =	vshll.u32 v18, $0x10;
	v21 =	vld [tilespmem:s28+$0xFFFFFFC0];
	v27 =	vperm.xlane v26, v1;
	v28 =	vperm.xlane v26, v4;
	[tilespmem:s21+$0x20] =	vst v10  }
0x1c2: {  	v16 =	vshll.u32 v16, $0x10;
	v11 =	vperm.xlane v26, v2;
	v10 =	vperm.xlane v26, v3;
	v29 =	vld [tilespmem:s28+$0x20];
	v30 =	vpop (erf);
	[tilespmem:s21+$0xFFFFFFC0] =	vst v19  }
0x1c3: {  	v19 =	vld [tilespmem:s23+$0x10];
	v31 =	vperm.xlane v30, v1;
	v16 =	vmul.f32 v16, v27;
	v27 =	vand.u32 $0xFFFF0000, v12;
	v32 =	vpop (erf);
	[tilespmem:s21+$0x50] =	vst v15  }
0x1c4: {  	v13 =	vand.u32 $0xFFFF0000, v13;
	v35 =	vperm.xlane v30, v2;
	v33 =	vld [tilespmem:s23+$0xFFFFFFF0];
	v34 =	vperm.xlane v32, v2;
	v36 =	vpop (erf);
	[tilespmem:s21+$0x10] =	vst v23;
	s21 =	smov.u32 s13  }
0x1c5: {  	v37 =	vand.u32 $0xFFFF0000, v14;
	v23 =	vld [tilespmem:s28+$0x50];
	v15 =	vperm.xlane v36, v1;
	v38 =	vperm.xlane v36, v4;
	[tilespmem:s13+$0x90] =	vst v36  }
0x1c6: {  	v39 =	vperm.xlane v36, v2;
	v36 =	vperm.xlane v36, v3;
	v17 =	vadd.f32 v17, v21;
	v21 =	vld [tilespmem:s28+$0x40];
	[tilespmem:s13+$0xFFFFFFA0] =	vst v32  }
0x1c7: {  	v22 =	vadd.f32 v22, v29;
	v29 =	vmul.f32 v37, v34;
	v34 =	vperm.xlane v30, v3;
	[tilespmem:s13+$0xFFFFFFF0] =	vst v30  }
0x1c8: {  	v12 =	vshll.u32 v12, $0x10;
	v13 =	vmul.f32 v13, v39;
	[tilespmem:s13+$0x0] =	vst v16;
	v16 =	vmul.f32 v27, v38  }
0x1c9: {  	v24 =	vadd.f32 v33, v24;
	v27 =	vmul.f32 $2.000000030e-01, v22;
	[tilespmem:s13+$0xFFFFFF70] =	vst v29;
	v33 =	vmul.f32 v12, v36  }
0x1ca: {  	v29 =	vmul.f32 $2.000000030e-01, v17;
	v19 =	vadd.f32 v19, v23;
	v23 =	vperm.xlane v32, v4;
	[tilespmem:s13+$0x60] =	vst v13  }
0x1cb: {  	v13 =	vmul.f32 $2.000000030e-01, v24;
	v22 =	vmax.f32 v22, v27;
	v27 =	vperm.xlane v32, v3;
	[tilespmem:s13+$0x70] =	vst v33;
	v12 =	vmovc v21  }
0x1cc: {  	v17 =	vmax.f32 v17, v29;
	v21 =	vmul.f32 $1.442695020e+00, v22;
	v22 =	vmul.f32 $2.000000030e-01, v19;
	[tilespmem:s13+$0x80] =	vst v16  }
0x1cd: {  	v29 =	vmul.f32 $1.442695020e+00, v17;
	v13 =	vmax.f32 v24, v13;
	v16 =	vmul.f32 v18, v27;
	[tilespmem:s13+$0x40] =	vst v26  }
0x1ce: {  	v24 =	vld [tilespmem:s28+$0xFFFFFFE0];
	v18 =	vmul.f32 $1.442695020e+00, v13;
	v17 =	vmax.f32 v19, v22;
	(erf) = vpow2.f32 v21  }
0x1cf: {  	v21 =	vmul.f32 v25, v23;
	v25 =	vand.u32 $0xFFFF0000, v9;
	v13 =	vld [tilespmem:s28+$0x30];
	v19 =	vmul.f32 $1.442695020e+00, v17  }
.Ltmp4:
0x1d0: {  	v22 =	vperm.xlane v32, v1;
	v17 =	vld [tilespmem:s28+$0x10];
	(erf) = vpow2.f32 v18;
	[tilespmem:s13+$0xFFFFFF80] =	vst v16;
	v18 =	vshll.u32 v7, $0x10;
	(pc) =	sbr.rel @p1 .LBB2_11-.Ltmp4, $4  }
0x1d1: {  	v14 =	vshll.u32 v14, $0x10;
	v16 =	vld [tilespmem:s28+$0x0];
	(erf) = vpow2.f32 v29;
	[tilespmem:s13+$0xFFFFFF90] =	vst v21;
	v21 =	vmul.f32 v18, v34  }
0x1d2: {  	v18 =	vld [tilespmem:s28+$0xFFFFFFB0];
	(erf) = vpow2.f32 v19;
	v19 =	vmul.f32 v14, v22;
	v14 =	vand.u32 $0xFFFF0000, v20  }
0x1d3: {  	v22 =	vshll.u32 v9, $0x10;
	v9 =	vld [tilespmem:s28+$0xFFFFFFD0];
	[tilespmem:s13+$0xFFFFFFD0] =	vst v21;
	v21 =	vperm.xlane v30, v4;
	v20 =	vmul.f32 v14, v28  }
0x1d4: {  	s23 =	sadd.s32 $0x40, s23;
	v23 =	vand.u32 $0xFFFF0000, v7;
	v22 =	vmul.f32 v22, v31;
	v7 =	vmovc v24;
	v14 =	vld [tilespmem:s28+$0xFFFFFFA0];
	s28 =	sadd.s32 $0xC0, s28;
	[tilespmem:s13+$0xFFFFFF60] =	vst v19;
	v19 =	vmul.f32 v25, v35  }
0x1d5: {  	[tilespmem:s21+$0x30] =	vst v20  }
0x1d6: {  	v21 =	vmul.f32 v23, v21;
	[tilespmem:s21+$0xFFFFFFB0] =	vst v22  }
0x1d7: {  	v6 =	vmul.f32 v6, v10;
	[tilespmem:s21+$0xFFFFFFC0] =	vst v19  }
0x1d8: {  	v5 =	vmul.f32 v5, v15;
	[tilespmem:s21+$0xFFFFFFE0] =	vst v21;
	v10 =	vpop (erf)  }
0x1d9: {  	[tilespmem:s21+$0x20] =	vst v6;
	v6 =	vmul.f32 v8, v11;
	v8 =	vpop (erf)  }
0x1da: {  	[tilespmem:s21+$0x50] =	vst v5;
	v5 =	vperm.xlane v10, v1;
	v11 =	vpop (erf)  }
0x1db: {  	s7 =	sadd.s32 $0x140, s13;
	[tilespmem:s21+$0x10] =	vst v6;
	v6 =	vshll.u32 v16, $0x10;
	v15 =	vpop (erf);
	v19 =	vperm.xlane v11, v2  }
0x1dc: {  	[tilespmem:s7+$0x40] =	vst v10;
	v5 =	vmul.f32 v6, v5;
	v6 =	vand.u32 $0xFFFF0000, v14;
	v20 =	vperm.xlane v15, v2  }
0x1dd: {  	v21 =	vand.u32 $0xFFFF0000, v13;
	[tilespmem:s7+$0xFFFFFFF0] =	vst v8;
	v22 =	vperm.xlane v15, v3;
	v6 =	vmul.f32 v6, v19  }
0x1de: {  	[tilespmem:s7+$0x0] =	vst v5;
	v5 =	vshll.u32 v12, $0x10;
	v19 =	vperm.xlane v15, v4;
	v20 =	vmul.f32 v21, v20  }
0x1df: {  	v12 =	vand.u32 $0xFFFF0000, v12;
	v5 =	vmul.f32 v5, v22;
	[tilespmem:s7+$0xFFFFFF70] =	vst v6  }
0x1e0: {  	v6 =	vmul.f32 v12, v19;
	v12 =	vperm.xlane v11, v3;
	[tilespmem:s7+$0x60] =	vst v20  }
0x1e1: {  	v19 =	vshll.u32 v18, $0x10;
	v20 =	vperm.xlane v11, v4;
	[tilespmem:s7+$0x70] =	vst v5  }
0x1e2: {  	v5 =	vand.u32 $0xFFFF0000, v18;
	v18 =	vperm.xlane v8, v3;
	[tilespmem:s7+$0x80] =	vst v6;
	v6 =	vmul.f32 v19, v12  }
0x1e3: {  	[tilespmem:s7+$0xFFFFFFA0] =	vst v11;
	v12 =	vshll.u32 v7, $0x10;
	v5 =	vmul.f32 v5, v20  }
0x1e4: {  	v11 =	vperm.xlane v11, v1;
	v12 =	vmul.f32 v12, v18;
	[tilespmem:s7+$0xFFFFFF80] =	vst v6  }
0x1e5: {  	v19 =	vperm.xlane v10, v4;
	v6 =	vshll.u32 v14, $0x10;
	v14 =	vperm.xlane v8, v1;
	[tilespmem:s7+$0xFFFFFF90] =	vst v5  }
0x1e6: {  	v5 =	vmul.f32 v6, v11;
	v6 =	vand.u32 $0xFFFF0000, v17;
	[tilespmem:s7+$0xFFFFFFD0] =	vst v12;
	v12 =	vperm.xlane v8, v4  }
0x1e7: {  	[tilespmem:s7+$0x90] =	vst v15;
	v11 =	vshll.u32 v9, $0x10;
	v8 =	vperm.xlane v8, v2;
	v6 =	vmul.f32 v6, v19  }
0x1e8: {  	v9 =	vand.u32 $0xFFFF0000, v9;
	[tilespmem:s7+$0xFFFFFF60] =	vst v5;
	v5 =	vand.u32 $0xFFFF0000, v7;
	v7 =	vmul.f32 v11, v14  }
0x1e9: {  	v18 =	vperm.xlane v10, v3;
	v8 =	vmul.f32 v9, v8;
	[tilespmem:s7+$0x30] =	vst v6  }
0x1ea: {  	v11 =	vshll.u32 v17, $0x10;
	v5 =	vmul.f32 v5, v12;
	v6 =	vperm.xlane v15, v1;
	[tilespmem:s7+$0xFFFFFFB0] =	vst v7  }
0x1eb: {  	v10 =	vperm.xlane v10, v2;
	v7 =	vmul.f32 v11, v18;
	v11 =	vshll.u32 v13, $0x10;
	[tilespmem:s7+$0xFFFFFFC0] =	vst v8  }
0x1ec: {  	[tilespmem:s7+$0xFFFFFFE0] =	vst v5;
	v5 =	vand.u32 $0xFFFF0000, v16;
	v6 =	vmul.f32 v11, v6  }
0x1ed: {  	[tilespmem:s7+$0x20] =	vst v7;
	v5 =	vmul.f32 v5, v10  }
0x1ee: {  	[tilespmem:s7+$0x50] =	vst v6  }
0x1ef: {  	s28 =	sadd.s32 $0x4E70, s16;
	[tilespmem:s7+$0x10] =	vst v5  }
0x1f0: {  	[spmem:s2] =	stream.indirect.scatter.add.f32 [tilespmem:s30], [sflag:$0x5], $0x50, s28, s18, $0xb8;
	[tilespmem:$0x1E000] =	vst v63  }
0x1f1: {  	s13 =	sadd.s32 $0x2800, s14  }
0x1f2: {  	[tilespmem:s20], [sflag:$0x1] =	stream.indirect.gather [hbm4b:s1+s18], $0x30, s13, s18, $0xb8;
	[tilespmem:$0x1E000] =	vst v63  }
0x1f3: {  	s16 =	sadd.s32 $0x4F10, s14  }
0x1f4: {  	[tilespmem:s22], [sflag:$0x1] =	stream.indirect.gather [hbm4b:s5+s18], $0x10, s16, s18, $0xb8;
	[tilespmem:$0x1E000] =	vst v63  }
0x1f5: {  	_ =	swait.ge [sflag:s9], $0xF00  }
0x1f6: {  	[sflag:s9] =	ssyncset.done $0x0  }
0x1f7: {  	[sflag:s9] =	ssyncadd.s32 $0xFFFFF100  }
0x1f8: {  	_ =	swait.ge [sflag:s9], $0x500  }
0x1f9: {  	[sflag:s9] =	ssyncset.done $0x0  }
0x1fa: {  	[sflag:s9] =	ssyncadd.s32 $0xFFFFFB00  }
0x1fb: {  	_ =	swait.ge [sflag:s10], $0x1900  }
0x1fc: {  	[sflag:s10] =	ssyncset.done $0x0  }
0x1fd: {  	s21 =	simm.s32 $0xAC50;
	[sflag:s10] =	ssyncadd.s32 $0xFFFFE700  }
0x1fe: {  	s7 =	simm.s32 $0x9390;
	v7 =	vld [tilespmem:s21+$0x0]  }
0x1ff: {  	v8 =	vld [tilespmem:s7+$0x20]  }
0x200: {  	v5 =	vld [tilespmem:s7+$0xFFFFFFF0]  }
0x201: {  	v10 =	vld [tilespmem:s21+$0xFFFFFFF0]  }
0x202: {  	v6 =	vld [tilespmem:s21+$0xFFFFFFE0]  }
0x203: {  	v9 =	vld [tilespmem:s7+$0xFFFFFFC0]  }
0x204: {  	v11 =	vld [tilespmem:s21+$0x10];
	v7 =	vadd.f32 v7, v8  }
0x205: {  	s28 =	simm.s32 $0xAC90;
	v12 =	vld [tilespmem:s7+$0x50]  }
0x206: {  	v13 =	vld [tilespmem:s28+$0xFFFFFFE0];
	v5 =	vadd.f32 v10, v5;
	v8 =	vmul.f32 $2.000000030e-01, v7  }
0x207: {  	s23 =	simm.s32 $0x9450;
	v16 =	vld [tilespmem:s28+$0x0]  }
0x208: {  	v20 =	vld [tilespmem:s23+$0xFFFFFFC0];
	v6 =	vadd.f32 v6, v9;
	v10 =	vmul.f32 $2.000000030e-01, v5;
	v7 =	vmax.f32 v7, v8  }
0x209: {  	v23 =	vld [tilespmem:s23+$0x20];
	v7 =	vmul.f32 $1.442695020e+00, v7  }
0x20a: {  	v26 =	vld [tilespmem:s28+$0x10];
	v9 =	vadd.f32 v11, v12;
	v8 =	vmul.f32 $2.000000030e-01, v6;
	v5 =	vmax.f32 v5, v10  }
0x20b: {  	v30 =	vld [tilespmem:s28+$0xFFFFFFF0];
	v5 =	vmul.f32 $1.442695020e+00, v5;
	(erf) = vpow2.f32 v7  }
0x20c: {  	v34 =	vld [tilespmem:s23+$0x50];
	v11 =	vmul.f32 $2.000000030e-01, v9;
	v6 =	vmax.f32 v6, v8  }
0x20d: {  	v12 =	vld [tilespmem:s23+$0xFFFFFFF0];
	v6 =	vmul.f32 $1.442695020e+00, v6;
	(erf) = vpow2.f32 v5  }
0x20e: {  	v7 =	vmax.f32 v9, v11  }
0x20f: {  	v10 =	vld [tilespmem:s7+$0x0];
	v7 =	vmul.f32 $1.442695020e+00, v7;
	(erf) = vpow2.f32 v6  }
0x210: {  	v13 =	vadd.f32 v13, v20;
	v11 =	vld [tilespmem:s7+$0xFFFFFFB0]  }
0x211: {  	v16 =	vadd.f32 v16, v23;
	v26 =	vadd.f32 v26, v34;
	(erf) = vpow2.f32 v7  }
0x212: {  	v18 =	vld [tilespmem:s7+$0xFFFFFFA0];
	v57 =	vmul.f32 $2.000000030e-01, v13;
	v30 =	vadd.f32 v30, v12  }
0x213: {  	v56 =	vld [tilespmem:s7+$0xFFFFFFD0];
	v60 =	vmul.f32 $2.000000030e-01, v26;
	v12 =	vmul.f32 $2.000000030e-01, v16  }
0x214: {  	v59 =	vmul.f32 $2.000000030e-01, v30;
	v8 =	vand.u32 $0xFFFF0000, v10;
	v24 =	vshll.u32 v10, $0x10;
	v19 =	vpop (erf)  }
0x215: {  	v9 =	vld [tilespmem:s7+$0x30];
	v17 =	vand.u32 $0xFFFF0000, v11;
	v15 =	vperm.xlane v19, v1;
	v22 =	vperm.xlane v19, v4  }
0x216: {  	v21 =	vshll.u32 v11, $0x10;
	v11 =	vperm.xlane v19, v2;
	v10 =	vperm.xlane v19, v3;
	v25 =	vpop (erf)  }
0x217: {  	v35 =	vand.u32 $0xFFFF0000, v18;
	v7 =	vld [tilespmem:s7+$0x40];
	v27 =	vperm.xlane v25, v1;
	v32 =	vperm.xlane v25, v2  }
0x218: {  	v62 =	vand.u32 $0xFFFF0000, v56;
	v29 =	vpop (erf);
	v54 =	vperm.xlane v25, v3;
	v24 =	vmul.f32 v24, v15  }
0x219: {  	s16 =	simm.s32 $0xE3D0;
	v12 =	vmax.f32 v16, v12;
	v31 =	vperm.xlane v29, v2;
	v58 =	vperm.xlane v29, v4  }
0x21a: {  	v14 =	vld [tilespmem:s7+$0x10];
	v5 =	vshll.u32 v9, $0x10;
	[tilespmem:s16+$0x40] =	vst v19;
	v33 =	vpop (erf);
	v16 =	vperm.xlane v29, v3;
	v19 =	vperm.xlane v29, v1  }
0x21b: {  	v55 =	vld [tilespmem:s7+$0xFFFFFFE0];
	v9 =	vand.u32 $0xFFFF0000, v9;
	[tilespmem:s16+$0xFFFFFFF0] =	vst v25;
	v20 =	vperm.xlane v33, v2;
	v23 =	vmul.f32 v35, v31  }
0x21c: {  	v28 =	vand.u32 $0xFFFF0000, v7;
	[tilespmem:s16+$0xFFFFFFA0] =	vst v29;
	v37 =	vperm.xlane v33, v3;
	v16 =	vmul.f32 v21, v16  }
0x21d: {  	v7 =	vshll.u32 v7, $0x10;
	v36 =	vperm.xlane v33, v4;
	v9 =	vmul.f32 v9, v20;
	[tilespmem:s16+$0xFFFFFF70] =	vst v23  }
0x21e: {  	v13 =	vmax.f32 v13, v57;
	v7 =	vmul.f32 v7, v37;
	v23 =	vmul.f32 $1.442695020e+00, v12;
	[tilespmem:s16+$0xFFFFFF80] =	vst v16  }
0x21f: {  	v20 =	vmul.f32 v28, v36;
	v12 =	vld [tilespmem:s23+$0x40];
	[tilespmem:s16+$0x60] =	vst v9;
	v9 =	vmul.f32 $1.442695020e+00, v13;
	v13 =	vmax.f32 v30, v59  }
0x220: {  	v61 =	vmax.f32 v26, v60;
	v16 =	vld [tilespmem:s23+$0x0];
	[tilespmem:s16+$0x70] =	vst v7;
	v21 =	vmul.f32 $1.442695020e+00, v13;
	(erf) = vpow2.f32 v23  }
0x221: {  	v6 =	vshll.u32 v14, $0x10;
	v15 =	vperm.xlane v33, v1;
	v7 =	vld [tilespmem:s23+$0xFFFFFFE0];
	[tilespmem:s16+$0x80] =	vst v20;
	v20 =	vmul.f32 $1.442695020e+00, v61  }
0x222: {  	[tilespmem:s16+$0x90] =	vst v33;
	v23 =	vmul.f32 v17, v58;
	v17 =	vld [tilespmem:s23+$0x10];
	(erf) = vpow2.f32 v21;
	v21 =	vshll.u32 v55, $0x10  }
0x223: {  	[tilespmem:s16+$0x0] =	vst v24;
	v13 =	vld [tilespmem:s23+$0x30];
	(erf) = vpow2.f32 v9;
	v9 =	vshll.u32 v18, $0x10;
	v21 =	vmul.f32 v21, v54  }
0x224: {  	v14 =	vand.u32 $0xFFFF0000, v14;
	[tilespmem:s16+$0xFFFFFF90] =	vst v23;
	v18 =	vld [tilespmem:s23+$0xFFFFFFB0];
	(erf) = vpow2.f32 v20;
	v19 =	vmul.f32 v9, v19  }
0x225: {  	s13 =	simm.s32 $0xE3D0;
	v63 =	vshll.u32 v56, $0x10;
	v9 =	vld [tilespmem:s23+$0xFFFFFFD0];
	v20 =	vmul.f32 v14, v22;
	[tilespmem:s16+$0xFFFFFFD0] =	vst v21;
	v21 =	vperm.xlane v25, v4  }
0x226: {  	s21 =	simm.s32 $0x9510;
	s7 =	simm.s32 $0x4;
	v23 =	vand.u32 $0xFFFF0000, v55;
	v14 =	vld [tilespmem:s23+$0xFFFFFFA0];
	s23 =	simm.s32 $0xACD0;
	v22 =	vmul.f32 v63, v27;
	[tilespmem:s16+$0xFFFFFF60] =	vst v19;
	v19 =	vmul.f32 v62, v32  }
.LBB2_13:
0x227: {  	v24 =	vld [tilespmem:s21+$0xFFFFFFF0];
	s7 =	sadd.s32 $0x4, s7;
	v25 =	vshll.u32 v17, $0x10;
	v21 =	vmul.f32 v23, v21;
	v23 =	vmul.f32 v8, v11;
	[tilespmem:s16+$0x30] =	vst v20;
	s13 =	sadd.s32 $0x140, s13;
	v20 =	vmovc v17  }
0x228: {  	v10 =	vmul.f32 v6, v10;
	v15 =	vmul.f32 v5, v15;
	v5 =	vshll.u32 v13, $0x10;
	v17 =	vld [tilespmem:s23+$0xFFFFFFE0];
	p1 =	slt.u32 s7, $0x4C;
	[tilespmem:s16+$0xFFFFFFB0] =	vst v22;
	v6 =	vmovc v25  }
0x229: {  	v8 =	vand.u32 $0xFFFF0000, v16;
	v22 =	vld [tilespmem:s23+$0x0];
	v25 =	vand.u32 $0xFFFF0000, v18;
	v26 =	vpop (erf);
	[tilespmem:s16+$0xFFFFFFE0] =	vst v21  }
0x22a: {  	v18 =	vshll.u32 v18, $0x10;
	v21 =	vld [tilespmem:s21+$0xFFFFFFC0];
	v27 =	vperm.xlane v26, v1;
	v28 =	vperm.xlane v26, v4;
	[tilespmem:s16+$0x20] =	vst v10  }
0x22b: {  	v16 =	vshll.u32 v16, $0x10;
	v11 =	vperm.xlane v26, v2;
	v10 =	vperm.xlane v26, v3;
	v29 =	vld [tilespmem:s21+$0x20];
	v30 =	vpop (erf);
	[tilespmem:s16+$0xFFFFFFC0] =	vst v19  }
0x22c: {  	v19 =	vld [tilespmem:s23+$0x10];
	v31 =	vperm.xlane v30, v1;
	v16 =	vmul.f32 v16, v27;
	v27 =	vand.u32 $0xFFFF0000, v12;
	v32 =	vpop (erf);
	[tilespmem:s16+$0x50] =	vst v15  }
0x22d: {  	v13 =	vand.u32 $0xFFFF0000, v13;
	v35 =	vperm.xlane v30, v2;
	v33 =	vld [tilespmem:s23+$0xFFFFFFF0];
	v34 =	vperm.xlane v32, v2;
	v36 =	vpop (erf);
	[tilespmem:s16+$0x10] =	vst v23;
	s16 =	smov.u32 s13  }
0x22e: {  	v37 =	vand.u32 $0xFFFF0000, v14;
	v23 =	vld [tilespmem:s21+$0x50];
	v15 =	vperm.xlane v36, v1;
	v38 =	vperm.xlane v36, v4;
	[tilespmem:s13+$0x90] =	vst v36  }
0x22f: {  	v39 =	vperm.xlane v36, v2;
	v36 =	vperm.xlane v36, v3;
	v17 =	vadd.f32 v17, v21;
	v21 =	vld [tilespmem:s21+$0x40];
	[tilespmem:s13+$0xFFFFFFA0] =	vst v32  }
0x230: {  	v22 =	vadd.f32 v22, v29;
	v29 =	vmul.f32 v37, v34;
	v34 =	vperm.xlane v30, v3;
	[tilespmem:s13+$0xFFFFFFF0] =	vst v30  }
0x231: {  	v12 =	vshll.u32 v12, $0x10;
	v13 =	vmul.f32 v13, v39;
	[tilespmem:s13+$0x0] =	vst v16;
	v16 =	vmul.f32 v27, v38  }
0x232: {  	v24 =	vadd.f32 v33, v24;
	v27 =	vmul.f32 $2.000000030e-01, v22;
	[tilespmem:s13+$0xFFFFFF70] =	vst v29;
	v33 =	vmul.f32 v12, v36  }
0x233: {  	v29 =	vmul.f32 $2.000000030e-01, v17;
	v19 =	vadd.f32 v19, v23;
	v23 =	vperm.xlane v32, v4;
	[tilespmem:s13+$0x60] =	vst v13  }
0x234: {  	v13 =	vmul.f32 $2.000000030e-01, v24;
	v22 =	vmax.f32 v22, v27;
	v27 =	vperm.xlane v32, v3;
	[tilespmem:s13+$0x70] =	vst v33;
	v12 =	vmovc v21  }
0x235: {  	v17 =	vmax.f32 v17, v29;
	v21 =	vmul.f32 $1.442695020e+00, v22;
	v22 =	vmul.f32 $2.000000030e-01, v19;
	[tilespmem:s13+$0x80] =	vst v16  }
0x236: {  	v29 =	vmul.f32 $1.442695020e+00, v17;
	v13 =	vmax.f32 v24, v13;
	v16 =	vmul.f32 v18, v27;
	[tilespmem:s13+$0x40] =	vst v26  }
0x237: {  	v24 =	vld [tilespmem:s21+$0xFFFFFFE0];
	v18 =	vmul.f32 $1.442695020e+00, v13;
	v17 =	vmax.f32 v19, v22;
	(erf) = vpow2.f32 v21  }
0x238: {  	v21 =	vmul.f32 v25, v23;
	v25 =	vand.u32 $0xFFFF0000, v9;
	v13 =	vld [tilespmem:s21+$0x30];
	v19 =	vmul.f32 $1.442695020e+00, v17  }
.Ltmp5:
0x239: {  	v22 =	vperm.xlane v32, v1;
	v17 =	vld [tilespmem:s21+$0x10];
	(erf) = vpow2.f32 v18;
	[tilespmem:s13+$0xFFFFFF80] =	vst v16;
	v18 =	vshll.u32 v7, $0x10;
	(pc) =	sbr.rel @p1 .LBB2_13-.Ltmp5, $4  }
0x23a: {  	v14 =	vshll.u32 v14, $0x10;
	v16 =	vld [tilespmem:s21+$0x0];
	(erf) = vpow2.f32 v29;
	[tilespmem:s13+$0xFFFFFF90] =	vst v21;
	v21 =	vmul.f32 v18, v34  }
0x23b: {  	v18 =	vld [tilespmem:s21+$0xFFFFFFB0];
	(erf) = vpow2.f32 v19;
	v19 =	vmul.f32 v14, v22;
	v14 =	vand.u32 $0xFFFF0000, v20  }
0x23c: {  	v22 =	vshll.u32 v9, $0x10;
	v9 =	vld [tilespmem:s21+$0xFFFFFFD0];
	[tilespmem:s13+$0xFFFFFFD0] =	vst v21;
	v21 =	vperm.xlane v30, v4;
	v20 =	vmul.f32 v14, v28  }
0x23d: {  	s23 =	sadd.s32 $0x40, s23;
	v23 =	vand.u32 $0xFFFF0000, v7;
	v22 =	vmul.f32 v22, v31;
	v7 =	vmovc v24;
	v14 =	vld [tilespmem:s21+$0xFFFFFFA0];
	s21 =	sadd.s32 $0xC0, s21;
	[tilespmem:s13+$0xFFFFFF60] =	vst v19;
	v19 =	vmul.f32 v25, v35  }
0x23e: {  	[tilespmem:s16+$0x30] =	vst v20  }
0x23f: {  	v21 =	vmul.f32 v23, v21;
	[tilespmem:s16+$0xFFFFFFB0] =	vst v22  }
0x240: {  	v6 =	vmul.f32 v6, v10;
	[tilespmem:s16+$0xFFFFFFC0] =	vst v19  }
0x241: {  	v5 =	vmul.f32 v5, v15;
	[tilespmem:s16+$0xFFFFFFE0] =	vst v21  }
0x242: {  	[tilespmem:s16+$0x20] =	vst v6  }
0x243: {  	s7 =	sadd.s32 $0x140, s13;
	v41 =	vpop (erf);
	v6 =	vmul.f32 v8, v11;
	[tilespmem:s16+$0x50] =	vst v5  }
0x244: {  	v5 =	vperm.xlane v41, v1;
	[tilespmem:s7+$0x40] =	vst v41  }
0x245: {  	v42 =	vpop (erf);
	[tilespmem:s16+$0x10] =	vst v6;
	v6 =	vshll.u32 v16, $0x10  }
0x246: {  	v50 =	vand.u32 $0xFFFF0000, v12;
	v43 =	vpop (erf);
	v5 =	vmul.f32 v6, v5;
	[tilespmem:s7+$0xFFFFFFF0] =	vst v42;
	v54 =	vperm.xlane v42, v3  }
0x247: {  	v55 =	vshll.u32 v7, $0x10;
	v6 =	vand.u32 $0xFFFF0000, v14;
	v44 =	vpop (erf);
	v45 =	vperm.xlane v43, v2;
	[tilespmem:s7+$0xFFFFFFA0] =	vst v43  }
0x248: {  	v48 =	vperm.xlane v44, v3;
	[tilespmem:s7+$0x0] =	vst v5;
	v5 =	vshll.u32 v12, $0x10;
	v12 =	vmul.f32 v55, v54  }
0x249: {  	[tilespmem:s7+$0x90] =	vst v44;
	v49 =	vperm.xlane v44, v4;
	v6 =	vmul.f32 v6, v45  }
0x24a: {  	v8 =	vperm.xlane v42, v2;
	v5 =	vmul.f32 v5, v48;
	[tilespmem:s7+$0xFFFFFFD0] =	vst v12  }
0x24b: {  	v62 =	vand.u32 $0xFFFF0000, v9;
	v51 =	vperm.xlane v43, v3;
	[tilespmem:s7+$0xFFFFFF70] =	vst v6;
	v6 =	vmul.f32 v50, v49  }
0x24c: {  	v52 =	vshll.u32 v18, $0x10;
	v53 =	vperm.xlane v43, v4;
	v8 =	vmul.f32 v62, v8;
	[tilespmem:s7+$0x70] =	vst v5  }
0x24d: {  	v46 =	vperm.xlane v44, v2;
	v5 =	vand.u32 $0xFFFF0000, v18;
	[tilespmem:s7+$0x80] =	vst v6;
	v6 =	vmul.f32 v52, v51  }
0x24e: {  	v47 =	vand.u32 $0xFFFF0000, v13;
	v11 =	vperm.xlane v43, v1;
	[tilespmem:s7+$0xFFFFFFC0] =	vst v8;
	v5 =	vmul.f32 v5, v53  }
0x24f: {  	v56 =	vperm.xlane v41, v4;
	v20 =	vmul.f32 v47, v46;
	[tilespmem:s7+$0xFFFFFF80] =	vst v6;
	v6 =	vshll.u32 v14, $0x10  }
0x250: {  	v57 =	vperm.xlane v42, v1;
	[tilespmem:s7+$0xFFFFFF90] =	vst v5;
	v5 =	vmul.f32 v6, v11;
	v6 =	vand.u32 $0xFFFF0000, v17  }
0x251: {  	v58 =	vshll.u32 v9, $0x10;
	v59 =	vperm.xlane v42, v4;
	[tilespmem:s7+$0x60] =	vst v20;
	v6 =	vmul.f32 v6, v56  }
0x252: {  	v60 =	vperm.xlane v41, v3;
	[tilespmem:s7+$0xFFFFFF60] =	vst v5;
	v5 =	vand.u32 $0xFFFF0000, v7;
	v7 =	vmul.f32 v58, v57  }
0x253: {  	v61 =	vshll.u32 v17, $0x10;
	v5 =	vmul.f32 v5, v59;
	[tilespmem:s7+$0x30] =	vst v6;
	v6 =	vperm.xlane v44, v1  }
0x254: {  	v63 =	vshll.u32 v13, $0x10;
	v10 =	vperm.xlane v41, v2;
	[tilespmem:s7+$0xFFFFFFB0] =	vst v7;
	v7 =	vmul.f32 v61, v60  }
0x255: {  	[tilespmem:s7+$0xFFFFFFE0] =	vst v5;
	v5 =	vand.u32 $0xFFFF0000, v16;
	v6 =	vmul.f32 v63, v6  }
0x256: {  	[tilespmem:s7+$0x20] =	vst v7;
	v5 =	vmul.f32 v5, v10  }
0x257: {  	s12 =	sadd.s32 $0x1, s12;
	[tilespmem:s7+$0x50] =	vst v6  }
0x258: {  	p1 =	sne.s32 s12, $0x28;
	[tilespmem:s7+$0x10] =	vst v5  }
0x259: {  	[spmem:s2] =	stream.indirect.scatter.add.f32 [tilespmem:s31], [sflag:$0x6], $0x50, s15, s18, $0xb8;
	[tilespmem:$0x1E000] =	vst v63  }
.Ltmp6:
0x25a: {  	_ = 	snop;
	(pc) =	sbr.rel @p1 .LBB2_8-.Ltmp6, $4  }
0x25b: {  	s23 =	sadd.s32 $0x2850, s14  }
0x25c: {  	[tilespmem:s24], [sflag:$0x2] =	stream.indirect.gather [hbm4b:s1+s18], $0x30, s23, s18, $0xb8;
	[tilespmem:$0x1E000] =	vst v63  }
0x25d: {  	s28 =	sadd.s32 $0x4F60, s14  }
0x25e: {  	[tilespmem:s26], [sflag:$0x2] =	stream.indirect.gather [hbm4b:s5+s18], $0x10, s28, s18, $0xb8;
	[tilespmem:$0x1E000] =	vst v63  }
0x25f: {  	_ =	swait.ge [sflag:s0], $0xF00  }
0x260: {  	[sflag:s0] =	ssyncset.done $0x0  }
0x261: {  	[sflag:s0] =	ssyncadd.s32 $0xFFFFF100  }
0x262: {  	_ =	swait.ge [sflag:s0], $0x500  }
0x263: {  	[sflag:s0] =	ssyncset.done $0x0  }
0x264: {  	[sflag:s0] =	ssyncadd.s32 $0xFFFFFB00  }
0x265: {  	_ =	swait.ge [sflag:s19], $0x1900  }
0x266: {  	[sflag:s19] =	ssyncset.done $0x0  }
0x267: {  	s12 =	simm.s32 $0xA250;
	[sflag:s19] =	ssyncadd.s32 $0xFFFFE700  }
0x268: {  	s7 =	simm.s32 $0x7590;
	v7 =	vld [tilespmem:s12+$0x0]  }
0x269: {  	v8 =	vld [tilespmem:s7+$0x20]  }
0x26a: {  	v5 =	vld [tilespmem:s7+$0xFFFFFFF0]  }
0x26b: {  	v10 =	vld [tilespmem:s12+$0xFFFFFFF0]  }
0x26c: {  	v6 =	vld [tilespmem:s12+$0xFFFFFFE0]  }
0x26d: {  	v9 =	vld [tilespmem:s7+$0xFFFFFFC0]  }
0x26e: {  	v11 =	vld [tilespmem:s12+$0x10];
	v7 =	vadd.f32 v7, v8  }
0x26f: {  	s28 =	simm.s32 $0xA290;
	v12 =	vld [tilespmem:s7+$0x50]  }
0x270: {  	v13 =	vld [tilespmem:s28+$0xFFFFFFE0];
	v5 =	vadd.f32 v10, v5;
	v8 =	vmul.f32 $2.000000030e-01, v7  }
0x271: {  	s13 =	simm.s32 $0x7650;
	v16 =	vld [tilespmem:s28+$0x0]  }
0x272: {  	v20 =	vld [tilespmem:s13+$0xFFFFFFC0];
	v6 =	vadd.f32 v6, v9;
	v10 =	vmul.f32 $2.000000030e-01, v5;
	v7 =	vmax.f32 v7, v8  }
0x273: {  	v23 =	vld [tilespmem:s13+$0x20];
	v7 =	vmul.f32 $1.442695020e+00, v7  }
0x274: {  	v26 =	vld [tilespmem:s28+$0x10];
	v9 =	vadd.f32 v11, v12;
	v8 =	vmul.f32 $2.000000030e-01, v6;
	v5 =	vmax.f32 v5, v10  }
0x275: {  	v30 =	vld [tilespmem:s28+$0xFFFFFFF0];
	v5 =	vmul.f32 $1.442695020e+00, v5;
	(erf) = vpow2.f32 v7  }
0x276: {  	v34 =	vld [tilespmem:s13+$0x50];
	v11 =	vmul.f32 $2.000000030e-01, v9;
	v6 =	vmax.f32 v6, v8  }
0x277: {  	v12 =	vld [tilespmem:s13+$0xFFFFFFF0];
	v6 =	vmul.f32 $1.442695020e+00, v6;
	(erf) = vpow2.f32 v5  }
0x278: {  	v7 =	vmax.f32 v9, v11  }
0x279: {  	v10 =	vld [tilespmem:s7+$0x0];
	v7 =	vmul.f32 $1.442695020e+00, v7;
	(erf) = vpow2.f32 v6  }
0x27a: {  	v13 =	vadd.f32 v13, v20;
	v11 =	vld [tilespmem:s7+$0xFFFFFFB0]  }
0x27b: {  	v16 =	vadd.f32 v16, v23;
	v26 =	vadd.f32 v26, v34;
	(erf) = vpow2.f32 v7  }
0x27c: {  	v18 =	vld [tilespmem:s7+$0xFFFFFFA0];
	v57 =	vmul.f32 $2.000000030e-01, v13;
	v30 =	vadd.f32 v30, v12  }
0x27d: {  	v56 =	vld [tilespmem:s7+$0xFFFFFFD0];
	v60 =	vmul.f32 $2.000000030e-01, v26;
	v12 =	vmul.f32 $2.000000030e-01, v16  }
0x27e: {  	v59 =	vmul.f32 $2.000000030e-01, v30;
	v8 =	vand.u32 $0xFFFF0000, v10;
	v24 =	vshll.u32 v10, $0x10;
	v19 =	vpop (erf)  }
0x27f: {  	v9 =	vld [tilespmem:s7+$0x30];
	v17 =	vand.u32 $0xFFFF0000, v11;
	v15 =	vperm.xlane v19, v1;
	v22 =	vperm.xlane v19, v4  }
0x280: {  	v21 =	vshll.u32 v11, $0x10;
	v11 =	vperm.xlane v19, v2;
	v10 =	vperm.xlane v19, v3;
	v25 =	vpop (erf)  }
0x281: {  	v35 =	vand.u32 $0xFFFF0000, v18;
	v7 =	vld [tilespmem:s7+$0x40];
	v27 =	vperm.xlane v25, v1;
	v32 =	vperm.xlane v25, v2  }
0x282: {  	v62 =	vand.u32 $0xFFFF0000, v56;
	v29 =	vpop (erf);
	v54 =	vperm.xlane v25, v3;
	v24 =	vmul.f32 v24, v15  }
0x283: {  	s12 =	simm.s32 $0xB1D0;
	v12 =	vmax.f32 v16, v12;
	v31 =	vperm.xlane v29, v2;
	v58 =	vperm.xlane v29, v4  }
0x284: {  	v14 =	vld [tilespmem:s7+$0x10];
	v5 =	vshll.u32 v9, $0x10;
	[tilespmem:s12+$0x40] =	vst v19;
	v33 =	vpop (erf);
	v16 =	vperm.xlane v29, v3;
	v19 =	vperm.xlane v29, v1  }
0x285: {  	v55 =	vld [tilespmem:s7+$0xFFFFFFE0];
	v9 =	vand.u32 $0xFFFF0000, v9;
	[tilespmem:s12+$0xFFFFFFF0] =	vst v25;
	v20 =	vperm.xlane v33, v2;
	v23 =	vmul.f32 v35, v31  }
0x286: {  	v28 =	vand.u32 $0xFFFF0000, v7;
	[tilespmem:s12+$0xFFFFFFA0] =	vst v29;
	v37 =	vperm.xlane v33, v3;
	v16 =	vmul.f32 v21, v16  }
0x287: {  	v7 =	vshll.u32 v7, $0x10;
	v36 =	vperm.xlane v33, v4;
	v9 =	vmul.f32 v9, v20;
	[tilespmem:s12+$0xFFFFFF70] =	vst v23  }
0x288: {  	v13 =	vmax.f32 v13, v57;
	v7 =	vmul.f32 v7, v37;
	v23 =	vmul.f32 $1.442695020e+00, v12;
	[tilespmem:s12+$0xFFFFFF80] =	vst v16  }
0x289: {  	v20 =	vmul.f32 v28, v36;
	v12 =	vld [tilespmem:s13+$0x40];
	[tilespmem:s12+$0x60] =	vst v9;
	v9 =	vmul.f32 $1.442695020e+00, v13;
	v13 =	vmax.f32 v30, v59  }
0x28a: {  	v61 =	vmax.f32 v26, v60;
	v16 =	vld [tilespmem:s13+$0x0];
	[tilespmem:s12+$0x70] =	vst v7;
	v21 =	vmul.f32 $1.442695020e+00, v13;
	(erf) = vpow2.f32 v23  }
0x28b: {  	v6 =	vshll.u32 v14, $0x10;
	v15 =	vperm.xlane v33, v1;
	v7 =	vld [tilespmem:s13+$0xFFFFFFE0];
	[tilespmem:s12+$0x80] =	vst v20;
	v20 =	vmul.f32 $1.442695020e+00, v61  }
0x28c: {  	[tilespmem:s12+$0x90] =	vst v33;
	v23 =	vmul.f32 v17, v58;
	v17 =	vld [tilespmem:s13+$0x10];
	(erf) = vpow2.f32 v21;
	v21 =	vshll.u32 v55, $0x10  }
0x28d: {  	[tilespmem:s12+$0x0] =	vst v24;
	v13 =	vld [tilespmem:s13+$0x30];
	(erf) = vpow2.f32 v9;
	v9 =	vshll.u32 v18, $0x10;
	v21 =	vmul.f32 v21, v54  }
0x28e: {  	v14 =	vand.u32 $0xFFFF0000, v14;
	[tilespmem:s12+$0xFFFFFF90] =	vst v23;
	v18 =	vld [tilespmem:s13+$0xFFFFFFB0];
	(erf) = vpow2.f32 v20;
	v19 =	vmul.f32 v9, v19  }
0x28f: {  	s14 =	simm.s32 $0x7710;
	v63 =	vshll.u32 v56, $0x10;
	v9 =	vld [tilespmem:s13+$0xFFFFFFD0];
	v20 =	vmul.f32 v14, v22;
	[tilespmem:s12+$0xFFFFFFD0] =	vst v21;
	v21 =	vperm.xlane v25, v4  }
0x290: {  	s15 =	simm.s32 $0xA2D0;
	s7 =	simm.s32 $0x4;
	v23 =	vand.u32 $0xFFFF0000, v55;
	v14 =	vld [tilespmem:s13+$0xFFFFFFA0];
	v22 =	vmul.f32 v63, v27;
	s13 =	simm.s32 $0xB1D0;
	[tilespmem:s12+$0xFFFFFF60] =	vst v19;
	v19 =	vmul.f32 v62, v32  }
.LBB2_16:
0x291: {  	v24 =	vld [tilespmem:s14+$0xFFFFFFF0];
	s7 =	sadd.s32 $0x4, s7;
	v25 =	vshll.u32 v17, $0x10;
	v21 =	vmul.f32 v23, v21;
	v23 =	vmul.f32 v8, v11;
	[tilespmem:s12+$0x30] =	vst v20;
	s13 =	sadd.s32 $0x140, s13;
	v20 =	vmovc v17  }
0x292: {  	v10 =	vmul.f32 v6, v10;
	v15 =	vmul.f32 v5, v15;
	v5 =	vshll.u32 v13, $0x10;
	v17 =	vld [tilespmem:s15+$0xFFFFFFE0];
	p1 =	slt.u32 s7, $0x4C;
	[tilespmem:s12+$0xFFFFFFB0] =	vst v22;
	v6 =	vmovc v25  }
0x293: {  	v8 =	vand.u32 $0xFFFF0000, v16;
	v22 =	vld [tilespmem:s15+$0x0];
	v25 =	vand.u32 $0xFFFF0000, v18;
	v26 =	vpop (erf);
	[tilespmem:s12+$0xFFFFFFE0] =	vst v21  }
0x294: {  	v18 =	vshll.u32 v18, $0x10;
	v21 =	vld [tilespmem:s14+$0xFFFFFFC0];
	v27 =	vperm.xlane v26, v1;
	v28 =	vperm.xlane v26, v4;
	[tilespmem:s12+$0x20] =	vst v10  }
0x295: {  	v16 =	vshll.u32 v16, $0x10;
	v11 =	vperm.xlane v26, v2;
	v10 =	vperm.xlane v26, v3;
	v29 =	vld [tilespmem:s14+$0x20];
	v30 =	vpop (erf);
	[tilespmem:s12+$0xFFFFFFC0] =	vst v19  }
0x296: {  	v19 =	vld [tilespmem:s15+$0x10];
	v31 =	vperm.xlane v30, v1;
	v16 =	vmul.f32 v16, v27;
	v27 =	vand.u32 $0xFFFF0000, v12;
	v32 =	vpop (erf);
	[tilespmem:s12+$0x50] =	vst v15  }
0x297: {  	v13 =	vand.u32 $0xFFFF0000, v13;
	v35 =	vperm.xlane v30, v2;
	v33 =	vld [tilespmem:s15+$0xFFFFFFF0];
	v34 =	vperm.xlane v32, v2;
	v36 =	vpop (erf);
	[tilespmem:s12+$0x10] =	vst v23;
	s12 =	smov.u32 s13  }
0x298: {  	v37 =	vand.u32 $0xFFFF0000, v14;
	v23 =	vld [tilespmem:s14+$0x50];
	v15 =	vperm.xlane v36, v1;
	v38 =	vperm.xlane v36, v4;
	[tilespmem:s13+$0x90] =	vst v36  }
0x299: {  	v39 =	vperm.xlane v36, v2;
	v36 =	vperm.xlane v36, v3;
	v17 =	vadd.f32 v17, v21;
	v21 =	vld [tilespmem:s14+$0x40];
	[tilespmem:s13+$0xFFFFFFA0] =	vst v32  }
0x29a: {  	v22 =	vadd.f32 v22, v29;
	v29 =	vmul.f32 v37, v34;
	v34 =	vperm.xlane v30, v3;
	[tilespmem:s13+$0xFFFFFFF0] =	vst v30  }
0x29b: {  	v12 =	vshll.u32 v12, $0x10;
	v13 =	vmul.f32 v13, v39;
	[tilespmem:s13+$0x0] =	vst v16;
	v16 =	vmul.f32 v27, v38  }
0x29c: {  	v24 =	vadd.f32 v33, v24;
	v27 =	vmul.f32 $2.000000030e-01, v22;
	[tilespmem:s13+$0xFFFFFF70] =	vst v29;
	v33 =	vmul.f32 v12, v36  }
0x29d: {  	v29 =	vmul.f32 $2.000000030e-01, v17;
	v19 =	vadd.f32 v19, v23;
	v23 =	vperm.xlane v32, v4;
	[tilespmem:s13+$0x60] =	vst v13  }
0x29e: {  	v13 =	vmul.f32 $2.000000030e-01, v24;
	v22 =	vmax.f32 v22, v27;
	v27 =	vperm.xlane v32, v3;
	[tilespmem:s13+$0x70] =	vst v33;
	v12 =	vmovc v21  }
0x29f: {  	v17 =	vmax.f32 v17, v29;
	v21 =	vmul.f32 $1.442695020e+00, v22;
	v22 =	vmul.f32 $2.000000030e-01, v19;
	[tilespmem:s13+$0x80] =	vst v16  }
0x2a0: {  	v29 =	vmul.f32 $1.442695020e+00, v17;
	v13 =	vmax.f32 v24, v13;
	v16 =	vmul.f32 v18, v27;
	[tilespmem:s13+$0x40] =	vst v26  }
0x2a1: {  	v24 =	vld [tilespmem:s14+$0xFFFFFFE0];
	v18 =	vmul.f32 $1.442695020e+00, v13;
	v17 =	vmax.f32 v19, v22;
	(erf) = vpow2.f32 v21  }
0x2a2: {  	v21 =	vmul.f32 v25, v23;
	v25 =	vand.u32 $0xFFFF0000, v9;
	v13 =	vld [tilespmem:s14+$0x30];
	v19 =	vmul.f32 $1.442695020e+00, v17  }
.Ltmp7:
0x2a3: {  	v22 =	vperm.xlane v32, v1;
	v17 =	vld [tilespmem:s14+$0x10];
	(erf) = vpow2.f32 v18;
	[tilespmem:s13+$0xFFFFFF80] =	vst v16;
	v18 =	vshll.u32 v7, $0x10;
	(pc) =	sbr.rel @p1 .LBB2_16-.Ltmp7, $4  }
0x2a4: {  	v14 =	vshll.u32 v14, $0x10;
	v16 =	vld [tilespmem:s14+$0x0];
	(erf) = vpow2.f32 v29;
	[tilespmem:s13+$0xFFFFFF90] =	vst v21;
	v21 =	vmul.f32 v18, v34  }
0x2a5: {  	v18 =	vld [tilespmem:s14+$0xFFFFFFB0];
	(erf) = vpow2.f32 v19;
	v19 =	vmul.f32 v14, v22;
	v14 =	vand.u32 $0xFFFF0000, v20  }
0x2a6: {  	v22 =	vshll.u32 v9, $0x10;
	v9 =	vld [tilespmem:s14+$0xFFFFFFD0];
	[tilespmem:s13+$0xFFFFFFD0] =	vst v21;
	v21 =	vperm.xlane v30, v4;
	v20 =	vmul.f32 v14, v28  }
0x2a7: {  	s15 =	sadd.s32 $0x40, s15;
	v23 =	vand.u32 $0xFFFF0000, v7;
	v22 =	vmul.f32 v22, v31;
	v7 =	vmovc v24;
	v14 =	vld [tilespmem:s14+$0xFFFFFFA0];
	s14 =	sadd.s32 $0xC0, s14;
	[tilespmem:s13+$0xFFFFFF60] =	vst v19;
	v19 =	vmul.f32 v25, v35  }
0x2a8: {  	[tilespmem:s12+$0x30] =	vst v20  }
0x2a9: {  	v21 =	vmul.f32 v23, v21;
	[tilespmem:s12+$0xFFFFFFB0] =	vst v22  }
0x2aa: {  	v6 =	vmul.f32 v6, v10;
	[tilespmem:s12+$0xFFFFFFC0] =	vst v19  }
0x2ab: {  	v5 =	vmul.f32 v5, v15;
	[tilespmem:s12+$0xFFFFFFE0] =	vst v21;
	v10 =	vpop (erf)  }
0x2ac: {  	[tilespmem:s12+$0x20] =	vst v6;
	v6 =	vmul.f32 v8, v11;
	v8 =	vpop (erf)  }
0x2ad: {  	[tilespmem:s12+$0x50] =	vst v5;
	v5 =	vperm.xlane v10, v1;
	v11 =	vpop (erf)  }
0x2ae: {  	s7 =	sadd.s32 $0x140, s13;
	[tilespmem:s12+$0x10] =	vst v6;
	v6 =	vshll.u32 v16, $0x10;
	v15 =	vpop (erf);
	v19 =	vperm.xlane v11, v2  }
0x2af: {  	[tilespmem:s7+$0x40] =	vst v10;
	v5 =	vmul.f32 v6, v5;
	v6 =	vand.u32 $0xFFFF0000, v14;
	v20 =	vperm.xlane v15, v2  }
0x2b0: {  	v21 =	vand.u32 $0xFFFF0000, v13;
	[tilespmem:s7+$0xFFFFFFF0] =	vst v8;
	v22 =	vperm.xlane v15, v3;
	v6 =	vmul.f32 v6, v19  }
0x2b1: {  	[tilespmem:s7+$0x0] =	vst v5;
	v5 =	vshll.u32 v12, $0x10;
	v19 =	vperm.xlane v15, v4;
	v20 =	vmul.f32 v21, v20  }
0x2b2: {  	v12 =	vand.u32 $0xFFFF0000, v12;
	v5 =	vmul.f32 v5, v22;
	[tilespmem:s7+$0xFFFFFF70] =	vst v6  }
0x2b3: {  	v6 =	vmul.f32 v12, v19;
	v12 =	vperm.xlane v11, v3;
	[tilespmem:s7+$0x60] =	vst v20  }
0x2b4: {  	v19 =	vshll.u32 v18, $0x10;
	v20 =	vperm.xlane v11, v4;
	[tilespmem:s7+$0x70] =	vst v5  }
0x2b5: {  	v5 =	vand.u32 $0xFFFF0000, v18;
	v18 =	vperm.xlane v8, v3;
	[tilespmem:s7+$0x80] =	vst v6;
	v6 =	vmul.f32 v19, v12  }
0x2b6: {  	[tilespmem:s7+$0xFFFFFFA0] =	vst v11;
	v12 =	vshll.u32 v7, $0x10;
	v5 =	vmul.f32 v5, v20  }
0x2b7: {  	v11 =	vperm.xlane v11, v1;
	v12 =	vmul.f32 v12, v18;
	[tilespmem:s7+$0xFFFFFF80] =	vst v6  }
0x2b8: {  	v19 =	vperm.xlane v10, v4;
	v6 =	vshll.u32 v14, $0x10;
	v14 =	vperm.xlane v8, v1;
	[tilespmem:s7+$0xFFFFFF90] =	vst v5  }
0x2b9: {  	v5 =	vmul.f32 v6, v11;
	v6 =	vand.u32 $0xFFFF0000, v17;
	[tilespmem:s7+$0xFFFFFFD0] =	vst v12;
	v12 =	vperm.xlane v8, v4  }
0x2ba: {  	[tilespmem:s7+$0x90] =	vst v15;
	v11 =	vshll.u32 v9, $0x10;
	v8 =	vperm.xlane v8, v2;
	v6 =	vmul.f32 v6, v19  }
0x2bb: {  	v9 =	vand.u32 $0xFFFF0000, v9;
	[tilespmem:s7+$0xFFFFFF60] =	vst v5;
	v5 =	vand.u32 $0xFFFF0000, v7;
	v7 =	vmul.f32 v11, v14  }
0x2bc: {  	v18 =	vperm.xlane v10, v3;
	v8 =	vmul.f32 v9, v8;
	[tilespmem:s7+$0x30] =	vst v6  }
0x2bd: {  	v11 =	vshll.u32 v17, $0x10;
	v5 =	vmul.f32 v5, v12;
	v6 =	vperm.xlane v15, v1;
	[tilespmem:s7+$0xFFFFFFB0] =	vst v7  }
0x2be: {  	v10 =	vperm.xlane v10, v2;
	v7 =	vmul.f32 v11, v18;
	v11 =	vshll.u32 v13, $0x10;
	[tilespmem:s7+$0xFFFFFFC0] =	vst v8  }
0x2bf: {  	[tilespmem:s7+$0xFFFFFFE0] =	vst v5;
	v5 =	vand.u32 $0xFFFF0000, v16;
	v6 =	vmul.f32 v11, v6  }
0x2c0: {  	[tilespmem:s7+$0x20] =	vst v7;
	v5 =	vmul.f32 v5, v10  }
0x2c1: {  	[tilespmem:s7+$0x50] =	vst v6  }
0x2c2: {  	s13 =	simm.s32 $0x73A0;
	[tilespmem:s7+$0x10] =	vst v5  }
0x2c3: {  	[spmem:s2] =	stream.indirect.scatter.add.f32 [tilespmem:s29], [sflag:$0x4], $0x50, s13, s18, $0xb8;
	[tilespmem:$0x1E000] =	vst v63  }
0x2c4: {  	s14 =	simm.s32 $0x4D30  }
0x2c5: {  	[tilespmem:s4], [sflag:$0x3] =	stream.indirect.gather [hbm4b:s1+s18], $0x30, s14, s18, $0xb8;
	[tilespmem:$0x1E000] =	vst v63  }
0x2c6: {  	s16 =	simm.s32 $0x7440  }
0x2c7: {  	[tilespmem:s3], [sflag:$0x3] =	stream.indirect.gather [hbm4b:s5+s18], $0x10, s16, s18, $0xb8;
	[tilespmem:$0x1E000] =	vst v63  }
0x2c8: {  	_ =	swait.ge [sflag:s6], $0xF00  }
0x2c9: {  	[sflag:s6] =	ssyncset.done $0x0  }
0x2ca: {  	[sflag:s6] =	ssyncadd.s32 $0xFFFFF100  }
0x2cb: {  	_ =	swait.ge [sflag:s6], $0x500  }
0x2cc: {  	[sflag:s6] =	ssyncset.done $0x0  }
0x2cd: {  	[sflag:s6] =	ssyncadd.s32 $0xFFFFFB00  }
0x2ce: {  	_ =	swait.ge [sflag:s8], $0x1900  }
0x2cf: {  	[sflag:s8] =	ssyncset.done $0x0  }
0x2d0: {  	s15 =	simm.s32 $0x8490;
	[sflag:s8] =	ssyncadd.s32 $0xFFFFE700  }
0x2d1: {  	s21 =	simm.s32 $0xA750;
	v5 =	vld [tilespmem:s15+$0xFFFFFFF0]  }
0x2d2: {  	v6 =	vld [tilespmem:s21+$0xFFFFFFE0]  }
0x2d3: {  	v7 =	vld [tilespmem:s21+$0x0]  }
0x2d4: {  	v8 =	vld [tilespmem:s15+$0x20]  }
0x2d5: {  	v9 =	vld [tilespmem:s15+$0xFFFFFFC0]  }
0x2d6: {  	v10 =	vld [tilespmem:s21+$0xFFFFFFF0]  }
0x2d7: {  	v11 =	vld [tilespmem:s21+$0x10]  }
0x2d8: {  	v12 =	vld [tilespmem:s15+$0x50]  }
0x2d9: {  	v7 =	vadd.f32 v7, v8  }
0x2da: {  	s28 =	simm.s32 $0xA790  }
0x2db: {  	v13 =	vld [tilespmem:s28+$0xFFFFFFE0];
	v5 =	vadd.f32 v10, v5;
	v8 =	vmul.f32 $2.000000030e-01, v7  }
0x2dc: {  	s23 =	simm.s32 $0x8550;
	v16 =	vld [tilespmem:s28+$0x0];
	v6 =	vadd.f32 v6, v9  }
0x2dd: {  	v20 =	vld [tilespmem:s23+$0xFFFFFFC0];
	v9 =	vadd.f32 v11, v12;
	v10 =	vmul.f32 $2.000000030e-01, v5;
	v7 =	vmax.f32 v7, v8  }
0x2de: {  	v23 =	vld [tilespmem:s23+$0x20];
	v8 =	vmul.f32 $2.000000030e-01, v6;
	v7 =	vmul.f32 $1.442695020e+00, v7  }
0x2df: {  	v26 =	vld [tilespmem:s28+$0x10];
	v11 =	vmul.f32 $2.000000030e-01, v9;
	v5 =	vmax.f32 v5, v10  }
0x2e0: {  	v30 =	vld [tilespmem:s28+$0xFFFFFFF0];
	v5 =	vmul.f32 $1.442695020e+00, v5;
	v6 =	vmax.f32 v6, v8;
	(erf) = vpow2.f32 v7  }
0x2e1: {  	v34 =	vld [tilespmem:s23+$0x50];
	v6 =	vmul.f32 $1.442695020e+00, v6  }
0x2e2: {  	v12 =	vld [tilespmem:s23+$0xFFFFFFF0];
	v7 =	vmax.f32 v9, v11;
	(erf) = vpow2.f32 v5  }
0x2e3: {  	v7 =	vmul.f32 $1.442695020e+00, v7;
	(erf) = vpow2.f32 v6  }
0x2e4: {  	v10 =	vld [tilespmem:s15+$0x0]  }
0x2e5: {  	v13 =	vadd.f32 v13, v20;
	v11 =	vld [tilespmem:s15+$0xFFFFFFB0];
	(erf) = vpow2.f32 v7  }
0x2e6: {  	v16 =	vadd.f32 v16, v23;
	v26 =	vadd.f32 v26, v34  }
0x2e7: {  	v18 =	vld [tilespmem:s15+$0xFFFFFFA0];
	v57 =	vmul.f32 $2.000000030e-01, v13;
	v30 =	vadd.f32 v30, v12  }
0x2e8: {  	v60 =	vmul.f32 $2.000000030e-01, v26;
	v12 =	vmul.f32 $2.000000030e-01, v16  }
0x2e9: {  	v59 =	vmul.f32 $2.000000030e-01, v30;
	v8 =	vand.u32 $0xFFFF0000, v10;
	v24 =	vshll.u32 v10, $0x10;
	v19 =	vpop (erf)  }
0x2ea: {  	v9 =	vld [tilespmem:s15+$0x30];
	v17 =	vand.u32 $0xFFFF0000, v11;
	v15 =	vperm.xlane v19, v1;
	v22 =	vperm.xlane v19, v4  }
0x2eb: {  	v21 =	vshll.u32 v11, $0x10;
	v11 =	vperm.xlane v19, v2;
	v10 =	vperm.xlane v19, v3;
	v25 =	vpop (erf)  }
0x2ec: {  	v35 =	vand.u32 $0xFFFF0000, v18;
	v7 =	vld [tilespmem:s15+$0x40];
	v27 =	vperm.xlane v25, v1;
	v29 =	vpop (erf);
	v54 =	vperm.xlane v25, v3  }
0x2ed: {  	s12 =	simm.s32 $0xCAD0;
	v14 =	vld [tilespmem:s15+$0x10];
	v13 =	vmax.f32 v13, v57;
	v24 =	vmul.f32 v24, v15;
	v31 =	vperm.xlane v29, v2  }
0x2ee: {  	v55 =	vld [tilespmem:s15+$0xFFFFFFE0];
	v12 =	vmax.f32 v16, v12;
	[tilespmem:s12+$0x40] =	vst v19;
	v33 =	vpop (erf);
	v58 =	vperm.xlane v29, v4;
	v16 =	vperm.xlane v29, v3  }
0x2ef: {  	v56 =	vld [tilespmem:s15+$0xFFFFFFD0];
	v5 =	vshll.u32 v9, $0x10;
	[tilespmem:s12+$0xFFFFFFF0] =	vst v25;
	v19 =	vperm.xlane v29, v1;
	v20 =	vperm.xlane v33, v2  }
0x2f0: {  	v9 =	vand.u32 $0xFFFF0000, v9;
	[tilespmem:s12+$0xFFFFFFA0] =	vst v29;
	v36 =	vperm.xlane v33, v4;
	v23 =	vmul.f32 v35, v31  }
0x2f1: {  	v28 =	vand.u32 $0xFFFF0000, v7;
	v37 =	vperm.xlane v33, v3;
	[tilespmem:s12+$0x90] =	vst v33;
	v9 =	vmul.f32 v9, v20  }
0x2f2: {  	v7 =	vshll.u32 v7, $0x10;
	v16 =	vmul.f32 v21, v16;
	v20 =	vmul.f32 v28, v36;
	[tilespmem:s12+$0xFFFFFF70] =	vst v23  }
0x2f3: {  	v23 =	vmul.f32 $1.442695020e+00, v12;
	[tilespmem:s12+$0x60] =	vst v9;
	v9 =	vmul.f32 $1.442695020e+00, v13;
	v13 =	vmax.f32 v30, v59  }
0x2f4: {  	v61 =	vmax.f32 v26, v60;
	v7 =	vmul.f32 v7, v37;
	v12 =	vld [tilespmem:s23+$0x40];
	[tilespmem:s12+$0xFFFFFF80] =	vst v16;
	v21 =	vmul.f32 $1.442695020e+00, v13  }
0x2f5: {  	v62 =	vand.u32 $0xFFFF0000, v56;
	v16 =	vld [tilespmem:s23+$0x0];
	[tilespmem:s12+$0x80] =	vst v20;
	v20 =	vmul.f32 $1.442695020e+00, v61;
	(erf) = vpow2.f32 v23  }
0x2f6: {  	[tilespmem:s12+$0x70] =	vst v7;
	v7 =	vld [tilespmem:s23+$0xFFFFFFE0];
	v23 =	vmul.f32 v17, v58;
	(erf) = vpow2.f32 v21;
	v21 =	vshll.u32 v55, $0x10  }
0x2f7: {  	[tilespmem:s12+$0x0] =	vst v24;
	v17 =	vld [tilespmem:s23+$0x10];
	(erf) = vpow2.f32 v9;
	v9 =	vshll.u32 v18, $0x10;
	v21 =	vmul.f32 v21, v54  }
0x2f8: {  	v6 =	vshll.u32 v14, $0x10;
	v32 =	vperm.xlane v25, v2;
	v13 =	vld [tilespmem:s23+$0x30];
	[tilespmem:s12+$0xFFFFFF90] =	vst v23;
	v19 =	vmul.f32 v9, v19  }
0x2f9: {  	v14 =	vand.u32 $0xFFFF0000, v14;
	v15 =	vperm.xlane v33, v1;
	v18 =	vld [tilespmem:s23+$0xFFFFFFB0];
	(erf) = vpow2.f32 v20;
	[tilespmem:s12+$0xFFFFFFD0] =	vst v21  }
0x2fa: {  	s7 =	simm.s32 $0x4;
	s13 =	simm.s32 $0xCAD0;
	s14 =	simm.s32 $0x8610;
	v63 =	vshll.u32 v56, $0x10;
	v9 =	vld [tilespmem:s23+$0xFFFFFFD0];
	v20 =	vmul.f32 v14, v22;
	v21 =	vperm.xlane v25, v4;
	[tilespmem:s12+$0xFFFFFF60] =	vst v19  }
0x2fb: {  	s21 =	simm.s32 $0x7490;
	s15 =	simm.s32 $0xA7D0;
	v23 =	vand.u32 $0xFFFF0000, v55;
	v14 =	vld [tilespmem:s23+$0xFFFFFFA0];
	v22 =	vmul.f32 v63, v27;
	v19 =	vmul.f32 v62, v32;
	s23 =	rddreg [dreg:$0x5]  }
.LBB2_18:
0x2fc: {  	v24 =	vld [tilespmem:s14+$0xFFFFFFF0];
	s7 =	sadd.s32 $0x4, s7;
	v25 =	vshll.u32 v17, $0x10;
	v21 =	vmul.f32 v23, v21;
	v23 =	vmul.f32 v8, v11;
	[tilespmem:s12+$0x30] =	vst v20;
	s13 =	sadd.s32 $0x140, s13;
	v20 =	vmovc v17  }
0x2fd: {  	v10 =	vmul.f32 v6, v10;
	v15 =	vmul.f32 v5, v15;
	v5 =	vshll.u32 v13, $0x10;
	v17 =	vld [tilespmem:s15+$0xFFFFFFE0];
	p1 =	slt.u32 s7, $0x4C;
	[tilespmem:s12+$0xFFFFFFB0] =	vst v22;
	v6 =	vmovc v25  }
0x2fe: {  	v8 =	vand.u32 $0xFFFF0000, v16;
	v22 =	vld [tilespmem:s15+$0x0];
	v25 =	vand.u32 $0xFFFF0000, v18;
	v26 =	vpop (erf);
	[tilespmem:s12+$0xFFFFFFE0] =	vst v21  }
0x2ff: {  	v18 =	vshll.u32 v18, $0x10;
	v21 =	vld [tilespmem:s14+$0xFFFFFFC0];
	v27 =	vperm.xlane v26, v1;
	v28 =	vperm.xlane v26, v4;
	[tilespmem:s12+$0x20] =	vst v10  }
0x300: {  	v16 =	vshll.u32 v16, $0x10;
	v11 =	vperm.xlane v26, v2;
	v10 =	vperm.xlane v26, v3;
	v29 =	vld [tilespmem:s14+$0x20];
	v30 =	vpop (erf);
	[tilespmem:s12+$0xFFFFFFC0] =	vst v19  }
0x301: {  	v19 =	vld [tilespmem:s15+$0x10];
	v31 =	vperm.xlane v30, v1;
	v16 =	vmul.f32 v16, v27;
	v27 =	vand.u32 $0xFFFF0000, v12;
	v32 =	vpop (erf);
	[tilespmem:s12+$0x50] =	vst v15  }
0x302: {  	v13 =	vand.u32 $0xFFFF0000, v13;
	v35 =	vperm.xlane v30, v2;
	v33 =	vld [tilespmem:s15+$0xFFFFFFF0];
	v34 =	vperm.xlane v32, v2;
	v36 =	vpop (erf);
	[tilespmem:s12+$0x10] =	vst v23;
	s12 =	smov.u32 s13  }
0x303: {  	v37 =	vand.u32 $0xFFFF0000, v14;
	v23 =	vld [tilespmem:s14+$0x50];
	v15 =	vperm.xlane v36, v1;
	v38 =	vperm.xlane v36, v4;
	[tilespmem:s13+$0x90] =	vst v36  }
0x304: {  	v39 =	vperm.xlane v36, v2;
	v36 =	vperm.xlane v36, v3;
	v17 =	vadd.f32 v17, v21;
	v21 =	vld [tilespmem:s14+$0x40];
	[tilespmem:s13+$0xFFFFFFA0] =	vst v32  }
0x305: {  	v22 =	vadd.f32 v22, v29;
	v29 =	vmul.f32 v37, v34;
	v34 =	vperm.xlane v30, v3;
	[tilespmem:s13+$0xFFFFFFF0] =	vst v30  }
0x306: {  	v12 =	vshll.u32 v12, $0x10;
	v13 =	vmul.f32 v13, v39;
	[tilespmem:s13+$0x0] =	vst v16;
	v16 =	vmul.f32 v27, v38  }
0x307: {  	v24 =	vadd.f32 v33, v24;
	v27 =	vmul.f32 $2.000000030e-01, v22;
	[tilespmem:s13+$0xFFFFFF70] =	vst v29;
	v33 =	vmul.f32 v12, v36  }
0x308: {  	v29 =	vmul.f32 $2.000000030e-01, v17;
	v19 =	vadd.f32 v19, v23;
	v23 =	vperm.xlane v32, v4;
	[tilespmem:s13+$0x60] =	vst v13  }
0x309: {  	v13 =	vmul.f32 $2.000000030e-01, v24;
	v22 =	vmax.f32 v22, v27;
	v27 =	vperm.xlane v32, v3;
	[tilespmem:s13+$0x70] =	vst v33;
	v12 =	vmovc v21  }
0x30a: {  	v17 =	vmax.f32 v17, v29;
	v21 =	vmul.f32 $1.442695020e+00, v22;
	v22 =	vmul.f32 $2.000000030e-01, v19;
	[tilespmem:s13+$0x80] =	vst v16  }
0x30b: {  	v29 =	vmul.f32 $1.442695020e+00, v17;
	v13 =	vmax.f32 v24, v13;
	v16 =	vmul.f32 v18, v27;
	[tilespmem:s13+$0x40] =	vst v26  }
0x30c: {  	v24 =	vld [tilespmem:s14+$0xFFFFFFE0];
	v18 =	vmul.f32 $1.442695020e+00, v13;
	v17 =	vmax.f32 v19, v22;
	(erf) = vpow2.f32 v21  }
0x30d: {  	v21 =	vmul.f32 v25, v23;
	v25 =	vand.u32 $0xFFFF0000, v9;
	v13 =	vld [tilespmem:s14+$0x30];
	v19 =	vmul.f32 $1.442695020e+00, v17  }
.Ltmp8:
0x30e: {  	v22 =	vperm.xlane v32, v1;
	v17 =	vld [tilespmem:s14+$0x10];
	(erf) = vpow2.f32 v18;
	[tilespmem:s13+$0xFFFFFF80] =	vst v16;
	v18 =	vshll.u32 v7, $0x10;
	(pc) =	sbr.rel @p1 .LBB2_18-.Ltmp8, $4  }
0x30f: {  	v14 =	vshll.u32 v14, $0x10;
	v16 =	vld [tilespmem:s14+$0x0];
	(erf) = vpow2.f32 v29;
	[tilespmem:s13+$0xFFFFFF90] =	vst v21;
	v21 =	vmul.f32 v18, v34  }
0x310: {  	v18 =	vld [tilespmem:s14+$0xFFFFFFB0];
	(erf) = vpow2.f32 v19;
	v19 =	vmul.f32 v14, v22;
	v14 =	vand.u32 $0xFFFF0000, v20  }
0x311: {  	v22 =	vshll.u32 v9, $0x10;
	v9 =	vld [tilespmem:s14+$0xFFFFFFD0];
	[tilespmem:s13+$0xFFFFFFD0] =	vst v21;
	v21 =	vperm.xlane v30, v4;
	v20 =	vmul.f32 v14, v28  }
0x312: {  	s15 =	sadd.s32 $0x40, s15;
	v23 =	vand.u32 $0xFFFF0000, v7;
	v22 =	vmul.f32 v22, v31;
	v7 =	vmovc v24;
	v14 =	vld [tilespmem:s14+$0xFFFFFFA0];
	s14 =	sadd.s32 $0xC0, s14;
	[tilespmem:s13+$0xFFFFFF60] =	vst v19;
	v19 =	vmul.f32 v25, v35  }
0x313: {  	[tilespmem:s12+$0x30] =	vst v20  }
0x314: {  	v21 =	vmul.f32 v23, v21;
	[tilespmem:s12+$0xFFFFFFB0] =	vst v22  }
0x315: {  	v6 =	vmul.f32 v6, v10;
	[tilespmem:s12+$0xFFFFFFC0] =	vst v19  }
0x316: {  	v5 =	vmul.f32 v5, v15;
	[tilespmem:s12+$0xFFFFFFE0] =	vst v21;
	v10 =	vpop (erf)  }
0x317: {  	[tilespmem:s12+$0x20] =	vst v6;
	v6 =	vmul.f32 v8, v11;
	v8 =	vpop (erf)  }
0x318: {  	[tilespmem:s12+$0x50] =	vst v5;
	v5 =	vperm.xlane v10, v1;
	v11 =	vpop (erf)  }
0x319: {  	s7 =	sadd.s32 $0x140, s13;
	[tilespmem:s12+$0x10] =	vst v6;
	v6 =	vshll.u32 v16, $0x10;
	v15 =	vpop (erf);
	v19 =	vperm.xlane v11, v2  }
0x31a: {  	[tilespmem:s7+$0x40] =	vst v10;
	v5 =	vmul.f32 v6, v5;
	v6 =	vand.u32 $0xFFFF0000, v14;
	v20 =	vperm.xlane v15, v2  }
0x31b: {  	v21 =	vand.u32 $0xFFFF0000, v13;
	[tilespmem:s7+$0xFFFFFFF0] =	vst v8;
	v22 =	vperm.xlane v15, v3;
	v6 =	vmul.f32 v6, v19  }
0x31c: {  	[tilespmem:s7+$0x0] =	vst v5;
	v5 =	vshll.u32 v12, $0x10;
	v19 =	vperm.xlane v15, v4;
	v20 =	vmul.f32 v21, v20  }
0x31d: {  	v12 =	vand.u32 $0xFFFF0000, v12;
	v5 =	vmul.f32 v5, v22;
	[tilespmem:s7+$0xFFFFFF70] =	vst v6  }
0x31e: {  	v6 =	vmul.f32 v12, v19;
	v12 =	vperm.xlane v11, v3;
	[tilespmem:s7+$0x60] =	vst v20  }
0x31f: {  	v19 =	vshll.u32 v18, $0x10;
	v20 =	vperm.xlane v11, v4;
	[tilespmem:s7+$0x70] =	vst v5  }
0x320: {  	v5 =	vand.u32 $0xFFFF0000, v18;
	v18 =	vperm.xlane v8, v3;
	[tilespmem:s7+$0x80] =	vst v6;
	v6 =	vmul.f32 v19, v12  }
0x321: {  	[tilespmem:s7+$0xFFFFFFA0] =	vst v11;
	v12 =	vshll.u32 v7, $0x10;
	v5 =	vmul.f32 v5, v20  }
0x322: {  	v11 =	vperm.xlane v11, v1;
	v12 =	vmul.f32 v12, v18;
	[tilespmem:s7+$0xFFFFFF80] =	vst v6  }
0x323: {  	v19 =	vperm.xlane v10, v4;
	v6 =	vshll.u32 v14, $0x10;
	v14 =	vperm.xlane v8, v1;
	[tilespmem:s7+$0xFFFFFF90] =	vst v5  }
0x324: {  	v5 =	vmul.f32 v6, v11;
	v6 =	vand.u32 $0xFFFF0000, v17;
	[tilespmem:s7+$0xFFFFFFD0] =	vst v12;
	v12 =	vperm.xlane v8, v4  }
0x325: {  	[tilespmem:s7+$0x90] =	vst v15;
	v11 =	vshll.u32 v9, $0x10;
	v8 =	vperm.xlane v8, v2;
	v6 =	vmul.f32 v6, v19  }
0x326: {  	v9 =	vand.u32 $0xFFFF0000, v9;
	[tilespmem:s7+$0xFFFFFF60] =	vst v5;
	v5 =	vand.u32 $0xFFFF0000, v7;
	v7 =	vmul.f32 v11, v14  }
0x327: {  	v18 =	vperm.xlane v10, v3;
	v8 =	vmul.f32 v9, v8;
	[tilespmem:s7+$0x30] =	vst v6  }
0x328: {  	v11 =	vshll.u32 v17, $0x10;
	v5 =	vmul.f32 v5, v12;
	v6 =	vperm.xlane v15, v1;
	[tilespmem:s7+$0xFFFFFFB0] =	vst v7  }
0x329: {  	v10 =	vperm.xlane v10, v2;
	v7 =	vmul.f32 v11, v18;
	v11 =	vshll.u32 v13, $0x10;
	[tilespmem:s7+$0xFFFFFFC0] =	vst v8  }
0x32a: {  	[tilespmem:s7+$0xFFFFFFE0] =	vst v5;
	v5 =	vand.u32 $0xFFFF0000, v16;
	v6 =	vmul.f32 v11, v6  }
0x32b: {  	[tilespmem:s7+$0x20] =	vst v7;
	v5 =	vmul.f32 v5, v10  }
0x32c: {  	[tilespmem:s7+$0x50] =	vst v6  }
0x32d: {  	s28 =	simm.s32 $0x73F0;
	[tilespmem:s7+$0x10] =	vst v5  }
0x32e: {  	[spmem:s2] =	stream.indirect.scatter.add.f32 [tilespmem:s30], [sflag:$0x5], $0x50, s28, s18, $0xb8;
	[tilespmem:$0x1E000] =	vst v63  }
0x32f: {  	s12 =	simm.s32 $0x4D80  }
0x330: {  	[tilespmem:s20], [sflag:$0x1] =	stream.indirect.gather [hbm4b:s1+s18], $0x30, s12, s18, $0xb8;
	[tilespmem:$0x1E000] =	vst v63  }
0x331: {  	_ = 	snop  }
0x332: {  	[tilespmem:s22], [sflag:$0x1] =	stream.indirect.gather [hbm4b:s5+s18], $0x10, s21, s18, $0xb8;
	[tilespmem:$0x1E000] =	vst v63  }
0x333: {  	_ =	swait.ge [sflag:s9], $0xF00  }
0x334: {  	[sflag:s9] =	ssyncset.done $0x0  }
0x335: {  	[sflag:s9] =	ssyncadd.s32 $0xFFFFF100  }
0x336: {  	_ =	swait.ge [sflag:s9], $0x500  }
0x337: {  	[sflag:s9] =	ssyncset.done $0x0  }
0x338: {  	[sflag:s9] =	ssyncadd.s32 $0xFFFFFB00  }
0x339: {  	_ =	swait.ge [sflag:s10], $0x1900  }
0x33a: {  	[sflag:s10] =	ssyncset.done $0x0  }
0x33b: {  	s14 =	simm.s32 $0xAC50;
	[sflag:s10] =	ssyncadd.s32 $0xFFFFE700  }
0x33c: {  	s13 =	simm.s32 $0x9390;
	v7 =	vld [tilespmem:s14+$0x0]  }
0x33d: {  	v8 =	vld [tilespmem:s13+$0x20]  }
0x33e: {  	v5 =	vld [tilespmem:s13+$0xFFFFFFF0]  }
0x33f: {  	v10 =	vld [tilespmem:s14+$0xFFFFFFF0]  }
0x340: {  	v6 =	vld [tilespmem:s14+$0xFFFFFFE0]  }
0x341: {  	v9 =	vld [tilespmem:s13+$0xFFFFFFC0]  }
0x342: {  	v11 =	vld [tilespmem:s14+$0x10];
	v7 =	vadd.f32 v7, v8  }
0x343: {  	s28 =	simm.s32 $0xAC90;
	v12 =	vld [tilespmem:s13+$0x50]  }
0x344: {  	v13 =	vld [tilespmem:s28+$0xFFFFFFE0];
	v5 =	vadd.f32 v10, v5;
	v8 =	vmul.f32 $2.000000030e-01, v7  }
0x345: {  	s15 =	simm.s32 $0x9450;
	v16 =	vld [tilespmem:s28+$0x0]  }
0x346: {  	v20 =	vld [tilespmem:s15+$0xFFFFFFC0];
	v6 =	vadd.f32 v6, v9;
	v10 =	vmul.f32 $2.000000030e-01, v5;
	v7 =	vmax.f32 v7, v8  }
0x347: {  	v23 =	vld [tilespmem:s15+$0x20];
	v7 =	vmul.f32 $1.442695020e+00, v7  }
0x348: {  	v26 =	vld [tilespmem:s28+$0x10];
	v9 =	vadd.f32 v11, v12;
	v8 =	vmul.f32 $2.000000030e-01, v6;
	v5 =	vmax.f32 v5, v10  }
0x349: {  	v30 =	vld [tilespmem:s28+$0xFFFFFFF0];
	v5 =	vmul.f32 $1.442695020e+00, v5;
	(erf) = vpow2.f32 v7  }
0x34a: {  	v34 =	vld [tilespmem:s15+$0x50];
	v11 =	vmul.f32 $2.000000030e-01, v9;
	v6 =	vmax.f32 v6, v8  }
0x34b: {  	v12 =	vld [tilespmem:s15+$0xFFFFFFF0];
	v6 =	vmul.f32 $1.442695020e+00, v6;
	(erf) = vpow2.f32 v5  }
0x34c: {  	v7 =	vmax.f32 v9, v11  }
0x34d: {  	v10 =	vld [tilespmem:s13+$0x0];
	v7 =	vmul.f32 $1.442695020e+00, v7;
	(erf) = vpow2.f32 v6  }
0x34e: {  	v13 =	vadd.f32 v13, v20;
	v11 =	vld [tilespmem:s13+$0xFFFFFFB0]  }
0x34f: {  	v16 =	vadd.f32 v16, v23;
	v26 =	vadd.f32 v26, v34;
	(erf) = vpow2.f32 v7  }
0x350: {  	v18 =	vld [tilespmem:s13+$0xFFFFFFA0];
	v57 =	vmul.f32 $2.000000030e-01, v13;
	v30 =	vadd.f32 v30, v12  }
0x351: {  	v56 =	vld [tilespmem:s13+$0xFFFFFFD0];
	v60 =	vmul.f32 $2.000000030e-01, v26;
	v12 =	vmul.f32 $2.000000030e-01, v16  }
0x352: {  	v59 =	vmul.f32 $2.000000030e-01, v30;
	v8 =	vand.u32 $0xFFFF0000, v10;
	v24 =	vshll.u32 v10, $0x10;
	v19 =	vpop (erf)  }
0x353: {  	v9 =	vld [tilespmem:s13+$0x30];
	v17 =	vand.u32 $0xFFFF0000, v11;
	v15 =	vperm.xlane v19, v1;
	v22 =	vperm.xlane v19, v4  }
0x354: {  	v21 =	vshll.u32 v11, $0x10;
	v11 =	vperm.xlane v19, v2;
	v10 =	vperm.xlane v19, v3;
	v25 =	vpop (erf)  }
0x355: {  	v35 =	vand.u32 $0xFFFF0000, v18;
	v7 =	vld [tilespmem:s13+$0x40];
	v27 =	vperm.xlane v25, v1;
	v32 =	vperm.xlane v25, v2  }
0x356: {  	v62 =	vand.u32 $0xFFFF0000, v56;
	v29 =	vpop (erf);
	v54 =	vperm.xlane v25, v3;
	v24 =	vmul.f32 v24, v15  }
0x357: {  	s12 =	simm.s32 $0xE3D0;
	v12 =	vmax.f32 v16, v12;
	v31 =	vperm.xlane v29, v2;
	v58 =	vperm.xlane v29, v4  }
0x358: {  	v14 =	vld [tilespmem:s13+$0x10];
	v5 =	vshll.u32 v9, $0x10;
	[tilespmem:s12+$0x40] =	vst v19;
	v33 =	vpop (erf);
	v16 =	vperm.xlane v29, v3;
	v19 =	vperm.xlane v29, v1  }
0x359: {  	v55 =	vld [tilespmem:s13+$0xFFFFFFE0];
	v9 =	vand.u32 $0xFFFF0000, v9;
	[tilespmem:s12+$0xFFFFFFF0] =	vst v25;
	v20 =	vperm.xlane v33, v2;
	v23 =	vmul.f32 v35, v31  }
0x35a: {  	v28 =	vand.u32 $0xFFFF0000, v7;
	[tilespmem:s12+$0xFFFFFFA0] =	vst v29;
	v37 =	vperm.xlane v33, v3;
	v16 =	vmul.f32 v21, v16  }
0x35b: {  	v7 =	vshll.u32 v7, $0x10;
	v36 =	vperm.xlane v33, v4;
	v9 =	vmul.f32 v9, v20;
	[tilespmem:s12+$0xFFFFFF70] =	vst v23  }
0x35c: {  	v13 =	vmax.f32 v13, v57;
	v7 =	vmul.f32 v7, v37;
	v23 =	vmul.f32 $1.442695020e+00, v12;
	[tilespmem:s12+$0xFFFFFF80] =	vst v16  }
0x35d: {  	v20 =	vmul.f32 v28, v36;
	v12 =	vld [tilespmem:s15+$0x40];
	[tilespmem:s12+$0x60] =	vst v9;
	v9 =	vmul.f32 $1.442695020e+00, v13;
	v13 =	vmax.f32 v30, v59  }
0x35e: {  	v61 =	vmax.f32 v26, v60;
	v16 =	vld [tilespmem:s15+$0x0];
	[tilespmem:s12+$0x70] =	vst v7;
	v21 =	vmul.f32 $1.442695020e+00, v13;
	(erf) = vpow2.f32 v23  }
0x35f: {  	v6 =	vshll.u32 v14, $0x10;
	v15 =	vperm.xlane v33, v1;
	v7 =	vld [tilespmem:s15+$0xFFFFFFE0];
	[tilespmem:s12+$0x80] =	vst v20;
	v20 =	vmul.f32 $1.442695020e+00, v61  }
0x360: {  	[tilespmem:s12+$0x90] =	vst v33;
	v23 =	vmul.f32 v17, v58;
	v17 =	vld [tilespmem:s15+$0x10];
	(erf) = vpow2.f32 v21;
	v21 =	vshll.u32 v55, $0x10  }
0x361: {  	[tilespmem:s12+$0x0] =	vst v24;
	v13 =	vld [tilespmem:s15+$0x30];
	(erf) = vpow2.f32 v9;
	v9 =	vshll.u32 v18, $0x10;
	v21 =	vmul.f32 v21, v54  }
0x362: {  	v14 =	vand.u32 $0xFFFF0000, v14;
	[tilespmem:s12+$0xFFFFFF90] =	vst v23;
	v18 =	vld [tilespmem:s15+$0xFFFFFFB0];
	(erf) = vpow2.f32 v20;
	v19 =	vmul.f32 v9, v19  }
0x363: {  	s7 =	simm.s32 $0x4;
	v63 =	vshll.u32 v56, $0x10;
	v9 =	vld [tilespmem:s15+$0xFFFFFFD0];
	v20 =	vmul.f32 v14, v22;
	[tilespmem:s12+$0xFFFFFFD0] =	vst v21;
	v21 =	vperm.xlane v25, v4  }
0x364: {  	s14 =	simm.s32 $0x9510;
	s13 =	simm.s32 $0xE3D0;
	v23 =	vand.u32 $0xFFFF0000, v55;
	v14 =	vld [tilespmem:s15+$0xFFFFFFA0];
	s15 =	simm.s32 $0xACD0;
	v22 =	vmul.f32 v63, v27;
	[tilespmem:s12+$0xFFFFFF60] =	vst v19;
	v19 =	vmul.f32 v62, v32  }
.LBB2_20:
0x365: {  	v24 =	vld [tilespmem:s14+$0xFFFFFFF0];
	s7 =	sadd.s32 $0x4, s7;
	v25 =	vshll.u32 v17, $0x10;
	v21 =	vmul.f32 v23, v21;
	v23 =	vmul.f32 v8, v11;
	[tilespmem:s12+$0x30] =	vst v20;
	s13 =	sadd.s32 $0x140, s13;
	v20 =	vmovc v17  }
0x366: {  	v10 =	vmul.f32 v6, v10;
	v15 =	vmul.f32 v5, v15;
	v5 =	vshll.u32 v13, $0x10;
	v17 =	vld [tilespmem:s15+$0xFFFFFFE0];
	p1 =	slt.u32 s7, $0x4C;
	[tilespmem:s12+$0xFFFFFFB0] =	vst v22;
	v6 =	vmovc v25  }
0x367: {  	v8 =	vand.u32 $0xFFFF0000, v16;
	v22 =	vld [tilespmem:s15+$0x0];
	v25 =	vand.u32 $0xFFFF0000, v18;
	v26 =	vpop (erf);
	[tilespmem:s12+$0xFFFFFFE0] =	vst v21  }
0x368: {  	v18 =	vshll.u32 v18, $0x10;
	v21 =	vld [tilespmem:s14+$0xFFFFFFC0];
	v27 =	vperm.xlane v26, v1;
	v28 =	vperm.xlane v26, v4;
	[tilespmem:s12+$0x20] =	vst v10  }
0x369: {  	v16 =	vshll.u32 v16, $0x10;
	v11 =	vperm.xlane v26, v2;
	v10 =	vperm.xlane v26, v3;
	v29 =	vld [tilespmem:s14+$0x20];
	v30 =	vpop (erf);
	[tilespmem:s12+$0xFFFFFFC0] =	vst v19  }
0x36a: {  	v19 =	vld [tilespmem:s15+$0x10];
	v31 =	vperm.xlane v30, v1;
	v16 =	vmul.f32 v16, v27;
	v27 =	vand.u32 $0xFFFF0000, v12;
	v32 =	vpop (erf);
	[tilespmem:s12+$0x50] =	vst v15  }
0x36b: {  	v13 =	vand.u32 $0xFFFF0000, v13;
	v35 =	vperm.xlane v30, v2;
	v33 =	vld [tilespmem:s15+$0xFFFFFFF0];
	v34 =	vperm.xlane v32, v2;
	v36 =	vpop (erf);
	[tilespmem:s12+$0x10] =	vst v23;
	s12 =	smov.u32 s13  }
0x36c: {  	v37 =	vand.u32 $0xFFFF0000, v14;
	v23 =	vld [tilespmem:s14+$0x50];
	v15 =	vperm.xlane v36, v1;
	v38 =	vperm.xlane v36, v4;
	[tilespmem:s13+$0x90] =	vst v36  }
0x36d: {  	v39 =	vperm.xlane v36, v2;
	v36 =	vperm.xlane v36, v3;
	v17 =	vadd.f32 v17, v21;
	v21 =	vld [tilespmem:s14+$0x40];
	[tilespmem:s13+$0xFFFFFFA0] =	vst v32  }
0x36e: {  	v22 =	vadd.f32 v22, v29;
	v29 =	vmul.f32 v37, v34;
	v34 =	vperm.xlane v30, v3;
	[tilespmem:s13+$0xFFFFFFF0] =	vst v30  }
0x36f: {  	v12 =	vshll.u32 v12, $0x10;
	v13 =	vmul.f32 v13, v39;
	[tilespmem:s13+$0x0] =	vst v16;
	v16 =	vmul.f32 v27, v38  }
0x370: {  	v24 =	vadd.f32 v33, v24;
	v27 =	vmul.f32 $2.000000030e-01, v22;
	[tilespmem:s13+$0xFFFFFF70] =	vst v29;
	v33 =	vmul.f32 v12, v36  }
0x371: {  	v29 =	vmul.f32 $2.000000030e-01, v17;
	v19 =	vadd.f32 v19, v23;
	v23 =	vperm.xlane v32, v4;
	[tilespmem:s13+$0x60] =	vst v13  }
0x372: {  	v13 =	vmul.f32 $2.000000030e-01, v24;
	v22 =	vmax.f32 v22, v27;
	v27 =	vperm.xlane v32, v3;
	[tilespmem:s13+$0x70] =	vst v33;
	v12 =	vmovc v21  }
0x373: {  	v17 =	vmax.f32 v17, v29;
	v21 =	vmul.f32 $1.442695020e+00, v22;
	v22 =	vmul.f32 $2.000000030e-01, v19;
	[tilespmem:s13+$0x80] =	vst v16  }
0x374: {  	v29 =	vmul.f32 $1.442695020e+00, v17;
	v13 =	vmax.f32 v24, v13;
	v16 =	vmul.f32 v18, v27;
	[tilespmem:s13+$0x40] =	vst v26  }
0x375: {  	v24 =	vld [tilespmem:s14+$0xFFFFFFE0];
	v18 =	vmul.f32 $1.442695020e+00, v13;
	v17 =	vmax.f32 v19, v22;
	(erf) = vpow2.f32 v21  }
0x376: {  	v21 =	vmul.f32 v25, v23;
	v25 =	vand.u32 $0xFFFF0000, v9;
	v13 =	vld [tilespmem:s14+$0x30];
	v19 =	vmul.f32 $1.442695020e+00, v17  }
.Ltmp9:
0x377: {  	v22 =	vperm.xlane v32, v1;
	v17 =	vld [tilespmem:s14+$0x10];
	(erf) = vpow2.f32 v18;
	[tilespmem:s13+$0xFFFFFF80] =	vst v16;
	v18 =	vshll.u32 v7, $0x10;
	(pc) =	sbr.rel @p1 .LBB2_20-.Ltmp9, $4  }
0x378: {  	v14 =	vshll.u32 v14, $0x10;
	v16 =	vld [tilespmem:s14+$0x0];
	(erf) = vpow2.f32 v29;
	[tilespmem:s13+$0xFFFFFF90] =	vst v21;
	v21 =	vmul.f32 v18, v34  }
0x379: {  	v18 =	vld [tilespmem:s14+$0xFFFFFFB0];
	(erf) = vpow2.f32 v19;
	v19 =	vmul.f32 v14, v22;
	v14 =	vand.u32 $0xFFFF0000, v20  }
0x37a: {  	v22 =	vshll.u32 v9, $0x10;
	v9 =	vld [tilespmem:s14+$0xFFFFFFD0];
	[tilespmem:s13+$0xFFFFFFD0] =	vst v21;
	v21 =	vperm.xlane v30, v4;
	v20 =	vmul.f32 v14, v28  }
0x37b: {  	s15 =	sadd.s32 $0x40, s15;
	v23 =	vand.u32 $0xFFFF0000, v7;
	v22 =	vmul.f32 v22, v31;
	v7 =	vmovc v24;
	v14 =	vld [tilespmem:s14+$0xFFFFFFA0];
	s14 =	sadd.s32 $0xC0, s14;
	[tilespmem:s13+$0xFFFFFF60] =	vst v19;
	v19 =	vmul.f32 v25, v35  }
0x37c: {  	[tilespmem:s12+$0x30] =	vst v20  }
0x37d: {  	v21 =	vmul.f32 v23, v21;
	[tilespmem:s12+$0xFFFFFFB0] =	vst v22  }
0x37e: {  	v6 =	vmul.f32 v6, v10;
	[tilespmem:s12+$0xFFFFFFC0] =	vst v19  }
0x37f: {  	v5 =	vmul.f32 v5, v15;
	[tilespmem:s12+$0xFFFFFFE0] =	vst v21;
	v10 =	vpop (erf)  }
0x380: {  	[tilespmem:s12+$0x20] =	vst v6;
	v6 =	vmul.f32 v8, v11;
	v8 =	vpop (erf)  }
0x381: {  	[tilespmem:s12+$0x50] =	vst v5;
	v5 =	vperm.xlane v10, v1;
	v11 =	vpop (erf)  }
0x382: {  	s7 =	sadd.s32 $0x140, s13;
	[tilespmem:s12+$0x10] =	vst v6;
	v6 =	vshll.u32 v16, $0x10;
	v15 =	vpop (erf);
	v19 =	vperm.xlane v11, v2  }
0x383: {  	[tilespmem:s7+$0x40] =	vst v10;
	v5 =	vmul.f32 v6, v5;
	v6 =	vand.u32 $0xFFFF0000, v14;
	v20 =	vperm.xlane v15, v2  }
0x384: {  	v21 =	vand.u32 $0xFFFF0000, v13;
	[tilespmem:s7+$0xFFFFFFF0] =	vst v8;
	v22 =	vperm.xlane v15, v3;
	v6 =	vmul.f32 v6, v19  }
0x385: {  	[tilespmem:s7+$0x0] =	vst v5;
	v5 =	vshll.u32 v12, $0x10;
	v19 =	vperm.xlane v15, v4;
	v20 =	vmul.f32 v21, v20  }
0x386: {  	v12 =	vand.u32 $0xFFFF0000, v12;
	v5 =	vmul.f32 v5, v22;
	[tilespmem:s7+$0xFFFFFF70] =	vst v6  }
0x387: {  	v6 =	vmul.f32 v12, v19;
	v12 =	vperm.xlane v11, v3;
	[tilespmem:s7+$0x60] =	vst v20  }
0x388: {  	v19 =	vshll.u32 v18, $0x10;
	v20 =	vperm.xlane v11, v4;
	[tilespmem:s7+$0x70] =	vst v5  }
0x389: {  	v5 =	vand.u32 $0xFFFF0000, v18;
	v18 =	vperm.xlane v8, v3;
	[tilespmem:s7+$0x80] =	vst v6;
	v6 =	vmul.f32 v19, v12  }
0x38a: {  	[tilespmem:s7+$0xFFFFFFA0] =	vst v11;
	v12 =	vshll.u32 v7, $0x10;
	v5 =	vmul.f32 v5, v20  }
0x38b: {  	v11 =	vperm.xlane v11, v1;
	v12 =	vmul.f32 v12, v18;
	[tilespmem:s7+$0xFFFFFF80] =	vst v6  }
0x38c: {  	v19 =	vperm.xlane v10, v4;
	v6 =	vshll.u32 v14, $0x10;
	v14 =	vperm.xlane v8, v1;
	[tilespmem:s7+$0xFFFFFF90] =	vst v5  }
0x38d: {  	v5 =	vmul.f32 v6, v11;
	v6 =	vand.u32 $0xFFFF0000, v17;
	[tilespmem:s7+$0xFFFFFFD0] =	vst v12;
	v12 =	vperm.xlane v8, v4  }
0x38e: {  	[tilespmem:s7+$0x90] =	vst v15;
	v11 =	vshll.u32 v9, $0x10;
	v8 =	vperm.xlane v8, v2;
	v6 =	vmul.f32 v6, v19  }
0x38f: {  	v9 =	vand.u32 $0xFFFF0000, v9;
	[tilespmem:s7+$0xFFFFFF60] =	vst v5;
	v5 =	vand.u32 $0xFFFF0000, v7;
	v7 =	vmul.f32 v11, v14  }
0x390: {  	v18 =	vperm.xlane v10, v3;
	v8 =	vmul.f32 v9, v8;
	[tilespmem:s7+$0x30] =	vst v6  }
0x391: {  	v11 =	vshll.u32 v17, $0x10;
	v5 =	vmul.f32 v5, v12;
	v6 =	vperm.xlane v15, v1;
	[tilespmem:s7+$0xFFFFFFB0] =	vst v7  }
0x392: {  	v10 =	vperm.xlane v10, v2;
	v7 =	vmul.f32 v11, v18;
	v11 =	vshll.u32 v13, $0x10;
	[tilespmem:s7+$0xFFFFFFC0] =	vst v8  }
0x393: {  	[tilespmem:s7+$0xFFFFFFE0] =	vst v5;
	v5 =	vand.u32 $0xFFFF0000, v16;
	v6 =	vmul.f32 v11, v6  }
0x394: {  	[tilespmem:s7+$0x20] =	vst v7;
	v5 =	vmul.f32 v5, v10  }
0x395: {  	[tilespmem:s7+$0x50] =	vst v6  }
0x396: {  	[tilespmem:s7+$0x10] =	vst v5  }
0x397: {  	[spmem:s2] =	stream.indirect.scatter.add.f32 [tilespmem:s31], [sflag:$0x6], $0x50, s16, s18, $0xb8;
	[tilespmem:$0x1E000] =	vst v63  }
0x398: {  	s12 =	simm.s32 $0x4DD0  }
0x399: {  	[tilespmem:s24], [sflag:$0x2] =	stream.indirect.gather [hbm4b:s1+s18], $0x30, s12, s18, $0xb8;
	[tilespmem:$0x1E000] =	vst v63  }
0x39a: {  	s16 =	simm.s32 $0x74E0  }
0x39b: {  	[tilespmem:s26], [sflag:$0x2] =	stream.indirect.gather [hbm4b:s5+s18], $0x10, s16, s18, $0xb8;
	[tilespmem:$0x1E000] =	vst v63  }
0x39c: {  	_ =	swait.ge [sflag:s0], $0xF00  }
0x39d: {  	[sflag:s0] =	ssyncset.done $0x0  }
0x39e: {  	[sflag:s0] =	ssyncadd.s32 $0xFFFFF100  }
0x39f: {  	_ =	swait.ge [sflag:s0], $0x500  }
0x3a0: {  	[sflag:s0] =	ssyncset.done $0x0  }
0x3a1: {  	[sflag:s0] =	ssyncadd.s32 $0xFFFFFB00  }
0x3a2: {  	_ =	swait.ge [sflag:s19], $0x1900  }
0x3a3: {  	[sflag:s19] =	ssyncset.done $0x0  }
0x3a4: {  	s14 =	simm.s32 $0xA250;
	[sflag:s19] =	ssyncadd.s32 $0xFFFFE700  }
0x3a5: {  	s13 =	simm.s32 $0x7590;
	v7 =	vld [tilespmem:s14+$0x0]  }
0x3a6: {  	v8 =	vld [tilespmem:s13+$0x20]  }
0x3a7: {  	v5 =	vld [tilespmem:s13+$0xFFFFFFF0]  }
0x3a8: {  	v10 =	vld [tilespmem:s14+$0xFFFFFFF0]  }
0x3a9: {  	v6 =	vld [tilespmem:s14+$0xFFFFFFE0]  }
0x3aa: {  	v9 =	vld [tilespmem:s13+$0xFFFFFFC0]  }
0x3ab: {  	v11 =	vld [tilespmem:s14+$0x10];
	v7 =	vadd.f32 v7, v8  }
0x3ac: {  	s28 =	simm.s32 $0xA290;
	v12 =	vld [tilespmem:s13+$0x50]  }
0x3ad: {  	v13 =	vld [tilespmem:s28+$0xFFFFFFE0];
	v5 =	vadd.f32 v10, v5;
	v8 =	vmul.f32 $2.000000030e-01, v7  }
0x3ae: {  	s15 =	simm.s32 $0x7650;
	v16 =	vld [tilespmem:s28+$0x0]  }
0x3af: {  	v20 =	vld [tilespmem:s15+$0xFFFFFFC0];
	v6 =	vadd.f32 v6, v9;
	v10 =	vmul.f32 $2.000000030e-01, v5;
	v7 =	vmax.f32 v7, v8  }
0x3b0: {  	v23 =	vld [tilespmem:s15+$0x20];
	v7 =	vmul.f32 $1.442695020e+00, v7  }
0x3b1: {  	v26 =	vld [tilespmem:s28+$0x10];
	v9 =	vadd.f32 v11, v12;
	v8 =	vmul.f32 $2.000000030e-01, v6;
	v5 =	vmax.f32 v5, v10  }
0x3b2: {  	v30 =	vld [tilespmem:s28+$0xFFFFFFF0];
	v5 =	vmul.f32 $1.442695020e+00, v5;
	(erf) = vpow2.f32 v7  }
0x3b3: {  	v34 =	vld [tilespmem:s15+$0x50];
	v11 =	vmul.f32 $2.000000030e-01, v9;
	v6 =	vmax.f32 v6, v8  }
0x3b4: {  	v12 =	vld [tilespmem:s15+$0xFFFFFFF0];
	v6 =	vmul.f32 $1.442695020e+00, v6;
	(erf) = vpow2.f32 v5  }
0x3b5: {  	v7 =	vmax.f32 v9, v11  }
0x3b6: {  	v10 =	vld [tilespmem:s13+$0x0];
	v7 =	vmul.f32 $1.442695020e+00, v7;
	(erf) = vpow2.f32 v6  }
0x3b7: {  	v13 =	vadd.f32 v13, v20;
	v11 =	vld [tilespmem:s13+$0xFFFFFFB0]  }
0x3b8: {  	v16 =	vadd.f32 v16, v23;
	v26 =	vadd.f32 v26, v34;
	(erf) = vpow2.f32 v7  }
0x3b9: {  	v18 =	vld [tilespmem:s13+$0xFFFFFFA0];
	v57 =	vmul.f32 $2.000000030e-01, v13;
	v30 =	vadd.f32 v30, v12  }
0x3ba: {  	v56 =	vld [tilespmem:s13+$0xFFFFFFD0];
	v60 =	vmul.f32 $2.000000030e-01, v26;
	v12 =	vmul.f32 $2.000000030e-01, v16  }
0x3bb: {  	v59 =	vmul.f32 $2.000000030e-01, v30;
	v8 =	vand.u32 $0xFFFF0000, v10;
	v24 =	vshll.u32 v10, $0x10;
	v19 =	vpop (erf)  }
0x3bc: {  	v9 =	vld [tilespmem:s13+$0x30];
	v17 =	vand.u32 $0xFFFF0000, v11;
	v15 =	vperm.xlane v19, v1;
	v22 =	vperm.xlane v19, v4  }
0x3bd: {  	v21 =	vshll.u32 v11, $0x10;
	v11 =	vperm.xlane v19, v2;
	v10 =	vperm.xlane v19, v3;
	v25 =	vpop (erf)  }
0x3be: {  	v35 =	vand.u32 $0xFFFF0000, v18;
	v7 =	vld [tilespmem:s13+$0x40];
	v27 =	vperm.xlane v25, v1;
	v32 =	vperm.xlane v25, v2  }
0x3bf: {  	v62 =	vand.u32 $0xFFFF0000, v56;
	v29 =	vpop (erf);
	v54 =	vperm.xlane v25, v3;
	v24 =	vmul.f32 v24, v15  }
0x3c0: {  	s12 =	simm.s32 $0xB1D0;
	v12 =	vmax.f32 v16, v12;
	v31 =	vperm.xlane v29, v2;
	v58 =	vperm.xlane v29, v4  }
0x3c1: {  	v14 =	vld [tilespmem:s13+$0x10];
	v5 =	vshll.u32 v9, $0x10;
	[tilespmem:s12+$0x40] =	vst v19;
	v33 =	vpop (erf);
	v16 =	vperm.xlane v29, v3;
	v19 =	vperm.xlane v29, v1  }
0x3c2: {  	v55 =	vld [tilespmem:s13+$0xFFFFFFE0];
	v9 =	vand.u32 $0xFFFF0000, v9;
	[tilespmem:s12+$0xFFFFFFF0] =	vst v25;
	v20 =	vperm.xlane v33, v2;
	v23 =	vmul.f32 v35, v31  }
0x3c3: {  	v28 =	vand.u32 $0xFFFF0000, v7;
	[tilespmem:s12+$0xFFFFFFA0] =	vst v29;
	v37 =	vperm.xlane v33, v3;
	v16 =	vmul.f32 v21, v16  }
0x3c4: {  	v7 =	vshll.u32 v7, $0x10;
	v36 =	vperm.xlane v33, v4;
	v9 =	vmul.f32 v9, v20;
	[tilespmem:s12+$0xFFFFFF70] =	vst v23  }
0x3c5: {  	v13 =	vmax.f32 v13, v57;
	v7 =	vmul.f32 v7, v37;
	v23 =	vmul.f32 $1.442695020e+00, v12;
	[tilespmem:s12+$0xFFFFFF80] =	vst v16  }
0x3c6: {  	v20 =	vmul.f32 v28, v36;
	v12 =	vld [tilespmem:s15+$0x40];
	[tilespmem:s12+$0x60] =	vst v9;
	v9 =	vmul.f32 $1.442695020e+00, v13;
	v13 =	vmax.f32 v30, v59  }
0x3c7: {  	v61 =	vmax.f32 v26, v60;
	v16 =	vld [tilespmem:s15+$0x0];
	[tilespmem:s12+$0x70] =	vst v7;
	v21 =	vmul.f32 $1.442695020e+00, v13;
	(erf) = vpow2.f32 v23  }
0x3c8: {  	v6 =	vshll.u32 v14, $0x10;
	v15 =	vperm.xlane v33, v1;
	v7 =	vld [tilespmem:s15+$0xFFFFFFE0];
	[tilespmem:s12+$0x80] =	vst v20;
	v20 =	vmul.f32 $1.442695020e+00, v61  }
0x3c9: {  	[tilespmem:s12+$0x90] =	vst v33;
	v23 =	vmul.f32 v17, v58;
	v17 =	vld [tilespmem:s15+$0x10];
	(erf) = vpow2.f32 v21;
	v21 =	vshll.u32 v55, $0x10  }
0x3ca: {  	[tilespmem:s12+$0x0] =	vst v24;
	v13 =	vld [tilespmem:s15+$0x30];
	(erf) = vpow2.f32 v9;
	v9 =	vshll.u32 v18, $0x10;
	v21 =	vmul.f32 v21, v54  }
0x3cb: {  	v14 =	vand.u32 $0xFFFF0000, v14;
	[tilespmem:s12+$0xFFFFFF90] =	vst v23;
	v18 =	vld [tilespmem:s15+$0xFFFFFFB0];
	(erf) = vpow2.f32 v20;
	v19 =	vmul.f32 v9, v19  }
0x3cc: {  	s7 =	simm.s32 $0x4;
	v63 =	vshll.u32 v56, $0x10;
	v9 =	vld [tilespmem:s15+$0xFFFFFFD0];
	v20 =	vmul.f32 v14, v22;
	[tilespmem:s12+$0xFFFFFFD0] =	vst v21;
	v21 =	vperm.xlane v25, v4  }
0x3cd: {  	s14 =	simm.s32 $0x7710;
	s13 =	simm.s32 $0xB1D0;
	v23 =	vand.u32 $0xFFFF0000, v55;
	v14 =	vld [tilespmem:s15+$0xFFFFFFA0];
	s15 =	simm.s32 $0xA2D0;
	v22 =	vmul.f32 v63, v27;
	[tilespmem:s12+$0xFFFFFF60] =	vst v19;
	v19 =	vmul.f32 v62, v32  }
.LBB2_22:
0x3ce: {  	v24 =	vld [tilespmem:s14+$0xFFFFFFF0];
	s7 =	sadd.s32 $0x4, s7;
	v25 =	vshll.u32 v17, $0x10;
	v21 =	vmul.f32 v23, v21;
	v23 =	vmul.f32 v8, v11;
	[tilespmem:s12+$0x30] =	vst v20;
	s13 =	sadd.s32 $0x140, s13;
	v20 =	vmovc v17  }
0x3cf: {  	v10 =	vmul.f32 v6, v10;
	v15 =	vmul.f32 v5, v15;
	v5 =	vshll.u32 v13, $0x10;
	v17 =	vld [tilespmem:s15+$0xFFFFFFE0];
	p1 =	slt.u32 s7, $0x4C;
	[tilespmem:s12+$0xFFFFFFB0] =	vst v22;
	v6 =	vmovc v25  }
0x3d0: {  	v8 =	vand.u32 $0xFFFF0000, v16;
	v22 =	vld [tilespmem:s15+$0x0];
	v25 =	vand.u32 $0xFFFF0000, v18;
	v26 =	vpop (erf);
	[tilespmem:s12+$0xFFFFFFE0] =	vst v21  }
0x3d1: {  	v18 =	vshll.u32 v18, $0x10;
	v21 =	vld [tilespmem:s14+$0xFFFFFFC0];
	v27 =	vperm.xlane v26, v1;
	v28 =	vperm.xlane v26, v4;
	[tilespmem:s12+$0x20] =	vst v10  }
0x3d2: {  	v16 =	vshll.u32 v16, $0x10;
	v11 =	vperm.xlane v26, v2;
	v10 =	vperm.xlane v26, v3;
	v29 =	vld [tilespmem:s14+$0x20];
	v30 =	vpop (erf);
	[tilespmem:s12+$0xFFFFFFC0] =	vst v19  }
0x3d3: {  	v19 =	vld [tilespmem:s15+$0x10];
	v31 =	vperm.xlane v30, v1;
	v16 =	vmul.f32 v16, v27;
	v27 =	vand.u32 $0xFFFF0000, v12;
	v32 =	vpop (erf);
	[tilespmem:s12+$0x50] =	vst v15  }
0x3d4: {  	v13 =	vand.u32 $0xFFFF0000, v13;
	v35 =	vperm.xlane v30, v2;
	v33 =	vld [tilespmem:s15+$0xFFFFFFF0];
	v34 =	vperm.xlane v32, v2;
	v36 =	vpop (erf);
	[tilespmem:s12+$0x10] =	vst v23;
	s12 =	smov.u32 s13  }
0x3d5: {  	v37 =	vand.u32 $0xFFFF0000, v14;
	v23 =	vld [tilespmem:s14+$0x50];
	v15 =	vperm.xlane v36, v1;
	v38 =	vperm.xlane v36, v4;
	[tilespmem:s13+$0x90] =	vst v36  }
0x3d6: {  	v39 =	vperm.xlane v36, v2;
	v36 =	vperm.xlane v36, v3;
	v17 =	vadd.f32 v17, v21;
	v21 =	vld [tilespmem:s14+$0x40];
	[tilespmem:s13+$0xFFFFFFA0] =	vst v32  }
0x3d7: {  	v22 =	vadd.f32 v22, v29;
	v29 =	vmul.f32 v37, v34;
	v34 =	vperm.xlane v30, v3;
	[tilespmem:s13+$0xFFFFFFF0] =	vst v30  }
0x3d8: {  	v12 =	vshll.u32 v12, $0x10;
	v13 =	vmul.f32 v13, v39;
	[tilespmem:s13+$0x0] =	vst v16;
	v16 =	vmul.f32 v27, v38  }
0x3d9: {  	v24 =	vadd.f32 v33, v24;
	v27 =	vmul.f32 $2.000000030e-01, v22;
	[tilespmem:s13+$0xFFFFFF70] =	vst v29;
	v33 =	vmul.f32 v12, v36  }
0x3da: {  	v29 =	vmul.f32 $2.000000030e-01, v17;
	v19 =	vadd.f32 v19, v23;
	v23 =	vperm.xlane v32, v4;
	[tilespmem:s13+$0x60] =	vst v13  }
0x3db: {  	v13 =	vmul.f32 $2.000000030e-01, v24;
	v22 =	vmax.f32 v22, v27;
	v27 =	vperm.xlane v32, v3;
	[tilespmem:s13+$0x70] =	vst v33;
	v12 =	vmovc v21  }
0x3dc: {  	v17 =	vmax.f32 v17, v29;
	v21 =	vmul.f32 $1.442695020e+00, v22;
	v22 =	vmul.f32 $2.000000030e-01, v19;
	[tilespmem:s13+$0x80] =	vst v16  }
0x3dd: {  	v29 =	vmul.f32 $1.442695020e+00, v17;
	v13 =	vmax.f32 v24, v13;
	v16 =	vmul.f32 v18, v27;
	[tilespmem:s13+$0x40] =	vst v26  }
0x3de: {  	v24 =	vld [tilespmem:s14+$0xFFFFFFE0];
	v18 =	vmul.f32 $1.442695020e+00, v13;
	v17 =	vmax.f32 v19, v22;
	(erf) = vpow2.f32 v21  }
0x3df: {  	v21 =	vmul.f32 v25, v23;
	v25 =	vand.u32 $0xFFFF0000, v9;
	v13 =	vld [tilespmem:s14+$0x30];
	v19 =	vmul.f32 $1.442695020e+00, v17  }
.Ltmp10:
0x3e0: {  	v22 =	vperm.xlane v32, v1;
	v17 =	vld [tilespmem:s14+$0x10];
	(erf) = vpow2.f32 v18;
	[tilespmem:s13+$0xFFFFFF80] =	vst v16;
	v18 =	vshll.u32 v7, $0x10;
	(pc) =	sbr.rel @p1 .LBB2_22-.Ltmp10, $4  }
0x3e1: {  	v14 =	vshll.u32 v14, $0x10;
	v16 =	vld [tilespmem:s14+$0x0];
	(erf) = vpow2.f32 v29;
	[tilespmem:s13+$0xFFFFFF90] =	vst v21;
	v21 =	vmul.f32 v18, v34  }
0x3e2: {  	v18 =	vld [tilespmem:s14+$0xFFFFFFB0];
	(erf) = vpow2.f32 v19;
	v19 =	vmul.f32 v14, v22;
	v14 =	vand.u32 $0xFFFF0000, v20  }
0x3e3: {  	v22 =	vshll.u32 v9, $0x10;
	v9 =	vld [tilespmem:s14+$0xFFFFFFD0];
	[tilespmem:s13+$0xFFFFFFD0] =	vst v21;
	v21 =	vperm.xlane v30, v4;
	v20 =	vmul.f32 v14, v28  }
0x3e4: {  	s15 =	sadd.s32 $0x40, s15;
	v23 =	vand.u32 $0xFFFF0000, v7;
	v22 =	vmul.f32 v22, v31;
	v7 =	vmovc v24;
	v14 =	vld [tilespmem:s14+$0xFFFFFFA0];
	s14 =	sadd.s32 $0xC0, s14;
	[tilespmem:s13+$0xFFFFFF60] =	vst v19;
	v19 =	vmul.f32 v25, v35  }
0x3e5: {  	[tilespmem:s12+$0x30] =	vst v20  }
0x3e6: {  	v21 =	vmul.f32 v23, v21;
	[tilespmem:s12+$0xFFFFFFB0] =	vst v22  }
0x3e7: {  	v6 =	vmul.f32 v6, v10;
	[tilespmem:s12+$0xFFFFFFC0] =	vst v19  }
0x3e8: {  	v5 =	vmul.f32 v5, v15;
	[tilespmem:s12+$0xFFFFFFE0] =	vst v21;
	v10 =	vpop (erf)  }
0x3e9: {  	[tilespmem:s12+$0x20] =	vst v6;
	v6 =	vmul.f32 v8, v11;
	v8 =	vpop (erf)  }
0x3ea: {  	[tilespmem:s12+$0x50] =	vst v5;
	v5 =	vperm.xlane v10, v1;
	v11 =	vpop (erf)  }
0x3eb: {  	s7 =	sadd.s32 $0x140, s13;
	[tilespmem:s12+$0x10] =	vst v6;
	v6 =	vshll.u32 v16, $0x10;
	v15 =	vpop (erf);
	v19 =	vperm.xlane v11, v2  }
0x3ec: {  	[tilespmem:s7+$0x40] =	vst v10;
	v5 =	vmul.f32 v6, v5;
	v6 =	vand.u32 $0xFFFF0000, v14;
	v20 =	vperm.xlane v15, v2  }
0x3ed: {  	v21 =	vand.u32 $0xFFFF0000, v13;
	[tilespmem:s7+$0xFFFFFFF0] =	vst v8;
	v22 =	vperm.xlane v15, v3;
	v6 =	vmul.f32 v6, v19  }
0x3ee: {  	[tilespmem:s7+$0x0] =	vst v5;
	v5 =	vshll.u32 v12, $0x10;
	v19 =	vperm.xlane v15, v4;
	v20 =	vmul.f32 v21, v20  }
0x3ef: {  	v12 =	vand.u32 $0xFFFF0000, v12;
	v5 =	vmul.f32 v5, v22;
	[tilespmem:s7+$0xFFFFFF70] =	vst v6  }
0x3f0: {  	v6 =	vmul.f32 v12, v19;
	v12 =	vperm.xlane v11, v3;
	[tilespmem:s7+$0x60] =	vst v20  }
0x3f1: {  	v19 =	vshll.u32 v18, $0x10;
	v20 =	vperm.xlane v11, v4;
	[tilespmem:s7+$0x70] =	vst v5  }
0x3f2: {  	v5 =	vand.u32 $0xFFFF0000, v18;
	v18 =	vperm.xlane v8, v3;
	[tilespmem:s7+$0x80] =	vst v6;
	v6 =	vmul.f32 v19, v12  }
0x3f3: {  	[tilespmem:s7+$0xFFFFFFA0] =	vst v11;
	v12 =	vshll.u32 v7, $0x10;
	v5 =	vmul.f32 v5, v20  }
0x3f4: {  	v11 =	vperm.xlane v11, v1;
	v12 =	vmul.f32 v12, v18;
	[tilespmem:s7+$0xFFFFFF80] =	vst v6  }
0x3f5: {  	v19 =	vperm.xlane v10, v4;
	v6 =	vshll.u32 v14, $0x10;
	v14 =	vperm.xlane v8, v1;
	[tilespmem:s7+$0xFFFFFF90] =	vst v5  }
0x3f6: {  	v5 =	vmul.f32 v6, v11;
	v6 =	vand.u32 $0xFFFF0000, v17;
	[tilespmem:s7+$0xFFFFFFD0] =	vst v12;
	v12 =	vperm.xlane v8, v4  }
0x3f7: {  	[tilespmem:s7+$0x90] =	vst v15;
	v11 =	vshll.u32 v9, $0x10;
	v8 =	vperm.xlane v8, v2;
	v6 =	vmul.f32 v6, v19  }
0x3f8: {  	v9 =	vand.u32 $0xFFFF0000, v9;
	[tilespmem:s7+$0xFFFFFF60] =	vst v5;
	v5 =	vand.u32 $0xFFFF0000, v7;
	v7 =	vmul.f32 v11, v14  }
0x3f9: {  	v18 =	vperm.xlane v10, v3;
	v8 =	vmul.f32 v9, v8;
	[tilespmem:s7+$0x30] =	vst v6  }
0x3fa: {  	v11 =	vshll.u32 v17, $0x10;
	v5 =	vmul.f32 v5, v12;
	v6 =	vperm.xlane v15, v1;
	[tilespmem:s7+$0xFFFFFFB0] =	vst v7  }
0x3fb: {  	v10 =	vperm.xlane v10, v2;
	v7 =	vmul.f32 v11, v18;
	v11 =	vshll.u32 v13, $0x10;
	[tilespmem:s7+$0xFFFFFFC0] =	vst v8  }
0x3fc: {  	[tilespmem:s7+$0xFFFFFFE0] =	vst v5;
	v5 =	vand.u32 $0xFFFF0000, v16;
	v6 =	vmul.f32 v11, v6  }
0x3fd: {  	[tilespmem:s7+$0x20] =	vst v7;
	v5 =	vmul.f32 v5, v10  }
0x3fe: {  	[tilespmem:s7+$0x50] =	vst v6  }
0x3ff: {  	[tilespmem:s7+$0x10] =	vst v5  }
0x400: {  	[spmem:s2] =	stream.indirect.scatter.add.f32 [tilespmem:s29], [sflag:$0x4], $0x50, s21, s18, $0xb8;
	[tilespmem:$0x1E000] =	vst v63  }
0x401: {  	_ =	swait.ge [sflag:s6], $0xF00  }
0x402: {  	[sflag:s6] =	ssyncset.done $0x0  }
0x403: {  	[sflag:s6] =	ssyncadd.s32 $0xFFFFF100  }
0x404: {  	_ =	swait.ge [sflag:s6], $0x500  }
0x405: {  	[sflag:s6] =	ssyncset.done $0x0  }
0x406: {  	[sflag:s6] =	ssyncadd.s32 $0xFFFFFB00  }
0x407: {  	_ =	swait.ge [sflag:s8], $0x1900  }
0x408: {  	[sflag:s8] =	ssyncset.done $0x0  }
0x409: {  	s15 =	simm.s32 $0xA750;
	[sflag:s8] =	ssyncadd.s32 $0xFFFFE700  }
0x40a: {  	s14 =	simm.s32 $0x8490;
	v7 =	vld [tilespmem:s15+$0x0]  }
0x40b: {  	v8 =	vld [tilespmem:s14+$0x20]  }
0x40c: {  	v5 =	vld [tilespmem:s14+$0xFFFFFFF0]  }
0x40d: {  	v10 =	vld [tilespmem:s15+$0xFFFFFFF0]  }
0x40e: {  	v6 =	vld [tilespmem:s15+$0xFFFFFFE0]  }
0x40f: {  	v9 =	vld [tilespmem:s14+$0xFFFFFFC0]  }
0x410: {  	v11 =	vld [tilespmem:s15+$0x10];
	v7 =	vadd.f32 v7, v8  }
0x411: {  	s28 =	simm.s32 $0xA790;
	v12 =	vld [tilespmem:s14+$0x50]  }
0x412: {  	v13 =	vld [tilespmem:s28+$0xFFFFFFE0];
	v5 =	vadd.f32 v10, v5;
	v8 =	vmul.f32 $2.000000030e-01, v7  }
0x413: {  	s21 =	simm.s32 $0x8550;
	v16 =	vld [tilespmem:s28+$0x0]  }
0x414: {  	v20 =	vld [tilespmem:s21+$0xFFFFFFC0];
	v6 =	vadd.f32 v6, v9;
	v10 =	vmul.f32 $2.000000030e-01, v5;
	v7 =	vmax.f32 v7, v8  }
0x415: {  	v23 =	vld [tilespmem:s21+$0x20];
	v7 =	vmul.f32 $1.442695020e+00, v7  }
0x416: {  	v26 =	vld [tilespmem:s28+$0x10];
	v9 =	vadd.f32 v11, v12;
	v8 =	vmul.f32 $2.000000030e-01, v6;
	v5 =	vmax.f32 v5, v10  }
0x417: {  	v30 =	vld [tilespmem:s28+$0xFFFFFFF0];
	v5 =	vmul.f32 $1.442695020e+00, v5;
	(erf) = vpow2.f32 v7  }
0x418: {  	v34 =	vld [tilespmem:s21+$0x50];
	v11 =	vmul.f32 $2.000000030e-01, v9;
	v6 =	vmax.f32 v6, v8  }
0x419: {  	v12 =	vld [tilespmem:s21+$0xFFFFFFF0];
	v6 =	vmul.f32 $1.442695020e+00, v6;
	(erf) = vpow2.f32 v5  }
0x41a: {  	v7 =	vmax.f32 v9, v11  }
0x41b: {  	v10 =	vld [tilespmem:s14+$0x0];
	v7 =	vmul.f32 $1.442695020e+00, v7;
	(erf) = vpow2.f32 v6  }
0x41c: {  	v13 =	vadd.f32 v13, v20;
	v11 =	vld [tilespmem:s14+$0xFFFFFFB0]  }
0x41d: {  	v16 =	vadd.f32 v16, v23;
	v26 =	vadd.f32 v26, v34;
	(erf) = vpow2.f32 v7  }
0x41e: {  	v18 =	vld [tilespmem:s14+$0xFFFFFFA0];
	v57 =	vmul.f32 $2.000000030e-01, v13;
	v30 =	vadd.f32 v30, v12  }
0x41f: {  	v56 =	vld [tilespmem:s14+$0xFFFFFFD0];
	v60 =	vmul.f32 $2.000000030e-01, v26;
	v12 =	vmul.f32 $2.000000030e-01, v16  }
0x420: {  	v59 =	vmul.f32 $2.000000030e-01, v30;
	v8 =	vand.u32 $0xFFFF0000, v10;
	v24 =	vshll.u32 v10, $0x10;
	v19 =	vpop (erf)  }
0x421: {  	v9 =	vld [tilespmem:s14+$0x30];
	v17 =	vand.u32 $0xFFFF0000, v11;
	v15 =	vperm.xlane v19, v1;
	v22 =	vperm.xlane v19, v4  }
0x422: {  	v21 =	vshll.u32 v11, $0x10;
	v11 =	vperm.xlane v19, v2;
	v10 =	vperm.xlane v19, v3;
	v25 =	vpop (erf)  }
0x423: {  	v35 =	vand.u32 $0xFFFF0000, v18;
	v7 =	vld [tilespmem:s14+$0x40];
	v27 =	vperm.xlane v25, v1;
	v32 =	vperm.xlane v25, v2  }
0x424: {  	v62 =	vand.u32 $0xFFFF0000, v56;
	v29 =	vpop (erf);
	v54 =	vperm.xlane v25, v3;
	v24 =	vmul.f32 v24, v15  }
0x425: {  	s12 =	simm.s32 $0xCAD0;
	v12 =	vmax.f32 v16, v12;
	v31 =	vperm.xlane v29, v2;
	v58 =	vperm.xlane v29, v4  }
0x426: {  	v14 =	vld [tilespmem:s14+$0x10];
	v5 =	vshll.u32 v9, $0x10;
	[tilespmem:s12+$0x40] =	vst v19;
	v33 =	vpop (erf);
	v16 =	vperm.xlane v29, v3;
	v19 =	vperm.xlane v29, v1  }
0x427: {  	v55 =	vld [tilespmem:s14+$0xFFFFFFE0];
	v9 =	vand.u32 $0xFFFF0000, v9;
	[tilespmem:s12+$0xFFFFFFF0] =	vst v25;
	v20 =	vperm.xlane v33, v2;
	v23 =	vmul.f32 v35, v31  }
0x428: {  	v28 =	vand.u32 $0xFFFF0000, v7;
	[tilespmem:s12+$0xFFFFFFA0] =	vst v29;
	v37 =	vperm.xlane v33, v3;
	v16 =	vmul.f32 v21, v16  }
0x429: {  	v7 =	vshll.u32 v7, $0x10;
	v36 =	vperm.xlane v33, v4;
	v9 =	vmul.f32 v9, v20;
	[tilespmem:s12+$0xFFFFFF70] =	vst v23  }
0x42a: {  	v13 =	vmax.f32 v13, v57;
	v7 =	vmul.f32 v7, v37;
	v23 =	vmul.f32 $1.442695020e+00, v12;
	[tilespmem:s12+$0xFFFFFF80] =	vst v16  }
0x42b: {  	v20 =	vmul.f32 v28, v36;
	v12 =	vld [tilespmem:s21+$0x40];
	[tilespmem:s12+$0x60] =	vst v9;
	v9 =	vmul.f32 $1.442695020e+00, v13;
	v13 =	vmax.f32 v30, v59  }
0x42c: {  	v61 =	vmax.f32 v26, v60;
	v16 =	vld [tilespmem:s21+$0x0];
	[tilespmem:s12+$0x70] =	vst v7;
	v21 =	vmul.f32 $1.442695020e+00, v13;
	(erf) = vpow2.f32 v23  }
0x42d: {  	v6 =	vshll.u32 v14, $0x10;
	v15 =	vperm.xlane v33, v1;
	v7 =	vld [tilespmem:s21+$0xFFFFFFE0];
	[tilespmem:s12+$0x80] =	vst v20;
	v20 =	vmul.f32 $1.442695020e+00, v61  }
0x42e: {  	[tilespmem:s12+$0x90] =	vst v33;
	v23 =	vmul.f32 v17, v58;
	v17 =	vld [tilespmem:s21+$0x10];
	(erf) = vpow2.f32 v21;
	v21 =	vshll.u32 v55, $0x10  }
0x42f: {  	[tilespmem:s12+$0x0] =	vst v24;
	v13 =	vld [tilespmem:s21+$0x30];
	(erf) = vpow2.f32 v9;
	v9 =	vshll.u32 v18, $0x10;
	v21 =	vmul.f32 v21, v54  }
0x430: {  	v14 =	vand.u32 $0xFFFF0000, v14;
	[tilespmem:s12+$0xFFFFFF90] =	vst v23;
	v18 =	vld [tilespmem:s21+$0xFFFFFFB0];
	(erf) = vpow2.f32 v20;
	v19 =	vmul.f32 v9, v19  }
0x431: {  	s13 =	simm.s32 $0xCAD0;
	v63 =	vshll.u32 v56, $0x10;
	v9 =	vld [tilespmem:s21+$0xFFFFFFD0];
	v20 =	vmul.f32 v14, v22;
	[tilespmem:s12+$0xFFFFFFD0] =	vst v21;
	v21 =	vperm.xlane v25, v4  }
0x432: {  	s7 =	simm.s32 $0x4;
	s15 =	simm.s32 $0xA7D0;
	s14 =	simm.s32 $0x8610;
	v23 =	vand.u32 $0xFFFF0000, v55;
	v14 =	vld [tilespmem:s21+$0xFFFFFFA0];
	v22 =	vmul.f32 v63, v27;
	[tilespmem:s12+$0xFFFFFF60] =	vst v19;
	v19 =	vmul.f32 v62, v32  }
.LBB2_24:
0x433: {  	v24 =	vld [tilespmem:s14+$0xFFFFFFF0];
	s7 =	sadd.s32 $0x4, s7;
	v25 =	vshll.u32 v17, $0x10;
	v21 =	vmul.f32 v23, v21;
	v23 =	vmul.f32 v8, v11;
	[tilespmem:s12+$0x30] =	vst v20;
	s13 =	sadd.s32 $0x140, s13;
	v20 =	vmovc v17  }
0x434: {  	v10 =	vmul.f32 v6, v10;
	v15 =	vmul.f32 v5, v15;
	v5 =	vshll.u32 v13, $0x10;
	v17 =	vld [tilespmem:s15+$0xFFFFFFE0];
	p1 =	slt.u32 s7, $0x4C;
	[tilespmem:s12+$0xFFFFFFB0] =	vst v22;
	v6 =	vmovc v25  }
0x435: {  	v8 =	vand.u32 $0xFFFF0000, v16;
	v22 =	vld [tilespmem:s15+$0x0];
	v25 =	vand.u32 $0xFFFF0000, v18;
	v26 =	vpop (erf);
	[tilespmem:s12+$0xFFFFFFE0] =	vst v21  }
0x436: {  	v18 =	vshll.u32 v18, $0x10;
	v21 =	vld [tilespmem:s14+$0xFFFFFFC0];
	v27 =	vperm.xlane v26, v1;
	v28 =	vperm.xlane v26, v4;
	[tilespmem:s12+$0x20] =	vst v10  }
0x437: {  	v16 =	vshll.u32 v16, $0x10;
	v11 =	vperm.xlane v26, v2;
	v10 =	vperm.xlane v26, v3;
	v29 =	vld [tilespmem:s14+$0x20];
	v30 =	vpop (erf);
	[tilespmem:s12+$0xFFFFFFC0] =	vst v19  }
0x438: {  	v19 =	vld [tilespmem:s15+$0x10];
	v31 =	vperm.xlane v30, v1;
	v16 =	vmul.f32 v16, v27;
	v27 =	vand.u32 $0xFFFF0000, v12;
	v32 =	vpop (erf);
	[tilespmem:s12+$0x50] =	vst v15  }
0x439: {  	v13 =	vand.u32 $0xFFFF0000, v13;
	v35 =	vperm.xlane v30, v2;
	v33 =	vld [tilespmem:s15+$0xFFFFFFF0];
	v34 =	vperm.xlane v32, v2;
	v36 =	vpop (erf);
	[tilespmem:s12+$0x10] =	vst v23;
	s12 =	smov.u32 s13  }
0x43a: {  	v37 =	vand.u32 $0xFFFF0000, v14;
	v23 =	vld [tilespmem:s14+$0x50];
	v15 =	vperm.xlane v36, v1;
	v38 =	vperm.xlane v36, v4;
	[tilespmem:s13+$0x90] =	vst v36  }
0x43b: {  	v39 =	vperm.xlane v36, v2;
	v36 =	vperm.xlane v36, v3;
	v17 =	vadd.f32 v17, v21;
	v21 =	vld [tilespmem:s14+$0x40];
	[tilespmem:s13+$0xFFFFFFA0] =	vst v32  }
0x43c: {  	v22 =	vadd.f32 v22, v29;
	v29 =	vmul.f32 v37, v34;
	v34 =	vperm.xlane v30, v3;
	[tilespmem:s13+$0xFFFFFFF0] =	vst v30  }
0x43d: {  	v12 =	vshll.u32 v12, $0x10;
	v13 =	vmul.f32 v13, v39;
	[tilespmem:s13+$0x0] =	vst v16;
	v16 =	vmul.f32 v27, v38  }
0x43e: {  	v24 =	vadd.f32 v33, v24;
	v27 =	vmul.f32 $2.000000030e-01, v22;
	[tilespmem:s13+$0xFFFFFF70] =	vst v29;
	v33 =	vmul.f32 v12, v36  }
0x43f: {  	v29 =	vmul.f32 $2.000000030e-01, v17;
	v19 =	vadd.f32 v19, v23;
	v23 =	vperm.xlane v32, v4;
	[tilespmem:s13+$0x60] =	vst v13  }
0x440: {  	v13 =	vmul.f32 $2.000000030e-01, v24;
	v22 =	vmax.f32 v22, v27;
	v27 =	vperm.xlane v32, v3;
	[tilespmem:s13+$0x70] =	vst v33;
	v12 =	vmovc v21  }
0x441: {  	v17 =	vmax.f32 v17, v29;
	v21 =	vmul.f32 $1.442695020e+00, v22;
	v22 =	vmul.f32 $2.000000030e-01, v19;
	[tilespmem:s13+$0x80] =	vst v16  }
0x442: {  	v29 =	vmul.f32 $1.442695020e+00, v17;
	v13 =	vmax.f32 v24, v13;
	v16 =	vmul.f32 v18, v27;
	[tilespmem:s13+$0x40] =	vst v26  }
0x443: {  	v24 =	vld [tilespmem:s14+$0xFFFFFFE0];
	v18 =	vmul.f32 $1.442695020e+00, v13;
	v17 =	vmax.f32 v19, v22;
	(erf) = vpow2.f32 v21  }
0x444: {  	v21 =	vmul.f32 v25, v23;
	v25 =	vand.u32 $0xFFFF0000, v9;
	v13 =	vld [tilespmem:s14+$0x30];
	v19 =	vmul.f32 $1.442695020e+00, v17  }
.Ltmp11:
0x445: {  	v22 =	vperm.xlane v32, v1;
	v17 =	vld [tilespmem:s14+$0x10];
	(erf) = vpow2.f32 v18;
	[tilespmem:s13+$0xFFFFFF80] =	vst v16;
	v18 =	vshll.u32 v7, $0x10;
	(pc) =	sbr.rel @p1 .LBB2_24-.Ltmp11, $4  }
0x446: {  	v14 =	vshll.u32 v14, $0x10;
	v16 =	vld [tilespmem:s14+$0x0];
	(erf) = vpow2.f32 v29;
	[tilespmem:s13+$0xFFFFFF90] =	vst v21;
	v21 =	vmul.f32 v18, v34  }
0x447: {  	v18 =	vld [tilespmem:s14+$0xFFFFFFB0];
	(erf) = vpow2.f32 v19;
	v19 =	vmul.f32 v14, v22;
	v14 =	vand.u32 $0xFFFF0000, v20  }
0x448: {  	v22 =	vshll.u32 v9, $0x10;
	v9 =	vld [tilespmem:s14+$0xFFFFFFD0];
	[tilespmem:s13+$0xFFFFFFD0] =	vst v21;
	v21 =	vperm.xlane v30, v4;
	v20 =	vmul.f32 v14, v28  }
0x449: {  	s15 =	sadd.s32 $0x40, s15;
	v23 =	vand.u32 $0xFFFF0000, v7;
	v22 =	vmul.f32 v22, v31;
	v7 =	vmovc v24;
	v14 =	vld [tilespmem:s14+$0xFFFFFFA0];
	s14 =	sadd.s32 $0xC0, s14;
	[tilespmem:s13+$0xFFFFFF60] =	vst v19;
	v19 =	vmul.f32 v25, v35  }
0x44a: {  	[tilespmem:s12+$0x30] =	vst v20  }
0x44b: {  	v21 =	vmul.f32 v23, v21;
	[tilespmem:s12+$0xFFFFFFB0] =	vst v22  }
0x44c: {  	v6 =	vmul.f32 v6, v10;
	[tilespmem:s12+$0xFFFFFFC0] =	vst v19  }
0x44d: {  	v5 =	vmul.f32 v5, v15;
	[tilespmem:s12+$0xFFFFFFE0] =	vst v21  }
0x44e: {  	[tilespmem:s12+$0x20] =	vst v6  }
0x44f: {  	s7 =	sadd.s32 $0x140, s13;
	v41 =	vpop (erf);
	v6 =	vmul.f32 v8, v11;
	[tilespmem:s12+$0x50] =	vst v5  }
0x450: {  	v5 =	vperm.xlane v41, v1;
	[tilespmem:s7+$0x40] =	vst v41  }
0x451: {  	v42 =	vpop (erf);
	[tilespmem:s12+$0x10] =	vst v6;
	v6 =	vshll.u32 v16, $0x10  }
0x452: {  	v50 =	vand.u32 $0xFFFF0000, v12;
	v43 =	vpop (erf);
	v5 =	vmul.f32 v6, v5;
	[tilespmem:s7+$0xFFFFFFF0] =	vst v42;
	v54 =	vperm.xlane v42, v3  }
0x453: {  	v55 =	vshll.u32 v7, $0x10;
	v6 =	vand.u32 $0xFFFF0000, v14;
	v44 =	vpop (erf);
	v45 =	vperm.xlane v43, v2;
	[tilespmem:s7+$0xFFFFFFA0] =	vst v43  }
0x454: {  	v48 =	vperm.xlane v44, v3;
	[tilespmem:s7+$0x0] =	vst v5;
	v5 =	vshll.u32 v12, $0x10;
	v12 =	vmul.f32 v55, v54  }
0x455: {  	[tilespmem:s7+$0x90] =	vst v44;
	v49 =	vperm.xlane v44, v4;
	v6 =	vmul.f32 v6, v45  }
0x456: {  	v8 =	vperm.xlane v42, v2;
	v5 =	vmul.f32 v5, v48;
	[tilespmem:s7+$0xFFFFFFD0] =	vst v12  }
0x457: {  	v62 =	vand.u32 $0xFFFF0000, v9;
	v51 =	vperm.xlane v43, v3;
	[tilespmem:s7+$0xFFFFFF70] =	vst v6;
	v6 =	vmul.f32 v50, v49  }
0x458: {  	v52 =	vshll.u32 v18, $0x10;
	v53 =	vperm.xlane v43, v4;
	v8 =	vmul.f32 v62, v8;
	[tilespmem:s7+$0x70] =	vst v5  }
0x459: {  	v46 =	vperm.xlane v44, v2;
	v5 =	vand.u32 $0xFFFF0000, v18;
	[tilespmem:s7+$0x80] =	vst v6;
	v6 =	vmul.f32 v52, v51  }
0x45a: {  	v47 =	vand.u32 $0xFFFF0000, v13;
	v11 =	vperm.xlane v43, v1;
	[tilespmem:s7+$0xFFFFFFC0] =	vst v8;
	v5 =	vmul.f32 v5, v53  }
0x45b: {  	v56 =	vperm.xlane v41, v4;
	v20 =	vmul.f32 v47, v46;
	[tilespmem:s7+$0xFFFFFF80] =	vst v6;
	v6 =	vshll.u32 v14, $0x10  }
0x45c: {  	v57 =	vperm.xlane v42, v1;
	[tilespmem:s7+$0xFFFFFF90] =	vst v5;
	v5 =	vmul.f32 v6, v11;
	v6 =	vand.u32 $0xFFFF0000, v17  }
0x45d: {  	v58 =	vshll.u32 v9, $0x10;
	v59 =	vperm.xlane v42, v4;
	[tilespmem:s7+$0x60] =	vst v20;
	v6 =	vmul.f32 v6, v56  }
0x45e: {  	v60 =	vperm.xlane v41, v3;
	[tilespmem:s7+$0xFFFFFF60] =	vst v5;
	v5 =	vand.u32 $0xFFFF0000, v7;
	v7 =	vmul.f32 v58, v57  }
0x45f: {  	v61 =	vshll.u32 v17, $0x10;
	v5 =	vmul.f32 v5, v59;
	[tilespmem:s7+$0x30] =	vst v6;
	v6 =	vperm.xlane v44, v1  }
0x460: {  	v63 =	vshll.u32 v13, $0x10;
	v10 =	vperm.xlane v41, v2;
	[tilespmem:s7+$0xFFFFFFB0] =	vst v7;
	v7 =	vmul.f32 v61, v60  }
0x461: {  	[tilespmem:s7+$0xFFFFFFE0] =	vst v5;
	v5 =	vand.u32 $0xFFFF0000, v16;
	v6 =	vmul.f32 v63, v6  }
0x462: {  	[tilespmem:s7+$0x20] =	vst v7;
	v5 =	vmul.f32 v5, v10  }
0x463: {  	[tilespmem:s7+$0x50] =	vst v6  }
0x464: {  	[tilespmem:s7+$0x10] =	vst v5  }
0x465: {  	[spmem:s2] =	stream.indirect.scatter.add.f32 [tilespmem:s30], [sflag:$0x5], $0x50, s16, s18, $0xb8;
	[tilespmem:$0x1E000] =	vst v63  }
0x466: {  	_ =	swait.ge [sflag:s19], $0x1900  }
0x467: {  	[sflag:s19] =	ssyncset.done $0x0  }
0x468: {  	[sflag:s19] =	ssyncadd.s32 $0xFFFFE700  }
0x469: {  	_ =	swait.ge [sflag:s8], $0x1900  }
0x46a: {  	[sflag:s8] =	ssyncset.done $0x0  }
0x46b: {  	[sflag:s8] =	ssyncadd.s32 $0xFFFFE700  }
0x46c: {  	_ =	swait.ge [sflag:s10], $0x1900  }
0x46d: {  	[sflag:s10] =	ssyncset.done $0x0  }
0x46e: {  	s15 =	stileid.u32;
	[sflag:s10] =	ssyncadd.s32 $0xFFFFE700  }
0x46f: {  	s7 =	sshll.u32 s15, $0x6;
	[bflag:$0x0] =	sbarrier.arrive $0xFFFF  }
0x470: {  	s7 =	sor.u32 $0x1C07, s7;
	s16 =	sshrl.u32 s23, $0x3;
	s21 =	rddreg [dreg:$0xc]  }
0x471: {  	[hbm:s21], [sflag:s7] =	dma.local [spmem:s16], $0x1860  }
0x472: {  	_ =	swait.ge [sflag:s17], $0x1860  }
0x473: {  	[sflag:s17] =	ssyncset.done $0x0;
	s12 =	rddreg [dreg:$0xb]  }
0x474: {  	s13 =	rddreg [dreg:$0xd];
	[sflag:s17] =	ssyncadd.s32 $0xFFFFE7A0;
	s12 =	sshrl.u32 @!p0 s12, $0x3  }
0x475: {  	[hbm:s13], [sflag:s7] =	dma.local @!p0 [spmem:s12], $0xA0  }
0x476: {  	s7 =	simm.s32 @!p0 $0x7  }
0x477: {  	_ =	swait.ge @!p0 [sflag:s7], $0xA0  }
0x478: {  	s11 =	sadd.s32 $0x1, s11;
	s28 =	rddreg [dreg:$0xe]  }
0x479: {  	p1 =	sne.s32 s11, s28  }
.Ltmp12:
0x47a: {  	_ = 	snop;
	(pc) =	sbr.rel @p1 .LBB2_1-.Ltmp12, $3  }
0x47b: {  	_ =	sdelay $0x1  }
0x47c: {  	[sflag:s7] =	ssyncset.done @!p0 $0x0  }
0x47d: {  	[sflag:s7] =	ssyncadd.s32 @!p0 $0xFFFFFF60  }
0x47e: {  	_ =	sfence.sel $0x180000  }
0x47f: {  	[bflag:$0x0] =	sbarrier.arrive $0xFFFF  }
0x480: {  	_ =	strace $0x90000047  }
0x481: {  	s0 =	stileid.u32;
	[bflag:$0x2] =	sbarrier.arrive $0xFFFF  }
0x482: {  	p0 =	sne.s32 s0, $0x0;
	s0 =	rddreg [dreg:$0x3]  }
0x483: {  	s0 =	sadd.s32 @!p0 $0x100000, s0  }
0x484: {  	[sflag:s0] =	ssyncadd.tile.s32 @!p0 $0x1;
	_ =	shalt  }
.Lfunc_end2:
_tile_overlayer_lowered:
.L_overlay_start_2:
0x485: {  	(tag) =	ssettag $0x2  }
0x486: {  	s0 =	rddreg [dreg:$0x0];
	s2 =	stileid.u32  }
0x487: {  	s1 =	rddreg [dreg:$0x1];
	p0 =	sne.s32 s2, $0x0  }
0x488: {  	s3 =	rddreg [dreg:$0x2];
	[bflag:$0x3] =	sbarrier.arrive $0xFFFF;
	s2 =	simm.s32 @!p0 $0x1C07  }
0x489: {  	[timem:s3], [sflag:s2] =	dma.local @!p0 [hbm:s0], s1  }
0x48a: {  	s0 =	simm.s32 @!p0 $0x7  }
0x48b: {  	_ =	swait.ge @!p0 [sflag:s0], s1  }
0x48c: {  	s1 =	ssub.s32 @!p0 $0x0, s1;
	[sflag:s0] =	ssyncset.done @!p0 $0x0  }
0x48d: {  	[sflag:s0] =	ssyncadd.s32 @!p0 s1  }
0x48e: {  	[bflag:$0x3] =	sbarrier.arrive $0xFFFF  }
0x48f: {  	_ =	shalt  }

</sc_bundles>
